<compile_context>
chip_gen: v7x
topology: tpu7x:2x2x1
jax: 0.10.2.dev20260603
libtpu: 0.0.44.dev20260713+nightly
codegen_flags: <defaults>
</compile_context>

<pallas_src>
import functools

import jax
import jax.numpy as jnp
from jax import lax
from jax.experimental import pallas as pl
from jax.experimental.pallas import tpu as pltpu
from jax.experimental.pallas import tpu_sc as plsc

_CH = 640


def _make_stream_gather(NU, D, NC, NS, b_per_w):
    NW = NC * NS
    mesh = plsc.VectorSubcoreMesh(core_axis_name="c", subcore_axis_name="s")
    n_grp = b_per_w // 16
    NU_pad = ((NU + 127) // 128) * 128

    def _base(c):
        return jnp.minimum(c * _CH, NU_pad - _CH)

    @functools.partial(
        pl.kernel,
        mesh=mesh,
        compiler_params=pltpu.CompilerParams(needs_layout_passes=False),
        out_type=jax.ShapeDtypeStruct((NW, D, b_per_w), jnp.float32),
        scratch_types=[
            pltpu.VMEM((b_per_w,), jnp.int32),
            pltpu.VMEM((2, D, _CH), jnp.float32),
            pltpu.VMEM((D, b_per_w), jnp.float32),
            pltpu.SemaphoreType.DMA,
        ],
    )
    def stream_gather(ids2_hbm, utt_hbm, out_hbm, ids_v, chunk_v, out_v, sem):
        wid = lax.axis_index("s") * NC + lax.axis_index("c")
        pltpu.sync_copy(ids2_hbm.at[wid], ids_v)
        iota = lax.iota(jnp.int32, 16)
        head = ids_v[pl.ds(0, 16)]
        tail = ids_v[pl.ds(b_per_w - 16, 16)]
        lo = jnp.min(head) // _CH
        hi = jnp.max(tail) // _CH

        pltpu.async_copy(utt_hbm.at[:, pl.ds(_base(lo), _CH)],
                         chunk_v.at[lax.rem(lo, 2)], sem)

        def chunk_body(c, carry):
            @pl.when(c + 1 <= hi)
            def _():
                pltpu.async_copy(utt_hbm.at[:, pl.ds(_base(c + 1), _CH)],
                                 chunk_v.at[lax.rem(c + 1, 2)], sem)

            cur = chunk_v.at[lax.rem(c, 2)]
            base = _base(c)
            pltpu.make_async_copy(utt_hbm.at[:, pl.ds(base, _CH)],
                                  cur, sem).wait()
            c0 = c * _CH
            c1 = c0 + _CH

            def grp_body(g, carry2):
                idg = ids_v[pl.ds(g * 16, 16)]
                gmin = jnp.min(idg)
                gmax = jnp.max(idg)

                @pl.when(jnp.logical_and(gmax >= c0, gmin < c1))
                def _():
                    mask = jnp.logical_and(idg >= c0, idg < c1)
                    rel = jnp.where(mask, idg - base, 0)
                    slotv = g * 16 + iota
                    for f in range(D):
                        fv = iota * 0 + f
                        v = plsc.load_gather(cur, [fv, rel], mask=mask)
                        plsc.store_scatter(out_v, [fv, slotv], v, mask=mask)

                return carry2

            lax.fori_loop(0, n_grp, grp_body, 0)
            return carry

        lax.fori_loop(lo, hi + 1, chunk_body, 0)
        pltpu.sync_copy(out_v, out_hbm.at[wid])

    return stream_gather


def _make_movie_gather(D, NC, NS, b_per_w):
    NW = NC * NS
    mesh = plsc.VectorSubcoreMesh(core_axis_name="c", subcore_axis_name="s")
    n_grp = b_per_w // 16

    @functools.partial(
        pl.kernel,
        mesh=mesh,
        compiler_params=pltpu.CompilerParams(use_tc_tiling_on_sc=False,
                                             needs_layout_passes=False),
        out_type=jax.ShapeDtypeStruct((NW, D, b_per_w), jnp.float32),
        scratch_types=[
            pltpu.VMEM((b_per_w,), jnp.int32),
            pltpu.VMEM((b_per_w, D), jnp.float32),
            pltpu.VMEM((D, b_per_w), jnp.float32),
            pltpu.SemaphoreType.DMA,
        ],
    )
    def movie_gather(mids2_hbm, mt_hbm, out_hbm, idx_v, rows_v, t_v, sem):
        wid = lax.axis_index("s") * NC + lax.axis_index("c")
        pltpu.sync_copy(mids2_hbm.at[wid], idx_v)
        pltpu.async_copy(mt_hbm.at[idx_v], rows_v, sem).wait()
        iota = lax.iota(jnp.int32, 16)

        def grp_body(g, carry):
            rows16 = g * 16 + iota
            for f in range(D):
                fv = iota * 0 + f
                v = plsc.load_gather(rows_v, [rows16, fv])
                plsc.store_scatter(t_v, [fv, rows16], v)
            return carry

        lax.fori_loop(0, n_grp, grp_body, 0)
        pltpu.sync_copy(t_v, out_hbm.at[wid])

    return movie_gather


def _mlp_t(u3, m3, W1uT, W1mT, b1c, W2T, b2c, w3c, b3, NW, D, b_per_w):
    H1 = W1uT.shape[0]
    H2 = W2T.shape[0]

    def body(u_ref, m_ref, w1u_ref, w1m_ref, b1_ref, w2_ref, b2_ref,
             w3_ref, b3_ref, o_ref):
        u = u_ref[0]
        m = m_ref[0]
        h1 = (jnp.dot(w1u_ref[...], u, preferred_element_type=jnp.float32)
              + jnp.dot(w1m_ref[...], m, preferred_element_type=jnp.float32)
              + b1_ref[...])
        h1 = jnp.maximum(h1, 0.0)
        h2 = jnp.maximum(
            jnp.dot(w2_ref[...], h1, preferred_element_type=jnp.float32)
            + b2_ref[...], 0.0)
        o = jnp.sum(h2 * w3_ref[...], axis=0) + b3_ref[0]
        o_ref[...] = o.reshape(1, b_per_w // 128, 128)

    out = pl.pallas_call(
        body,
        grid=(NW,),
        in_specs=[
            pl.BlockSpec((1, D, b_per_w), lambda w: (w, 0, 0)),
            pl.BlockSpec((1, D, b_per_w), lambda w: (w, 0, 0)),
            pl.BlockSpec((H1, D), lambda w: (0, 0)),
            pl.BlockSpec((H1, D), lambda w: (0, 0)),
            pl.BlockSpec((H1, 1), lambda w: (0, 0)),
            pl.BlockSpec((H2, H1), lambda w: (0, 0)),
            pl.BlockSpec((H2, 1), lambda w: (0, 0)),
            pl.BlockSpec((H2, 1), lambda w: (0, 0)),
            pl.BlockSpec(memory_space=pltpu.SMEM),
        ],
        out_specs=pl.BlockSpec((1, b_per_w // 128, 128), lambda w: (w, 0, 0)),
        out_shape=jax.ShapeDtypeStruct((NW, b_per_w // 128, 128), jnp.float32),
    )(u3, m3, W1uT, W1mT, b1c, W2T, b2c, w3c, b3)
    return out.reshape(NW * b_per_w)


def kernel(user_ids, movie_ids, user_table, movie_table, W1, b1, W2, b2, W3, b3):
    B = user_ids.shape[0]
    NU, D = user_table.shape
    info = plsc.get_sparse_core_info()
    NC, NS = info.num_cores, info.num_subcores
    NW = NC * NS
    b_per_w = B // NW

    pos = lax.iota(jnp.int32, B)
    us_ids, us_mids, us_pos = lax.sort((user_ids, movie_ids, pos), num_keys=1)

    u3 = _make_stream_gather(NU, D, NC, NS, b_per_w)(
        us_ids.reshape(NW, b_per_w), user_table.T)
    m3 = _make_movie_gather(D, NC, NS, b_per_w)(
        us_mids.reshape(NW, b_per_w), movie_table)

    res = _mlp_t(u3, m3, W1[:D].T, W1[D:].T, b1.reshape(-1, 1), W2.T,
                 b2.reshape(-1, 1), W3.reshape(1, -1).T, b3, NW, D, b_per_w)

    _, out = lax.sort((us_pos, res), num_keys=1)
    return out

# --- scband reference (transcript-rebuilt; emitter-appended) ---
"""Pipeline reference for scband-recommendation-model-87668872446642 (READ-ONLY COPY).

The authoritative reference and input builder live on the scoring server;
editing this copy changes nothing except your own understanding.
"""

import jax, jax.numpy as jnp
import numpy as np

NUM_USERS = 1000000
NUM_MOVIES = 100000
EMBED_DIM = 64
BATCH = 16384

def setup_inputs(seed: int = 0) -> dict:
    key = jax.random.key(seed)
    ks = jax.random.split(key, 12)
    user_ids = jax.random.randint(ks[0], (BATCH,), 0, NUM_USERS, dtype=jnp.int64 if jax.config.jax_enable_x64 else jnp.int32)
    movie_ids = jax.random.randint(ks[1], (BATCH,), 0, NUM_MOVIES, dtype=jnp.int64 if jax.config.jax_enable_x64 else jnp.int32)
    user_table = jax.random.normal(ks[2], (NUM_USERS, EMBED_DIM), dtype=jnp.float32) * 0.05
    movie_table = jax.random.normal(ks[3], (NUM_MOVIES, EMBED_DIM), dtype=jnp.float32) * 0.05
    W1 = jax.random.normal(ks[4], (EMBED_DIM * 2, 128), dtype=jnp.float32) * (1.0 / np.sqrt(EMBED_DIM * 2))
    b1 = jnp.zeros((128,), dtype=jnp.float32)
    W2 = jax.random.normal(ks[5], (128, 64), dtype=jnp.float32) * (1.0 / np.sqrt(128))
    b2 = jnp.zeros((64,), dtype=jnp.float32)
    W3 = jax.random.normal(ks[6], (64, 1), dtype=jnp.float32) * (1.0 / np.sqrt(64))
    b3 = jnp.zeros((1,), dtype=jnp.float32)
    return {"user_ids": user_ids, "movie_ids": movie_ids, "user_table": user_table,
            "movie_table": movie_table, "W1": W1, "b1": b1, "W2": W2, "b2": b2, "W3": W3, "b3": b3}

def reference(user_ids, movie_ids, user_table, movie_table, W1, b1, W2, b2, W3, b3):
    # Embedding lookups (gather) -> SparseCore-friendly
    user_embedded = jnp.take(user_table, user_ids, axis=0)
    movie_embedded = jnp.take(movie_table, movie_ids, axis=0)
    x = jnp.concatenate([user_embedded, movie_embedded], axis=1)
    # fc: Linear -> ReLU -> (Dropout eval=identity) -> Linear -> ReLU -> (Dropout) -> Linear
    h = jax.nn.relu(x @ W1 + b1)
    h = jax.nn.relu(h @ W2 + b2)
    out = h @ W3 + b3
    return jnp.squeeze(out)

if __name__ == "__main__":
    import jax
    _d = setup_inputs()
    print(jax.jit(kernel)(*tuple(_d.values())))

</pallas_src>

<mosaic_0001>
#map = affine_map<(d0, d1) -> (0, 0)>
#map1 = affine_map<(d0, d1) -> (0, 0, 0)>
module attributes {stable_mosaic.version = 14 : i64} {
  func.func @stream_gather(%arg0: i32, %arg1: i32, %arg2: memref<32x512xi32, #tpu.memory_space<hbm>>, %arg3: memref<64x1000000xf32, #tpu.memory_space<hbm>>, %arg4: memref<32x64x512xf32, #tpu.memory_space<hbm>>, %arg5: memref<512xi32, #tpu.memory_space<vmem>>, %arg6: memref<2x64x640xf32, #tpu.memory_space<vmem>>, %arg7: memref<64x512xf32, #tpu.memory_space<vmem>>, %arg8: memref<!tpu.dma_semaphore, #tpu.memory_space<semaphore_mem>>) attributes {dimension_semantics = [#tpu.dimension_semantics<core_parallel>, #tpu.dimension_semantics<subcore_parallel>], iteration_bounds = array<i64: 2, 16>, scalar_prefetch = 0 : i64, scratch_operands = 4 : i64, tpu.core_type = #tpu.core_type<sc_vector_subcore>, window_params = [{transform_indices = #map}, {transform_indices = #map}, {transform_indices = #map1}]} {
    %mul3A = arith.constant 2 : i32
    %mul3A_0 = arith.muli %arg1, %mul3A : i32
    %add3A = arith.addi %mul3A_0, %arg0 : i32
    "tpu.region"() ({
      %run_scoped3A = tpu.sem_alloc : memref<!tpu.dma_semaphore, #tpu.memory_space<semaphore_mem>>
      %dma_start3A_84 = arith.constant 0 : i32
      %dma_start3A_85 = tpu.memref_slice %arg2[%add3A, %dma_start3A_84] : memref<32x512xi32, #tpu.memory_space<hbm>> -> memref<1x512xi32, #tpu.memory_space<hbm>>
      %dma_start3A_86 = tpu.memref_squeeze %dma_start3A_85 : memref<1x512xi32, #tpu.memory_space<hbm>> -> memref<512xi32, #tpu.memory_space<hbm>>
      %dma_start3A_87 = arith.constant 0 : i32
      %dma_start3A_88 = tpu.memref_slice %arg2[%add3A, %dma_start3A_87] : memref<32x512xi32, #tpu.memory_space<hbm>> -> memref<1x512xi32, #tpu.memory_space<hbm>>
      %dma_start3A_89 = tpu.memref_squeeze %dma_start3A_88 : memref<1x512xi32, #tpu.memory_space<hbm>> -> memref<512xi32, #tpu.memory_space<hbm>>
      tpu.enqueue_dma source(%dma_start3A_89 : memref<512xi32, #tpu.memory_space<hbm>>) target(%arg5 : memref<512xi32, #tpu.memory_space<vmem>>) target_semaphore(%run_scoped3A : memref<!tpu.dma_semaphore, #tpu.memory_space<semaphore_mem>>)
      %dma_wait3A = arith.constant 0 : i32
      %dma_wait3A_90 = tpu.memref_slice %arg2[%add3A, %dma_wait3A] : memref<32x512xi32, #tpu.memory_space<hbm>> -> memref<1x512xi32, #tpu.memory_space<hbm>>
      %dma_wait3A_91 = tpu.memref_squeeze %dma_wait3A_90 : memref<1x512xi32, #tpu.memory_space<hbm>> -> memref<512xi32, #tpu.memory_space<hbm>>
      %dma_wait3A_92 = arith.constant 0 : i32
      %dma_wait3A_93 = tpu.memref_slice %arg2[%add3A, %dma_wait3A_92] : memref<32x512xi32, #tpu.memory_space<hbm>> -> memref<1x512xi32, #tpu.memory_space<hbm>>
      %dma_wait3A_94 = tpu.memref_squeeze %dma_wait3A_93 : memref<1x512xi32, #tpu.memory_space<hbm>> -> memref<512xi32, #tpu.memory_space<hbm>>
      tpu.wait_dma2 semaphore(%run_scoped3A : memref<!tpu.dma_semaphore, #tpu.memory_space<semaphore_mem>>) src(%dma_wait3A_94 : memref<512xi32, #tpu.memory_space<hbm>>) dst(%arg5 : memref<512xi32, #tpu.memory_space<vmem>>)
      tpu.yield
    }) : () -> ()
    %iota3A = tpu.iota {dimensions = array<i32: 0>} : vector<16xi32>
    %get3A = arith.constant 0 : index
    %get3A_1 = tpu.vector_load %arg5[%get3A] {strides = array<i32>} : memref<512xi32, #tpu.memory_space<vmem>>, vector<16xi32>,
    %get3A_2 = arith.constant 496 : index
    %get3A_3 = tpu.vector_load %arg5[%get3A_2] {strides = array<i32>} : memref<512xi32, #tpu.memory_space<vmem>>, vector<16xi32>,
    %reduce_min3A = arith.constant true
    %reduce_min3A_4 = vector.broadcast %reduce_min3A : i1 to vector<16xi1>
    %reduce_min3A_5 = arith.constant -2147483648 : i32
    %reduce_min3A_6 = vector.broadcast %reduce_min3A_5 : i32 to vector<16xi32>
    %reduce_min3A_7 = arith.xori %get3A_1, %reduce_min3A_6 : vector<16xi32>
    %reduce_min3A_8 = tpu.scan <min>, %reduce_min3A_7 masked %reduce_min3A_4 : vector<16xi32>, vector<16xi1> -> vector<16xi32>
    %reduce_min3A_9 = arith.xori %reduce_min3A_8, %reduce_min3A_6 : vector<16xi32>
    %reduce_min3A_10 = vector.extract %reduce_min3A_9[15] : i32 from vector<16xi32>
    %jit3A = arith.constant 640 : i32
    %div3A = arith.divsi %reduce_min3A_10, %jit3A : i32
    %sign3A = arith.constant 0 : i32
    %sign3A_11 = arith.cmpi sgt, %reduce_min3A_10, %sign3A : i32
    %sign3A_12 = arith.extui %sign3A_11 : i1 to i32
    %sign3A_13 = arith.constant 0 : i32
    %sign3A_14 = arith.cmpi slt, %reduce_min3A_10, %sign3A_13 : i32
    %sign3A_15 = arith.extui %sign3A_14 : i1 to i32
    %sign3A_16 = arith.subi %sign3A_12, %sign3A_15 : i32
    %sign3A_17 = arith.constant 0 : i32
    %sign3A_18 = arith.cmpi sgt, %jit3A, %sign3A_17 : i32
    %sign3A_19 = arith.extui %sign3A_18 : i1 to i32
    %sign3A_20 = arith.constant 0 : i32
    %sign3A_21 = arith.cmpi slt, %jit3A, %sign3A_20 : i32
    %sign3A_22 = arith.extui %sign3A_21 : i1 to i32
    %sign3A_23 = arith.subi %sign3A_19, %sign3A_22 : i32
    %ne3A = arith.cmpi ne, %sign3A_16, %sign3A_23 : i32
    %rem3A = arith.remsi %reduce_min3A_10, %jit3A : i32
    %ne3A_24 = arith.constant 0 : i32
    %ne3A_25 = arith.cmpi ne, %rem3A, %ne3A_24 : i32
    %and3A = arith.andi %ne3A, %ne3A_25 : i1
    %sub3A = arith.constant 1 : i32
    %sub3A_26 = arith.subi %div3A, %sub3A : i32
    %select_n3A = arith.select %and3A, %sub3A_26, %div3A : i32
    %reduce_max3A = arith.constant true
    %reduce_max3A_27 = vector.broadcast %reduce_max3A : i1 to vector<16xi1>
    %reduce_max3A_28 = arith.constant -2147483648 : i32
    %reduce_max3A_29 = vector.broadcast %reduce_max3A_28 : i32 to vector<16xi32>
    %reduce_max3A_30 = arith.xori %get3A_3, %reduce_max3A_29 : vector<16xi32>
    %reduce_max3A_31 = tpu.scan <max>, %reduce_max3A_30 masked %reduce_max3A_27 : vector<16xi32>, vector<16xi1> -> vector<16xi32>
    %reduce_max3A_32 = arith.xori %reduce_max3A_31, %reduce_max3A_29 : vector<16xi32>
    %reduce_max3A_33 = vector.extract %reduce_max3A_32[15] : i32 from vector<16xi32>
    %jit3A_34 = arith.constant 640 : i32
    %div3A_35 = arith.divsi %reduce_max3A_33, %jit3A_34 : i32
    %sign3A_36 = arith.constant 0 : i32
    %sign3A_37 = arith.cmpi sgt, %reduce_max3A_33, %sign3A_36 : i32
    %sign3A_38 = arith.extui %sign3A_37 : i1 to i32
    %sign3A_39 = arith.constant 0 : i32
    %sign3A_40 = arith.cmpi slt, %reduce_max3A_33, %sign3A_39 : i32
    %sign3A_41 = arith.extui %sign3A_40 : i1 to i32
    %sign3A_42 = arith.subi %sign3A_38, %sign3A_41 : i32
    %sign3A_43 = arith.constant 0 : i32
    %sign3A_44 = arith.cmpi sgt, %jit3A_34, %sign3A_43 : i32
    %sign3A_45 = arith.extui %sign3A_44 : i1 to i32
    %sign3A_46 = arith.constant 0 : i32
    %sign3A_47 = arith.cmpi slt, %jit3A_34, %sign3A_46 : i32
    %sign3A_48 = arith.extui %sign3A_47 : i1 to i32
    %sign3A_49 = arith.subi %sign3A_45, %sign3A_48 : i32
    %ne3A_50 = arith.cmpi ne, %sign3A_42, %sign3A_49 : i32
    %rem3A_51 = arith.remsi %reduce_max3A_33, %jit3A_34 : i32
    %ne3A_52 = arith.constant 0 : i32
    %ne3A_53 = arith.cmpi ne, %rem3A_51, %ne3A_52 : i32
    %and3A_54 = arith.andi %ne3A_50, %ne3A_53 : i1
    %sub3A_55 = arith.constant 1 : i32
    %sub3A_56 = arith.subi %div3A_35, %sub3A_55 : i32
    %select_n3A_57 = arith.select %and3A_54, %sub3A_56, %div3A_35 : i32
    %mul3A_58 = arith.constant 640 : i32
    %mul3A_59 = arith.muli %select_n3A, %mul3A_58 : i32
    %min3A = arith.constant 999424 : i32
    %min3A_60 = arith.minsi %mul3A_59, %min3A : i32
    %rem3A_61 = arith.constant 2 : i32
    %rem3A_62 = arith.remsi %select_n3A, %rem3A_61 : i32
    %dma_start3A = arith.constant 0 : i32
    %dma_start3A_63 = arith.constant 0 : i32
    %dma_start3A_64 = tpu.memref_slice %arg6[%rem3A_62, %dma_start3A, %dma_start3A_63] : memref<2x64x640xf32, #tpu.memory_space<vmem>> -> memref<1x64x640xf32, #tpu.memory_space<vmem>>
    %dma_start3A_65 = tpu.memref_squeeze %dma_start3A_64 : memref<1x64x640xf32, #tpu.memory_space<vmem>> -> memref<64x640xf32, #tpu.memory_space<vmem>>
    %dma_start3A_66 = arith.constant 0 : i32
    %dma_start3A_67 = tpu.memref_slice %arg3[%dma_start3A_66, %min3A_60] : memref<64x1000000xf32, #tpu.memory_space<hbm>> -> memref<64x640xf32, #tpu.memory_space<hbm>>
    %dma_start3A_68 = arith.constant 0 : i32
    %dma_start3A_69 = arith.constant 0 : i32
    %dma_start3A_70 = tpu.memref_slice %arg6[%rem3A_62, %dma_start3A_68, %dma_start3A_69] : memref<2x64x640xf32, #tpu.memory_space<vmem>> -> memref<1x64x640xf32, #tpu.memory_space<vmem>>
    %dma_start3A_71 = tpu.memref_squeeze %dma_start3A_70 : memref<1x64x640xf32, #tpu.memory_space<vmem>> -> memref<64x640xf32, #tpu.memory_space<vmem>>
    %dma_start3A_72 = arith.constant 0 : i32
    %dma_start3A_73 = tpu.memref_slice %arg3[%dma_start3A_72, %min3A_60] : memref<64x1000000xf32, #tpu.memory_space<hbm>> -> memref<64x640xf32, #tpu.memory_space<hbm>>
    tpu.enqueue_dma source(%dma_start3A_73 : memref<64x640xf32, #tpu.memory_space<hbm>>) target(%dma_start3A_71 : memref<64x640xf32, #tpu.memory_space<vmem>>) target_semaphore(%arg8 : memref<!tpu.dma_semaphore, #tpu.memory_space<semaphore_mem>>)
    %add3A_74 = arith.constant 1 : i32
    %add3A_75 = arith.addi %select_n3A_57, %add3A_74 : i32
    %while3A = arith.constant 0 : i32
    %while3A_76 = arith.subi %add3A_75, %select_n3A : i32
    %while3A_77 = arith.addi %select_n3A, %while3A_76 : i32
    %while3A_78 = arith.constant 1 : i32
    %while3A_79 = arith.divsi %while3A_76, %while3A_78 : i32
    %while3A_80 = arith.muli %while3A_79, %while3A_78 : i32
    %while3A_81 = arith.addi %select_n3A, %while3A_80 : i32
    %while3A_82 = arith.constant 1 : i32
    scf.for %while3A_84 = %select_n3A to %while3A_81 step %while3A_82  : i32 {
      %add3A_85 = arith.constant 1 : i32
      %add3A_86 = arith.addi %while3A_84, %add3A_85 : i32
      %le3A = arith.cmpi sle, %add3A_86, %select_n3A_57 : i32
      %convert_element_type3A = arith.extui %le3A : i1 to i32
      %cond3A = arith.constant 0 : i32
      %cond3A_87 = arith.cmpi ne, %convert_element_type3A, %cond3A : i32
      scf.if %cond3A_87 {
        %add3A_114 = arith.constant 1 : i32
        %add3A_115 = arith.addi %while3A_84, %add3A_114 : i32
        %mul3A_116 = arith.constant 640 : i32
        %mul3A_117 = arith.muli %add3A_115, %mul3A_116 : i32
        %min3A_118 = arith.constant 999424 : i32
        %min3A_119 = arith.minsi %mul3A_117, %min3A_118 : i32
        %add3A_120 = arith.constant 1 : i32
        %add3A_121 = arith.addi %while3A_84, %add3A_120 : i32
        %rem3A_122 = arith.constant 2 : i32
        %rem3A_123 = arith.remsi %add3A_121, %rem3A_122 : i32
        %dma_start3A_124 = arith.constant 0 : i32
        %dma_start3A_125 = arith.constant 0 : i32
        %dma_start3A_126 = tpu.memref_slice %arg6[%rem3A_123, %dma_start3A_124, %dma_start3A_125] : memref<2x64x640xf32, #tpu.memory_space<vmem>> -> memref<1x64x640xf32, #tpu.memory_space<vmem>>
        %dma_start3A_127 = tpu.memref_squeeze %dma_start3A_126 : memref<1x64x640xf32, #tpu.memory_space<vmem>> -> memref<64x640xf32, #tpu.memory_space<vmem>>
        %dma_start3A_128 = arith.constant 0 : i32
        %dma_start3A_129 = tpu.memref_slice %arg3[%dma_start3A_128, %min3A_119] : memref<64x1000000xf32, #tpu.memory_space<hbm>> -> memref<64x640xf32, #tpu.memory_space<hbm>>
        %dma_start3A_130 = arith.constant 0 : i32
        %dma_start3A_131 = arith.constant 0 : i32
        %dma_start3A_132 = tpu.memref_slice %arg6[%rem3A_123, %dma_start3A_130, %dma_start3A_131] : memref<2x64x640xf32, #tpu.memory_space<vmem>> -> memref<1x64x640xf32, #tpu.memory_space<vmem>>
        %dma_start3A_133 = tpu.memref_squeeze %dma_start3A_132 : memref<1x64x640xf32, #tpu.memory_space<vmem>> -> memref<64x640xf32, #tpu.memory_space<vmem>>
        %dma_start3A_134 = arith.constant 0 : i32
        %dma_start3A_135 = tpu.memref_slice %arg3[%dma_start3A_134, %min3A_119] : memref<64x1000000xf32, #tpu.memory_space<hbm>> -> memref<64x640xf32, #tpu.memory_space<hbm>>
        tpu.enqueue_dma source(%dma_start3A_135 : memref<64x640xf32, #tpu.memory_space<hbm>>) target(%dma_start3A_133 : memref<64x640xf32, #tpu.memory_space<vmem>>) target_semaphore(%arg8 : memref<!tpu.dma_semaphore, #tpu.memory_space<semaphore_mem>>)
      } else {
      }
      %rem3A_88 = arith.constant 2 : i32
      %rem3A_89 = arith.remsi %while3A_84, %rem3A_88 : i32
      %mul3A_90 = arith.constant 640 : i32
      %mul3A_91 = arith.muli %while3A_84, %mul3A_90 : i32
      %min3A_92 = arith.constant 999424 : i32
      %min3A_93 = arith.minsi %mul3A_91, %min3A_92 : i32
      %dma_wait3A = arith.constant 0 : i32
      %dma_wait3A_94 = arith.constant 0 : i32
      %dma_wait3A_95 = tpu.memref_slice %arg6[%rem3A_89, %dma_wait3A, %dma_wait3A_94] : memref<2x64x640xf32, #tpu.memory_space<vmem>> -> memref<1x64x640xf32, #tpu.memory_space<vmem>>
      %dma_wait3A_96 = tpu.memref_squeeze %dma_wait3A_95 : memref<1x64x640xf32, #tpu.memory_space<vmem>> -> memref<64x640xf32, #tpu.memory_space<vmem>>
      %dma_wait3A_97 = arith.constant 0 : i32
      %dma_wait3A_98 = tpu.memref_slice %arg3[%dma_wait3A_97, %min3A_93] : memref<64x1000000xf32, #tpu.memory_space<hbm>> -> memref<64x640xf32, #tpu.memory_space<hbm>>
      %dma_wait3A_99 = arith.constant 0 : i32
      %dma_wait3A_100 = arith.constant 0 : i32
      %dma_wait3A_101 = tpu.memref_slice %arg6[%rem3A_89, %dma_wait3A_99, %dma_wait3A_100] : memref<2x64x640xf32, #tpu.memory_space<vmem>> -> memref<1x64x640xf32, #tpu.memory_space<vmem>>
      %dma_wait3A_102 = tpu.memref_squeeze %dma_wait3A_101 : memref<1x64x640xf32, #tpu.memory_space<vmem>> -> memref<64x640xf32, #tpu.memory_space<vmem>>
      %dma_wait3A_103 = arith.constant 0 : i32
      %dma_wait3A_104 = tpu.memref_slice %arg3[%dma_wait3A_103, %min3A_93] : memref<64x1000000xf32, #tpu.memory_space<hbm>> -> memref<64x640xf32, #tpu.memory_space<hbm>>
      tpu.wait_dma2 semaphore(%arg8 : memref<!tpu.dma_semaphore, #tpu.memory_space<semaphore_mem>>) src(%dma_wait3A_104 : memref<64x640xf32, #tpu.memory_space<hbm>>) dst(%dma_wait3A_102 : memref<64x640xf32, #tpu.memory_space<vmem>>)
      %mul3A_105 = arith.constant 640 : i32
      %mul3A_106 = arith.muli %while3A_84, %mul3A_105 : i32
      %add3A_107 = arith.constant 640 : i32
      %add3A_108 = arith.addi %mul3A_106, %add3A_107 : i32
      %scan3A = arith.constant 0 : i32
      %scan3A_109 = arith.constant 0 : i32
      %scan3A_110 = arith.constant 32 : i32
      %scan3A_111 = arith.addi %scan3A_109, %scan3A_110 : i32
      %scan3A_112 = arith.constant 1 : i32
      scf.for %scan3A_114 = %scan3A_109 to %scan3A_111 step %scan3A_112  : i32 {
        %mul3A_115 = arith.constant 16 : i32
        %mul3A_116 = arith.muli %scan3A_114, %mul3A_115 : i32
        %get3A_117 = arith.index_cast %mul3A_116 : i32 to index
        %get3A_118 = tpu.vector_load %arg5[%get3A_117] {strides = array<i32>} : memref<512xi32, #tpu.memory_space<vmem>>, vector<16xi32>,
        %reduce_min3A_119 = arith.constant true
        %reduce_min3A_120 = vector.broadcast %reduce_min3A_119 : i1 to vector<16xi1>
        %reduce_min3A_121 = arith.constant -2147483648 : i32
        %reduce_min3A_122 = vector.broadcast %reduce_min3A_121 : i32 to vector<16xi32>
        %reduce_min3A_123 = arith.xori %get3A_118, %reduce_min3A_122 : vector<16xi32>
        %reduce_min3A_124 = tpu.scan <min>, %reduce_min3A_123 masked %reduce_min3A_120 : vector<16xi32>, vector<16xi1> -> vector<16xi32>
        %reduce_min3A_125 = arith.xori %reduce_min3A_124, %reduce_min3A_122 : vector<16xi32>
        %reduce_min3A_126 = vector.extract %reduce_min3A_125[15] : i32 from vector<16xi32>
        %reduce_max3A_127 = arith.constant true
        %reduce_max3A_128 = vector.broadcast %reduce_max3A_127 : i1 to vector<16xi1>
        %reduce_max3A_129 = arith.constant -2147483648 : i32
        %reduce_max3A_130 = vector.broadcast %reduce_max3A_129 : i32 to vector<16xi32>
        %reduce_max3A_131 = arith.xori %get3A_118, %reduce_max3A_130 : vector<16xi32>
        %reduce_max3A_132 = tpu.scan <max>, %reduce_max3A_131 masked %reduce_max3A_128 : vector<16xi32>, vector<16xi1> -> vector<16xi32>
        %reduce_max3A_133 = arith.xori %reduce_max3A_132, %reduce_max3A_130 : vector<16xi32>
        %reduce_max3A_134 = vector.extract %reduce_max3A_133[15] : i32 from vector<16xi32>
        %ge3A = arith.cmpi sge, %reduce_max3A_134, %mul3A_106 : i32
        %lt3A = arith.cmpi slt, %reduce_min3A_126, %add3A_108 : i32
        %and3A_135 = arith.andi %ge3A, %lt3A : i1
        %convert_element_type3A_136 = arith.extui %and3A_135 : i1 to i32
        %cond3A_137 = arith.constant 0 : i32
        %cond3A_138 = arith.cmpi ne, %convert_element_type3A_136, %cond3A_137 : i32
        scf.if %cond3A_138 {
          %ge3A_139 = vector.broadcast %mul3A_106 : i32 to vector<16xi32>
          %ge3A_140 = arith.cmpi sge, %get3A_118, %ge3A_139 : vector<16xi32>
          %lt3A_141 = vector.broadcast %add3A_108 : i32 to vector<16xi32>
          %lt3A_142 = arith.cmpi slt, %get3A_118, %lt3A_141 : vector<16xi32>
          %and3A_143 = arith.andi %ge3A_140, %lt3A_142 : vector<16xi1>
          %sub3A_144 = vector.broadcast %min3A_93 : i32 to vector<16xi32>
          %sub3A_145 = arith.subi %get3A_118, %sub3A_144 : vector<16xi32>
          %jit3A_146 = arith.constant 0 : i32
          %broadcast_in_dim3A = vector.broadcast %jit3A_146 : i32 to vector<16xi32>
          %select_n3A_147 = arith.select %and3A_143, %sub3A_145, %broadcast_in_dim3A : vector<16xi1>, vector<16xi32>
          %mul3A_148 = arith.constant 16 : i32
          %mul3A_149 = arith.muli %scan3A_114, %mul3A_148 : i32
          %add3A_150 = vector.broadcast %mul3A_149 : i32 to vector<16xi32>
          %add3A_151 = arith.addi %add3A_150, %iota3A : vector<16xi32>
          %mul3A_152 = arith.constant 0 : i32
          %mul3A_153 = vector.broadcast %mul3A_152 : i32 to vector<16xi32>
          %mul3A_154 = arith.muli %iota3A, %mul3A_153 : vector<16xi32>
          %add3A_155 = arith.constant 0 : i32
          %add3A_156 = vector.broadcast %add3A_155 : i32 to vector<16xi32>
          %add3A_157 = arith.addi %mul3A_154, %add3A_156 : vector<16xi32>
          %gather3A = arith.constant 0 : i32
          %gather3A_158 = arith.constant 0 : i32
          %gather3A_159 = tpu.memref_slice %arg6[%rem3A_89, %gather3A, %gather3A_158] : memref<2x64x640xf32, #tpu.memory_space<vmem>> -> memref<1x64x640xf32, #tpu.memory_space<vmem>>
          %gather3A_160 = tpu.memref_squeeze %gather3A_159 : memref<1x64x640xf32, #tpu.memory_space<vmem>> -> memref<64x640xf32, #tpu.memory_space<vmem>>
          %gather3A_161 = tpu.vector_load_idx %gather3A_160[%add3A_157, %select_n3A_147] masked %and3A_143 : memref<64x640xf32, #tpu.memory_space<vmem>>[vector<16xi32>, vector<16xi32>], vector<16xf32>, vector<16xi1>
          tpu.vector_store_idx %arg7[%add3A_157, %add3A_151], %gather3A_161 masked %and3A_143 : memref<64x512xf32, #tpu.memory_space<vmem>>[vector<16xi32>, vector<16xi32>], vector<16xf32>, vector<16xi1>
          %mul3A_162 = arith.constant 0 : i32
          %mul3A_163 = vector.broadcast %mul3A_162 : i32 to vector<16xi32>
          %mul3A_164 = arith.muli %iota3A, %mul3A_163 : vector<16xi32>
          %add3A_165 = arith.constant 1 : i32
          %add3A_166 = vector.broadcast %add3A_165 : i32 to vector<16xi32>
          %add3A_167 = arith.addi %mul3A_164, %add3A_166 : vector<16xi32>
          %gather3A_168 = arith.constant 0 : i32
          %gather3A_169 = arith.constant 0 : i32
          %gather3A_170 = tpu.memref_slice %arg6[%rem3A_89, %gather3A_168, %gather3A_169] : memref<2x64x640xf32, #tpu.memory_space<vmem>> -> memref<1x64x640xf32, #tpu.memory_space<vmem>>
          %gather3A_171 = tpu.memref_squeeze %gather3A_170 : memref<1x64x640xf32, #tpu.memory_space<vmem>> -> memref<64x640xf32, #tpu.memory_space<vmem>>
          %gather3A_172 = tpu.vector_load_idx %gather3A_171[%add3A_167, %select_n3A_147] masked %and3A_143 : memref<64x640xf32, #tpu.memory_space<vmem>>[vector<16xi32>, vector<16xi32>], vector<16xf32>, vector<16xi1>
          tpu.vector_store_idx %arg7[%add3A_167, %add3A_151], %gather3A_172 masked %and3A_143 : memref<64x512xf32, #tpu.memory_space<vmem>>[vector<16xi32>, vector<16xi32>], vector<16xf32>, vector<16xi1>
          %mul3A_173 = arith.constant 0 : i32
          %mul3A_174 = vector.broadcast %mul3A_173 : i32 to vector<16xi32>
          %mul3A_175 = arith.muli %iota3A, %mul3A_174 : vector<16xi32>
          %add3A_176 = arith.constant 2 : i32
          %add3A_177 = vector.broadcast %add3A_176 : i32 to vector<16xi32>
          %add3A_178 = arith.addi %mul3A_175, %add3A_177 : vector<16xi32>
          %gather3A_179 = arith.constant 0 : i32
          %gather3A_180 = arith.constant 0 : i32
          %gather3A_181 = tpu.memref_slice %arg6[%rem3A_89, %gather3A_179, %gather3A_180] : memref<2x64x640xf32, #tpu.memory_space<vmem>> -> memref<1x64x640xf32, #tpu.memory_space<vmem>>
          %gather3A_182 = tpu.memref_squeeze %gather3A_181 : memref<1x64x640xf32, #tpu.memory_space<vmem>> -> memref<64x640xf32, #tpu.memory_space<vmem>>
          %gather3A_183 = tpu.vector_load_idx %gather3A_182[%add3A_178, %select_n3A_147] masked %and3A_143 : memref<64x640xf32, #tpu.memory_space<vmem>>[vector<16xi32>, vector<16xi32>], vector<16xf32>, vector<16xi1>
          tpu.vector_store_idx %arg7[%add3A_178, %add3A_151], %gather3A_183 masked %and3A_143 : memref<64x512xf32, #tpu.memory_space<vmem>>[vector<16xi32>, vector<16xi32>], vector<16xf32>, vector<16xi1>
          %mul3A_184 = arith.constant 0 : i32
          %mul3A_185 = vector.broadcast %mul3A_184 : i32 to vector<16xi32>
          %mul3A_186 = arith.muli %iota3A, %mul3A_185 : vector<16xi32>
          %add3A_187 = arith.constant 3 : i32
          %add3A_188 = vector.broadcast %add3A_187 : i32 to vector<16xi32>
          %add3A_189 = arith.addi %mul3A_186, %add3A_188 : vector<16xi32>
          %gather3A_190 = arith.constant 0 : i32
          %gather3A_191 = arith.constant 0 : i32
          %gather3A_192 = tpu.memref_slice %arg6[%rem3A_89, %gather3A_190, %gather3A_191] : memref<2x64x640xf32, #tpu.memory_space<vmem>> -> memref<1x64x640xf32, #tpu.memory_space<vmem>>
          %gather3A_193 = tpu.memref_squeeze %gather3A_192 : memref<1x64x640xf32, #tpu.memory_space<vmem>> -> memref<64x640xf32, #tpu.memory_space<vmem>>
          %gather3A_194 = tpu.vector_load_idx %gather3A_193[%add3A_189, %select_n3A_147] masked %and3A_143 : memref<64x640xf32, #tpu.memory_space<vmem>>[vector<16xi32>, vector<16xi32>], vector<16xf32>, vector<16xi1>
          tpu.vector_store_idx %arg7[%add3A_189, %add3A_151], %gather3A_194 masked %and3A_143 : memref<64x512xf32, #tpu.memory_space<vmem>>[vector<16xi32>, vector<16xi32>], vector<16xf32>, vector<16xi1>
          %mul3A_195 = arith.constant 0 : i32
          %mul3A_196 = vector.broadcast %mul3A_195 : i32 to vector<16xi32>
          %mul3A_197 = arith.muli %iota3A, %mul3A_196 : vector<16xi32>
          %add3A_198 = arith.constant 4 : i32
          %add3A_199 = vector.broadcast %add3A_198 : i32 to vector<16xi32>
          %add3A_200 = arith.addi %mul3A_197, %add3A_199 : vector<16xi32>
          %gather3A_201 = arith.constant 0 : i32
          %gather3A_202 = arith.constant 0 : i32
          %gather3A_203 = tpu.memref_slice %arg6[%rem3A_89, %gather3A_201, %gather3A_202] : memref<2x64x640xf32, #tpu.memory_space<vmem>> -> memref<1x64x640xf32, #tpu.memory_space<vmem>>
          %gather3A_204 = tpu.memref_squeeze %gather3A_203 : memref<1x64x640xf32, #tpu.memory_space<vmem>> -> memref<64x640xf32, #tpu.memory_space<vmem>>
          %gather3A_205 = tpu.vector_load_idx %gather3A_204[%add3A_200, %select_n3A_147] masked %and3A_143 : memref<64x640xf32, #tpu.memory_space<vmem>>[vector<16xi32>, vector<16xi32>], vector<16xf32>, vector<16xi1>
          tpu.vector_store_idx %arg7[%add3A_200, %add3A_151], %gather3A_205 masked %and3A_143 : memref<64x512xf32, #tpu.memory_space<vmem>>[vector<16xi32>, vector<16xi32>], vector<16xf32>, vector<16xi1>
          %mul3A_206 = arith.constant 0 : i32
          %mul3A_207 = vector.broadcast %mul3A_206 : i32 to vector<16xi32>
          %mul3A_208 = arith.muli %iota3A, %mul3A_207 : vector<16xi32>
          %add3A_209 = arith.constant 5 : i32
          %add3A_210 = vector.broadcast %add3A_209 : i32 to vector<16xi32>
          %add3A_211 = arith.addi %mul3A_208, %add3A_210 : vector<16xi32>
          %gather3A_212 = arith.constant 0 : i32
          %gather3A_213 = arith.constant 0 : i32
          %gather3A_214 = tpu.memref_slice %arg6[%rem3A_89, %gather3A_212, %gather3A_213] : memref<2x64x640xf32, #tpu.memory_space<vmem>> -> memref<1x64x640xf32, #tpu.memory_space<vmem>>
          %gather3A_215 = tpu.memref_squeeze %gather3A_214 : memref<1x64x640xf32, #tpu.memory_space<vmem>> -> memref<64x640xf32, #tpu.memory_space<vmem>>
          %gather3A_216 = tpu.vector_load_idx %gather3A_215[%add3A_211, %select_n3A_147] masked %and3A_143 : memref<64x640xf32, #tpu.memory_space<vmem>>[vector<16xi32>, vector<16xi32>], vector<16xf32>, vector<16xi1>
          tpu.vector_store_idx %arg7[%add3A_211, %add3A_151], %gather3A_216 masked %and3A_143 : memref<64x512xf32, #tpu.memory_space<vmem>>[vector<16xi32>, vector<16xi32>], vector<16xf32>, vector<16xi1>
          %mul3A_217 = arith.constant 0 : i32
          %mul3A_218 = vector.broadcast %mul3A_217 : i32 to vector<16xi32>
          %mul3A_219 = arith.muli %iota3A, %mul3A_218 : vector<16xi32>
          %add3A_220 = arith.constant 6 : i32
          %add3A_221 = vector.broadcast %add3A_220 : i32 to vector<16xi32>
          %add3A_222 = arith.addi %mul3A_219, %add3A_221 : vector<16xi32>
          %gather3A_223 = arith.constant 0 : i32
          %gather3A_224 = arith.constant 0 : i32
          %gather3A_225 = tpu.memref_slice %arg6[%rem3A_89, %gather3A_223, %gather3A_224] : memref<2x64x640xf32, #tpu.memory_space<vmem>> -> memref<1x64x640xf32, #tpu.memory_space<vmem>>
          %gather3A_226 = tpu.memref_squeeze %gather3A_225 : memref<1x64x640xf32, #tpu.memory_space<vmem>> -> memref<64x640xf32, #tpu.memory_space<vmem>>
          %gather3A_227 = tpu.vector_load_idx %gather3A_226[%add3A_222, %select_n3A_147] masked %and3A_143 : memref<64x640xf32, #tpu.memory_space<vmem>>[vector<16xi32>, vector<16xi32>], vector<16xf32>, vector<16xi1>
          tpu.vector_store_idx %arg7[%add3A_222, %add3A_151], %gather3A_227 masked %and3A_143 : memref<64x512xf32, #tpu.memory_space<vmem>>[vector<16xi32>, vector<16xi32>], vector<16xf32>, vector<16xi1>
          %mul3A_228 = arith.constant 0 : i32
          %mul3A_229 = vector.broadcast %mul3A_228 : i32 to vector<16xi32>
          %mul3A_230 = arith.muli %iota3A, %mul3A_229 : vector<16xi32>
          %add3A_231 = arith.constant 7 : i32
          %add3A_232 = vector.broadcast %add3A_231 : i32 to vector<16xi32>
          %add3A_233 = arith.addi %mul3A_230, %add3A_232 : vector<16xi32>
          %gather3A_234 = arith.constant 0 : i32
          %gather3A_235 = arith.constant 0 : i32
          %gather3A_236 = tpu.memref_slice %arg6[%rem3A_89, %gather3A_234, %gather3A_235] : memref<2x64x640xf32, #tpu.memory_space<vmem>> -> memref<1x64x640xf32, #tpu.memory_space<vmem>>
          %gather3A_237 = tpu.memref_squeeze %gather3A_236 : memref<1x64x640xf32, #tpu.memory_space<vmem>> -> memref<64x640xf32, #tpu.memory_space<vmem>>
          %gather3A_238 = tpu.vector_load_idx %gather3A_237[%add3A_233, %select_n3A_147] masked %and3A_143 : memref<64x640xf32, #tpu.memory_space<vmem>>[vector<16xi32>, vector<16xi32>], vector<16xf32>, vector<16xi1>
          tpu.vector_store_idx %arg7[%add3A_233, %add3A_151], %gather3A_238 masked %and3A_143 : memref<64x512xf32, #tpu.memory_space<vmem>>[vector<16xi32>, vector<16xi32>], vector<16xf32>, vector<16xi1>
          %mul3A_239 = arith.constant 0 : i32
          %mul3A_240 = vector.broadcast %mul3A_239 : i32 to vector<16xi32>
          %mul3A_241 = arith.muli %iota3A, %mul3A_240 : vector<16xi32>
          %add3A_242 = arith.constant 8 : i32
          %add3A_243 = vector.broadcast %add3A_242 : i32 to vector<16xi32>
          %add3A_244 = arith.addi %mul3A_241, %add3A_243 : vector<16xi32>
          %gather3A_245 = arith.constant 0 : i32
          %gather3A_246 = arith.constant 0 : i32
          %gather3A_247 = tpu.memref_slice %arg6[%rem3A_89, %gather3A_245, %gather3A_246] : memref<2x64x640xf32, #tpu.memory_space<vmem>> -> memref<1x64x640xf32, #tpu.memory_space<vmem>>
          %gather3A_248 = tpu.memref_squeeze %gather3A_247 : memref<1x64x640xf32, #tpu.memory_space<vmem>> -> memref<64x640xf32, #tpu.memory_space<vmem>>
          %gather3A_249 = tpu.vector_load_idx %gather3A_248[%add3A_244, %select_n3A_147] masked %and3A_143 : memref<64x640xf32, #tpu.memory_space<vmem>>[vector<16xi32>, vector<16xi32>], vector<16xf32>, vector<16xi1>
          tpu.vector_store_idx %arg7[%add3A_244, %add3A_151], %gather3A_249 masked %and3A_143 : memref<64x512xf32, #tpu.memory_space<vmem>>[vector<16xi32>, vector<16xi32>], vector<16xf32>, vector<16xi1>
          %mul3A_250 = arith.constant 0 : i32
          %mul3A_251 = vector.broadcast %mul3A_250 : i32 to vector<16xi32>
          %mul3A_252 = arith.muli %iota3A, %mul3A_251 : vector<16xi32>
          %add3A_253 = arith.constant 9 : i32
          %add3A_254 = vector.broadcast %add3A_253 : i32 to vector<16xi32>
          %add3A_255 = arith.addi %mul3A_252, %add3A_254 : vector<16xi32>
          %gather3A_256 = arith.constant 0 : i32
          %gather3A_257 = arith.constant 0 : i32
          %gather3A_258 = tpu.memref_slice %arg6[%rem3A_89, %gather3A_256, %gather3A_257] : memref<2x64x640xf32, #tpu.memory_space<vmem>> -> memref<1x64x640xf32, #tpu.memory_space<vmem>>
          %gather3A_259 = tpu.memref_squeeze %gather3A_258 : memref<1x64x640xf32, #tpu.memory_space<vmem>> -> memref<64x640xf32, #tpu.memory_space<vmem>>
          %gather3A_260 = tpu.vector_load_idx %gather3A_259[%add3A_255, %select_n3A_147] masked %and3A_143 : memref<64x640xf32, #tpu.memory_space<vmem>>[vector<16xi32>, vector<16xi32>], vector<16xf32>, vector<16xi1>
          tpu.vector_store_idx %arg7[%add3A_255, %add3A_151], %gather3A_260 masked %and3A_143 : memref<64x512xf32, #tpu.memory_space<vmem>>[vector<16xi32>, vector<16xi32>], vector<16xf32>, vector<16xi1>
          %mul3A_261 = arith.constant 0 : i32
          %mul3A_262 = vector.broadcast %mul3A_261 : i32 to vector<16xi32>
          %mul3A_263 = arith.muli %iota3A, %mul3A_262 : vector<16xi32>
          %add3A_264 = arith.constant 10 : i32
          %add3A_265 = vector.broadcast %add3A_264 : i32 to vector<16xi32>
          %add3A_266 = arith.addi %mul3A_263, %add3A_265 : vector<16xi32>
          %gather3A_267 = arith.constant 0 : i32
          %gather3A_268 = arith.constant 0 : i32
          %gather3A_269 = tpu.memref_slice %arg6[%rem3A_89, %gather3A_267, %gather3A_268] : memref<2x64x640xf32, #tpu.memory_space<vmem>> -> memref<1x64x640xf32, #tpu.memory_space<vmem>>
          %gather3A_270 = tpu.memref_squeeze %gather3A_269 : memref<1x64x640xf32, #tpu.memory_space<vmem>> -> memref<64x640xf32, #tpu.memory_space<vmem>>
          %gather3A_271 = tpu.vector_load_idx %gather3A_270[%add3A_266, %select_n3A_147] masked %and3A_143 : memref<64x640xf32, #tpu.memory_space<vmem>>[vector<16xi32>, vector<16xi32>], vector<16xf32>, vector<16xi1>
          tpu.vector_store_idx %arg7[%add3A_266, %add3A_151], %gather3A_271 masked %and3A_143 : memref<64x512xf32, #tpu.memory_space<vmem>>[vector<16xi32>, vector<16xi32>], vector<16xf32>, vector<16xi1>
          %mul3A_272 = arith.constant 0 : i32
          %mul3A_273 = vector.broadcast %mul3A_272 : i32 to vector<16xi32>
          %mul3A_274 = arith.muli %iota3A, %mul3A_273 : vector<16xi32>
          %add3A_275 = arith.constant 11 : i32
          %add3A_276 = vector.broadcast %add3A_275 : i32 to vector<16xi32>
          %add3A_277 = arith.addi %mul3A_274, %add3A_276 : vector<16xi32>
          %gather3A_278 = arith.constant 0 : i32
          %gather3A_279 = arith.constant 0 : i32
          %gather3A_280 = tpu.memref_slice %arg6[%rem3A_89, %gather3A_278, %gather3A_279] : memref<2x64x640xf32, #tpu.memory_space<vmem>> -> memref<1x64x640xf32, #tpu.memory_space<vmem>>
          %gather3A_281 = tpu.memref_squeeze %gather3A_280 : memref<1x64x640xf32, #tpu.memory_space<vmem>> -> memref<64x640xf32, #tpu.memory_space<vmem>>
          %gather3A_282 = tpu.vector_load_idx %gather3A_281[%add3A_277, %select_n3A_147] masked %and3A_143 : memref<64x640xf32, #tpu.memory_space<vmem>>[vector<16xi32>, vector<16xi32>], vector<16xf32>, vector<16xi1>
          tpu.vector_store_idx %arg7[%add3A_277, %add3A_151], %gather3A_282 masked %and3A_143 : memref<64x512xf32, #tpu.memory_space<vmem>>[vector<16xi32>, vector<16xi32>], vector<16xf32>, vector<16xi1>
          %mul3A_283 = arith.constant 0 : i32
          %mul3A_284 = vector.broadcast %mul3A_283 : i32 to vector<16xi32>
          %mul3A_285 = arith.muli %iota3A, %mul3A_284 : vector<16xi32>
          %add3A_286 = arith.constant 12 : i32
          %add3A_287 = vector.broadcast %add3A_286 : i32 to vector<16xi32>
          %add3A_288 = arith.addi %mul3A_285, %add3A_287 : vector<16xi32>
          %gather3A_289 = arith.constant 0 : i32
          %gather3A_290 = arith.constant 0 : i32
          %gather3A_291 = tpu.memref_slice %arg6[%rem3A_89, %gather3A_289, %gather3A_290] : memref<2x64x640xf32, #tpu.memory_space<vmem>> -> memref<1x64x640xf32, #tpu.memory_space<vmem>>
          %gather3A_292 = tpu.memref_squeeze %gather3A_291 : memref<1x64x640xf32, #tpu.memory_space<vmem>> -> memref<64x640xf32, #tpu.memory_space<vmem>>
          %gather3A_293 = tpu.vector_load_idx %gather3A_292[%add3A_288, %select_n3A_147] masked %and3A_143 : memref<64x640xf32, #tpu.memory_space<vmem>>[vector<16xi32>, vector<16xi32>], vector<16xf32>, vector<16xi1>
          tpu.vector_store_idx %arg7[%add3A_288, %add3A_151], %gather3A_293 masked %and3A_143 : memref<64x512xf32, #tpu.memory_space<vmem>>[vector<16xi32>, vector<16xi32>], vector<16xf32>, vector<16xi1>
          %mul3A_294 = arith.constant 0 : i32
          %mul3A_295 = vector.broadcast %mul3A_294 : i32 to vector<16xi32>
          %mul3A_296 = arith.muli %iota3A, %mul3A_295 : vector<16xi32>
          %add3A_297 = arith.constant 13 : i32
          %add3A_298 = vector.broadcast %add3A_297 : i32 to vector<16xi32>
          %add3A_299 = arith.addi %mul3A_296, %add3A_298 : vector<16xi32>
          %gather3A_300 = arith.constant 0 : i32
          %gather3A_301 = arith.constant 0 : i32
          %gather3A_302 = tpu.memref_slice %arg6[%rem3A_89, %gather3A_300, %gather3A_301] : memref<2x64x640xf32, #tpu.memory_space<vmem>> -> memref<1x64x640xf32, #tpu.memory_space<vmem>>
          %gather3A_303 = tpu.memref_squeeze %gather3A_302 : memref<1x64x640xf32, #tpu.memory_space<vmem>> -> memref<64x640xf32, #tpu.memory_space<vmem>>
          %gather3A_304 = tpu.vector_load_idx %gather3A_303[%add3A_299, %select_n3A_147] masked %and3A_143 : memref<64x640xf32, #tpu.memory_space<vmem>>[vector<16xi32>, vector<16xi32>], vector<16xf32>, vector<16xi1>
          tpu.vector_store_idx %arg7[%add3A_299, %add3A_151], %gather3A_304 masked %and3A_143 : memref<64x512xf32, #tpu.memory_space<vmem>>[vector<16xi32>, vector<16xi32>], vector<16xf32>, vector<16xi1>
          %mul3A_305 = arith.constant 0 : i32
          %mul3A_306 = vector.broadcast %mul3A_305 : i32 to vector<16xi32>
          %mul3A_307 = arith.muli %iota3A, %mul3A_306 : vector<16xi32>
          %add3A_308 = arith.constant 14 : i32
          %add3A_309 = vector.broadcast %add3A_308 : i32 to vector<16xi32>
          %add3A_310 = arith.addi %mul3A_307, %add3A_309 : vector<16xi32>
          %gather3A_311 = arith.constant 0 : i32
          %gather3A_312 = arith.constant 0 : i32
          %gather3A_313 = tpu.memref_slice %arg6[%rem3A_89, %gather3A_311, %gather3A_312] : memref<2x64x640xf32, #tpu.memory_space<vmem>> -> memref<1x64x640xf32, #tpu.memory_space<vmem>>
          %gather3A_314 = tpu.memref_squeeze %gather3A_313 : memref<1x64x640xf32, #tpu.memory_space<vmem>> -> memref<64x640xf32, #tpu.memory_space<vmem>>
          %gather3A_315 = tpu.vector_load_idx %gather3A_314[%add3A_310, %select_n3A_147] masked %and3A_143 : memref<64x640xf32, #tpu.memory_space<vmem>>[vector<16xi32>, vector<16xi32>], vector<16xf32>, vector<16xi1>
          tpu.vector_store_idx %arg7[%add3A_310, %add3A_151], %gather3A_315 masked %and3A_143 : memref<64x512xf32, #tpu.memory_space<vmem>>[vector<16xi32>, vector<16xi32>], vector<16xf32>, vector<16xi1>
          %mul3A_316 = arith.constant 0 : i32
          %mul3A_317 = vector.broadcast %mul3A_316 : i32 to vector<16xi32>
          %mul3A_318 = arith.muli %iota3A, %mul3A_317 : vector<16xi32>
          %add3A_319 = arith.constant 15 : i32
          %add3A_320 = vector.broadcast %add3A_319 : i32 to vector<16xi32>
          %add3A_321 = arith.addi %mul3A_318, %add3A_320 : vector<16xi32>
          %gather3A_322 = arith.constant 0 : i32
          %gather3A_323 = arith.constant 0 : i32
          %gather3A_324 = tpu.memref_slice %arg6[%rem3A_89, %gather3A_322, %gather3A_323] : memref<2x64x640xf32, #tpu.memory_space<vmem>> -> memref<1x64x640xf32, #tpu.memory_space<vmem>>
          %gather3A_325 = tpu.memref_squeeze %gather3A_324 : memref<1x64x640xf32, #tpu.memory_space<vmem>> -> memref<64x640xf32, #tpu.memory_space<vmem>>
          %gather3A_326 = tpu.vector_load_idx %gather3A_325[%add3A_321, %select_n3A_147] masked %and3A_143 : memref<64x640xf32, #tpu.memory_space<vmem>>[vector<16xi32>, vector<16xi32>], vector<16xf32>, vector<16xi1>
          tpu.vector_store_idx %arg7[%add3A_321, %add3A_151], %gather3A_326 masked %and3A_143 : memref<64x512xf32, #tpu.memory_space<vmem>>[vector<16xi32>, vector<16xi32>], vector<16xf32>, vector<16xi1>
          %mul3A_327 = arith.constant 0 : i32
          %mul3A_328 = vector.broadcast %mul3A_327 : i32 to vector<16xi32>
          %mul3A_329 = arith.muli %iota3A, %mul3A_328 : vector<16xi32>
          %add3A_330 = arith.constant 16 : i32
          %add3A_331 = vector.broadcast %add3A_330 : i32 to vector<16xi32>
          %add3A_332 = arith.addi %mul3A_329, %add3A_331 : vector<16xi32>
          %gather3A_333 = arith.constant 0 : i32
          %gather3A_334 = arith.constant 0 : i32
          %gather3A_335 = tpu.memref_slice %arg6[%rem3A_89, %gather3A_333, %gather3A_334] : memref<2x64x640xf32, #tpu.memory_space<vmem>> -> memref<1x64x640xf32, #tpu.memory_space<vmem>>
          %gather3A_336 = tpu.memref_squeeze %gather3A_335 : memref<1x64x640xf32, #tpu.memory_space<vmem>> -> memref<64x640xf32, #tpu.memory_space<vmem>>
          %gather3A_337 = tpu.vector_load_idx %gather3A_336[%add3A_332, %select_n3A_147] masked %and3A_143 : memref<64x640xf32, #tpu.memory_space<vmem>>[vector<16xi32>, vector<16xi32>], vector<16xf32>, vector<16xi1>
          tpu.vector_store_idx %arg7[%add3A_332, %add3A_151], %gather3A_337 masked %and3A_143 : memref<64x512xf32, #tpu.memory_space<vmem>>[vector<16xi32>, vector<16xi32>], vector<16xf32>, vector<16xi1>
          %mul3A_338 = arith.constant 0 : i32
          %mul3A_339 = vector.broadcast %mul3A_338 : i32 to vector<16xi32>
          %mul3A_340 = arith.muli %iota3A, %mul3A_339 : vector<16xi32>
          %add3A_341 = arith.constant 17 : i32
          %add3A_342 = vector.broadcast %add3A_341 : i32 to vector<16xi32>
          %add3A_343 = arith.addi %mul3A_340, %add3A_342 : vector<16xi32>
          %gather3A_344 = arith.constant 0 : i32
          %gather3A_345 = arith.constant 0 : i32
          %gather3A_346 = tpu.memref_slice %arg6[%rem3A_89, %gather3A_344, %gather3A_345] : memref<2x64x640xf32, #tpu.memory_space<vmem>> -> memref<1x64x640xf32, #tpu.memory_space<vmem>>
          %gather3A_347 = tpu.memref_squeeze %gather3A_346 : memref<1x64x640xf32, #tpu.memory_space<vmem>> -> memref<64x640xf32, #tpu.memory_space<vmem>>
          %gather3A_348 = tpu.vector_load_idx %gather3A_347[%add3A_343, %select_n3A_147] masked %and3A_143 : memref<64x640xf32, #tpu.memory_space<vmem>>[vector<16xi32>, vector<16xi32>], vector<16xf32>, vector<16xi1>
          tpu.vector_store_idx %arg7[%add3A_343, %add3A_151], %gather3A_348 masked %and3A_143 : memref<64x512xf32, #tpu.memory_space<vmem>>[vector<16xi32>, vector<16xi32>], vector<16xf32>, vector<16xi1>
          %mul3A_349 = arith.constant 0 : i32
          %mul3A_350 = vector.broadcast %mul3A_349 : i32 to vector<16xi32>
          %mul3A_351 = arith.muli %iota3A, %mul3A_350 : vector<16xi32>
          %add3A_352 = arith.constant 18 : i32
          %add3A_353 = vector.broadcast %add3A_352 : i32 to vector<16xi32>
          %add3A_354 = arith.addi %mul3A_351, %add3A_353 : vector<16xi32>
          %gather3A_355 = arith.constant 0 : i32
          %gather3A_356 = arith.constant 0 : i32
          %gather3A_357 = tpu.memref_slice %arg6[%rem3A_89, %gather3A_355, %gather3A_356] : memref<2x64x640xf32, #tpu.memory_space<vmem>> -> memref<1x64x640xf32, #tpu.memory_space<vmem>>
          %gather3A_358 = tpu.memref_squeeze %gather3A_357 : memref<1x64x640xf32, #tpu.memory_space<vmem>> -> memref<64x640xf32, #tpu.memory_space<vmem>>
          %gather3A_359 = tpu.vector_load_idx %gather3A_358[%add3A_354, %select_n3A_147] masked %and3A_143 : memref<64x640xf32, #tpu.memory_space<vmem>>[vector<16xi32>, vector<16xi32>], vector<16xf32>, vector<16xi1>
          tpu.vector_store_idx %arg7[%add3A_354, %add3A_151], %gather3A_359 masked %and3A_143 : memref<64x512xf32, #tpu.memory_space<vmem>>[vector<16xi32>, vector<16xi32>], vector<16xf32>, vector<16xi1>
          %mul3A_360 = arith.constant 0 : i32
          %mul3A_361 = vector.broadcast %mul3A_360 : i32 to vector<16xi32>
          %mul3A_362 = arith.muli %iota3A, %mul3A_361 : vector<16xi32>
          %add3A_363 = arith.constant 19 : i32
          %add3A_364 = vector.broadcast %add3A_363 : i32 to vector<16xi32>
          %add3A_365 = arith.addi %mul3A_362, %add3A_364 : vector<16xi32>
          %gather3A_366 = arith.constant 0 : i32
          %gather3A_367 = arith.constant 0 : i32
          %gather3A_368 = tpu.memref_slice %arg6[%rem3A_89, %gather3A_366, %gather3A_367] : memref<2x64x640xf32, #tpu.memory_space<vmem>> -> memref<1x64x640xf32, #tpu.memory_space<vmem>>
          %gather3A_369 = tpu.memref_squeeze %gather3A_368 : memref<1x64x640xf32, #tpu.memory_space<vmem>> -> memref<64x640xf32, #tpu.memory_space<vmem>>
          %gather3A_370 = tpu.vector_load_idx %gather3A_369[%add3A_365, %select_n3A_147] masked %and3A_143 : memref<64x640xf32, #tpu.memory_space<vmem>>[vector<16xi32>, vector<16xi32>], vector<16xf32>, vector<16xi1>
          tpu.vector_store_idx %arg7[%add3A_365, %add3A_151], %gather3A_370 masked %and3A_143 : memref<64x512xf32, #tpu.memory_space<vmem>>[vector<16xi32>, vector<16xi32>], vector<16xf32>, vector<16xi1>
          %mul3A_371 = arith.constant 0 : i32
          %mul3A_372 = vector.broadcast %mul3A_371 : i32 to vector<16xi32>
          %mul3A_373 = arith.muli %iota3A, %mul3A_372 : vector<16xi32>
          %add3A_374 = arith.constant 20 : i32
          %add3A_375 = vector.broadcast %add3A_374 : i32 to vector<16xi32>
          %add3A_376 = arith.addi %mul3A_373, %add3A_375 : vector<16xi32>
          %gather3A_377 = arith.constant 0 : i32
          %gather3A_378 = arith.constant 0 : i32
          %gather3A_379 = tpu.memref_slice %arg6[%rem3A_89, %gather3A_377, %gather3A_378] : memref<2x64x640xf32, #tpu.memory_space<vmem>> -> memref<1x64x640xf32, #tpu.memory_space<vmem>>
          %gather3A_380 = tpu.memref_squeeze %gather3A_379 : memref<1x64x640xf32, #tpu.memory_space<vmem>> -> memref<64x640xf32, #tpu.memory_space<vmem>>
          %gather3A_381 = tpu.vector_load_idx %gather3A_380[%add3A_376, %select_n3A_147] masked %and3A_143 : memref<64x640xf32, #tpu.memory_space<vmem>>[vector<16xi32>, vector<16xi32>], vector<16xf32>, vector<16xi1>
          tpu.vector_store_idx %arg7[%add3A_376, %add3A_151], %gather3A_381 masked %and3A_143 : memref<64x512xf32, #tpu.memory_space<vmem>>[vector<16xi32>, vector<16xi32>], vector<16xf32>, vector<16xi1>
          %mul3A_382 = arith.constant 0 : i32
          %mul3A_383 = vector.broadcast %mul3A_382 : i32 to vector<16xi32>
          %mul3A_384 = arith.muli %iota3A, %mul3A_383 : vector<16xi32>
          %add3A_385 = arith.constant 21 : i32
          %add3A_386 = vector.broadcast %add3A_385 : i32 to vector<16xi32>
          %add3A_387 = arith.addi %mul3A_384, %add3A_386 : vector<16xi32>
          %gather3A_388 = arith.constant 0 : i32
          %gather3A_389 = arith.constant 0 : i32
          %gather3A_390 = tpu.memref_slice %arg6[%rem3A_89, %gather3A_388, %gather3A_389] : memref<2x64x640xf32, #tpu.memory_space<vmem>> -> memref<1x64x640xf32, #tpu.memory_space<vmem>>
          %gather3A_391 = tpu.memref_squeeze %gather3A_390 : memref<1x64x640xf32, #tpu.memory_space<vmem>> -> memref<64x640xf32, #tpu.memory_space<vmem>>
          %gather3A_392 = tpu.vector_load_idx %gather3A_391[%add3A_387, %select_n3A_147] masked %and3A_143 : memref<64x640xf32, #tpu.memory_space<vmem>>[vector<16xi32>, vector<16xi32>], vector<16xf32>, vector<16xi1>
          tpu.vector_store_idx %arg7[%add3A_387, %add3A_151], %gather3A_392 masked %and3A_143 : memref<64x512xf32, #tpu.memory_space<vmem>>[vector<16xi32>, vector<16xi32>], vector<16xf32>, vector<16xi1>
          %mul3A_393 = arith.constant 0 : i32
          %mul3A_394 = vector.broadcast %mul3A_393 : i32 to vector<16xi32>
          %mul3A_395 = arith.muli %iota3A, %mul3A_394 : vector<16xi32>
          %add3A_396 = arith.constant 22 : i32
          %add3A_397 = vector.broadcast %add3A_396 : i32 to vector<16xi32>
          %add3A_398 = arith.addi %mul3A_395, %add3A_397 : vector<16xi32>
          %gather3A_399 = arith.constant 0 : i32
          %gather3A_400 = arith.constant 0 : i32
          %gather3A_401 = tpu.memref_slice %arg6[%rem3A_89, %gather3A_399, %gather3A_400] : memref<2x64x640xf32, #tpu.memory_space<vmem>> -> memref<1x64x640xf32, #tpu.memory_space<vmem>>
          %gather3A_402 = tpu.memref_squeeze %gather3A_401 : memref<1x64x640xf32, #tpu.memory_space<vmem>> -> memref<64x640xf32, #tpu.memory_space<vmem>>
          %gather3A_403 = tpu.vector_load_idx %gather3A_402[%add3A_398, %select_n3A_147] masked %and3A_143 : memref<64x640xf32, #tpu.memory_space<vmem>>[vector<16xi32>, vector<16xi32>], vector<16xf32>, vector<16xi1>
          tpu.vector_store_idx %arg7[%add3A_398, %add3A_151], %gather3A_403 masked %and3A_143 : memref<64x512xf32, #tpu.memory_space<vmem>>[vector<16xi32>, vector<16xi32>], vector<16xf32>, vector<16xi1>
          %mul3A_404 = arith.constant 0 : i32
          %mul3A_405 = vector.broadcast %mul3A_404 : i32 to vector<16xi32>
          %mul3A_406 = arith.muli %iota3A, %mul3A_405 : vector<16xi32>
          %add3A_407 = arith.constant 23 : i32
          %add3A_408 = vector.broadcast %add3A_407 : i32 to vector<16xi32>
          %add3A_409 = arith.addi %mul3A_406, %add3A_408 : vector<16xi32>
          %gather3A_410 = arith.constant 0 : i32
          %gather3A_411 = arith.constant 0 : i32
          %gather3A_412 = tpu.memref_slice %arg6[%rem3A_89, %gather3A_410, %gather3A_411] : memref<2x64x640xf32, #tpu.memory_space<vmem>> -> memref<1x64x640xf32, #tpu.memory_space<vmem>>
          %gather3A_413 = tpu.memref_squeeze %gather3A_412 : memref<1x64x640xf32, #tpu.memory_space<vmem>> -> memref<64x640xf32, #tpu.memory_space<vmem>>
          %gather3A_414 = tpu.vector_load_idx %gather3A_413[%add3A_409, %select_n3A_147] masked %and3A_143 : memref<64x640xf32, #tpu.memory_space<vmem>>[vector<16xi32>, vector<16xi32>], vector<16xf32>, vector<16xi1>
          tpu.vector_store_idx %arg7[%add3A_409, %add3A_151], %gather3A_414 masked %and3A_143 : memref<64x512xf32, #tpu.memory_space<vmem>>[vector<16xi32>, vector<16xi32>], vector<16xf32>, vector<16xi1>
          %mul3A_415 = arith.constant 0 : i32
          %mul3A_416 = vector.broadcast %mul3A_415 : i32 to vector<16xi32>
          %mul3A_417 = arith.muli %iota3A, %mul3A_416 : vector<16xi32>
          %add3A_418 = arith.constant 24 : i32
          %add3A_419 = vector.broadcast %add3A_418 : i32 to vector<16xi32>
          %add3A_420 = arith.addi %mul3A_417, %add3A_419 : vector<16xi32>
          %gather3A_421 = arith.constant 0 : i32
          %gather3A_422 = arith.constant 0 : i32
          %gather3A_423 = tpu.memref_slice %arg6[%rem3A_89, %gather3A_421, %gather3A_422] : memref<2x64x640xf32, #tpu.memory_space<vmem>> -> memref<1x64x640xf32, #tpu.memory_space<vmem>>
          %gather3A_424 = tpu.memref_squeeze %gather3A_423 : memref<1x64x640xf32, #tpu.memory_space<vmem>> -> memref<64x640xf32, #tpu.memory_space<vmem>>
          %gather3A_425 = tpu.vector_load_idx %gather3A_424[%add3A_420, %select_n3A_147] masked %and3A_143 : memref<64x640xf32, #tpu.memory_space<vmem>>[vector<16xi32>, vector<16xi32>], vector<16xf32>, vector<16xi1>
          tpu.vector_store_idx %arg7[%add3A_420, %add3A_151], %gather3A_425 masked %and3A_143 : memref<64x512xf32, #tpu.memory_space<vmem>>[vector<16xi32>, vector<16xi32>], vector<16xf32>, vector<16xi1>
          %mul3A_426 = arith.constant 0 : i32
          %mul3A_427 = vector.broadcast %mul3A_426 : i32 to vector<16xi32>
          %mul3A_428 = arith.muli %iota3A, %mul3A_427 : vector<16xi32>
          %add3A_429 = arith.constant 25 : i32
          %add3A_430 = vector.broadcast %add3A_429 : i32 to vector<16xi32>
          %add3A_431 = arith.addi %mul3A_428, %add3A_430 : vector<16xi32>
          %gather3A_432 = arith.constant 0 : i32
          %gather3A_433 = arith.constant 0 : i32
          %gather3A_434 = tpu.memref_slice %arg6[%rem3A_89, %gather3A_432, %gather3A_433] : memref<2x64x640xf32, #tpu.memory_space<vmem>> -> memref<1x64x640xf32, #tpu.memory_space<vmem>>
          %gather3A_435 = tpu.memref_squeeze %gather3A_434 : memref<1x64x640xf32, #tpu.memory_space<vmem>> -> memref<64x640xf32, #tpu.memory_space<vmem>>
          %gather3A_436 = tpu.vector_load_idx %gather3A_435[%add3A_431, %select_n3A_147] masked %and3A_143 : memref<64x640xf32, #tpu.memory_space<vmem>>[vector<16xi32>, vector<16xi32>], vector<16xf32>, vector<16xi1>
          tpu.vector_store_idx %arg7[%add3A_431, %add3A_151], %gather3A_436 masked %and3A_143 : memref<64x512xf32, #tpu.memory_space<vmem>>[vector<16xi32>, vector<16xi32>], vector<16xf32>, vector<16xi1>
          %mul3A_437 = arith.constant 0 : i32
          %mul3A_438 = vector.broadcast %mul3A_437 : i32 to vector<16xi32>
          %mul3A_439 = arith.muli %iota3A, %mul3A_438 : vector<16xi32>
          %add3A_440 = arith.constant 26 : i32
          %add3A_441 = vector.broadcast %add3A_440 : i32 to vector<16xi32>
          %add3A_442 = arith.addi %mul3A_439, %add3A_441 : vector<16xi32>
          %gather3A_443 = arith.constant 0 : i32
          %gather3A_444 = arith.constant 0 : i32
          %gather3A_445 = tpu.memref_slice %arg6[%rem3A_89, %gather3A_443, %gather3A_444] : memref<2x64x640xf32, #tpu.memory_space<vmem>> -> memref<1x64x640xf32, #tpu.memory_space<vmem>>
          %gather3A_446 = tpu.memref_squeeze %gather3A_445 : memref<1x64x640xf32, #tpu.memory_space<vmem>> -> memref<64x640xf32, #tpu.memory_space<vmem>>
          %gather3A_447 = tpu.vector_load_idx %gather3A_446[%add3A_442, %select_n3A_147] masked %and3A_143 : memref<64x640xf32, #tpu.memory_space<vmem>>[vector<16xi32>, vector<16xi32>], vector<16xf32>, vector<16xi1>
          tpu.vector_store_idx %arg7[%add3A_442, %add3A_151], %gather3A_447 masked %and3A_143 : memref<64x512xf32, #tpu.memory_space<vmem>>[vector<16xi32>, vector<16xi32>], vector<16xf32>, vector<16xi1>
          %mul3A_448 = arith.constant 0 : i32
          %mul3A_449 = vector.broadcast %mul3A_448 : i32 to vector<16xi32>
          %mul3A_450 = arith.muli %iota3A, %mul3A_449 : vector<16xi32>
          %add3A_451 = arith.constant 27 : i32
          %add3A_452 = vector.broadcast %add3A_451 : i32 to vector<16xi32>
          %add3A_453 = arith.addi %mul3A_450, %add3A_452 : vector<16xi32>
          %gather3A_454 = arith.constant 0 : i32
          %gather3A_455 = arith.constant 0 : i32
          %gather3A_456 = tpu.memref_slice %arg6[%rem3A_89, %gather3A_454, %gather3A_455] : memref<2x64x640xf32, #tpu.memory_space<vmem>> -> memref<1x64x640xf32, #tpu.memory_space<vmem>>
          %gather3A_457 = tpu.memref_squeeze %gather3A_456 : memref<1x64x640xf32, #tpu.memory_space<vmem>> -> memref<64x640xf32, #tpu.memory_space<vmem>>
          %gather3A_458 = tpu.vector_load_idx %gather3A_457[%add3A_453, %select_n3A_147] masked %and3A_143 : memref<64x640xf32, #tpu.memory_space<vmem>>[vector<16xi32>, vector<16xi32>], vector<16xf32>, vector<16xi1>
          tpu.vector_store_idx %arg7[%add3A_453, %add3A_151], %gather3A_458 masked %and3A_143 : memref<64x512xf32, #tpu.memory_space<vmem>>[vector<16xi32>, vector<16xi32>], vector<16xf32>, vector<16xi1>
          %mul3A_459 = arith.constant 0 : i32
          %mul3A_460 = vector.broadcast %mul3A_459 : i32 to vector<16xi32>
          %mul3A_461 = arith.muli %iota3A, %mul3A_460 : vector<16xi32>
          %add3A_462 = arith.constant 28 : i32
          %add3A_463 = vector.broadcast %add3A_462 : i32 to vector<16xi32>
          %add3A_464 = arith.addi %mul3A_461, %add3A_463 : vector<16xi32>
          %gather3A_465 = arith.constant 0 : i32
          %gather3A_466 = arith.constant 0 : i32
          %gather3A_467 = tpu.memref_slice %arg6[%rem3A_89, %gather3A_465, %gather3A_466] : memref<2x64x640xf32, #tpu.memory_space<vmem>> -> memref<1x64x640xf32, #tpu.memory_space<vmem>>
          %gather3A_468 = tpu.memref_squeeze %gather3A_467 : memref<1x64x640xf32, #tpu.memory_space<vmem>> -> memref<64x640xf32, #tpu.memory_space<vmem>>
          %gather3A_469 = tpu.vector_load_idx %gather3A_468[%add3A_464, %select_n3A_147] masked %and3A_143 : memref<64x640xf32, #tpu.memory_space<vmem>>[vector<16xi32>, vector<16xi32>], vector<16xf32>, vector<16xi1>
          tpu.vector_store_idx %arg7[%add3A_464, %add3A_151], %gather3A_469 masked %and3A_143 : memref<64x512xf32, #tpu.memory_space<vmem>>[vector<16xi32>, vector<16xi32>], vector<16xf32>, vector<16xi1>
          %mul3A_470 = arith.constant 0 : i32
          %mul3A_471 = vector.broadcast %mul3A_470 : i32 to vector<16xi32>
          %mul3A_472 = arith.muli %iota3A, %mul3A_471 : vector<16xi32>
          %add3A_473 = arith.constant 29 : i32
          %add3A_474 = vector.broadcast %add3A_473 : i32 to vector<16xi32>
          %add3A_475 = arith.addi %mul3A_472, %add3A_474 : vector<16xi32>
          %gather3A_476 = arith.constant 0 : i32
          %gather3A_477 = arith.constant 0 : i32
          %gather3A_478 = tpu.memref_slice %arg6[%rem3A_89, %gather3A_476, %gather3A_477] : memref<2x64x640xf32, #tpu.memory_space<vmem>> -> memref<1x64x640xf32, #tpu.memory_space<vmem>>
          %gather3A_479 = tpu.memref_squeeze %gather3A_478 : memref<1x64x640xf32, #tpu.memory_space<vmem>> -> memref<64x640xf32, #tpu.memory_space<vmem>>
          %gather3A_480 = tpu.vector_load_idx %gather3A_479[%add3A_475, %select_n3A_147] masked %and3A_143 : memref<64x640xf32, #tpu.memory_space<vmem>>[vector<16xi32>, vector<16xi32>], vector<16xf32>, vector<16xi1>
          tpu.vector_store_idx %arg7[%add3A_475, %add3A_151], %gather3A_480 masked %and3A_143 : memref<64x512xf32, #tpu.memory_space<vmem>>[vector<16xi32>, vector<16xi32>], vector<16xf32>, vector<16xi1>
          %mul3A_481 = arith.constant 0 : i32
          %mul3A_482 = vector.broadcast %mul3A_481 : i32 to vector<16xi32>
          %mul3A_483 = arith.muli %iota3A, %mul3A_482 : vector<16xi32>
          %add3A_484 = arith.constant 30 : i32
          %add3A_485 = vector.broadcast %add3A_484 : i32 to vector<16xi32>
          %add3A_486 = arith.addi %mul3A_483, %add3A_485 : vector<16xi32>
          %gather3A_487 = arith.constant 0 : i32
          %gather3A_488 = arith.constant 0 : i32
          %gather3A_489 = tpu.memref_slice %arg6[%rem3A_89, %gather3A_487, %gather3A_488] : memref<2x64x640xf32, #tpu.memory_space<vmem>> -> memref<1x64x640xf32, #tpu.memory_space<vmem>>
          %gather3A_490 = tpu.memref_squeeze %gather3A_489 : memref<1x64x640xf32, #tpu.memory_space<vmem>> -> memref<64x640xf32, #tpu.memory_space<vmem>>
          %gather3A_491 = tpu.vector_load_idx %gather3A_490[%add3A_486, %select_n3A_147] masked %and3A_143 : memref<64x640xf32, #tpu.memory_space<vmem>>[vector<16xi32>, vector<16xi32>], vector<16xf32>, vector<16xi1>
          tpu.vector_store_idx %arg7[%add3A_486, %add3A_151], %gather3A_491 masked %and3A_143 : memref<64x512xf32, #tpu.memory_space<vmem>>[vector<16xi32>, vector<16xi32>], vector<16xf32>, vector<16xi1>
          %mul3A_492 = arith.constant 0 : i32
          %mul3A_493 = vector.broadcast %mul3A_492 : i32 to vector<16xi32>
          %mul3A_494 = arith.muli %iota3A, %mul3A_493 : vector<16xi32>
          %add3A_495 = arith.constant 31 : i32
          %add3A_496 = vector.broadcast %add3A_495 : i32 to vector<16xi32>
          %add3A_497 = arith.addi %mul3A_494, %add3A_496 : vector<16xi32>
          %gather3A_498 = arith.constant 0 : i32
          %gather3A_499 = arith.constant 0 : i32
          %gather3A_500 = tpu.memref_slice %arg6[%rem3A_89, %gather3A_498, %gather3A_499] : memref<2x64x640xf32, #tpu.memory_space<vmem>> -> memref<1x64x640xf32, #tpu.memory_space<vmem>>
          %gather3A_501 = tpu.memref_squeeze %gather3A_500 : memref<1x64x640xf32, #tpu.memory_space<vmem>> -> memref<64x640xf32, #tpu.memory_space<vmem>>
          %gather3A_502 = tpu.vector_load_idx %gather3A_501[%add3A_497, %select_n3A_147] masked %and3A_143 : memref<64x640xf32, #tpu.memory_space<vmem>>[vector<16xi32>, vector<16xi32>], vector<16xf32>, vector<16xi1>
          tpu.vector_store_idx %arg7[%add3A_497, %add3A_151], %gather3A_502 masked %and3A_143 : memref<64x512xf32, #tpu.memory_space<vmem>>[vector<16xi32>, vector<16xi32>], vector<16xf32>, vector<16xi1>
          %mul3A_503 = arith.constant 0 : i32
          %mul3A_504 = vector.broadcast %mul3A_503 : i32 to vector<16xi32>
          %mul3A_505 = arith.muli %iota3A, %mul3A_504 : vector<16xi32>
          %add3A_506 = arith.constant 32 : i32
          %add3A_507 = vector.broadcast %add3A_506 : i32 to vector<16xi32>
          %add3A_508 = arith.addi %mul3A_505, %add3A_507 : vector<16xi32>
          %gather3A_509 = arith.constant 0 : i32
          %gather3A_510 = arith.constant 0 : i32
          %gather3A_511 = tpu.memref_slice %arg6[%rem3A_89, %gather3A_509, %gather3A_510] : memref<2x64x640xf32, #tpu.memory_space<vmem>> -> memref<1x64x640xf32, #tpu.memory_space<vmem>>
          %gather3A_512 = tpu.memref_squeeze %gather3A_511 : memref<1x64x640xf32, #tpu.memory_space<vmem>> -> memref<64x640xf32, #tpu.memory_space<vmem>>
          %gather3A_513 = tpu.vector_load_idx %gather3A_512[%add3A_508, %select_n3A_147] masked %and3A_143 : memref<64x640xf32, #tpu.memory_space<vmem>>[vector<16xi32>, vector<16xi32>], vector<16xf32>, vector<16xi1>
          tpu.vector_store_idx %arg7[%add3A_508, %add3A_151], %gather3A_513 masked %and3A_143 : memref<64x512xf32, #tpu.memory_space<vmem>>[vector<16xi32>, vector<16xi32>], vector<16xf32>, vector<16xi1>
          %mul3A_514 = arith.constant 0 : i32
          %mul3A_515 = vector.broadcast %mul3A_514 : i32 to vector<16xi32>
          %mul3A_516 = arith.muli %iota3A, %mul3A_515 : vector<16xi32>
          %add3A_517 = arith.constant 33 : i32
          %add3A_518 = vector.broadcast %add3A_517 : i32 to vector<16xi32>
          %add3A_519 = arith.addi %mul3A_516, %add3A_518 : vector<16xi32>
          %gather3A_520 = arith.constant 0 : i32
          %gather3A_521 = arith.constant 0 : i32
          %gather3A_522 = tpu.memref_slice %arg6[%rem3A_89, %gather3A_520, %gather3A_521] : memref<2x64x640xf32, #tpu.memory_space<vmem>> -> memref<1x64x640xf32, #tpu.memory_space<vmem>>
          %gather3A_523 = tpu.memref_squeeze %gather3A_522 : memref<1x64x640xf32, #tpu.memory_space<vmem>> -> memref<64x640xf32, #tpu.memory_space<vmem>>
          %gather3A_524 = tpu.vector_load_idx %gather3A_523[%add3A_519, %select_n3A_147] masked %and3A_143 : memref<64x640xf32, #tpu.memory_space<vmem>>[vector<16xi32>, vector<16xi32>], vector<16xf32>, vector<16xi1>
          tpu.vector_store_idx %arg7[%add3A_519, %add3A_151], %gather3A_524 masked %and3A_143 : memref<64x512xf32, #tpu.memory_space<vmem>>[vector<16xi32>, vector<16xi32>], vector<16xf32>, vector<16xi1>
          %mul3A_525 = arith.constant 0 : i32
          %mul3A_526 = vector.broadcast %mul3A_525 : i32 to vector<16xi32>
          %mul3A_527 = arith.muli %iota3A, %mul3A_526 : vector<16xi32>
          %add3A_528 = arith.constant 34 : i32
          %add3A_529 = vector.broadcast %add3A_528 : i32 to vector<16xi32>
          %add3A_530 = arith.addi %mul3A_527, %add3A_529 : vector<16xi32>
          %gather3A_531 = arith.constant 0 : i32
          %gather3A_532 = arith.constant 0 : i32
          %gather3A_533 = tpu.memref_slice %arg6[%rem3A_89, %gather3A_531, %gather3A_532] : memref<2x64x640xf32, #tpu.memory_space<vmem>> -> memref<1x64x640xf32, #tpu.memory_space<vmem>>
          %gather3A_534 = tpu.memref_squeeze %gather3A_533 : memref<1x64x640xf32, #tpu.memory_space<vmem>> -> memref<64x640xf32, #tpu.memory_space<vmem>>
          %gather3A_535 = tpu.vector_load_idx %gather3A_534[%add3A_530, %select_n3A_147] masked %and3A_143 : memref<64x640xf32, #tpu.memory_space<vmem>>[vector<16xi32>, vector<16xi32>], vector<16xf32>, vector<16xi1>
          tpu.vector_store_idx %arg7[%add3A_530, %add3A_151], %gather3A_535 masked %and3A_143 : memref<64x512xf32, #tpu.memory_space<vmem>>[vector<16xi32>, vector<16xi32>], vector<16xf32>, vector<16xi1>
          %mul3A_536 = arith.constant 0 : i32
          %mul3A_537 = vector.broadcast %mul3A_536 : i32 to vector<16xi32>
          %mul3A_538 = arith.muli %iota3A, %mul3A_537 : vector<16xi32>
          %add3A_539 = arith.constant 35 : i32
          %add3A_540 = vector.broadcast %add3A_539 : i32 to vector<16xi32>
          %add3A_541 = arith.addi %mul3A_538, %add3A_540 : vector<16xi32>
          %gather3A_542 = arith.constant 0 : i32
          %gather3A_543 = arith.constant 0 : i32
          %gather3A_544 = tpu.memref_slice %arg6[%rem3A_89, %gather3A_542, %gather3A_543] : memref<2x64x640xf32, #tpu.memory_space<vmem>> -> memref<1x64x640xf32, #tpu.memory_space<vmem>>
          %gather3A_545 = tpu.memref_squeeze %gather3A_544 : memref<1x64x640xf32, #tpu.memory_space<vmem>> -> memref<64x640xf32, #tpu.memory_space<vmem>>
          %gather3A_546 = tpu.vector_load_idx %gather3A_545[%add3A_541, %select_n3A_147] masked %and3A_143 : memref<64x640xf32, #tpu.memory_space<vmem>>[vector<16xi32>, vector<16xi32>], vector<16xf32>, vector<16xi1>
          tpu.vector_store_idx %arg7[%add3A_541, %add3A_151], %gather3A_546 masked %and3A_143 : memref<64x512xf32, #tpu.memory_space<vmem>>[vector<16xi32>, vector<16xi32>], vector<16xf32>, vector<16xi1>
          %mul3A_547 = arith.constant 0 : i32
          %mul3A_548 = vector.broadcast %mul3A_547 : i32 to vector<16xi32>
          %mul3A_549 = arith.muli %iota3A, %mul3A_548 : vector<16xi32>
          %add3A_550 = arith.constant 36 : i32
          %add3A_551 = vector.broadcast %add3A_550 : i32 to vector<16xi32>
          %add3A_552 = arith.addi %mul3A_549, %add3A_551 : vector<16xi32>
          %gather3A_553 = arith.constant 0 : i32
          %gather3A_554 = arith.constant 0 : i32
          %gather3A_555 = tpu.memref_slice %arg6[%rem3A_89, %gather3A_553, %gather3A_554] : memref<2x64x640xf32, #tpu.memory_space<vmem>> -> memref<1x64x640xf32, #tpu.memory_space<vmem>>
          %gather3A_556 = tpu.memref_squeeze %gather3A_555 : memref<1x64x640xf32, #tpu.memory_space<vmem>> -> memref<64x640xf32, #tpu.memory_space<vmem>>
          %gather3A_557 = tpu.vector_load_idx %gather3A_556[%add3A_552, %select_n3A_147] masked %and3A_143 : memref<64x640xf32, #tpu.memory_space<vmem>>[vector<16xi32>, vector<16xi32>], vector<16xf32>, vector<16xi1>
          tpu.vector_store_idx %arg7[%add3A_552, %add3A_151], %gather3A_557 masked %and3A_143 : memref<64x512xf32, #tpu.memory_space<vmem>>[vector<16xi32>, vector<16xi32>], vector<16xf32>, vector<16xi1>
          %mul3A_558 = arith.constant 0 : i32
          %mul3A_559 = vector.broadcast %mul3A_558 : i32 to vector<16xi32>
          %mul3A_560 = arith.muli %iota3A, %mul3A_559 : vector<16xi32>
          %add3A_561 = arith.constant 37 : i32
          %add3A_562 = vector.broadcast %add3A_561 : i32 to vector<16xi32>
          %add3A_563 = arith.addi %mul3A_560, %add3A_562 : vector<16xi32>
          %gather3A_564 = arith.constant 0 : i32
          %gather3A_565 = arith.constant 0 : i32
          %gather3A_566 = tpu.memref_slice %arg6[%rem3A_89, %gather3A_564, %gather3A_565] : memref<2x64x640xf32, #tpu.memory_space<vmem>> -> memref<1x64x640xf32, #tpu.memory_space<vmem>>
          %gather3A_567 = tpu.memref_squeeze %gather3A_566 : memref<1x64x640xf32, #tpu.memory_space<vmem>> -> memref<64x640xf32, #tpu.memory_space<vmem>>
          %gather3A_568 = tpu.vector_load_idx %gather3A_567[%add3A_563, %select_n3A_147] masked %and3A_143 : memref<64x640xf32, #tpu.memory_space<vmem>>[vector<16xi32>, vector<16xi32>], vector<16xf32>, vector<16xi1>
          tpu.vector_store_idx %arg7[%add3A_563, %add3A_151], %gather3A_568 masked %and3A_143 : memref<64x512xf32, #tpu.memory_space<vmem>>[vector<16xi32>, vector<16xi32>], vector<16xf32>, vector<16xi1>
          %mul3A_569 = arith.constant 0 : i32
          %mul3A_570 = vector.broadcast %mul3A_569 : i32 to vector<16xi32>
          %mul3A_571 = arith.muli %iota3A, %mul3A_570 : vector<16xi32>
          %add3A_572 = arith.constant 38 : i32
          %add3A_573 = vector.broadcast %add3A_572 : i32 to vector<16xi32>
          %add3A_574 = arith.addi %mul3A_571, %add3A_573 : vector<16xi32>
          %gather3A_575 = arith.constant 0 : i32
          %gather3A_576 = arith.constant 0 : i32
          %gather3A_577 = tpu.memref_slice %arg6[%rem3A_89, %gather3A_575, %gather3A_576] : memref<2x64x640xf32, #tpu.memory_space<vmem>> -> memref<1x64x640xf32, #tpu.memory_space<vmem>>
          %gather3A_578 = tpu.memref_squeeze %gather3A_577 : memref<1x64x640xf32, #tpu.memory_space<vmem>> -> memref<64x640xf32, #tpu.memory_space<vmem>>
          %gather3A_579 = tpu.vector_load_idx %gather3A_578[%add3A_574, %select_n3A_147] masked %and3A_143 : memref<64x640xf32, #tpu.memory_space<vmem>>[vector<16xi32>, vector<16xi32>], vector<16xf32>, vector<16xi1>
          tpu.vector_store_idx %arg7[%add3A_574, %add3A_151], %gather3A_579 masked %and3A_143 : memref<64x512xf32, #tpu.memory_space<vmem>>[vector<16xi32>, vector<16xi32>], vector<16xf32>, vector<16xi1>
          %mul3A_580 = arith.constant 0 : i32
          %mul3A_581 = vector.broadcast %mul3A_580 : i32 to vector<16xi32>
          %mul3A_582 = arith.muli %iota3A, %mul3A_581 : vector<16xi32>
          %add3A_583 = arith.constant 39 : i32
          %add3A_584 = vector.broadcast %add3A_583 : i32 to vector<16xi32>
          %add3A_585 = arith.addi %mul3A_582, %add3A_584 : vector<16xi32>
          %gather3A_586 = arith.constant 0 : i32
          %gather3A_587 = arith.constant 0 : i32
          %gather3A_588 = tpu.memref_slice %arg6[%rem3A_89, %gather3A_586, %gather3A_587] : memref<2x64x640xf32, #tpu.memory_space<vmem>> -> memref<1x64x640xf32, #tpu.memory_space<vmem>>
          %gather3A_589 = tpu.memref_squeeze %gather3A_588 : memref<1x64x640xf32, #tpu.memory_space<vmem>> -> memref<64x640xf32, #tpu.memory_space<vmem>>
          %gather3A_590 = tpu.vector_load_idx %gather3A_589[%add3A_585, %select_n3A_147] masked %and3A_143 : memref<64x640xf32, #tpu.memory_space<vmem>>[vector<16xi32>, vector<16xi32>], vector<16xf32>, vector<16xi1>
          tpu.vector_store_idx %arg7[%add3A_585, %add3A_151], %gather3A_590 masked %and3A_143 : memref<64x512xf32, #tpu.memory_space<vmem>>[vector<16xi32>, vector<16xi32>], vector<16xf32>, vector<16xi1>
          %mul3A_591 = arith.constant 0 : i32
          %mul3A_592 = vector.broadcast %mul3A_591 : i32 to vector<16xi32>
          %mul3A_593 = arith.muli %iota3A, %mul3A_592 : vector<16xi32>
          %add3A_594 = arith.constant 40 : i32
          %add3A_595 = vector.broadcast %add3A_594 : i32 to vector<16xi32>
          %add3A_596 = arith.addi %mul3A_593, %add3A_595 : vector<16xi32>
          %gather3A_597 = arith.constant 0 : i32
          %gather3A_598 = arith.constant 0 : i32
          %gather3A_599 = tpu.memref_slice %arg6[%rem3A_89, %gather3A_597, %gather3A_598] : memref<2x64x640xf32, #tpu.memory_space<vmem>> -> memref<1x64x640xf32, #tpu.memory_space<vmem>>
          %gather3A_600 = tpu.memref_squeeze %gather3A_599 : memref<1x64x640xf32, #tpu.memory_space<vmem>> -> memref<64x640xf32, #tpu.memory_space<vmem>>
          %gather3A_601 = tpu.vector_load_idx %gather3A_600[%add3A_596, %select_n3A_147] masked %and3A_143 : memref<64x640xf32, #tpu.memory_space<vmem>>[vector<16xi32>, vector<16xi32>], vector<16xf32>, vector<16xi1>
          tpu.vector_store_idx %arg7[%add3A_596, %add3A_151], %gather3A_601 masked %and3A_143 : memref<64x512xf32, #tpu.memory_space<vmem>>[vector<16xi32>, vector<16xi32>], vector<16xf32>, vector<16xi1>
          %mul3A_602 = arith.constant 0 : i32
          %mul3A_603 = vector.broadcast %mul3A_602 : i32 to vector<16xi32>
          %mul3A_604 = arith.muli %iota3A, %mul3A_603 : vector<16xi32>
          %add3A_605 = arith.constant 41 : i32
          %add3A_606 = vector.broadcast %add3A_605 : i32 to vector<16xi32>
          %add3A_607 = arith.addi %mul3A_604, %add3A_606 : vector<16xi32>
          %gather3A_608 = arith.constant 0 : i32
          %gather3A_609 = arith.constant 0 : i32
          %gather3A_610 = tpu.memref_slice %arg6[%rem3A_89, %gather3A_608, %gather3A_609] : memref<2x64x640xf32, #tpu.memory_space<vmem>> -> memref<1x64x640xf32, #tpu.memory_space<vmem>>
          %gather3A_611 = tpu.memref_squeeze %gather3A_610 : memref<1x64x640xf32, #tpu.memory_space<vmem>> -> memref<64x640xf32, #tpu.memory_space<vmem>>
          %gather3A_612 = tpu.vector_load_idx %gather3A_611[%add3A_607, %select_n3A_147] masked %and3A_143 : memref<64x640xf32, #tpu.memory_space<vmem>>[vector<16xi32>, vector<16xi32>], vector<16xf32>, vector<16xi1>
          tpu.vector_store_idx %arg7[%add3A_607, %add3A_151], %gather3A_612 masked %and3A_143 : memref<64x512xf32, #tpu.memory_space<vmem>>[vector<16xi32>, vector<16xi32>], vector<16xf32>, vector<16xi1>
          %mul3A_613 = arith.constant 0 : i32
          %mul3A_614 = vector.broadcast %mul3A_613 : i32 to vector<16xi32>
          %mul3A_615 = arith.muli %iota3A, %mul3A_614 : vector<16xi32>
          %add3A_616 = arith.constant 42 : i32
          %add3A_617 = vector.broadcast %add3A_616 : i32 to vector<16xi32>
          %add3A_618 = arith.addi %mul3A_615, %add3A_617 : vector<16xi32>
          %gather3A_619 = arith.constant 0 : i32
          %gather3A_620 = arith.constant 0 : i32
          %gather3A_621 = tpu.memref_slice %arg6[%rem3A_89, %gather3A_619, %gather3A_620] : memref<2x64x640xf32, #tpu.memory_space<vmem>> -> memref<1x64x640xf32, #tpu.memory_space<vmem>>
          %gather3A_622 = tpu.memref_squeeze %gather3A_621 : memref<1x64x640xf32, #tpu.memory_space<vmem>> -> memref<64x640xf32, #tpu.memory_space<vmem>>
          %gather3A_623 = tpu.vector_load_idx %gather3A_622[%add3A_618, %select_n3A_147] masked %and3A_143 : memref<64x640xf32, #tpu.memory_space<vmem>>[vector<16xi32>, vector<16xi32>], vector<16xf32>, vector<16xi1>
          tpu.vector_store_idx %arg7[%add3A_618, %add3A_151], %gather3A_623 masked %and3A_143 : memref<64x512xf32, #tpu.memory_space<vmem>>[vector<16xi32>, vector<16xi32>], vector<16xf32>, vector<16xi1>
          %mul3A_624 = arith.constant 0 : i32
          %mul3A_625 = vector.broadcast %mul3A_624 : i32 to vector<16xi32>
          %mul3A_626 = arith.muli %iota3A, %mul3A_625 : vector<16xi32>
          %add3A_627 = arith.constant 43 : i32
          %add3A_628 = vector.broadcast %add3A_627 : i32 to vector<16xi32>
          %add3A_629 = arith.addi %mul3A_626, %add3A_628 : vector<16xi32>
          %gather3A_630 = arith.constant 0 : i32
          %gather3A_631 = arith.constant 0 : i32
          %gather3A_632 = tpu.memref_slice %arg6[%rem3A_89, %gather3A_630, %gather3A_631] : memref<2x64x640xf32, #tpu.memory_space<vmem>> -> memref<1x64x640xf32, #tpu.memory_space<vmem>>
          %gather3A_633 = tpu.memref_squeeze %gather3A_632 : memref<1x64x640xf32, #tpu.memory_space<vmem>> -> memref<64x640xf32, #tpu.memory_space<vmem>>
          %gather3A_634 = tpu.vector_load_idx %gather3A_633[%add3A_629, %select_n3A_147] masked %and3A_143 : memref<64x640xf32, #tpu.memory_space<vmem>>[vector<16xi32>, vector<16xi32>], vector<16xf32>, vector<16xi1>
          tpu.vector_store_idx %arg7[%add3A_629, %add3A_151], %gather3A_634 masked %and3A_143 : memref<64x512xf32, #tpu.memory_space<vmem>>[vector<16xi32>, vector<16xi32>], vector<16xf32>, vector<16xi1>
          %mul3A_635 = arith.constant 0 : i32
          %mul3A_636 = vector.broadcast %mul3A_635 : i32 to vector<16xi32>
          %mul3A_637 = arith.muli %iota3A, %mul3A_636 : vector<16xi32>
          %add3A_638 = arith.constant 44 : i32
          %add3A_639 = vector.broadcast %add3A_638 : i32 to vector<16xi32>
          %add3A_640 = arith.addi %mul3A_637, %add3A_639 : vector<16xi32>
          %gather3A_641 = arith.constant 0 : i32
          %gather3A_642 = arith.constant 0 : i32
          %gather3A_643 = tpu.memref_slice %arg6[%rem3A_89, %gather3A_641, %gather3A_642] : memref<2x64x640xf32, #tpu.memory_space<vmem>> -> memref<1x64x640xf32, #tpu.memory_space<vmem>>
          %gather3A_644 = tpu.memref_squeeze %gather3A_643 : memref<1x64x640xf32, #tpu.memory_space<vmem>> -> memref<64x640xf32, #tpu.memory_space<vmem>>
          %gather3A_645 = tpu.vector_load_idx %gather3A_644[%add3A_640, %select_n3A_147] masked %and3A_143 : memref<64x640xf32, #tpu.memory_space<vmem>>[vector<16xi32>, vector<16xi32>], vector<16xf32>, vector<16xi1>
          tpu.vector_store_idx %arg7[%add3A_640, %add3A_151], %gather3A_645 masked %and3A_143 : memref<64x512xf32, #tpu.memory_space<vmem>>[vector<16xi32>, vector<16xi32>], vector<16xf32>, vector<16xi1>
          %mul3A_646 = arith.constant 0 : i32
          %mul3A_647 = vector.broadcast %mul3A_646 : i32 to vector<16xi32>
          %mul3A_648 = arith.muli %iota3A, %mul3A_647 : vector<16xi32>
          %add3A_649 = arith.constant 45 : i32
          %add3A_650 = vector.broadcast %add3A_649 : i32 to vector<16xi32>
          %add3A_651 = arith.addi %mul3A_648, %add3A_650 : vector<16xi32>
          %gather3A_652 = arith.constant 0 : i32
          %gather3A_653 = arith.constant 0 : i32
          %gather3A_654 = tpu.memref_slice %arg6[%rem3A_89, %gather3A_652, %gather3A_653] : memref<2x64x640xf32, #tpu.memory_space<vmem>> -> memref<1x64x640xf32, #tpu.memory_space<vmem>>
          %gather3A_655 = tpu.memref_squeeze %gather3A_654 : memref<1x64x640xf32, #tpu.memory_space<vmem>> -> memref<64x640xf32, #tpu.memory_space<vmem>>
          %gather3A_656 = tpu.vector_load_idx %gather3A_655[%add3A_651, %select_n3A_147] masked %and3A_143 : memref<64x640xf32, #tpu.memory_space<vmem>>[vector<16xi32>, vector<16xi32>], vector<16xf32>, vector<16xi1>
          tpu.vector_store_idx %arg7[%add3A_651, %add3A_151], %gather3A_656 masked %and3A_143 : memref<64x512xf32, #tpu.memory_space<vmem>>[vector<16xi32>, vector<16xi32>], vector<16xf32>, vector<16xi1>
          %mul3A_657 = arith.constant 0 : i32
          %mul3A_658 = vector.broadcast %mul3A_657 : i32 to vector<16xi32>
          %mul3A_659 = arith.muli %iota3A, %mul3A_658 : vector<16xi32>
          %add3A_660 = arith.constant 46 : i32
          %add3A_661 = vector.broadcast %add3A_660 : i32 to vector<16xi32>
          %add3A_662 = arith.addi %mul3A_659, %add3A_661 : vector<16xi32>
          %gather3A_663 = arith.constant 0 : i32
          %gather3A_664 = arith.constant 0 : i32
          %gather3A_665 = tpu.memref_slice %arg6[%rem3A_89, %gather3A_663, %gather3A_664] : memref<2x64x640xf32, #tpu.memory_space<vmem>> -> memref<1x64x640xf32, #tpu.memory_space<vmem>>
          %gather3A_666 = tpu.memref_squeeze %gather3A_665 : memref<1x64x640xf32, #tpu.memory_space<vmem>> -> memref<64x640xf32, #tpu.memory_space<vmem>>
          %gather3A_667 = tpu.vector_load_idx %gather3A_666[%add3A_662, %select_n3A_147] masked %and3A_143 : memref<64x640xf32, #tpu.memory_space<vmem>>[vector<16xi32>, vector<16xi32>], vector<16xf32>, vector<16xi1>
          tpu.vector_store_idx %arg7[%add3A_662, %add3A_151], %gather3A_667 masked %and3A_143 : memref<64x512xf32, #tpu.memory_space<vmem>>[vector<16xi32>, vector<16xi32>], vector<16xf32>, vector<16xi1>
          %mul3A_668 = arith.constant 0 : i32
          %mul3A_669 = vector.broadcast %mul3A_668 : i32 to vector<16xi32>
          %mul3A_670 = arith.muli %iota3A, %mul3A_669 : vector<16xi32>
          %add3A_671 = arith.constant 47 : i32
          %add3A_672 = vector.broadcast %add3A_671 : i32 to vector<16xi32>
          %add3A_673 = arith.addi %mul3A_670, %add3A_672 : vector<16xi32>
          %gather3A_674 = arith.constant 0 : i32
          %gather3A_675 = arith.constant 0 : i32
          %gather3A_676 = tpu.memref_slice %arg6[%rem3A_89, %gather3A_674, %gather3A_675] : memref<2x64x640xf32, #tpu.memory_space<vmem>> -> memref<1x64x640xf32, #tpu.memory_space<vmem>>
          %gather3A_677 = tpu.memref_squeeze %gather3A_676 : memref<1x64x640xf32, #tpu.memory_space<vmem>> -> memref<64x640xf32, #tpu.memory_space<vmem>>
          %gather3A_678 = tpu.vector_load_idx %gather3A_677[%add3A_673, %select_n3A_147] masked %and3A_143 : memref<64x640xf32, #tpu.memory_space<vmem>>[vector<16xi32>, vector<16xi32>], vector<16xf32>, vector<16xi1>
          tpu.vector_store_idx %arg7[%add3A_673, %add3A_151], %gather3A_678 masked %and3A_143 : memref<64x512xf32, #tpu.memory_space<vmem>>[vector<16xi32>, vector<16xi32>], vector<16xf32>, vector<16xi1>
          %mul3A_679 = arith.constant 0 : i32
          %mul3A_680 = vector.broadcast %mul3A_679 : i32 to vector<16xi32>
          %mul3A_681 = arith.muli %iota3A, %mul3A_680 : vector<16xi32>
          %add3A_682 = arith.constant 48 : i32
          %add3A_683 = vector.broadcast %add3A_682 : i32 to vector<16xi32>
          %add3A_684 = arith.addi %mul3A_681, %add3A_683 : vector<16xi32>
          %gather3A_685 = arith.constant 0 : i32
          %gather3A_686 = arith.constant 0 : i32
          %gather3A_687 = tpu.memref_slice %arg6[%rem3A_89, %gather3A_685, %gather3A_686] : memref<2x64x640xf32, #tpu.memory_space<vmem>> -> memref<1x64x640xf32, #tpu.memory_space<vmem>>
          %gather3A_688 = tpu.memref_squeeze %gather3A_687 : memref<1x64x640xf32, #tpu.memory_space<vmem>> -> memref<64x640xf32, #tpu.memory_space<vmem>>
          %gather3A_689 = tpu.vector_load_idx %gather3A_688[%add3A_684, %select_n3A_147] masked %and3A_143 : memref<64x640xf32, #tpu.memory_space<vmem>>[vector<16xi32>, vector<16xi32>], vector<16xf32>, vector<16xi1>
          tpu.vector_store_idx %arg7[%add3A_684, %add3A_151], %gather3A_689 masked %and3A_143 : memref<64x512xf32, #tpu.memory_space<vmem>>[vector<16xi32>, vector<16xi32>], vector<16xf32>, vector<16xi1>
          %mul3A_690 = arith.constant 0 : i32
          %mul3A_691 = vector.broadcast %mul3A_690 : i32 to vector<16xi32>
          %mul3A_692 = arith.muli %iota3A, %mul3A_691 : vector<16xi32>
          %add3A_693 = arith.constant 49 : i32
          %add3A_694 = vector.broadcast %add3A_693 : i32 to vector<16xi32>
          %add3A_695 = arith.addi %mul3A_692, %add3A_694 : vector<16xi32>
          %gather3A_696 = arith.constant 0 : i32
          %gather3A_697 = arith.constant 0 : i32
          %gather3A_698 = tpu.memref_slice %arg6[%rem3A_89, %gather3A_696, %gather3A_697] : memref<2x64x640xf32, #tpu.memory_space<vmem>> -> memref<1x64x640xf32, #tpu.memory_space<vmem>>
          %gather3A_699 = tpu.memref_squeeze %gather3A_698 : memref<1x64x640xf32, #tpu.memory_space<vmem>> -> memref<64x640xf32, #tpu.memory_space<vmem>>
          %gather3A_700 = tpu.vector_load_idx %gather3A_699[%add3A_695, %select_n3A_147] masked %and3A_143 : memref<64x640xf32, #tpu.memory_space<vmem>>[vector<16xi32>, vector<16xi32>], vector<16xf32>, vector<16xi1>
          tpu.vector_store_idx %arg7[%add3A_695, %add3A_151], %gather3A_700 masked %and3A_143 : memref<64x512xf32, #tpu.memory_space<vmem>>[vector<16xi32>, vector<16xi32>], vector<16xf32>, vector<16xi1>
          %mul3A_701 = arith.constant 0 : i32
          %mul3A_702 = vector.broadcast %mul3A_701 : i32 to vector<16xi32>
          %mul3A_703 = arith.muli %iota3A, %mul3A_702 : vector<16xi32>
          %add3A_704 = arith.constant 50 : i32
          %add3A_705 = vector.broadcast %add3A_704 : i32 to vector<16xi32>
          %add3A_706 = arith.addi %mul3A_703, %add3A_705 : vector<16xi32>
          %gather3A_707 = arith.constant 0 : i32
          %gather3A_708 = arith.constant 0 : i32
          %gather3A_709 = tpu.memref_slice %arg6[%rem3A_89, %gather3A_707, %gather3A_708] : memref<2x64x640xf32, #tpu.memory_space<vmem>> -> memref<1x64x640xf32, #tpu.memory_space<vmem>>
          %gather3A_710 = tpu.memref_squeeze %gather3A_709 : memref<1x64x640xf32, #tpu.memory_space<vmem>> -> memref<64x640xf32, #tpu.memory_space<vmem>>
          %gather3A_711 = tpu.vector_load_idx %gather3A_710[%add3A_706, %select_n3A_147] masked %and3A_143 : memref<64x640xf32, #tpu.memory_space<vmem>>[vector<16xi32>, vector<16xi32>], vector<16xf32>, vector<16xi1>
          tpu.vector_store_idx %arg7[%add3A_706, %add3A_151], %gather3A_711 masked %and3A_143 : memref<64x512xf32, #tpu.memory_space<vmem>>[vector<16xi32>, vector<16xi32>], vector<16xf32>, vector<16xi1>
          %mul3A_712 = arith.constant 0 : i32
          %mul3A_713 = vector.broadcast %mul3A_712 : i32 to vector<16xi32>
          %mul3A_714 = arith.muli %iota3A, %mul3A_713 : vector<16xi32>
          %add3A_715 = arith.constant 51 : i32
          %add3A_716 = vector.broadcast %add3A_715 : i32 to vector<16xi32>
          %add3A_717 = arith.addi %mul3A_714, %add3A_716 : vector<16xi32>
          %gather3A_718 = arith.constant 0 : i32
          %gather3A_719 = arith.constant 0 : i32
          %gather3A_720 = tpu.memref_slice %arg6[%rem3A_89, %gather3A_718, %gather3A_719] : memref<2x64x640xf32, #tpu.memory_space<vmem>> -> memref<1x64x640xf32, #tpu.memory_space<vmem>>
          %gather3A_721 = tpu.memref_squeeze %gather3A_720 : memref<1x64x640xf32, #tpu.memory_space<vmem>> -> memref<64x640xf32, #tpu.memory_space<vmem>>
          %gather3A_722 = tpu.vector_load_idx %gather3A_721[%add3A_717, %select_n3A_147] masked %and3A_143 : memref<64x640xf32, #tpu.memory_space<vmem>>[vector<16xi32>, vector<16xi32>], vector<16xf32>, vector<16xi1>
          tpu.vector_store_idx %arg7[%add3A_717, %add3A_151], %gather3A_722 masked %and3A_143 : memref<64x512xf32, #tpu.memory_space<vmem>>[vector<16xi32>, vector<16xi32>], vector<16xf32>, vector<16xi1>
          %mul3A_723 = arith.constant 0 : i32
          %mul3A_724 = vector.broadcast %mul3A_723 : i32 to vector<16xi32>
          %mul3A_725 = arith.muli %iota3A, %mul3A_724 : vector<16xi32>
          %add3A_726 = arith.constant 52 : i32
          %add3A_727 = vector.broadcast %add3A_726 : i32 to vector<16xi32>
          %add3A_728 = arith.addi %mul3A_725, %add3A_727 : vector<16xi32>
          %gather3A_729 = arith.constant 0 : i32
          %gather3A_730 = arith.constant 0 : i32
          %gather3A_731 = tpu.memref_slice %arg6[%rem3A_89, %gather3A_729, %gather3A_730] : memref<2x64x640xf32, #tpu.memory_space<vmem>> -> memref<1x64x640xf32, #tpu.memory_space<vmem>>
          %gather3A_732 = tpu.memref_squeeze %gather3A_731 : memref<1x64x640xf32, #tpu.memory_space<vmem>> -> memref<64x640xf32, #tpu.memory_space<vmem>>
          %gather3A_733 = tpu.vector_load_idx %gather3A_732[%add3A_728, %select_n3A_147] masked %and3A_143 : memref<64x640xf32, #tpu.memory_space<vmem>>[vector<16xi32>, vector<16xi32>], vector<16xf32>, vector<16xi1>
          tpu.vector_store_idx %arg7[%add3A_728, %add3A_151], %gather3A_733 masked %and3A_143 : memref<64x512xf32, #tpu.memory_space<vmem>>[vector<16xi32>, vector<16xi32>], vector<16xf32>, vector<16xi1>
          %mul3A_734 = arith.constant 0 : i32
          %mul3A_735 = vector.broadcast %mul3A_734 : i32 to vector<16xi32>
          %mul3A_736 = arith.muli %iota3A, %mul3A_735 : vector<16xi32>
          %add3A_737 = arith.constant 53 : i32
          %add3A_738 = vector.broadcast %add3A_737 : i32 to vector<16xi32>
          %add3A_739 = arith.addi %mul3A_736, %add3A_738 : vector<16xi32>
          %gather3A_740 = arith.constant 0 : i32
          %gather3A_741 = arith.constant 0 : i32
          %gather3A_742 = tpu.memref_slice %arg6[%rem3A_89, %gather3A_740, %gather3A_741] : memref<2x64x640xf32, #tpu.memory_space<vmem>> -> memref<1x64x640xf32, #tpu.memory_space<vmem>>
          %gather3A_743 = tpu.memref_squeeze %gather3A_742 : memref<1x64x640xf32, #tpu.memory_space<vmem>> -> memref<64x640xf32, #tpu.memory_space<vmem>>
          %gather3A_744 = tpu.vector_load_idx %gather3A_743[%add3A_739, %select_n3A_147] masked %and3A_143 : memref<64x640xf32, #tpu.memory_space<vmem>>[vector<16xi32>, vector<16xi32>], vector<16xf32>, vector<16xi1>
          tpu.vector_store_idx %arg7[%add3A_739, %add3A_151], %gather3A_744 masked %and3A_143 : memref<64x512xf32, #tpu.memory_space<vmem>>[vector<16xi32>, vector<16xi32>], vector<16xf32>, vector<16xi1>
          %mul3A_745 = arith.constant 0 : i32
          %mul3A_746 = vector.broadcast %mul3A_745 : i32 to vector<16xi32>
          %mul3A_747 = arith.muli %iota3A, %mul3A_746 : vector<16xi32>
          %add3A_748 = arith.constant 54 : i32
          %add3A_749 = vector.broadcast %add3A_748 : i32 to vector<16xi32>
          %add3A_750 = arith.addi %mul3A_747, %add3A_749 : vector<16xi32>
          %gather3A_751 = arith.constant 0 : i32
          %gather3A_752 = arith.constant 0 : i32
          %gather3A_753 = tpu.memref_slice %arg6[%rem3A_89, %gather3A_751, %gather3A_752] : memref<2x64x640xf32, #tpu.memory_space<vmem>> -> memref<1x64x640xf32, #tpu.memory_space<vmem>>
          %gather3A_754 = tpu.memref_squeeze %gather3A_753 : memref<1x64x640xf32, #tpu.memory_space<vmem>> -> memref<64x640xf32, #tpu.memory_space<vmem>>
          %gather3A_755 = tpu.vector_load_idx %gather3A_754[%add3A_750, %select_n3A_147] masked %and3A_143 : memref<64x640xf32, #tpu.memory_space<vmem>>[vector<16xi32>, vector<16xi32>], vector<16xf32>, vector<16xi1>
          tpu.vector_store_idx %arg7[%add3A_750, %add3A_151], %gather3A_755 masked %and3A_143 : memref<64x512xf32, #tpu.memory_space<vmem>>[vector<16xi32>, vector<16xi32>], vector<16xf32>, vector<16xi1>
          %mul3A_756 = arith.constant 0 : i32
          %mul3A_757 = vector.broadcast %mul3A_756 : i32 to vector<16xi32>
          %mul3A_758 = arith.muli %iota3A, %mul3A_757 : vector<16xi32>
          %add3A_759 = arith.constant 55 : i32
          %add3A_760 = vector.broadcast %add3A_759 : i32 to vector<16xi32>
          %add3A_761 = arith.addi %mul3A_758, %add3A_760 : vector<16xi32>
          %gather3A_762 = arith.constant 0 : i32
          %gather3A_763 = arith.constant 0 : i32
          %gather3A_764 = tpu.memref_slice %arg6[%rem3A_89, %gather3A_762, %gather3A_763] : memref<2x64x640xf32, #tpu.memory_space<vmem>> -> memref<1x64x640xf32, #tpu.memory_space<vmem>>
          %gather3A_765 = tpu.memref_squeeze %gather3A_764 : memref<1x64x640xf32, #tpu.memory_space<vmem>> -> memref<64x640xf32, #tpu.memory_space<vmem>>
          %gather3A_766 = tpu.vector_load_idx %gather3A_765[%add3A_761, %select_n3A_147] masked %and3A_143 : memref<64x640xf32, #tpu.memory_space<vmem>>[vector<16xi32>, vector<16xi32>], vector<16xf32>, vector<16xi1>
          tpu.vector_store_idx %arg7[%add3A_761, %add3A_151], %gather3A_766 masked %and3A_143 : memref<64x512xf32, #tpu.memory_space<vmem>>[vector<16xi32>, vector<16xi32>], vector<16xf32>, vector<16xi1>
          %mul3A_767 = arith.constant 0 : i32
          %mul3A_768 = vector.broadcast %mul3A_767 : i32 to vector<16xi32>
          %mul3A_769 = arith.muli %iota3A, %mul3A_768 : vector<16xi32>
          %add3A_770 = arith.constant 56 : i32
          %add3A_771 = vector.broadcast %add3A_770 : i32 to vector<16xi32>
          %add3A_772 = arith.addi %mul3A_769, %add3A_771 : vector<16xi32>
          %gather3A_773 = arith.constant 0 : i32
          %gather3A_774 = arith.constant 0 : i32
          %gather3A_775 = tpu.memref_slice %arg6[%rem3A_89, %gather3A_773, %gather3A_774] : memref<2x64x640xf32, #tpu.memory_space<vmem>> -> memref<1x64x640xf32, #tpu.memory_space<vmem>>
          %gather3A_776 = tpu.memref_squeeze %gather3A_775 : memref<1x64x640xf32, #tpu.memory_space<vmem>> -> memref<64x640xf32, #tpu.memory_space<vmem>>
          %gather3A_777 = tpu.vector_load_idx %gather3A_776[%add3A_772, %select_n3A_147] masked %and3A_143 : memref<64x640xf32, #tpu.memory_space<vmem>>[vector<16xi32>, vector<16xi32>], vector<16xf32>, vector<16xi1>
          tpu.vector_store_idx %arg7[%add3A_772, %add3A_151], %gather3A_777 masked %and3A_143 : memref<64x512xf32, #tpu.memory_space<vmem>>[vector<16xi32>, vector<16xi32>], vector<16xf32>, vector<16xi1>
          %mul3A_778 = arith.constant 0 : i32
          %mul3A_779 = vector.broadcast %mul3A_778 : i32 to vector<16xi32>
          %mul3A_780 = arith.muli %iota3A, %mul3A_779 : vector<16xi32>
          %add3A_781 = arith.constant 57 : i32
          %add3A_782 = vector.broadcast %add3A_781 : i32 to vector<16xi32>
          %add3A_783 = arith.addi %mul3A_780, %add3A_782 : vector<16xi32>
          %gather3A_784 = arith.constant 0 : i32
          %gather3A_785 = arith.constant 0 : i32
          %gather3A_786 = tpu.memref_slice %arg6[%rem3A_89, %gather3A_784, %gather3A_785] : memref<2x64x640xf32, #tpu.memory_space<vmem>> -> memref<1x64x640xf32, #tpu.memory_space<vmem>>
          %gather3A_787 = tpu.memref_squeeze %gather3A_786 : memref<1x64x640xf32, #tpu.memory_space<vmem>> -> memref<64x640xf32, #tpu.memory_space<vmem>>
          %gather3A_788 = tpu.vector_load_idx %gather3A_787[%add3A_783, %select_n3A_147] masked %and3A_143 : memref<64x640xf32, #tpu.memory_space<vmem>>[vector<16xi32>, vector<16xi32>], vector<16xf32>, vector<16xi1>
          tpu.vector_store_idx %arg7[%add3A_783, %add3A_151], %gather3A_788 masked %and3A_143 : memref<64x512xf32, #tpu.memory_space<vmem>>[vector<16xi32>, vector<16xi32>], vector<16xf32>, vector<16xi1>
          %mul3A_789 = arith.constant 0 : i32
          %mul3A_790 = vector.broadcast %mul3A_789 : i32 to vector<16xi32>
          %mul3A_791 = arith.muli %iota3A, %mul3A_790 : vector<16xi32>
          %add3A_792 = arith.constant 58 : i32
          %add3A_793 = vector.broadcast %add3A_792 : i32 to vector<16xi32>
          %add3A_794 = arith.addi %mul3A_791, %add3A_793 : vector<16xi32>
          %gather3A_795 = arith.constant 0 : i32
          %gather3A_796 = arith.constant 0 : i32
          %gather3A_797 = tpu.memref_slice %arg6[%rem3A_89, %gather3A_795, %gather3A_796] : memref<2x64x640xf32, #tpu.memory_space<vmem>> -> memref<1x64x640xf32, #tpu.memory_space<vmem>>
          %gather3A_798 = tpu.memref_squeeze %gather3A_797 : memref<1x64x640xf32, #tpu.memory_space<vmem>> -> memref<64x640xf32, #tpu.memory_space<vmem>>
          %gather3A_799 = tpu.vector_load_idx %gather3A_798[%add3A_794, %select_n3A_147] masked %and3A_143 : memref<64x640xf32, #tpu.memory_space<vmem>>[vector<16xi32>, vector<16xi32>], vector<16xf32>, vector<16xi1>
          tpu.vector_store_idx %arg7[%add3A_794, %add3A_151], %gather3A_799 masked %and3A_143 : memref<64x512xf32, #tpu.memory_space<vmem>>[vector<16xi32>, vector<16xi32>], vector<16xf32>, vector<16xi1>
          %mul3A_800 = arith.constant 0 : i32
          %mul3A_801 = vector.broadcast %mul3A_800 : i32 to vector<16xi32>
          %mul3A_802 = arith.muli %iota3A, %mul3A_801 : vector<16xi32>
          %add3A_803 = arith.constant 59 : i32
          %add3A_804 = vector.broadcast %add3A_803 : i32 to vector<16xi32>
          %add3A_805 = arith.addi %mul3A_802, %add3A_804 : vector<16xi32>
          %gather3A_806 = arith.constant 0 : i32
          %gather3A_807 = arith.constant 0 : i32
          %gather3A_808 = tpu.memref_slice %arg6[%rem3A_89, %gather3A_806, %gather3A_807] : memref<2x64x640xf32, #tpu.memory_space<vmem>> -> memref<1x64x640xf32, #tpu.memory_space<vmem>>
          %gather3A_809 = tpu.memref_squeeze %gather3A_808 : memref<1x64x640xf32, #tpu.memory_space<vmem>> -> memref<64x640xf32, #tpu.memory_space<vmem>>
          %gather3A_810 = tpu.vector_load_idx %gather3A_809[%add3A_805, %select_n3A_147] masked %and3A_143 : memref<64x640xf32, #tpu.memory_space<vmem>>[vector<16xi32>, vector<16xi32>], vector<16xf32>, vector<16xi1>
          tpu.vector_store_idx %arg7[%add3A_805, %add3A_151], %gather3A_810 masked %and3A_143 : memref<64x512xf32, #tpu.memory_space<vmem>>[vector<16xi32>, vector<16xi32>], vector<16xf32>, vector<16xi1>
          %mul3A_811 = arith.constant 0 : i32
          %mul3A_812 = vector.broadcast %mul3A_811 : i32 to vector<16xi32>
          %mul3A_813 = arith.muli %iota3A, %mul3A_812 : vector<16xi32>
          %add3A_814 = arith.constant 60 : i32
          %add3A_815 = vector.broadcast %add3A_814 : i32 to vector<16xi32>
          %add3A_816 = arith.addi %mul3A_813, %add3A_815 : vector<16xi32>
          %gather3A_817 = arith.constant 0 : i32
          %gather3A_818 = arith.constant 0 : i32
          %gather3A_819 = tpu.memref_slice %arg6[%rem3A_89, %gather3A_817, %gather3A_818] : memref<2x64x640xf32, #tpu.memory_space<vmem>> -> memref<1x64x640xf32, #tpu.memory_space<vmem>>
          %gather3A_820 = tpu.memref_squeeze %gather3A_819 : memref<1x64x640xf32, #tpu.memory_space<vmem>> -> memref<64x640xf32, #tpu.memory_space<vmem>>
          %gather3A_821 = tpu.vector_load_idx %gather3A_820[%add3A_816, %select_n3A_147] masked %and3A_143 : memref<64x640xf32, #tpu.memory_space<vmem>>[vector<16xi32>, vector<16xi32>], vector<16xf32>, vector<16xi1>
          tpu.vector_store_idx %arg7[%add3A_816, %add3A_151], %gather3A_821 masked %and3A_143 : memref<64x512xf32, #tpu.memory_space<vmem>>[vector<16xi32>, vector<16xi32>], vector<16xf32>, vector<16xi1>
          %mul3A_822 = arith.constant 0 : i32
          %mul3A_823 = vector.broadcast %mul3A_822 : i32 to vector<16xi32>
          %mul3A_824 = arith.muli %iota3A, %mul3A_823 : vector<16xi32>
          %add3A_825 = arith.constant 61 : i32
          %add3A_826 = vector.broadcast %add3A_825 : i32 to vector<16xi32>
          %add3A_827 = arith.addi %mul3A_824, %add3A_826 : vector<16xi32>
          %gather3A_828 = arith.constant 0 : i32
          %gather3A_829 = arith.constant 0 : i32
          %gather3A_830 = tpu.memref_slice %arg6[%rem3A_89, %gather3A_828, %gather3A_829] : memref<2x64x640xf32, #tpu.memory_space<vmem>> -> memref<1x64x640xf32, #tpu.memory_space<vmem>>
          %gather3A_831 = tpu.memref_squeeze %gather3A_830 : memref<1x64x640xf32, #tpu.memory_space<vmem>> -> memref<64x640xf32, #tpu.memory_space<vmem>>
          %gather3A_832 = tpu.vector_load_idx %gather3A_831[%add3A_827, %select_n3A_147] masked %and3A_143 : memref<64x640xf32, #tpu.memory_space<vmem>>[vector<16xi32>, vector<16xi32>], vector<16xf32>, vector<16xi1>
          tpu.vector_store_idx %arg7[%add3A_827, %add3A_151], %gather3A_832 masked %and3A_143 : memref<64x512xf32, #tpu.memory_space<vmem>>[vector<16xi32>, vector<16xi32>], vector<16xf32>, vector<16xi1>
          %mul3A_833 = arith.constant 0 : i32
          %mul3A_834 = vector.broadcast %mul3A_833 : i32 to vector<16xi32>
          %mul3A_835 = arith.muli %iota3A, %mul3A_834 : vector<16xi32>
          %add3A_836 = arith.constant 62 : i32
          %add3A_837 = vector.broadcast %add3A_836 : i32 to vector<16xi32>
          %add3A_838 = arith.addi %mul3A_835, %add3A_837 : vector<16xi32>
          %gather3A_839 = arith.constant 0 : i32
          %gather3A_840 = arith.constant 0 : i32
          %gather3A_841 = tpu.memref_slice %arg6[%rem3A_89, %gather3A_839, %gather3A_840] : memref<2x64x640xf32, #tpu.memory_space<vmem>> -> memref<1x64x640xf32, #tpu.memory_space<vmem>>
          %gather3A_842 = tpu.memref_squeeze %gather3A_841 : memref<1x64x640xf32, #tpu.memory_space<vmem>> -> memref<64x640xf32, #tpu.memory_space<vmem>>
          %gather3A_843 = tpu.vector_load_idx %gather3A_842[%add3A_838, %select_n3A_147] masked %and3A_143 : memref<64x640xf32, #tpu.memory_space<vmem>>[vector<16xi32>, vector<16xi32>], vector<16xf32>, vector<16xi1>
          tpu.vector_store_idx %arg7[%add3A_838, %add3A_151], %gather3A_843 masked %and3A_143 : memref<64x512xf32, #tpu.memory_space<vmem>>[vector<16xi32>, vector<16xi32>], vector<16xf32>, vector<16xi1>
          %mul3A_844 = arith.constant 0 : i32
          %mul3A_845 = vector.broadcast %mul3A_844 : i32 to vector<16xi32>
          %mul3A_846 = arith.muli %iota3A, %mul3A_845 : vector<16xi32>
          %add3A_847 = arith.constant 63 : i32
          %add3A_848 = vector.broadcast %add3A_847 : i32 to vector<16xi32>
          %add3A_849 = arith.addi %mul3A_846, %add3A_848 : vector<16xi32>
          %gather3A_850 = arith.constant 0 : i32
          %gather3A_851 = arith.constant 0 : i32
          %gather3A_852 = tpu.memref_slice %arg6[%rem3A_89, %gather3A_850, %gather3A_851] : memref<2x64x640xf32, #tpu.memory_space<vmem>> -> memref<1x64x640xf32, #tpu.memory_space<vmem>>
          %gather3A_853 = tpu.memref_squeeze %gather3A_852 : memref<1x64x640xf32, #tpu.memory_space<vmem>> -> memref<64x640xf32, #tpu.memory_space<vmem>>
          %gather3A_854 = tpu.vector_load_idx %gather3A_853[%add3A_849, %select_n3A_147] masked %and3A_143 : memref<64x640xf32, #tpu.memory_space<vmem>>[vector<16xi32>, vector<16xi32>], vector<16xf32>, vector<16xi1>
          tpu.vector_store_idx %arg7[%add3A_849, %add3A_151], %gather3A_854 masked %and3A_143 : memref<64x512xf32, #tpu.memory_space<vmem>>[vector<16xi32>, vector<16xi32>], vector<16xf32>, vector<16xi1>
        } else {
        }
      }
      %scan3A_113 = arith.constant 32 : i32
    }
    %while3A_83 = arith.constant 1 : i32
    scf.for %while3A_84 = %while3A_81 to %while3A_77 step %while3A_83  : i32 {
      %add3A_85 = arith.constant 1 : i32
      %add3A_86 = arith.addi %while3A_84, %add3A_85 : i32
      %le3A = arith.cmpi sle, %add3A_86, %select_n3A_57 : i32
      %convert_element_type3A = arith.extui %le3A : i1 to i32
      %cond3A = arith.constant 0 : i32
      %cond3A_87 = arith.cmpi ne, %convert_element_type3A, %cond3A : i32
      scf.if %cond3A_87 {
        %add3A_114 = arith.constant 1 : i32
        %add3A_115 = arith.addi %while3A_84, %add3A_114 : i32
        %mul3A_116 = arith.constant 640 : i32
        %mul3A_117 = arith.muli %add3A_115, %mul3A_116 : i32
        %min3A_118 = arith.constant 999424 : i32
        %min3A_119 = arith.minsi %mul3A_117, %min3A_118 : i32
        %add3A_120 = arith.constant 1 : i32
        %add3A_121 = arith.addi %while3A_84, %add3A_120 : i32
        %rem3A_122 = arith.constant 2 : i32
        %rem3A_123 = arith.remsi %add3A_121, %rem3A_122 : i32
        %dma_start3A_124 = arith.constant 0 : i32
        %dma_start3A_125 = arith.constant 0 : i32
        %dma_start3A_126 = tpu.memref_slice %arg6[%rem3A_123, %dma_start3A_124, %dma_start3A_125] : memref<2x64x640xf32, #tpu.memory_space<vmem>> -> memref<1x64x640xf32, #tpu.memory_space<vmem>>
        %dma_start3A_127 = tpu.memref_squeeze %dma_start3A_126 : memref<1x64x640xf32, #tpu.memory_space<vmem>> -> memref<64x640xf32, #tpu.memory_space<vmem>>
        %dma_start3A_128 = arith.constant 0 : i32
        %dma_start3A_129 = tpu.memref_slice %arg3[%dma_start3A_128, %min3A_119] : memref<64x1000000xf32, #tpu.memory_space<hbm>> -> memref<64x640xf32, #tpu.memory_space<hbm>>
        %dma_start3A_130 = arith.constant 0 : i32
        %dma_start3A_131 = arith.constant 0 : i32
        %dma_start3A_132 = tpu.memref_slice %arg6[%rem3A_123, %dma_start3A_130, %dma_start3A_131] : memref<2x64x640xf32, #tpu.memory_space<vmem>> -> memref<1x64x640xf32, #tpu.memory_space<vmem>>
        %dma_start3A_133 = tpu.memref_squeeze %dma_start3A_132 : memref<1x64x640xf32, #tpu.memory_space<vmem>> -> memref<64x640xf32, #tpu.memory_space<vmem>>
        %dma_start3A_134 = arith.constant 0 : i32
        %dma_start3A_135 = tpu.memref_slice %arg3[%dma_start3A_134, %min3A_119] : memref<64x1000000xf32, #tpu.memory_space<hbm>> -> memref<64x640xf32, #tpu.memory_space<hbm>>
        tpu.enqueue_dma source(%dma_start3A_135 : memref<64x640xf32, #tpu.memory_space<hbm>>) target(%dma_start3A_133 : memref<64x640xf32, #tpu.memory_space<vmem>>) target_semaphore(%arg8 : memref<!tpu.dma_semaphore, #tpu.memory_space<semaphore_mem>>)
      } else {
      }
      %rem3A_88 = arith.constant 2 : i32
      %rem3A_89 = arith.remsi %while3A_84, %rem3A_88 : i32
      %mul3A_90 = arith.constant 640 : i32
      %mul3A_91 = arith.muli %while3A_84, %mul3A_90 : i32
      %min3A_92 = arith.constant 999424 : i32
      %min3A_93 = arith.minsi %mul3A_91, %min3A_92 : i32
      %dma_wait3A = arith.constant 0 : i32
      %dma_wait3A_94 = arith.constant 0 : i32
      %dma_wait3A_95 = tpu.memref_slice %arg6[%rem3A_89, %dma_wait3A, %dma_wait3A_94] : memref<2x64x640xf32, #tpu.memory_space<vmem>> -> memref<1x64x640xf32, #tpu.memory_space<vmem>>
      %dma_wait3A_96 = tpu.memref_squeeze %dma_wait3A_95 : memref<1x64x640xf32, #tpu.memory_space<vmem>> -> memref<64x640xf32, #tpu.memory_space<vmem>>
      %dma_wait3A_97 = arith.constant 0 : i32
      %dma_wait3A_98 = tpu.memref_slice %arg3[%dma_wait3A_97, %min3A_93] : memref<64x1000000xf32, #tpu.memory_space<hbm>> -> memref<64x640xf32, #tpu.memory_space<hbm>>
      %dma_wait3A_99 = arith.constant 0 : i32
      %dma_wait3A_100 = arith.constant 0 : i32
      %dma_wait3A_101 = tpu.memref_slice %arg6[%rem3A_89, %dma_wait3A_99, %dma_wait3A_100] : memref<2x64x640xf32, #tpu.memory_space<vmem>> -> memref<1x64x640xf32, #tpu.memory_space<vmem>>
      %dma_wait3A_102 = tpu.memref_squeeze %dma_wait3A_101 : memref<1x64x640xf32, #tpu.memory_space<vmem>> -> memref<64x640xf32, #tpu.memory_space<vmem>>
      %dma_wait3A_103 = arith.constant 0 : i32
      %dma_wait3A_104 = tpu.memref_slice %arg3[%dma_wait3A_103, %min3A_93] : memref<64x1000000xf32, #tpu.memory_space<hbm>> -> memref<64x640xf32, #tpu.memory_space<hbm>>
      tpu.wait_dma2 semaphore(%arg8 : memref<!tpu.dma_semaphore, #tpu.memory_space<semaphore_mem>>) src(%dma_wait3A_104 : memref<64x640xf32, #tpu.memory_space<hbm>>) dst(%dma_wait3A_102 : memref<64x640xf32, #tpu.memory_space<vmem>>)
      %mul3A_105 = arith.constant 640 : i32
      %mul3A_106 = arith.muli %while3A_84, %mul3A_105 : i32
      %add3A_107 = arith.constant 640 : i32
      %add3A_108 = arith.addi %mul3A_106, %add3A_107 : i32
      %scan3A = arith.constant 0 : i32
      %scan3A_109 = arith.constant 0 : i32
      %scan3A_110 = arith.constant 32 : i32
      %scan3A_111 = arith.addi %scan3A_109, %scan3A_110 : i32
      %scan3A_112 = arith.constant 1 : i32
      scf.for %scan3A_114 = %scan3A_109 to %scan3A_111 step %scan3A_112  : i32 {
        %mul3A_115 = arith.constant 16 : i32
        %mul3A_116 = arith.muli %scan3A_114, %mul3A_115 : i32
        %get3A_117 = arith.index_cast %mul3A_116 : i32 to index
        %get3A_118 = tpu.vector_load %arg5[%get3A_117] {strides = array<i32>} : memref<512xi32, #tpu.memory_space<vmem>>, vector<16xi32>,
        %reduce_min3A_119 = arith.constant true
        %reduce_min3A_120 = vector.broadcast %reduce_min3A_119 : i1 to vector<16xi1>
        %reduce_min3A_121 = arith.constant -2147483648 : i32
        %reduce_min3A_122 = vector.broadcast %reduce_min3A_121 : i32 to vector<16xi32>
        %reduce_min3A_123 = arith.xori %get3A_118, %reduce_min3A_122 : vector<16xi32>
        %reduce_min3A_124 = tpu.scan <min>, %reduce_min3A_123 masked %reduce_min3A_120 : vector<16xi32>, vector<16xi1> -> vector<16xi32>
        %reduce_min3A_125 = arith.xori %reduce_min3A_124, %reduce_min3A_122 : vector<16xi32>
        %reduce_min3A_126 = vector.extract %reduce_min3A_125[15] : i32 from vector<16xi32>
        %reduce_max3A_127 = arith.constant true
        %reduce_max3A_128 = vector.broadcast %reduce_max3A_127 : i1 to vector<16xi1>
        %reduce_max3A_129 = arith.constant -2147483648 : i32
        %reduce_max3A_130 = vector.broadcast %reduce_max3A_129 : i32 to vector<16xi32>
        %reduce_max3A_131 = arith.xori %get3A_118, %reduce_max3A_130 : vector<16xi32>
        %reduce_max3A_132 = tpu.scan <max>, %reduce_max3A_131 masked %reduce_max3A_128 : vector<16xi32>, vector<16xi1> -> vector<16xi32>
        %reduce_max3A_133 = arith.xori %reduce_max3A_132, %reduce_max3A_130 : vector<16xi32>
        %reduce_max3A_134 = vector.extract %reduce_max3A_133[15] : i32 from vector<16xi32>
        %ge3A = arith.cmpi sge, %reduce_max3A_134, %mul3A_106 : i32
        %lt3A = arith.cmpi slt, %reduce_min3A_126, %add3A_108 : i32
        %and3A_135 = arith.andi %ge3A, %lt3A : i1
        %convert_element_type3A_136 = arith.extui %and3A_135 : i1 to i32
        %cond3A_137 = arith.constant 0 : i32
        %cond3A_138 = arith.cmpi ne, %convert_element_type3A_136, %cond3A_137 : i32
        scf.if %cond3A_138 {
          %ge3A_139 = vector.broadcast %mul3A_106 : i32 to vector<16xi32>
          %ge3A_140 = arith.cmpi sge, %get3A_118, %ge3A_139 : vector<16xi32>
          %lt3A_141 = vector.broadcast %add3A_108 : i32 to vector<16xi32>
          %lt3A_142 = arith.cmpi slt, %get3A_118, %lt3A_141 : vector<16xi32>
          %and3A_143 = arith.andi %ge3A_140, %lt3A_142 : vector<16xi1>
          %sub3A_144 = vector.broadcast %min3A_93 : i32 to vector<16xi32>
          %sub3A_145 = arith.subi %get3A_118, %sub3A_144 : vector<16xi32>
          %jit3A_146 = arith.constant 0 : i32
          %broadcast_in_dim3A = vector.broadcast %jit3A_146 : i32 to vector<16xi32>
          %select_n3A_147 = arith.select %and3A_143, %sub3A_145, %broadcast_in_dim3A : vector<16xi1>, vector<16xi32>
          %mul3A_148 = arith.constant 16 : i32
          %mul3A_149 = arith.muli %scan3A_114, %mul3A_148 : i32
          %add3A_150 = vector.broadcast %mul3A_149 : i32 to vector<16xi32>
          %add3A_151 = arith.addi %add3A_150, %iota3A : vector<16xi32>
          %mul3A_152 = arith.constant 0 : i32
          %mul3A_153 = vector.broadcast %mul3A_152 : i32 to vector<16xi32>
          %mul3A_154 = arith.muli %iota3A, %mul3A_153 : vector<16xi32>
          %add3A_155 = arith.constant 0 : i32
          %add3A_156 = vector.broadcast %add3A_155 : i32 to vector<16xi32>
          %add3A_157 = arith.addi %mul3A_154, %add3A_156 : vector<16xi32>
          %gather3A = arith.constant 0 : i32
          %gather3A_158 = arith.constant 0 : i32
          %gather3A_159 = tpu.memref_slice %arg6[%rem3A_89, %gather3A, %gather3A_158] : memref<2x64x640xf32, #tpu.memory_space<vmem>> -> memref<1x64x640xf32, #tpu.memory_space<vmem>>
          %gather3A_160 = tpu.memref_squeeze %gather3A_159 : memref<1x64x640xf32, #tpu.memory_space<vmem>> -> memref<64x640xf32, #tpu.memory_space<vmem>>
          %gather3A_161 = tpu.vector_load_idx %gather3A_160[%add3A_157, %select_n3A_147] masked %and3A_143 : memref<64x640xf32, #tpu.memory_space<vmem>>[vector<16xi32>, vector<16xi32>], vector<16xf32>, vector<16xi1>
          tpu.vector_store_idx %arg7[%add3A_157, %add3A_151], %gather3A_161 masked %and3A_143 : memref<64x512xf32, #tpu.memory_space<vmem>>[vector<16xi32>, vector<16xi32>], vector<16xf32>, vector<16xi1>
          %mul3A_162 = arith.constant 0 : i32
          %mul3A_163 = vector.broadcast %mul3A_162 : i32 to vector<16xi32>
          %mul3A_164 = arith.muli %iota3A, %mul3A_163 : vector<16xi32>
          %add3A_165 = arith.constant 1 : i32
          %add3A_166 = vector.broadcast %add3A_165 : i32 to vector<16xi32>
          %add3A_167 = arith.addi %mul3A_164, %add3A_166 : vector<16xi32>
          %gather3A_168 = arith.constant 0 : i32
          %gather3A_169 = arith.constant 0 : i32
          %gather3A_170 = tpu.memref_slice %arg6[%rem3A_89, %gather3A_168, %gather3A_169] : memref<2x64x640xf32, #tpu.memory_space<vmem>> -> memref<1x64x640xf32, #tpu.memory_space<vmem>>
          %gather3A_171 = tpu.memref_squeeze %gather3A_170 : memref<1x64x640xf32, #tpu.memory_space<vmem>> -> memref<64x640xf32, #tpu.memory_space<vmem>>
          %gather3A_172 = tpu.vector_load_idx %gather3A_171[%add3A_167, %select_n3A_147] masked %and3A_143 : memref<64x640xf32, #tpu.memory_space<vmem>>[vector<16xi32>, vector<16xi32>], vector<16xf32>, vector<16xi1>
          tpu.vector_store_idx %arg7[%add3A_167, %add3A_151], %gather3A_172 masked %and3A_143 : memref<64x512xf32, #tpu.memory_space<vmem>>[vector<16xi32>, vector<16xi32>], vector<16xf32>, vector<16xi1>
          %mul3A_173 = arith.constant 0 : i32
          %mul3A_174 = vector.broadcast %mul3A_173 : i32 to vector<16xi32>
          %mul3A_175 = arith.muli %iota3A, %mul3A_174 : vector<16xi32>
          %add3A_176 = arith.constant 2 : i32
          %add3A_177 = vector.broadcast %add3A_176 : i32 to vector<16xi32>
          %add3A_178 = arith.addi %mul3A_175, %add3A_177 : vector<16xi32>
          %gather3A_179 = arith.constant 0 : i32
          %gather3A_180 = arith.constant 0 : i32
          %gather3A_181 = tpu.memref_slice %arg6[%rem3A_89, %gather3A_179, %gather3A_180] : memref<2x64x640xf32, #tpu.memory_space<vmem>> -> memref<1x64x640xf32, #tpu.memory_space<vmem>>
          %gather3A_182 = tpu.memref_squeeze %gather3A_181 : memref<1x64x640xf32, #tpu.memory_space<vmem>> -> memref<64x640xf32, #tpu.memory_space<vmem>>
          %gather3A_183 = tpu.vector_load_idx %gather3A_182[%add3A_178, %select_n3A_147] masked %and3A_143 : memref<64x640xf32, #tpu.memory_space<vmem>>[vector<16xi32>, vector<16xi32>], vector<16xf32>, vector<16xi1>
          tpu.vector_store_idx %arg7[%add3A_178, %add3A_151], %gather3A_183 masked %and3A_143 : memref<64x512xf32, #tpu.memory_space<vmem>>[vector<16xi32>, vector<16xi32>], vector<16xf32>, vector<16xi1>
          %mul3A_184 = arith.constant 0 : i32
          %mul3A_185 = vector.broadcast %mul3A_184 : i32 to vector<16xi32>
          %mul3A_186 = arith.muli %iota3A, %mul3A_185 : vector<16xi32>
          %add3A_187 = arith.constant 3 : i32
          %add3A_188 = vector.broadcast %add3A_187 : i32 to vector<16xi32>
          %add3A_189 = arith.addi %mul3A_186, %add3A_188 : vector<16xi32>
          %gather3A_190 = arith.constant 0 : i32
          %gather3A_191 = arith.constant 0 : i32
          %gather3A_192 = tpu.memref_slice %arg6[%rem3A_89, %gather3A_190, %gather3A_191] : memref<2x64x640xf32, #tpu.memory_space<vmem>> -> memref<1x64x640xf32, #tpu.memory_space<vmem>>
          %gather3A_193 = tpu.memref_squeeze %gather3A_192 : memref<1x64x640xf32, #tpu.memory_space<vmem>> -> memref<64x640xf32, #tpu.memory_space<vmem>>
          %gather3A_194 = tpu.vector_load_idx %gather3A_193[%add3A_189, %select_n3A_147] masked %and3A_143 : memref<64x640xf32, #tpu.memory_space<vmem>>[vector<16xi32>, vector<16xi32>], vector<16xf32>, vector<16xi1>
          tpu.vector_store_idx %arg7[%add3A_189, %add3A_151], %gather3A_194 masked %and3A_143 : memref<64x512xf32, #tpu.memory_space<vmem>>[vector<16xi32>, vector<16xi32>], vector<16xf32>, vector<16xi1>
          %mul3A_195 = arith.constant 0 : i32
          %mul3A_196 = vector.broadcast %mul3A_195 : i32 to vector<16xi32>
          %mul3A_197 = arith.muli %iota3A, %mul3A_196 : vector<16xi32>
          %add3A_198 = arith.constant 4 : i32
          %add3A_199 = vector.broadcast %add3A_198 : i32 to vector<16xi32>
          %add3A_200 = arith.addi %mul3A_197, %add3A_199 : vector<16xi32>
          %gather3A_201 = arith.constant 0 : i32
          %gather3A_202 = arith.constant 0 : i32
          %gather3A_203 = tpu.memref_slice %arg6[%rem3A_89, %gather3A_201, %gather3A_202] : memref<2x64x640xf32, #tpu.memory_space<vmem>> -> memref<1x64x640xf32, #tpu.memory_space<vmem>>
          %gather3A_204 = tpu.memref_squeeze %gather3A_203 : memref<1x64x640xf32, #tpu.memory_space<vmem>> -> memref<64x640xf32, #tpu.memory_space<vmem>>
          %gather3A_205 = tpu.vector_load_idx %gather3A_204[%add3A_200, %select_n3A_147] masked %and3A_143 : memref<64x640xf32, #tpu.memory_space<vmem>>[vector<16xi32>, vector<16xi32>], vector<16xf32>, vector<16xi1>
          tpu.vector_store_idx %arg7[%add3A_200, %add3A_151], %gather3A_205 masked %and3A_143 : memref<64x512xf32, #tpu.memory_space<vmem>>[vector<16xi32>, vector<16xi32>], vector<16xf32>, vector<16xi1>
          %mul3A_206 = arith.constant 0 : i32
          %mul3A_207 = vector.broadcast %mul3A_206 : i32 to vector<16xi32>
          %mul3A_208 = arith.muli %iota3A, %mul3A_207 : vector<16xi32>
          %add3A_209 = arith.constant 5 : i32
          %add3A_210 = vector.broadcast %add3A_209 : i32 to vector<16xi32>
          %add3A_211 = arith.addi %mul3A_208, %add3A_210 : vector<16xi32>
          %gather3A_212 = arith.constant 0 : i32
          %gather3A_213 = arith.constant 0 : i32
          %gather3A_214 = tpu.memref_slice %arg6[%rem3A_89, %gather3A_212, %gather3A_213] : memref<2x64x640xf32, #tpu.memory_space<vmem>> -> memref<1x64x640xf32, #tpu.memory_space<vmem>>
          %gather3A_215 = tpu.memref_squeeze %gather3A_214 : memref<1x64x640xf32, #tpu.memory_space<vmem>> -> memref<64x640xf32, #tpu.memory_space<vmem>>
          %gather3A_216 = tpu.vector_load_idx %gather3A_215[%add3A_211, %select_n3A_147] masked %and3A_143 : memref<64x640xf32, #tpu.memory_space<vmem>>[vector<16xi32>, vector<16xi32>], vector<16xf32>, vector<16xi1>
          tpu.vector_store_idx %arg7[%add3A_211, %add3A_151], %gather3A_216 masked %and3A_143 : memref<64x512xf32, #tpu.memory_space<vmem>>[vector<16xi32>, vector<16xi32>], vector<16xf32>, vector<16xi1>
          %mul3A_217 = arith.constant 0 : i32
          %mul3A_218 = vector.broadcast %mul3A_217 : i32 to vector<16xi32>
          %mul3A_219 = arith.muli %iota3A, %mul3A_218 : vector<16xi32>
          %add3A_220 = arith.constant 6 : i32
          %add3A_221 = vector.broadcast %add3A_220 : i32 to vector<16xi32>
          %add3A_222 = arith.addi %mul3A_219, %add3A_221 : vector<16xi32>
          %gather3A_223 = arith.constant 0 : i32
          %gather3A_224 = arith.constant 0 : i32
          %gather3A_225 = tpu.memref_slice %arg6[%rem3A_89, %gather3A_223, %gather3A_224] : memref<2x64x640xf32, #tpu.memory_space<vmem>> -> memref<1x64x640xf32, #tpu.memory_space<vmem>>
          %gather3A_226 = tpu.memref_squeeze %gather3A_225 : memref<1x64x640xf32, #tpu.memory_space<vmem>> -> memref<64x640xf32, #tpu.memory_space<vmem>>
          %gather3A_227 = tpu.vector_load_idx %gather3A_226[%add3A_222, %select_n3A_147] masked %and3A_143 : memref<64x640xf32, #tpu.memory_space<vmem>>[vector<16xi32>, vector<16xi32>], vector<16xf32>, vector<16xi1>
          tpu.vector_store_idx %arg7[%add3A_222, %add3A_151], %gather3A_227 masked %and3A_143 : memref<64x512xf32, #tpu.memory_space<vmem>>[vector<16xi32>, vector<16xi32>], vector<16xf32>, vector<16xi1>
          %mul3A_228 = arith.constant 0 : i32
          %mul3A_229 = vector.broadcast %mul3A_228 : i32 to vector<16xi32>
          %mul3A_230 = arith.muli %iota3A, %mul3A_229 : vector<16xi32>
          %add3A_231 = arith.constant 7 : i32
          %add3A_232 = vector.broadcast %add3A_231 : i32 to vector<16xi32>
          %add3A_233 = arith.addi %mul3A_230, %add3A_232 : vector<16xi32>
          %gather3A_234 = arith.constant 0 : i32
          %gather3A_235 = arith.constant 0 : i32
          %gather3A_236 = tpu.memref_slice %arg6[%rem3A_89, %gather3A_234, %gather3A_235] : memref<2x64x640xf32, #tpu.memory_space<vmem>> -> memref<1x64x640xf32, #tpu.memory_space<vmem>>
          %gather3A_237 = tpu.memref_squeeze %gather3A_236 : memref<1x64x640xf32, #tpu.memory_space<vmem>> -> memref<64x640xf32, #tpu.memory_space<vmem>>
          %gather3A_238 = tpu.vector_load_idx %gather3A_237[%add3A_233, %select_n3A_147] masked %and3A_143 : memref<64x640xf32, #tpu.memory_space<vmem>>[vector<16xi32>, vector<16xi32>], vector<16xf32>, vector<16xi1>
          tpu.vector_store_idx %arg7[%add3A_233, %add3A_151], %gather3A_238 masked %and3A_143 : memref<64x512xf32, #tpu.memory_space<vmem>>[vector<16xi32>, vector<16xi32>], vector<16xf32>, vector<16xi1>
          %mul3A_239 = arith.constant 0 : i32
          %mul3A_240 = vector.broadcast %mul3A_239 : i32 to vector<16xi32>
          %mul3A_241 = arith.muli %iota3A, %mul3A_240 : vector<16xi32>
          %add3A_242 = arith.constant 8 : i32
          %add3A_243 = vector.broadcast %add3A_242 : i32 to vector<16xi32>
          %add3A_244 = arith.addi %mul3A_241, %add3A_243 : vector<16xi32>
          %gather3A_245 = arith.constant 0 : i32
          %gather3A_246 = arith.constant 0 : i32
          %gather3A_247 = tpu.memref_slice %arg6[%rem3A_89, %gather3A_245, %gather3A_246] : memref<2x64x640xf32, #tpu.memory_space<vmem>> -> memref<1x64x640xf32, #tpu.memory_space<vmem>>
          %gather3A_248 = tpu.memref_squeeze %gather3A_247 : memref<1x64x640xf32, #tpu.memory_space<vmem>> -> memref<64x640xf32, #tpu.memory_space<vmem>>
          %gather3A_249 = tpu.vector_load_idx %gather3A_248[%add3A_244, %select_n3A_147] masked %and3A_143 : memref<64x640xf32, #tpu.memory_space<vmem>>[vector<16xi32>, vector<16xi32>], vector<16xf32>, vector<16xi1>
          tpu.vector_store_idx %arg7[%add3A_244, %add3A_151], %gather3A_249 masked %and3A_143 : memref<64x512xf32, #tpu.memory_space<vmem>>[vector<16xi32>, vector<16xi32>], vector<16xf32>, vector<16xi1>
          %mul3A_250 = arith.constant 0 : i32
          %mul3A_251 = vector.broadcast %mul3A_250 : i32 to vector<16xi32>
          %mul3A_252 = arith.muli %iota3A, %mul3A_251 : vector<16xi32>
          %add3A_253 = arith.constant 9 : i32
          %add3A_254 = vector.broadcast %add3A_253 : i32 to vector<16xi32>
          %add3A_255 = arith.addi %mul3A_252, %add3A_254 : vector<16xi32>
          %gather3A_256 = arith.constant 0 : i32
          %gather3A_257 = arith.constant 0 : i32
          %gather3A_258 = tpu.memref_slice %arg6[%rem3A_89, %gather3A_256, %gather3A_257] : memref<2x64x640xf32, #tpu.memory_space<vmem>> -> memref<1x64x640xf32, #tpu.memory_space<vmem>>
          %gather3A_259 = tpu.memref_squeeze %gather3A_258 : memref<1x64x640xf32, #tpu.memory_space<vmem>> -> memref<64x640xf32, #tpu.memory_space<vmem>>
          %gather3A_260 = tpu.vector_load_idx %gather3A_259[%add3A_255, %select_n3A_147] masked %and3A_143 : memref<64x640xf32, #tpu.memory_space<vmem>>[vector<16xi32>, vector<16xi32>], vector<16xf32>, vector<16xi1>
          tpu.vector_store_idx %arg7[%add3A_255, %add3A_151], %gather3A_260 masked %and3A_143 : memref<64x512xf32, #tpu.memory_space<vmem>>[vector<16xi32>, vector<16xi32>], vector<16xf32>, vector<16xi1>
          %mul3A_261 = arith.constant 0 : i32
          %mul3A_262 = vector.broadcast %mul3A_261 : i32 to vector<16xi32>
          %mul3A_263 = arith.muli %iota3A, %mul3A_262 : vector<16xi32>
          %add3A_264 = arith.constant 10 : i32
          %add3A_265 = vector.broadcast %add3A_264 : i32 to vector<16xi32>
          %add3A_266 = arith.addi %mul3A_263, %add3A_265 : vector<16xi32>
          %gather3A_267 = arith.constant 0 : i32
          %gather3A_268 = arith.constant 0 : i32
          %gather3A_269 = tpu.memref_slice %arg6[%rem3A_89, %gather3A_267, %gather3A_268] : memref<2x64x640xf32, #tpu.memory_space<vmem>> -> memref<1x64x640xf32, #tpu.memory_space<vmem>>
          %gather3A_270 = tpu.memref_squeeze %gather3A_269 : memref<1x64x640xf32, #tpu.memory_space<vmem>> -> memref<64x640xf32, #tpu.memory_space<vmem>>
          %gather3A_271 = tpu.vector_load_idx %gather3A_270[%add3A_266, %select_n3A_147] masked %and3A_143 : memref<64x640xf32, #tpu.memory_space<vmem>>[vector<16xi32>, vector<16xi32>], vector<16xf32>, vector<16xi1>
          tpu.vector_store_idx %arg7[%add3A_266, %add3A_151], %gather3A_271 masked %and3A_143 : memref<64x512xf32, #tpu.memory_space<vmem>>[vector<16xi32>, vector<16xi32>], vector<16xf32>, vector<16xi1>
          %mul3A_272 = arith.constant 0 : i32
          %mul3A_273 = vector.broadcast %mul3A_272 : i32 to vector<16xi32>
          %mul3A_274 = arith.muli %iota3A, %mul3A_273 : vector<16xi32>
          %add3A_275 = arith.constant 11 : i32
          %add3A_276 = vector.broadcast %add3A_275 : i32 to vector<16xi32>
          %add3A_277 = arith.addi %mul3A_274, %add3A_276 : vector<16xi32>
          %gather3A_278 = arith.constant 0 : i32
          %gather3A_279 = arith.constant 0 : i32
          %gather3A_280 = tpu.memref_slice %arg6[%rem3A_89, %gather3A_278, %gather3A_279] : memref<2x64x640xf32, #tpu.memory_space<vmem>> -> memref<1x64x640xf32, #tpu.memory_space<vmem>>
          %gather3A_281 = tpu.memref_squeeze %gather3A_280 : memref<1x64x640xf32, #tpu.memory_space<vmem>> -> memref<64x640xf32, #tpu.memory_space<vmem>>
          %gather3A_282 = tpu.vector_load_idx %gather3A_281[%add3A_277, %select_n3A_147] masked %and3A_143 : memref<64x640xf32, #tpu.memory_space<vmem>>[vector<16xi32>, vector<16xi32>], vector<16xf32>, vector<16xi1>
          tpu.vector_store_idx %arg7[%add3A_277, %add3A_151], %gather3A_282 masked %and3A_143 : memref<64x512xf32, #tpu.memory_space<vmem>>[vector<16xi32>, vector<16xi32>], vector<16xf32>, vector<16xi1>
          %mul3A_283 = arith.constant 0 : i32
          %mul3A_284 = vector.broadcast %mul3A_283 : i32 to vector<16xi32>
          %mul3A_285 = arith.muli %iota3A, %mul3A_284 : vector<16xi32>
          %add3A_286 = arith.constant 12 : i32
          %add3A_287 = vector.broadcast %add3A_286 : i32 to vector<16xi32>
          %add3A_288 = arith.addi %mul3A_285, %add3A_287 : vector<16xi32>
          %gather3A_289 = arith.constant 0 : i32
          %gather3A_290 = arith.constant 0 : i32
          %gather3A_291 = tpu.memref_slice %arg6[%rem3A_89, %gather3A_289, %gather3A_290] : memref<2x64x640xf32, #tpu.memory_space<vmem>> -> memref<1x64x640xf32, #tpu.memory_space<vmem>>
          %gather3A_292 = tpu.memref_squeeze %gather3A_291 : memref<1x64x640xf32, #tpu.memory_space<vmem>> -> memref<64x640xf32, #tpu.memory_space<vmem>>
          %gather3A_293 = tpu.vector_load_idx %gather3A_292[%add3A_288, %select_n3A_147] masked %and3A_143 : memref<64x640xf32, #tpu.memory_space<vmem>>[vector<16xi32>, vector<16xi32>], vector<16xf32>, vector<16xi1>
          tpu.vector_store_idx %arg7[%add3A_288, %add3A_151], %gather3A_293 masked %and3A_143 : memref<64x512xf32, #tpu.memory_space<vmem>>[vector<16xi32>, vector<16xi32>], vector<16xf32>, vector<16xi1>
          %mul3A_294 = arith.constant 0 : i32
          %mul3A_295 = vector.broadcast %mul3A_294 : i32 to vector<16xi32>
          %mul3A_296 = arith.muli %iota3A, %mul3A_295 : vector<16xi32>
          %add3A_297 = arith.constant 13 : i32
          %add3A_298 = vector.broadcast %add3A_297 : i32 to vector<16xi32>
          %add3A_299 = arith.addi %mul3A_296, %add3A_298 : vector<16xi32>
          %gather3A_300 = arith.constant 0 : i32
          %gather3A_301 = arith.constant 0 : i32
          %gather3A_302 = tpu.memref_slice %arg6[%rem3A_89, %gather3A_300, %gather3A_301] : memref<2x64x640xf32, #tpu.memory_space<vmem>> -> memref<1x64x640xf32, #tpu.memory_space<vmem>>
          %gather3A_303 = tpu.memref_squeeze %gather3A_302 : memref<1x64x640xf32, #tpu.memory_space<vmem>> -> memref<64x640xf32, #tpu.memory_space<vmem>>
          %gather3A_304 = tpu.vector_load_idx %gather3A_303[%add3A_299, %select_n3A_147] masked %and3A_143 : memref<64x640xf32, #tpu.memory_space<vmem>>[vector<16xi32>, vector<16xi32>], vector<16xf32>, vector<16xi1>
          tpu.vector_store_idx %arg7[%add3A_299, %add3A_151], %gather3A_304 masked %and3A_143 : memref<64x512xf32, #tpu.memory_space<vmem>>[vector<16xi32>, vector<16xi32>], vector<16xf32>, vector<16xi1>
          %mul3A_305 = arith.constant 0 : i32
          %mul3A_306 = vector.broadcast %mul3A_305 : i32 to vector<16xi32>
          %mul3A_307 = arith.muli %iota3A, %mul3A_306 : vector<16xi32>
          %add3A_308 = arith.constant 14 : i32
          %add3A_309 = vector.broadcast %add3A_308 : i32 to vector<16xi32>
          %add3A_310 = arith.addi %mul3A_307, %add3A_309 : vector<16xi32>
          %gather3A_311 = arith.constant 0 : i32
          %gather3A_312 = arith.constant 0 : i32
          %gather3A_313 = tpu.memref_slice %arg6[%rem3A_89, %gather3A_311, %gather3A_312] : memref<2x64x640xf32, #tpu.memory_space<vmem>> -> memref<1x64x640xf32, #tpu.memory_space<vmem>>
          %gather3A_314 = tpu.memref_squeeze %gather3A_313 : memref<1x64x640xf32, #tpu.memory_space<vmem>> -> memref<64x640xf32, #tpu.memory_space<vmem>>
          %gather3A_315 = tpu.vector_load_idx %gather3A_314[%add3A_310, %select_n3A_147] masked %and3A_143 : memref<64x640xf32, #tpu.memory_space<vmem>>[vector<16xi32>, vector<16xi32>], vector<16xf32>, vector<16xi1>
          tpu.vector_store_idx %arg7[%add3A_310, %add3A_151], %gather3A_315 masked %and3A_143 : memref<64x512xf32, #tpu.memory_space<vmem>>[vector<16xi32>, vector<16xi32>], vector<16xf32>, vector<16xi1>
          %mul3A_316 = arith.constant 0 : i32
          %mul3A_317 = vector.broadcast %mul3A_316 : i32 to vector<16xi32>
          %mul3A_318 = arith.muli %iota3A, %mul3A_317 : vector<16xi32>
          %add3A_319 = arith.constant 15 : i32
          %add3A_320 = vector.broadcast %add3A_319 : i32 to vector<16xi32>
          %add3A_321 = arith.addi %mul3A_318, %add3A_320 : vector<16xi32>
          %gather3A_322 = arith.constant 0 : i32
          %gather3A_323 = arith.constant 0 : i32
          %gather3A_324 = tpu.memref_slice %arg6[%rem3A_89, %gather3A_322, %gather3A_323] : memref<2x64x640xf32, #tpu.memory_space<vmem>> -> memref<1x64x640xf32, #tpu.memory_space<vmem>>
          %gather3A_325 = tpu.memref_squeeze %gather3A_324 : memref<1x64x640xf32, #tpu.memory_space<vmem>> -> memref<64x640xf32, #tpu.memory_space<vmem>>
          %gather3A_326 = tpu.vector_load_idx %gather3A_325[%add3A_321, %select_n3A_147] masked %and3A_143 : memref<64x640xf32, #tpu.memory_space<vmem>>[vector<16xi32>, vector<16xi32>], vector<16xf32>, vector<16xi1>
          tpu.vector_store_idx %arg7[%add3A_321, %add3A_151], %gather3A_326 masked %and3A_143 : memref<64x512xf32, #tpu.memory_space<vmem>>[vector<16xi32>, vector<16xi32>], vector<16xf32>, vector<16xi1>
          %mul3A_327 = arith.constant 0 : i32
          %mul3A_328 = vector.broadcast %mul3A_327 : i32 to vector<16xi32>
          %mul3A_329 = arith.muli %iota3A, %mul3A_328 : vector<16xi32>
          %add3A_330 = arith.constant 16 : i32
          %add3A_331 = vector.broadcast %add3A_330 : i32 to vector<16xi32>
          %add3A_332 = arith.addi %mul3A_329, %add3A_331 : vector<16xi32>
          %gather3A_333 = arith.constant 0 : i32
          %gather3A_334 = arith.constant 0 : i32
          %gather3A_335 = tpu.memref_slice %arg6[%rem3A_89, %gather3A_333, %gather3A_334] : memref<2x64x640xf32, #tpu.memory_space<vmem>> -> memref<1x64x640xf32, #tpu.memory_space<vmem>>
          %gather3A_336 = tpu.memref_squeeze %gather3A_335 : memref<1x64x640xf32, #tpu.memory_space<vmem>> -> memref<64x640xf32, #tpu.memory_space<vmem>>
          %gather3A_337 = tpu.vector_load_idx %gather3A_336[%add3A_332, %select_n3A_147] masked %and3A_143 : memref<64x640xf32, #tpu.memory_space<vmem>>[vector<16xi32>, vector<16xi32>], vector<16xf32>, vector<16xi1>
          tpu.vector_store_idx %arg7[%add3A_332, %add3A_151], %gather3A_337 masked %and3A_143 : memref<64x512xf32, #tpu.memory_space<vmem>>[vector<16xi32>, vector<16xi32>], vector<16xf32>, vector<16xi1>
          %mul3A_338 = arith.constant 0 : i32
          %mul3A_339 = vector.broadcast %mul3A_338 : i32 to vector<16xi32>
          %mul3A_340 = arith.muli %iota3A, %mul3A_339 : vector<16xi32>
          %add3A_341 = arith.constant 17 : i32
          %add3A_342 = vector.broadcast %add3A_341 : i32 to vector<16xi32>
          %add3A_343 = arith.addi %mul3A_340, %add3A_342 : vector<16xi32>
          %gather3A_344 = arith.constant 0 : i32
          %gather3A_345 = arith.constant 0 : i32
          %gather3A_346 = tpu.memref_slice %arg6[%rem3A_89, %gather3A_344, %gather3A_345] : memref<2x64x640xf32, #tpu.memory_space<vmem>> -> memref<1x64x640xf32, #tpu.memory_space<vmem>>
          %gather3A_347 = tpu.memref_squeeze %gather3A_346 : memref<1x64x640xf32, #tpu.memory_space<vmem>> -> memref<64x640xf32, #tpu.memory_space<vmem>>
          %gather3A_348 = tpu.vector_load_idx %gather3A_347[%add3A_343, %select_n3A_147] masked %and3A_143 : memref<64x640xf32, #tpu.memory_space<vmem>>[vector<16xi32>, vector<16xi32>], vector<16xf32>, vector<16xi1>
          tpu.vector_store_idx %arg7[%add3A_343, %add3A_151], %gather3A_348 masked %and3A_143 : memref<64x512xf32, #tpu.memory_space<vmem>>[vector<16xi32>, vector<16xi32>], vector<16xf32>, vector<16xi1>
          %mul3A_349 = arith.constant 0 : i32
          %mul3A_350 = vector.broadcast %mul3A_349 : i32 to vector<16xi32>
          %mul3A_351 = arith.muli %iota3A, %mul3A_350 : vector<16xi32>
          %add3A_352 = arith.constant 18 : i32
          %add3A_353 = vector.broadcast %add3A_352 : i32 to vector<16xi32>
          %add3A_354 = arith.addi %mul3A_351, %add3A_353 : vector<16xi32>
          %gather3A_355 = arith.constant 0 : i32
          %gather3A_356 = arith.constant 0 : i32
          %gather3A_357 = tpu.memref_slice %arg6[%rem3A_89, %gather3A_355, %gather3A_356] : memref<2x64x640xf32, #tpu.memory_space<vmem>> -> memref<1x64x640xf32, #tpu.memory_space<vmem>>
          %gather3A_358 = tpu.memref_squeeze %gather3A_357 : memref<1x64x640xf32, #tpu.memory_space<vmem>> -> memref<64x640xf32, #tpu.memory_space<vmem>>
          %gather3A_359 = tpu.vector_load_idx %gather3A_358[%add3A_354, %select_n3A_147] masked %and3A_143 : memref<64x640xf32, #tpu.memory_space<vmem>>[vector<16xi32>, vector<16xi32>], vector<16xf32>, vector<16xi1>
          tpu.vector_store_idx %arg7[%add3A_354, %add3A_151], %gather3A_359 masked %and3A_143 : memref<64x512xf32, #tpu.memory_space<vmem>>[vector<16xi32>, vector<16xi32>], vector<16xf32>, vector<16xi1>
          %mul3A_360 = arith.constant 0 : i32
          %mul3A_361 = vector.broadcast %mul3A_360 : i32 to vector<16xi32>
          %mul3A_362 = arith.muli %iota3A, %mul3A_361 : vector<16xi32>
          %add3A_363 = arith.constant 19 : i32
          %add3A_364 = vector.broadcast %add3A_363 : i32 to vector<16xi32>
          %add3A_365 = arith.addi %mul3A_362, %add3A_364 : vector<16xi32>
          %gather3A_366 = arith.constant 0 : i32
          %gather3A_367 = arith.constant 0 : i32
          %gather3A_368 = tpu.memref_slice %arg6[%rem3A_89, %gather3A_366, %gather3A_367] : memref<2x64x640xf32, #tpu.memory_space<vmem>> -> memref<1x64x640xf32, #tpu.memory_space<vmem>>
          %gather3A_369 = tpu.memref_squeeze %gather3A_368 : memref<1x64x640xf32, #tpu.memory_space<vmem>> -> memref<64x640xf32, #tpu.memory_space<vmem>>
          %gather3A_370 = tpu.vector_load_idx %gather3A_369[%add3A_365, %select_n3A_147] masked %and3A_143 : memref<64x640xf32, #tpu.memory_space<vmem>>[vector<16xi32>, vector<16xi32>], vector<16xf32>, vector<16xi1>
          tpu.vector_store_idx %arg7[%add3A_365, %add3A_151], %gather3A_370 masked %and3A_143 : memref<64x512xf32, #tpu.memory_space<vmem>>[vector<16xi32>, vector<16xi32>], vector<16xf32>, vector<16xi1>
          %mul3A_371 = arith.constant 0 : i32
          %mul3A_372 = vector.broadcast %mul3A_371 : i32 to vector<16xi32>
          %mul3A_373 = arith.muli %iota3A, %mul3A_372 : vector<16xi32>
          %add3A_374 = arith.constant 20 : i32
          %add3A_375 = vector.broadcast %add3A_374 : i32 to vector<16xi32>
          %add3A_376 = arith.addi %mul3A_373, %add3A_375 : vector<16xi32>
          %gather3A_377 = arith.constant 0 : i32
          %gather3A_378 = arith.constant 0 : i32
          %gather3A_379 = tpu.memref_slice %arg6[%rem3A_89, %gather3A_377, %gather3A_378] : memref<2x64x640xf32, #tpu.memory_space<vmem>> -> memref<1x64x640xf32, #tpu.memory_space<vmem>>
          %gather3A_380 = tpu.memref_squeeze %gather3A_379 : memref<1x64x640xf32, #tpu.memory_space<vmem>> -> memref<64x640xf32, #tpu.memory_space<vmem>>
          %gather3A_381 = tpu.vector_load_idx %gather3A_380[%add3A_376, %select_n3A_147] masked %and3A_143 : memref<64x640xf32, #tpu.memory_space<vmem>>[vector<16xi32>, vector<16xi32>], vector<16xf32>, vector<16xi1>
          tpu.vector_store_idx %arg7[%add3A_376, %add3A_151], %gather3A_381 masked %and3A_143 : memref<64x512xf32, #tpu.memory_space<vmem>>[vector<16xi32>, vector<16xi32>], vector<16xf32>, vector<16xi1>
          %mul3A_382 = arith.constant 0 : i32
          %mul3A_383 = vector.broadcast %mul3A_382 : i32 to vector<16xi32>
          %mul3A_384 = arith.muli %iota3A, %mul3A_383 : vector<16xi32>
          %add3A_385 = arith.constant 21 : i32
          %add3A_386 = vector.broadcast %add3A_385 : i32 to vector<16xi32>
          %add3A_387 = arith.addi %mul3A_384, %add3A_386 : vector<16xi32>
          %gather3A_388 = arith.constant 0 : i32
          %gather3A_389 = arith.constant 0 : i32
          %gather3A_390 = tpu.memref_slice %arg6[%rem3A_89, %gather3A_388, %gather3A_389] : memref<2x64x640xf32, #tpu.memory_space<vmem>> -> memref<1x64x640xf32, #tpu.memory_space<vmem>>
          %gather3A_391 = tpu.memref_squeeze %gather3A_390 : memref<1x64x640xf32, #tpu.memory_space<vmem>> -> memref<64x640xf32, #tpu.memory_space<vmem>>
          %gather3A_392 = tpu.vector_load_idx %gather3A_391[%add3A_387, %select_n3A_147] masked %and3A_143 : memref<64x640xf32, #tpu.memory_space<vmem>>[vector<16xi32>, vector<16xi32>], vector<16xf32>, vector<16xi1>
          tpu.vector_store_idx %arg7[%add3A_387, %add3A_151], %gather3A_392 masked %and3A_143 : memref<64x512xf32, #tpu.memory_space<vmem>>[vector<16xi32>, vector<16xi32>], vector<16xf32>, vector<16xi1>
          %mul3A_393 = arith.constant 0 : i32
          %mul3A_394 = vector.broadcast %mul3A_393 : i32 to vector<16xi32>
          %mul3A_395 = arith.muli %iota3A, %mul3A_394 : vector<16xi32>
          %add3A_396 = arith.constant 22 : i32
          %add3A_397 = vector.broadcast %add3A_396 : i32 to vector<16xi32>
          %add3A_398 = arith.addi %mul3A_395, %add3A_397 : vector<16xi32>
          %gather3A_399 = arith.constant 0 : i32
          %gather3A_400 = arith.constant 0 : i32
          %gather3A_401 = tpu.memref_slice %arg6[%rem3A_89, %gather3A_399, %gather3A_400] : memref<2x64x640xf32, #tpu.memory_space<vmem>> -> memref<1x64x640xf32, #tpu.memory_space<vmem>>
          %gather3A_402 = tpu.memref_squeeze %gather3A_401 : memref<1x64x640xf32, #tpu.memory_space<vmem>> -> memref<64x640xf32, #tpu.memory_space<vmem>>
          %gather3A_403 = tpu.vector_load_idx %gather3A_402[%add3A_398, %select_n3A_147] masked %and3A_143 : memref<64x640xf32, #tpu.memory_space<vmem>>[vector<16xi32>, vector<16xi32>], vector<16xf32>, vector<16xi1>
          tpu.vector_store_idx %arg7[%add3A_398, %add3A_151], %gather3A_403 masked %and3A_143 : memref<64x512xf32, #tpu.memory_space<vmem>>[vector<16xi32>, vector<16xi32>], vector<16xf32>, vector<16xi1>
          %mul3A_404 = arith.constant 0 : i32
          %mul3A_405 = vector.broadcast %mul3A_404 : i32 to vector<16xi32>
          %mul3A_406 = arith.muli %iota3A, %mul3A_405 : vector<16xi32>
          %add3A_407 = arith.constant 23 : i32
          %add3A_408 = vector.broadcast %add3A_407 : i32 to vector<16xi32>
          %add3A_409 = arith.addi %mul3A_406, %add3A_408 : vector<16xi32>
          %gather3A_410 = arith.constant 0 : i32
          %gather3A_411 = arith.constant 0 : i32
          %gather3A_412 = tpu.memref_slice %arg6[%rem3A_89, %gather3A_410, %gather3A_411] : memref<2x64x640xf32, #tpu.memory_space<vmem>> -> memref<1x64x640xf32, #tpu.memory_space<vmem>>
          %gather3A_413 = tpu.memref_squeeze %gather3A_412 : memref<1x64x640xf32, #tpu.memory_space<vmem>> -> memref<64x640xf32, #tpu.memory_space<vmem>>
          %gather3A_414 = tpu.vector_load_idx %gather3A_413[%add3A_409, %select_n3A_147] masked %and3A_143 : memref<64x640xf32, #tpu.memory_space<vmem>>[vector<16xi32>, vector<16xi32>], vector<16xf32>, vector<16xi1>
          tpu.vector_store_idx %arg7[%add3A_409, %add3A_151], %gather3A_414 masked %and3A_143 : memref<64x512xf32, #tpu.memory_space<vmem>>[vector<16xi32>, vector<16xi32>], vector<16xf32>, vector<16xi1>
          %mul3A_415 = arith.constant 0 : i32
          %mul3A_416 = vector.broadcast %mul3A_415 : i32 to vector<16xi32>
          %mul3A_417 = arith.muli %iota3A, %mul3A_416 : vector<16xi32>
          %add3A_418 = arith.constant 24 : i32
          %add3A_419 = vector.broadcast %add3A_418 : i32 to vector<16xi32>
          %add3A_420 = arith.addi %mul3A_417, %add3A_419 : vector<16xi32>
          %gather3A_421 = arith.constant 0 : i32
          %gather3A_422 = arith.constant 0 : i32
          %gather3A_423 = tpu.memref_slice %arg6[%rem3A_89, %gather3A_421, %gather3A_422] : memref<2x64x640xf32, #tpu.memory_space<vmem>> -> memref<1x64x640xf32, #tpu.memory_space<vmem>>
          %gather3A_424 = tpu.memref_squeeze %gather3A_423 : memref<1x64x640xf32, #tpu.memory_space<vmem>> -> memref<64x640xf32, #tpu.memory_space<vmem>>
          %gather3A_425 = tpu.vector_load_idx %gather3A_424[%add3A_420, %select_n3A_147] masked %and3A_143 : memref<64x640xf32, #tpu.memory_space<vmem>>[vector<16xi32>, vector<16xi32>], vector<16xf32>, vector<16xi1>
          tpu.vector_store_idx %arg7[%add3A_420, %add3A_151], %gather3A_425 masked %and3A_143 : memref<64x512xf32, #tpu.memory_space<vmem>>[vector<16xi32>, vector<16xi32>], vector<16xf32>, vector<16xi1>
          %mul3A_426 = arith.constant 0 : i32
          %mul3A_427 = vector.broadcast %mul3A_426 : i32 to vector<16xi32>
          %mul3A_428 = arith.muli %iota3A, %mul3A_427 : vector<16xi32>
          %add3A_429 = arith.constant 25 : i32
          %add3A_430 = vector.broadcast %add3A_429 : i32 to vector<16xi32>
          %add3A_431 = arith.addi %mul3A_428, %add3A_430 : vector<16xi32>
          %gather3A_432 = arith.constant 0 : i32
          %gather3A_433 = arith.constant 0 : i32
          %gather3A_434 = tpu.memref_slice %arg6[%rem3A_89, %gather3A_432, %gather3A_433] : memref<2x64x640xf32, #tpu.memory_space<vmem>> -> memref<1x64x640xf32, #tpu.memory_space<vmem>>
          %gather3A_435 = tpu.memref_squeeze %gather3A_434 : memref<1x64x640xf32, #tpu.memory_space<vmem>> -> memref<64x640xf32, #tpu.memory_space<vmem>>
          %gather3A_436 = tpu.vector_load_idx %gather3A_435[%add3A_431, %select_n3A_147] masked %and3A_143 : memref<64x640xf32, #tpu.memory_space<vmem>>[vector<16xi32>, vector<16xi32>], vector<16xf32>, vector<16xi1>
          tpu.vector_store_idx %arg7[%add3A_431, %add3A_151], %gather3A_436 masked %and3A_143 : memref<64x512xf32, #tpu.memory_space<vmem>>[vector<16xi32>, vector<16xi32>], vector<16xf32>, vector<16xi1>
          %mul3A_437 = arith.constant 0 : i32
          %mul3A_438 = vector.broadcast %mul3A_437 : i32 to vector<16xi32>
          %mul3A_439 = arith.muli %iota3A, %mul3A_438 : vector<16xi32>
          %add3A_440 = arith.constant 26 : i32
          %add3A_441 = vector.broadcast %add3A_440 : i32 to vector<16xi32>
          %add3A_442 = arith.addi %mul3A_439, %add3A_441 : vector<16xi32>
          %gather3A_443 = arith.constant 0 : i32
          %gather3A_444 = arith.constant 0 : i32
          %gather3A_445 = tpu.memref_slice %arg6[%rem3A_89, %gather3A_443, %gather3A_444] : memref<2x64x640xf32, #tpu.memory_space<vmem>> -> memref<1x64x640xf32, #tpu.memory_space<vmem>>
          %gather3A_446 = tpu.memref_squeeze %gather3A_445 : memref<1x64x640xf32, #tpu.memory_space<vmem>> -> memref<64x640xf32, #tpu.memory_space<vmem>>
          %gather3A_447 = tpu.vector_load_idx %gather3A_446[%add3A_442, %select_n3A_147] masked %and3A_143 : memref<64x640xf32, #tpu.memory_space<vmem>>[vector<16xi32>, vector<16xi32>], vector<16xf32>, vector<16xi1>
          tpu.vector_store_idx %arg7[%add3A_442, %add3A_151], %gather3A_447 masked %and3A_143 : memref<64x512xf32, #tpu.memory_space<vmem>>[vector<16xi32>, vector<16xi32>], vector<16xf32>, vector<16xi1>
          %mul3A_448 = arith.constant 0 : i32
          %mul3A_449 = vector.broadcast %mul3A_448 : i32 to vector<16xi32>
          %mul3A_450 = arith.muli %iota3A, %mul3A_449 : vector<16xi32>
          %add3A_451 = arith.constant 27 : i32
          %add3A_452 = vector.broadcast %add3A_451 : i32 to vector<16xi32>
          %add3A_453 = arith.addi %mul3A_450, %add3A_452 : vector<16xi32>
          %gather3A_454 = arith.constant 0 : i32
          %gather3A_455 = arith.constant 0 : i32
          %gather3A_456 = tpu.memref_slice %arg6[%rem3A_89, %gather3A_454, %gather3A_455] : memref<2x64x640xf32, #tpu.memory_space<vmem>> -> memref<1x64x640xf32, #tpu.memory_space<vmem>>
          %gather3A_457 = tpu.memref_squeeze %gather3A_456 : memref<1x64x640xf32, #tpu.memory_space<vmem>> -> memref<64x640xf32, #tpu.memory_space<vmem>>
          %gather3A_458 = tpu.vector_load_idx %gather3A_457[%add3A_453, %select_n3A_147] masked %and3A_143 : memref<64x640xf32, #tpu.memory_space<vmem>>[vector<16xi32>, vector<16xi32>], vector<16xf32>, vector<16xi1>
          tpu.vector_store_idx %arg7[%add3A_453, %add3A_151], %gather3A_458 masked %and3A_143 : memref<64x512xf32, #tpu.memory_space<vmem>>[vector<16xi32>, vector<16xi32>], vector<16xf32>, vector<16xi1>
          %mul3A_459 = arith.constant 0 : i32
          %mul3A_460 = vector.broadcast %mul3A_459 : i32 to vector<16xi32>
          %mul3A_461 = arith.muli %iota3A, %mul3A_460 : vector<16xi32>
          %add3A_462 = arith.constant 28 : i32
          %add3A_463 = vector.broadcast %add3A_462 : i32 to vector<16xi32>
          %add3A_464 = arith.addi %mul3A_461, %add3A_463 : vector<16xi32>
          %gather3A_465 = arith.constant 0 : i32
          %gather3A_466 = arith.constant 0 : i32
          %gather3A_467 = tpu.memref_slice %arg6[%rem3A_89, %gather3A_465, %gather3A_466] : memref<2x64x640xf32, #tpu.memory_space<vmem>> -> memref<1x64x640xf32, #tpu.memory_space<vmem>>
          %gather3A_468 = tpu.memref_squeeze %gather3A_467 : memref<1x64x640xf32, #tpu.memory_space<vmem>> -> memref<64x640xf32, #tpu.memory_space<vmem>>
          %gather3A_469 = tpu.vector_load_idx %gather3A_468[%add3A_464, %select_n3A_147] masked %and3A_143 : memref<64x640xf32, #tpu.memory_space<vmem>>[vector<16xi32>, vector<16xi32>], vector<16xf32>, vector<16xi1>
          tpu.vector_store_idx %arg7[%add3A_464, %add3A_151], %gather3A_469 masked %and3A_143 : memref<64x512xf32, #tpu.memory_space<vmem>>[vector<16xi32>, vector<16xi32>], vector<16xf32>, vector<16xi1>
          %mul3A_470 = arith.constant 0 : i32
          %mul3A_471 = vector.broadcast %mul3A_470 : i32 to vector<16xi32>
          %mul3A_472 = arith.muli %iota3A, %mul3A_471 : vector<16xi32>
          %add3A_473 = arith.constant 29 : i32
          %add3A_474 = vector.broadcast %add3A_473 : i32 to vector<16xi32>
          %add3A_475 = arith.addi %mul3A_472, %add3A_474 : vector<16xi32>
          %gather3A_476 = arith.constant 0 : i32
          %gather3A_477 = arith.constant 0 : i32
          %gather3A_478 = tpu.memref_slice %arg6[%rem3A_89, %gather3A_476, %gather3A_477] : memref<2x64x640xf32, #tpu.memory_space<vmem>> -> memref<1x64x640xf32, #tpu.memory_space<vmem>>
          %gather3A_479 = tpu.memref_squeeze %gather3A_478 : memref<1x64x640xf32, #tpu.memory_space<vmem>> -> memref<64x640xf32, #tpu.memory_space<vmem>>
          %gather3A_480 = tpu.vector_load_idx %gather3A_479[%add3A_475, %select_n3A_147] masked %and3A_143 : memref<64x640xf32, #tpu.memory_space<vmem>>[vector<16xi32>, vector<16xi32>], vector<16xf32>, vector<16xi1>
          tpu.vector_store_idx %arg7[%add3A_475, %add3A_151], %gather3A_480 masked %and3A_143 : memref<64x512xf32, #tpu.memory_space<vmem>>[vector<16xi32>, vector<16xi32>], vector<16xf32>, vector<16xi1>
          %mul3A_481 = arith.constant 0 : i32
          %mul3A_482 = vector.broadcast %mul3A_481 : i32 to vector<16xi32>
          %mul3A_483 = arith.muli %iota3A, %mul3A_482 : vector<16xi32>
          %add3A_484 = arith.constant 30 : i32
          %add3A_485 = vector.broadcast %add3A_484 : i32 to vector<16xi32>
          %add3A_486 = arith.addi %mul3A_483, %add3A_485 : vector<16xi32>
          %gather3A_487 = arith.constant 0 : i32
          %gather3A_488 = arith.constant 0 : i32
          %gather3A_489 = tpu.memref_slice %arg6[%rem3A_89, %gather3A_487, %gather3A_488] : memref<2x64x640xf32, #tpu.memory_space<vmem>> -> memref<1x64x640xf32, #tpu.memory_space<vmem>>
          %gather3A_490 = tpu.memref_squeeze %gather3A_489 : memref<1x64x640xf32, #tpu.memory_space<vmem>> -> memref<64x640xf32, #tpu.memory_space<vmem>>
          %gather3A_491 = tpu.vector_load_idx %gather3A_490[%add3A_486, %select_n3A_147] masked %and3A_143 : memref<64x640xf32, #tpu.memory_space<vmem>>[vector<16xi32>, vector<16xi32>], vector<16xf32>, vector<16xi1>
          tpu.vector_store_idx %arg7[%add3A_486, %add3A_151], %gather3A_491 masked %and3A_143 : memref<64x512xf32, #tpu.memory_space<vmem>>[vector<16xi32>, vector<16xi32>], vector<16xf32>, vector<16xi1>
          %mul3A_492 = arith.constant 0 : i32
          %mul3A_493 = vector.broadcast %mul3A_492 : i32 to vector<16xi32>
          %mul3A_494 = arith.muli %iota3A, %mul3A_493 : vector<16xi32>
          %add3A_495 = arith.constant 31 : i32
          %add3A_496 = vector.broadcast %add3A_495 : i32 to vector<16xi32>
          %add3A_497 = arith.addi %mul3A_494, %add3A_496 : vector<16xi32>
          %gather3A_498 = arith.constant 0 : i32
          %gather3A_499 = arith.constant 0 : i32
          %gather3A_500 = tpu.memref_slice %arg6[%rem3A_89, %gather3A_498, %gather3A_499] : memref<2x64x640xf32, #tpu.memory_space<vmem>> -> memref<1x64x640xf32, #tpu.memory_space<vmem>>
          %gather3A_501 = tpu.memref_squeeze %gather3A_500 : memref<1x64x640xf32, #tpu.memory_space<vmem>> -> memref<64x640xf32, #tpu.memory_space<vmem>>
          %gather3A_502 = tpu.vector_load_idx %gather3A_501[%add3A_497, %select_n3A_147] masked %and3A_143 : memref<64x640xf32, #tpu.memory_space<vmem>>[vector<16xi32>, vector<16xi32>], vector<16xf32>, vector<16xi1>
          tpu.vector_store_idx %arg7[%add3A_497, %add3A_151], %gather3A_502 masked %and3A_143 : memref<64x512xf32, #tpu.memory_space<vmem>>[vector<16xi32>, vector<16xi32>], vector<16xf32>, vector<16xi1>
          %mul3A_503 = arith.constant 0 : i32
          %mul3A_504 = vector.broadcast %mul3A_503 : i32 to vector<16xi32>
          %mul3A_505 = arith.muli %iota3A, %mul3A_504 : vector<16xi32>
          %add3A_506 = arith.constant 32 : i32
          %add3A_507 = vector.broadcast %add3A_506 : i32 to vector<16xi32>
          %add3A_508 = arith.addi %mul3A_505, %add3A_507 : vector<16xi32>
          %gather3A_509 = arith.constant 0 : i32
          %gather3A_510 = arith.constant 0 : i32
          %gather3A_511 = tpu.memref_slice %arg6[%rem3A_89, %gather3A_509, %gather3A_510] : memref<2x64x640xf32, #tpu.memory_space<vmem>> -> memref<1x64x640xf32, #tpu.memory_space<vmem>>
          %gather3A_512 = tpu.memref_squeeze %gather3A_511 : memref<1x64x640xf32, #tpu.memory_space<vmem>> -> memref<64x640xf32, #tpu.memory_space<vmem>>
          %gather3A_513 = tpu.vector_load_idx %gather3A_512[%add3A_508, %select_n3A_147] masked %and3A_143 : memref<64x640xf32, #tpu.memory_space<vmem>>[vector<16xi32>, vector<16xi32>], vector<16xf32>, vector<16xi1>
          tpu.vector_store_idx %arg7[%add3A_508, %add3A_151], %gather3A_513 masked %and3A_143 : memref<64x512xf32, #tpu.memory_space<vmem>>[vector<16xi32>, vector<16xi32>], vector<16xf32>, vector<16xi1>
          %mul3A_514 = arith.constant 0 : i32
          %mul3A_515 = vector.broadcast %mul3A_514 : i32 to vector<16xi32>
          %mul3A_516 = arith.muli %iota3A, %mul3A_515 : vector<16xi32>
          %add3A_517 = arith.constant 33 : i32
          %add3A_518 = vector.broadcast %add3A_517 : i32 to vector<16xi32>
          %add3A_519 = arith.addi %mul3A_516, %add3A_518 : vector<16xi32>
          %gather3A_520 = arith.constant 0 : i32
          %gather3A_521 = arith.constant 0 : i32
          %gather3A_522 = tpu.memref_slice %arg6[%rem3A_89, %gather3A_520, %gather3A_521] : memref<2x64x640xf32, #tpu.memory_space<vmem>> -> memref<1x64x640xf32, #tpu.memory_space<vmem>>
          %gather3A_523 = tpu.memref_squeeze %gather3A_522 : memref<1x64x640xf32, #tpu.memory_space<vmem>> -> memref<64x640xf32, #tpu.memory_space<vmem>>
          %gather3A_524 = tpu.vector_load_idx %gather3A_523[%add3A_519, %select_n3A_147] masked %and3A_143 : memref<64x640xf32, #tpu.memory_space<vmem>>[vector<16xi32>, vector<16xi32>], vector<16xf32>, vector<16xi1>
          tpu.vector_store_idx %arg7[%add3A_519, %add3A_151], %gather3A_524 masked %and3A_143 : memref<64x512xf32, #tpu.memory_space<vmem>>[vector<16xi32>, vector<16xi32>], vector<16xf32>, vector<16xi1>
          %mul3A_525 = arith.constant 0 : i32
          %mul3A_526 = vector.broadcast %mul3A_525 : i32 to vector<16xi32>
          %mul3A_527 = arith.muli %iota3A, %mul3A_526 : vector<16xi32>
          %add3A_528 = arith.constant 34 : i32
          %add3A_529 = vector.broadcast %add3A_528 : i32 to vector<16xi32>
          %add3A_530 = arith.addi %mul3A_527, %add3A_529 : vector<16xi32>
          %gather3A_531 = arith.constant 0 : i32
          %gather3A_532 = arith.constant 0 : i32
          %gather3A_533 = tpu.memref_slice %arg6[%rem3A_89, %gather3A_531, %gather3A_532] : memref<2x64x640xf32, #tpu.memory_space<vmem>> -> memref<1x64x640xf32, #tpu.memory_space<vmem>>
          %gather3A_534 = tpu.memref_squeeze %gather3A_533 : memref<1x64x640xf32, #tpu.memory_space<vmem>> -> memref<64x640xf32, #tpu.memory_space<vmem>>
          %gather3A_535 = tpu.vector_load_idx %gather3A_534[%add3A_530, %select_n3A_147] masked %and3A_143 : memref<64x640xf32, #tpu.memory_space<vmem>>[vector<16xi32>, vector<16xi32>], vector<16xf32>, vector<16xi1>
          tpu.vector_store_idx %arg7[%add3A_530, %add3A_151], %gather3A_535 masked %and3A_143 : memref<64x512xf32, #tpu.memory_space<vmem>>[vector<16xi32>, vector<16xi32>], vector<16xf32>, vector<16xi1>
          %mul3A_536 = arith.constant 0 : i32
          %mul3A_537 = vector.broadcast %mul3A_536 : i32 to vector<16xi32>
          %mul3A_538 = arith.muli %iota3A, %mul3A_537 : vector<16xi32>
          %add3A_539 = arith.constant 35 : i32
          %add3A_540 = vector.broadcast %add3A_539 : i32 to vector<16xi32>
          %add3A_541 = arith.addi %mul3A_538, %add3A_540 : vector<16xi32>
          %gather3A_542 = arith.constant 0 : i32
          %gather3A_543 = arith.constant 0 : i32
          %gather3A_544 = tpu.memref_slice %arg6[%rem3A_89, %gather3A_542, %gather3A_543] : memref<2x64x640xf32, #tpu.memory_space<vmem>> -> memref<1x64x640xf32, #tpu.memory_space<vmem>>
          %gather3A_545 = tpu.memref_squeeze %gather3A_544 : memref<1x64x640xf32, #tpu.memory_space<vmem>> -> memref<64x640xf32, #tpu.memory_space<vmem>>
          %gather3A_546 = tpu.vector_load_idx %gather3A_545[%add3A_541, %select_n3A_147] masked %and3A_143 : memref<64x640xf32, #tpu.memory_space<vmem>>[vector<16xi32>, vector<16xi32>], vector<16xf32>, vector<16xi1>
          tpu.vector_store_idx %arg7[%add3A_541, %add3A_151], %gather3A_546 masked %and3A_143 : memref<64x512xf32, #tpu.memory_space<vmem>>[vector<16xi32>, vector<16xi32>], vector<16xf32>, vector<16xi1>
          %mul3A_547 = arith.constant 0 : i32
          %mul3A_548 = vector.broadcast %mul3A_547 : i32 to vector<16xi32>
          %mul3A_549 = arith.muli %iota3A, %mul3A_548 : vector<16xi32>
          %add3A_550 = arith.constant 36 : i32
          %add3A_551 = vector.broadcast %add3A_550 : i32 to vector<16xi32>
          %add3A_552 = arith.addi %mul3A_549, %add3A_551 : vector<16xi32>
          %gather3A_553 = arith.constant 0 : i32
          %gather3A_554 = arith.constant 0 : i32
          %gather3A_555 = tpu.memref_slice %arg6[%rem3A_89, %gather3A_553, %gather3A_554] : memref<2x64x640xf32, #tpu.memory_space<vmem>> -> memref<1x64x640xf32, #tpu.memory_space<vmem>>
          %gather3A_556 = tpu.memref_squeeze %gather3A_555 : memref<1x64x640xf32, #tpu.memory_space<vmem>> -> memref<64x640xf32, #tpu.memory_space<vmem>>
          %gather3A_557 = tpu.vector_load_idx %gather3A_556[%add3A_552, %select_n3A_147] masked %and3A_143 : memref<64x640xf32, #tpu.memory_space<vmem>>[vector<16xi32>, vector<16xi32>], vector<16xf32>, vector<16xi1>
          tpu.vector_store_idx %arg7[%add3A_552, %add3A_151], %gather3A_557 masked %and3A_143 : memref<64x512xf32, #tpu.memory_space<vmem>>[vector<16xi32>, vector<16xi32>], vector<16xf32>, vector<16xi1>
          %mul3A_558 = arith.constant 0 : i32
          %mul3A_559 = vector.broadcast %mul3A_558 : i32 to vector<16xi32>
          %mul3A_560 = arith.muli %iota3A, %mul3A_559 : vector<16xi32>
          %add3A_561 = arith.constant 37 : i32
          %add3A_562 = vector.broadcast %add3A_561 : i32 to vector<16xi32>
          %add3A_563 = arith.addi %mul3A_560, %add3A_562 : vector<16xi32>
          %gather3A_564 = arith.constant 0 : i32
          %gather3A_565 = arith.constant 0 : i32
          %gather3A_566 = tpu.memref_slice %arg6[%rem3A_89, %gather3A_564, %gather3A_565] : memref<2x64x640xf32, #tpu.memory_space<vmem>> -> memref<1x64x640xf32, #tpu.memory_space<vmem>>
          %gather3A_567 = tpu.memref_squeeze %gather3A_566 : memref<1x64x640xf32, #tpu.memory_space<vmem>> -> memref<64x640xf32, #tpu.memory_space<vmem>>
          %gather3A_568 = tpu.vector_load_idx %gather3A_567[%add3A_563, %select_n3A_147] masked %and3A_143 : memref<64x640xf32, #tpu.memory_space<vmem>>[vector<16xi32>, vector<16xi32>], vector<16xf32>, vector<16xi1>
          tpu.vector_store_idx %arg7[%add3A_563, %add3A_151], %gather3A_568 masked %and3A_143 : memref<64x512xf32, #tpu.memory_space<vmem>>[vector<16xi32>, vector<16xi32>], vector<16xf32>, vector<16xi1>
          %mul3A_569 = arith.constant 0 : i32
          %mul3A_570 = vector.broadcast %mul3A_569 : i32 to vector<16xi32>
          %mul3A_571 = arith.muli %iota3A, %mul3A_570 : vector<16xi32>
          %add3A_572 = arith.constant 38 : i32
          %add3A_573 = vector.broadcast %add3A_572 : i32 to vector<16xi32>
          %add3A_574 = arith.addi %mul3A_571, %add3A_573 : vector<16xi32>
          %gather3A_575 = arith.constant 0 : i32
          %gather3A_576 = arith.constant 0 : i32
          %gather3A_577 = tpu.memref_slice %arg6[%rem3A_89, %gather3A_575, %gather3A_576] : memref<2x64x640xf32, #tpu.memory_space<vmem>> -> memref<1x64x640xf32, #tpu.memory_space<vmem>>
          %gather3A_578 = tpu.memref_squeeze %gather3A_577 : memref<1x64x640xf32, #tpu.memory_space<vmem>> -> memref<64x640xf32, #tpu.memory_space<vmem>>
          %gather3A_579 = tpu.vector_load_idx %gather3A_578[%add3A_574, %select_n3A_147] masked %and3A_143 : memref<64x640xf32, #tpu.memory_space<vmem>>[vector<16xi32>, vector<16xi32>], vector<16xf32>, vector<16xi1>
          tpu.vector_store_idx %arg7[%add3A_574, %add3A_151], %gather3A_579 masked %and3A_143 : memref<64x512xf32, #tpu.memory_space<vmem>>[vector<16xi32>, vector<16xi32>], vector<16xf32>, vector<16xi1>
          %mul3A_580 = arith.constant 0 : i32
          %mul3A_581 = vector.broadcast %mul3A_580 : i32 to vector<16xi32>
          %mul3A_582 = arith.muli %iota3A, %mul3A_581 : vector<16xi32>
          %add3A_583 = arith.constant 39 : i32
          %add3A_584 = vector.broadcast %add3A_583 : i32 to vector<16xi32>
          %add3A_585 = arith.addi %mul3A_582, %add3A_584 : vector<16xi32>
          %gather3A_586 = arith.constant 0 : i32
          %gather3A_587 = arith.constant 0 : i32
          %gather3A_588 = tpu.memref_slice %arg6[%rem3A_89, %gather3A_586, %gather3A_587] : memref<2x64x640xf32, #tpu.memory_space<vmem>> -> memref<1x64x640xf32, #tpu.memory_space<vmem>>
          %gather3A_589 = tpu.memref_squeeze %gather3A_588 : memref<1x64x640xf32, #tpu.memory_space<vmem>> -> memref<64x640xf32, #tpu.memory_space<vmem>>
          %gather3A_590 = tpu.vector_load_idx %gather3A_589[%add3A_585, %select_n3A_147] masked %and3A_143 : memref<64x640xf32, #tpu.memory_space<vmem>>[vector<16xi32>, vector<16xi32>], vector<16xf32>, vector<16xi1>
          tpu.vector_store_idx %arg7[%add3A_585, %add3A_151], %gather3A_590 masked %and3A_143 : memref<64x512xf32, #tpu.memory_space<vmem>>[vector<16xi32>, vector<16xi32>], vector<16xf32>, vector<16xi1>
          %mul3A_591 = arith.constant 0 : i32
          %mul3A_592 = vector.broadcast %mul3A_591 : i32 to vector<16xi32>
          %mul3A_593 = arith.muli %iota3A, %mul3A_592 : vector<16xi32>
          %add3A_594 = arith.constant 40 : i32
          %add3A_595 = vector.broadcast %add3A_594 : i32 to vector<16xi32>
          %add3A_596 = arith.addi %mul3A_593, %add3A_595 : vector<16xi32>
          %gather3A_597 = arith.constant 0 : i32
          %gather3A_598 = arith.constant 0 : i32
          %gather3A_599 = tpu.memref_slice %arg6[%rem3A_89, %gather3A_597, %gather3A_598] : memref<2x64x640xf32, #tpu.memory_space<vmem>> -> memref<1x64x640xf32, #tpu.memory_space<vmem>>
          %gather3A_600 = tpu.memref_squeeze %gather3A_599 : memref<1x64x640xf32, #tpu.memory_space<vmem>> -> memref<64x640xf32, #tpu.memory_space<vmem>>
          %gather3A_601 = tpu.vector_load_idx %gather3A_600[%add3A_596, %select_n3A_147] masked %and3A_143 : memref<64x640xf32, #tpu.memory_space<vmem>>[vector<16xi32>, vector<16xi32>], vector<16xf32>, vector<16xi1>
          tpu.vector_store_idx %arg7[%add3A_596, %add3A_151], %gather3A_601 masked %and3A_143 : memref<64x512xf32, #tpu.memory_space<vmem>>[vector<16xi32>, vector<16xi32>], vector<16xf32>, vector<16xi1>
          %mul3A_602 = arith.constant 0 : i32
          %mul3A_603 = vector.broadcast %mul3A_602 : i32 to vector<16xi32>
          %mul3A_604 = arith.muli %iota3A, %mul3A_603 : vector<16xi32>
          %add3A_605 = arith.constant 41 : i32
          %add3A_606 = vector.broadcast %add3A_605 : i32 to vector<16xi32>
          %add3A_607 = arith.addi %mul3A_604, %add3A_606 : vector<16xi32>
          %gather3A_608 = arith.constant 0 : i32
          %gather3A_609 = arith.constant 0 : i32
          %gather3A_610 = tpu.memref_slice %arg6[%rem3A_89, %gather3A_608, %gather3A_609] : memref<2x64x640xf32, #tpu.memory_space<vmem>> -> memref<1x64x640xf32, #tpu.memory_space<vmem>>
          %gather3A_611 = tpu.memref_squeeze %gather3A_610 : memref<1x64x640xf32, #tpu.memory_space<vmem>> -> memref<64x640xf32, #tpu.memory_space<vmem>>
          %gather3A_612 = tpu.vector_load_idx %gather3A_611[%add3A_607, %select_n3A_147] masked %and3A_143 : memref<64x640xf32, #tpu.memory_space<vmem>>[vector<16xi32>, vector<16xi32>], vector<16xf32>, vector<16xi1>
          tpu.vector_store_idx %arg7[%add3A_607, %add3A_151], %gather3A_612 masked %and3A_143 : memref<64x512xf32, #tpu.memory_space<vmem>>[vector<16xi32>, vector<16xi32>], vector<16xf32>, vector<16xi1>
          %mul3A_613 = arith.constant 0 : i32
          %mul3A_614 = vector.broadcast %mul3A_613 : i32 to vector<16xi32>
          %mul3A_615 = arith.muli %iota3A, %mul3A_614 : vector<16xi32>
          %add3A_616 = arith.constant 42 : i32
          %add3A_617 = vector.broadcast %add3A_616 : i32 to vector<16xi32>
          %add3A_618 = arith.addi %mul3A_615, %add3A_617 : vector<16xi32>
          %gather3A_619 = arith.constant 0 : i32
          %gather3A_620 = arith.constant 0 : i32
          %gather3A_621 = tpu.memref_slice %arg6[%rem3A_89, %gather3A_619, %gather3A_620] : memref<2x64x640xf32, #tpu.memory_space<vmem>> -> memref<1x64x640xf32, #tpu.memory_space<vmem>>
          %gather3A_622 = tpu.memref_squeeze %gather3A_621 : memref<1x64x640xf32, #tpu.memory_space<vmem>> -> memref<64x640xf32, #tpu.memory_space<vmem>>
          %gather3A_623 = tpu.vector_load_idx %gather3A_622[%add3A_618, %select_n3A_147] masked %and3A_143 : memref<64x640xf32, #tpu.memory_space<vmem>>[vector<16xi32>, vector<16xi32>], vector<16xf32>, vector<16xi1>
          tpu.vector_store_idx %arg7[%add3A_618, %add3A_151], %gather3A_623 masked %and3A_143 : memref<64x512xf32, #tpu.memory_space<vmem>>[vector<16xi32>, vector<16xi32>], vector<16xf32>, vector<16xi1>
          %mul3A_624 = arith.constant 0 : i32
          %mul3A_625 = vector.broadcast %mul3A_624 : i32 to vector<16xi32>
          %mul3A_626 = arith.muli %iota3A, %mul3A_625 : vector<16xi32>
          %add3A_627 = arith.constant 43 : i32
          %add3A_628 = vector.broadcast %add3A_627 : i32 to vector<16xi32>
          %add3A_629 = arith.addi %mul3A_626, %add3A_628 : vector<16xi32>
          %gather3A_630 = arith.constant 0 : i32
          %gather3A_631 = arith.constant 0 : i32
          %gather3A_632 = tpu.memref_slice %arg6[%rem3A_89, %gather3A_630, %gather3A_631] : memref<2x64x640xf32, #tpu.memory_space<vmem>> -> memref<1x64x640xf32, #tpu.memory_space<vmem>>
          %gather3A_633 = tpu.memref_squeeze %gather3A_632 : memref<1x64x640xf32, #tpu.memory_space<vmem>> -> memref<64x640xf32, #tpu.memory_space<vmem>>
          %gather3A_634 = tpu.vector_load_idx %gather3A_633[%add3A_629, %select_n3A_147] masked %and3A_143 : memref<64x640xf32, #tpu.memory_space<vmem>>[vector<16xi32>, vector<16xi32>], vector<16xf32>, vector<16xi1>
          tpu.vector_store_idx %arg7[%add3A_629, %add3A_151], %gather3A_634 masked %and3A_143 : memref<64x512xf32, #tpu.memory_space<vmem>>[vector<16xi32>, vector<16xi32>], vector<16xf32>, vector<16xi1>
          %mul3A_635 = arith.constant 0 : i32
          %mul3A_636 = vector.broadcast %mul3A_635 : i32 to vector<16xi32>
          %mul3A_637 = arith.muli %iota3A, %mul3A_636 : vector<16xi32>
          %add3A_638 = arith.constant 44 : i32
          %add3A_639 = vector.broadcast %add3A_638 : i32 to vector<16xi32>
          %add3A_640 = arith.addi %mul3A_637, %add3A_639 : vector<16xi32>
          %gather3A_641 = arith.constant 0 : i32
          %gather3A_642 = arith.constant 0 : i32
          %gather3A_643 = tpu.memref_slice %arg6[%rem3A_89, %gather3A_641, %gather3A_642] : memref<2x64x640xf32, #tpu.memory_space<vmem>> -> memref<1x64x640xf32, #tpu.memory_space<vmem>>
          %gather3A_644 = tpu.memref_squeeze %gather3A_643 : memref<1x64x640xf32, #tpu.memory_space<vmem>> -> memref<64x640xf32, #tpu.memory_space<vmem>>
          %gather3A_645 = tpu.vector_load_idx %gather3A_644[%add3A_640, %select_n3A_147] masked %and3A_143 : memref<64x640xf32, #tpu.memory_space<vmem>>[vector<16xi32>, vector<16xi32>], vector<16xf32>, vector<16xi1>
          tpu.vector_store_idx %arg7[%add3A_640, %add3A_151], %gather3A_645 masked %and3A_143 : memref<64x512xf32, #tpu.memory_space<vmem>>[vector<16xi32>, vector<16xi32>], vector<16xf32>, vector<16xi1>
          %mul3A_646 = arith.constant 0 : i32
          %mul3A_647 = vector.broadcast %mul3A_646 : i32 to vector<16xi32>
          %mul3A_648 = arith.muli %iota3A, %mul3A_647 : vector<16xi32>
          %add3A_649 = arith.constant 45 : i32
          %add3A_650 = vector.broadcast %add3A_649 : i32 to vector<16xi32>
          %add3A_651 = arith.addi %mul3A_648, %add3A_650 : vector<16xi32>
          %gather3A_652 = arith.constant 0 : i32
          %gather3A_653 = arith.constant 0 : i32
          %gather3A_654 = tpu.memref_slice %arg6[%rem3A_89, %gather3A_652, %gather3A_653] : memref<2x64x640xf32, #tpu.memory_space<vmem>> -> memref<1x64x640xf32, #tpu.memory_space<vmem>>
          %gather3A_655 = tpu.memref_squeeze %gather3A_654 : memref<1x64x640xf32, #tpu.memory_space<vmem>> -> memref<64x640xf32, #tpu.memory_space<vmem>>
          %gather3A_656 = tpu.vector_load_idx %gather3A_655[%add3A_651, %select_n3A_147] masked %and3A_143 : memref<64x640xf32, #tpu.memory_space<vmem>>[vector<16xi32>, vector<16xi32>], vector<16xf32>, vector<16xi1>
          tpu.vector_store_idx %arg7[%add3A_651, %add3A_151], %gather3A_656 masked %and3A_143 : memref<64x512xf32, #tpu.memory_space<vmem>>[vector<16xi32>, vector<16xi32>], vector<16xf32>, vector<16xi1>
          %mul3A_657 = arith.constant 0 : i32
          %mul3A_658 = vector.broadcast %mul3A_657 : i32 to vector<16xi32>
          %mul3A_659 = arith.muli %iota3A, %mul3A_658 : vector<16xi32>
          %add3A_660 = arith.constant 46 : i32
          %add3A_661 = vector.broadcast %add3A_660 : i32 to vector<16xi32>
          %add3A_662 = arith.addi %mul3A_659, %add3A_661 : vector<16xi32>
          %gather3A_663 = arith.constant 0 : i32
          %gather3A_664 = arith.constant 0 : i32
          %gather3A_665 = tpu.memref_slice %arg6[%rem3A_89, %gather3A_663, %gather3A_664] : memref<2x64x640xf32, #tpu.memory_space<vmem>> -> memref<1x64x640xf32, #tpu.memory_space<vmem>>
          %gather3A_666 = tpu.memref_squeeze %gather3A_665 : memref<1x64x640xf32, #tpu.memory_space<vmem>> -> memref<64x640xf32, #tpu.memory_space<vmem>>
          %gather3A_667 = tpu.vector_load_idx %gather3A_666[%add3A_662, %select_n3A_147] masked %and3A_143 : memref<64x640xf32, #tpu.memory_space<vmem>>[vector<16xi32>, vector<16xi32>], vector<16xf32>, vector<16xi1>
          tpu.vector_store_idx %arg7[%add3A_662, %add3A_151], %gather3A_667 masked %and3A_143 : memref<64x512xf32, #tpu.memory_space<vmem>>[vector<16xi32>, vector<16xi32>], vector<16xf32>, vector<16xi1>
          %mul3A_668 = arith.constant 0 : i32
          %mul3A_669 = vector.broadcast %mul3A_668 : i32 to vector<16xi32>
          %mul3A_670 = arith.muli %iota3A, %mul3A_669 : vector<16xi32>
          %add3A_671 = arith.constant 47 : i32
          %add3A_672 = vector.broadcast %add3A_671 : i32 to vector<16xi32>
          %add3A_673 = arith.addi %mul3A_670, %add3A_672 : vector<16xi32>
          %gather3A_674 = arith.constant 0 : i32
          %gather3A_675 = arith.constant 0 : i32
          %gather3A_676 = tpu.memref_slice %arg6[%rem3A_89, %gather3A_674, %gather3A_675] : memref<2x64x640xf32, #tpu.memory_space<vmem>> -> memref<1x64x640xf32, #tpu.memory_space<vmem>>
          %gather3A_677 = tpu.memref_squeeze %gather3A_676 : memref<1x64x640xf32, #tpu.memory_space<vmem>> -> memref<64x640xf32, #tpu.memory_space<vmem>>
          %gather3A_678 = tpu.vector_load_idx %gather3A_677[%add3A_673, %select_n3A_147] masked %and3A_143 : memref<64x640xf32, #tpu.memory_space<vmem>>[vector<16xi32>, vector<16xi32>], vector<16xf32>, vector<16xi1>
          tpu.vector_store_idx %arg7[%add3A_673, %add3A_151], %gather3A_678 masked %and3A_143 : memref<64x512xf32, #tpu.memory_space<vmem>>[vector<16xi32>, vector<16xi32>], vector<16xf32>, vector<16xi1>
          %mul3A_679 = arith.constant 0 : i32
          %mul3A_680 = vector.broadcast %mul3A_679 : i32 to vector<16xi32>
          %mul3A_681 = arith.muli %iota3A, %mul3A_680 : vector<16xi32>
          %add3A_682 = arith.constant 48 : i32
          %add3A_683 = vector.broadcast %add3A_682 : i32 to vector<16xi32>
          %add3A_684 = arith.addi %mul3A_681, %add3A_683 : vector<16xi32>
          %gather3A_685 = arith.constant 0 : i32
          %gather3A_686 = arith.constant 0 : i32
          %gather3A_687 = tpu.memref_slice %arg6[%rem3A_89, %gather3A_685, %gather3A_686] : memref<2x64x640xf32, #tpu.memory_space<vmem>> -> memref<1x64x640xf32, #tpu.memory_space<vmem>>
          %gather3A_688 = tpu.memref_squeeze %gather3A_687 : memref<1x64x640xf32, #tpu.memory_space<vmem>> -> memref<64x640xf32, #tpu.memory_space<vmem>>
          %gather3A_689 = tpu.vector_load_idx %gather3A_688[%add3A_684, %select_n3A_147] masked %and3A_143 : memref<64x640xf32, #tpu.memory_space<vmem>>[vector<16xi32>, vector<16xi32>], vector<16xf32>, vector<16xi1>
          tpu.vector_store_idx %arg7[%add3A_684, %add3A_151], %gather3A_689 masked %and3A_143 : memref<64x512xf32, #tpu.memory_space<vmem>>[vector<16xi32>, vector<16xi32>], vector<16xf32>, vector<16xi1>
          %mul3A_690 = arith.constant 0 : i32
          %mul3A_691 = vector.broadcast %mul3A_690 : i32 to vector<16xi32>
          %mul3A_692 = arith.muli %iota3A, %mul3A_691 : vector<16xi32>
          %add3A_693 = arith.constant 49 : i32
          %add3A_694 = vector.broadcast %add3A_693 : i32 to vector<16xi32>
          %add3A_695 = arith.addi %mul3A_692, %add3A_694 : vector<16xi32>
          %gather3A_696 = arith.constant 0 : i32
          %gather3A_697 = arith.constant 0 : i32
          %gather3A_698 = tpu.memref_slice %arg6[%rem3A_89, %gather3A_696, %gather3A_697] : memref<2x64x640xf32, #tpu.memory_space<vmem>> -> memref<1x64x640xf32, #tpu.memory_space<vmem>>
          %gather3A_699 = tpu.memref_squeeze %gather3A_698 : memref<1x64x640xf32, #tpu.memory_space<vmem>> -> memref<64x640xf32, #tpu.memory_space<vmem>>
          %gather3A_700 = tpu.vector_load_idx %gather3A_699[%add3A_695, %select_n3A_147] masked %and3A_143 : memref<64x640xf32, #tpu.memory_space<vmem>>[vector<16xi32>, vector<16xi32>], vector<16xf32>, vector<16xi1>
          tpu.vector_store_idx %arg7[%add3A_695, %add3A_151], %gather3A_700 masked %and3A_143 : memref<64x512xf32, #tpu.memory_space<vmem>>[vector<16xi32>, vector<16xi32>], vector<16xf32>, vector<16xi1>
          %mul3A_701 = arith.constant 0 : i32
          %mul3A_702 = vector.broadcast %mul3A_701 : i32 to vector<16xi32>
          %mul3A_703 = arith.muli %iota3A, %mul3A_702 : vector<16xi32>
          %add3A_704 = arith.constant 50 : i32
          %add3A_705 = vector.broadcast %add3A_704 : i32 to vector<16xi32>
          %add3A_706 = arith.addi %mul3A_703, %add3A_705 : vector<16xi32>
          %gather3A_707 = arith.constant 0 : i32
          %gather3A_708 = arith.constant 0 : i32
          %gather3A_709 = tpu.memref_slice %arg6[%rem3A_89, %gather3A_707, %gather3A_708] : memref<2x64x640xf32, #tpu.memory_space<vmem>> -> memref<1x64x640xf32, #tpu.memory_space<vmem>>
          %gather3A_710 = tpu.memref_squeeze %gather3A_709 : memref<1x64x640xf32, #tpu.memory_space<vmem>> -> memref<64x640xf32, #tpu.memory_space<vmem>>
          %gather3A_711 = tpu.vector_load_idx %gather3A_710[%add3A_706, %select_n3A_147] masked %and3A_143 : memref<64x640xf32, #tpu.memory_space<vmem>>[vector<16xi32>, vector<16xi32>], vector<16xf32>, vector<16xi1>
          tpu.vector_store_idx %arg7[%add3A_706, %add3A_151], %gather3A_711 masked %and3A_143 : memref<64x512xf32, #tpu.memory_space<vmem>>[vector<16xi32>, vector<16xi32>], vector<16xf32>, vector<16xi1>
          %mul3A_712 = arith.constant 0 : i32
          %mul3A_713 = vector.broadcast %mul3A_712 : i32 to vector<16xi32>
          %mul3A_714 = arith.muli %iota3A, %mul3A_713 : vector<16xi32>
          %add3A_715 = arith.constant 51 : i32
          %add3A_716 = vector.broadcast %add3A_715 : i32 to vector<16xi32>
          %add3A_717 = arith.addi %mul3A_714, %add3A_716 : vector<16xi32>
          %gather3A_718 = arith.constant 0 : i32
          %gather3A_719 = arith.constant 0 : i32
          %gather3A_720 = tpu.memref_slice %arg6[%rem3A_89, %gather3A_718, %gather3A_719] : memref<2x64x640xf32, #tpu.memory_space<vmem>> -> memref<1x64x640xf32, #tpu.memory_space<vmem>>
          %gather3A_721 = tpu.memref_squeeze %gather3A_720 : memref<1x64x640xf32, #tpu.memory_space<vmem>> -> memref<64x640xf32, #tpu.memory_space<vmem>>
          %gather3A_722 = tpu.vector_load_idx %gather3A_721[%add3A_717, %select_n3A_147] masked %and3A_143 : memref<64x640xf32, #tpu.memory_space<vmem>>[vector<16xi32>, vector<16xi32>], vector<16xf32>, vector<16xi1>
          tpu.vector_store_idx %arg7[%add3A_717, %add3A_151], %gather3A_722 masked %and3A_143 : memref<64x512xf32, #tpu.memory_space<vmem>>[vector<16xi32>, vector<16xi32>], vector<16xf32>, vector<16xi1>
          %mul3A_723 = arith.constant 0 : i32
          %mul3A_724 = vector.broadcast %mul3A_723 : i32 to vector<16xi32>
          %mul3A_725 = arith.muli %iota3A, %mul3A_724 : vector<16xi32>
          %add3A_726 = arith.constant 52 : i32
          %add3A_727 = vector.broadcast %add3A_726 : i32 to vector<16xi32>
          %add3A_728 = arith.addi %mul3A_725, %add3A_727 : vector<16xi32>
          %gather3A_729 = arith.constant 0 : i32
          %gather3A_730 = arith.constant 0 : i32
          %gather3A_731 = tpu.memref_slice %arg6[%rem3A_89, %gather3A_729, %gather3A_730] : memref<2x64x640xf32, #tpu.memory_space<vmem>> -> memref<1x64x640xf32, #tpu.memory_space<vmem>>
          %gather3A_732 = tpu.memref_squeeze %gather3A_731 : memref<1x64x640xf32, #tpu.memory_space<vmem>> -> memref<64x640xf32, #tpu.memory_space<vmem>>
          %gather3A_733 = tpu.vector_load_idx %gather3A_732[%add3A_728, %select_n3A_147] masked %and3A_143 : memref<64x640xf32, #tpu.memory_space<vmem>>[vector<16xi32>, vector<16xi32>], vector<16xf32>, vector<16xi1>
          tpu.vector_store_idx %arg7[%add3A_728, %add3A_151], %gather3A_733 masked %and3A_143 : memref<64x512xf32, #tpu.memory_space<vmem>>[vector<16xi32>, vector<16xi32>], vector<16xf32>, vector<16xi1>
          %mul3A_734 = arith.constant 0 : i32
          %mul3A_735 = vector.broadcast %mul3A_734 : i32 to vector<16xi32>
          %mul3A_736 = arith.muli %iota3A, %mul3A_735 : vector<16xi32>
          %add3A_737 = arith.constant 53 : i32
          %add3A_738 = vector.broadcast %add3A_737 : i32 to vector<16xi32>
          %add3A_739 = arith.addi %mul3A_736, %add3A_738 : vector<16xi32>
          %gather3A_740 = arith.constant 0 : i32
          %gather3A_741 = arith.constant 0 : i32
          %gather3A_742 = tpu.memref_slice %arg6[%rem3A_89, %gather3A_740, %gather3A_741] : memref<2x64x640xf32, #tpu.memory_space<vmem>> -> memref<1x64x640xf32, #tpu.memory_space<vmem>>
          %gather3A_743 = tpu.memref_squeeze %gather3A_742 : memref<1x64x640xf32, #tpu.memory_space<vmem>> -> memref<64x640xf32, #tpu.memory_space<vmem>>
          %gather3A_744 = tpu.vector_load_idx %gather3A_743[%add3A_739, %select_n3A_147] masked %and3A_143 : memref<64x640xf32, #tpu.memory_space<vmem>>[vector<16xi32>, vector<16xi32>], vector<16xf32>, vector<16xi1>
          tpu.vector_store_idx %arg7[%add3A_739, %add3A_151], %gather3A_744 masked %and3A_143 : memref<64x512xf32, #tpu.memory_space<vmem>>[vector<16xi32>, vector<16xi32>], vector<16xf32>, vector<16xi1>
          %mul3A_745 = arith.constant 0 : i32
          %mul3A_746 = vector.broadcast %mul3A_745 : i32 to vector<16xi32>
          %mul3A_747 = arith.muli %iota3A, %mul3A_746 : vector<16xi32>
          %add3A_748 = arith.constant 54 : i32
          %add3A_749 = vector.broadcast %add3A_748 : i32 to vector<16xi32>
          %add3A_750 = arith.addi %mul3A_747, %add3A_749 : vector<16xi32>
          %gather3A_751 = arith.constant 0 : i32
          %gather3A_752 = arith.constant 0 : i32
          %gather3A_753 = tpu.memref_slice %arg6[%rem3A_89, %gather3A_751, %gather3A_752] : memref<2x64x640xf32, #tpu.memory_space<vmem>> -> memref<1x64x640xf32, #tpu.memory_space<vmem>>
          %gather3A_754 = tpu.memref_squeeze %gather3A_753 : memref<1x64x640xf32, #tpu.memory_space<vmem>> -> memref<64x640xf32, #tpu.memory_space<vmem>>
          %gather3A_755 = tpu.vector_load_idx %gather3A_754[%add3A_750, %select_n3A_147] masked %and3A_143 : memref<64x640xf32, #tpu.memory_space<vmem>>[vector<16xi32>, vector<16xi32>], vector<16xf32>, vector<16xi1>
          tpu.vector_store_idx %arg7[%add3A_750, %add3A_151], %gather3A_755 masked %and3A_143 : memref<64x512xf32, #tpu.memory_space<vmem>>[vector<16xi32>, vector<16xi32>], vector<16xf32>, vector<16xi1>
          %mul3A_756 = arith.constant 0 : i32
          %mul3A_757 = vector.broadcast %mul3A_756 : i32 to vector<16xi32>
          %mul3A_758 = arith.muli %iota3A, %mul3A_757 : vector<16xi32>
          %add3A_759 = arith.constant 55 : i32
          %add3A_760 = vector.broadcast %add3A_759 : i32 to vector<16xi32>
          %add3A_761 = arith.addi %mul3A_758, %add3A_760 : vector<16xi32>
          %gather3A_762 = arith.constant 0 : i32
          %gather3A_763 = arith.constant 0 : i32
          %gather3A_764 = tpu.memref_slice %arg6[%rem3A_89, %gather3A_762, %gather3A_763] : memref<2x64x640xf32, #tpu.memory_space<vmem>> -> memref<1x64x640xf32, #tpu.memory_space<vmem>>
          %gather3A_765 = tpu.memref_squeeze %gather3A_764 : memref<1x64x640xf32, #tpu.memory_space<vmem>> -> memref<64x640xf32, #tpu.memory_space<vmem>>
          %gather3A_766 = tpu.vector_load_idx %gather3A_765[%add3A_761, %select_n3A_147] masked %and3A_143 : memref<64x640xf32, #tpu.memory_space<vmem>>[vector<16xi32>, vector<16xi32>], vector<16xf32>, vector<16xi1>
          tpu.vector_store_idx %arg7[%add3A_761, %add3A_151], %gather3A_766 masked %and3A_143 : memref<64x512xf32, #tpu.memory_space<vmem>>[vector<16xi32>, vector<16xi32>], vector<16xf32>, vector<16xi1>
          %mul3A_767 = arith.constant 0 : i32
          %mul3A_768 = vector.broadcast %mul3A_767 : i32 to vector<16xi32>
          %mul3A_769 = arith.muli %iota3A, %mul3A_768 : vector<16xi32>
          %add3A_770 = arith.constant 56 : i32
          %add3A_771 = vector.broadcast %add3A_770 : i32 to vector<16xi32>
          %add3A_772 = arith.addi %mul3A_769, %add3A_771 : vector<16xi32>
          %gather3A_773 = arith.constant 0 : i32
          %gather3A_774 = arith.constant 0 : i32
          %gather3A_775 = tpu.memref_slice %arg6[%rem3A_89, %gather3A_773, %gather3A_774] : memref<2x64x640xf32, #tpu.memory_space<vmem>> -> memref<1x64x640xf32, #tpu.memory_space<vmem>>
          %gather3A_776 = tpu.memref_squeeze %gather3A_775 : memref<1x64x640xf32, #tpu.memory_space<vmem>> -> memref<64x640xf32, #tpu.memory_space<vmem>>
          %gather3A_777 = tpu.vector_load_idx %gather3A_776[%add3A_772, %select_n3A_147] masked %and3A_143 : memref<64x640xf32, #tpu.memory_space<vmem>>[vector<16xi32>, vector<16xi32>], vector<16xf32>, vector<16xi1>
          tpu.vector_store_idx %arg7[%add3A_772, %add3A_151], %gather3A_777 masked %and3A_143 : memref<64x512xf32, #tpu.memory_space<vmem>>[vector<16xi32>, vector<16xi32>], vector<16xf32>, vector<16xi1>
          %mul3A_778 = arith.constant 0 : i32
          %mul3A_779 = vector.broadcast %mul3A_778 : i32 to vector<16xi32>
          %mul3A_780 = arith.muli %iota3A, %mul3A_779 : vector<16xi32>
          %add3A_781 = arith.constant 57 : i32
          %add3A_782 = vector.broadcast %add3A_781 : i32 to vector<16xi32>
          %add3A_783 = arith.addi %mul3A_780, %add3A_782 : vector<16xi32>
          %gather3A_784 = arith.constant 0 : i32
          %gather3A_785 = arith.constant 0 : i32
          %gather3A_786 = tpu.memref_slice %arg6[%rem3A_89, %gather3A_784, %gather3A_785] : memref<2x64x640xf32, #tpu.memory_space<vmem>> -> memref<1x64x640xf32, #tpu.memory_space<vmem>>
          %gather3A_787 = tpu.memref_squeeze %gather3A_786 : memref<1x64x640xf32, #tpu.memory_space<vmem>> -> memref<64x640xf32, #tpu.memory_space<vmem>>
          %gather3A_788 = tpu.vector_load_idx %gather3A_787[%add3A_783, %select_n3A_147] masked %and3A_143 : memref<64x640xf32, #tpu.memory_space<vmem>>[vector<16xi32>, vector<16xi32>], vector<16xf32>, vector<16xi1>
          tpu.vector_store_idx %arg7[%add3A_783, %add3A_151], %gather3A_788 masked %and3A_143 : memref<64x512xf32, #tpu.memory_space<vmem>>[vector<16xi32>, vector<16xi32>], vector<16xf32>, vector<16xi1>
          %mul3A_789 = arith.constant 0 : i32
          %mul3A_790 = vector.broadcast %mul3A_789 : i32 to vector<16xi32>
          %mul3A_791 = arith.muli %iota3A, %mul3A_790 : vector<16xi32>
          %add3A_792 = arith.constant 58 : i32
          %add3A_793 = vector.broadcast %add3A_792 : i32 to vector<16xi32>
          %add3A_794 = arith.addi %mul3A_791, %add3A_793 : vector<16xi32>
          %gather3A_795 = arith.constant 0 : i32
          %gather3A_796 = arith.constant 0 : i32
          %gather3A_797 = tpu.memref_slice %arg6[%rem3A_89, %gather3A_795, %gather3A_796] : memref<2x64x640xf32, #tpu.memory_space<vmem>> -> memref<1x64x640xf32, #tpu.memory_space<vmem>>
          %gather3A_798 = tpu.memref_squeeze %gather3A_797 : memref<1x64x640xf32, #tpu.memory_space<vmem>> -> memref<64x640xf32, #tpu.memory_space<vmem>>
          %gather3A_799 = tpu.vector_load_idx %gather3A_798[%add3A_794, %select_n3A_147] masked %and3A_143 : memref<64x640xf32, #tpu.memory_space<vmem>>[vector<16xi32>, vector<16xi32>], vector<16xf32>, vector<16xi1>
          tpu.vector_store_idx %arg7[%add3A_794, %add3A_151], %gather3A_799 masked %and3A_143 : memref<64x512xf32, #tpu.memory_space<vmem>>[vector<16xi32>, vector<16xi32>], vector<16xf32>, vector<16xi1>
          %mul3A_800 = arith.constant 0 : i32
          %mul3A_801 = vector.broadcast %mul3A_800 : i32 to vector<16xi32>
          %mul3A_802 = arith.muli %iota3A, %mul3A_801 : vector<16xi32>
          %add3A_803 = arith.constant 59 : i32
          %add3A_804 = vector.broadcast %add3A_803 : i32 to vector<16xi32>
          %add3A_805 = arith.addi %mul3A_802, %add3A_804 : vector<16xi32>
          %gather3A_806 = arith.constant 0 : i32
          %gather3A_807 = arith.constant 0 : i32
          %gather3A_808 = tpu.memref_slice %arg6[%rem3A_89, %gather3A_806, %gather3A_807] : memref<2x64x640xf32, #tpu.memory_space<vmem>> -> memref<1x64x640xf32, #tpu.memory_space<vmem>>
          %gather3A_809 = tpu.memref_squeeze %gather3A_808 : memref<1x64x640xf32, #tpu.memory_space<vmem>> -> memref<64x640xf32, #tpu.memory_space<vmem>>
          %gather3A_810 = tpu.vector_load_idx %gather3A_809[%add3A_805, %select_n3A_147] masked %and3A_143 : memref<64x640xf32, #tpu.memory_space<vmem>>[vector<16xi32>, vector<16xi32>], vector<16xf32>, vector<16xi1>
          tpu.vector_store_idx %arg7[%add3A_805, %add3A_151], %gather3A_810 masked %and3A_143 : memref<64x512xf32, #tpu.memory_space<vmem>>[vector<16xi32>, vector<16xi32>], vector<16xf32>, vector<16xi1>
          %mul3A_811 = arith.constant 0 : i32
          %mul3A_812 = vector.broadcast %mul3A_811 : i32 to vector<16xi32>
          %mul3A_813 = arith.muli %iota3A, %mul3A_812 : vector<16xi32>
          %add3A_814 = arith.constant 60 : i32
          %add3A_815 = vector.broadcast %add3A_814 : i32 to vector<16xi32>
          %add3A_816 = arith.addi %mul3A_813, %add3A_815 : vector<16xi32>
          %gather3A_817 = arith.constant 0 : i32
          %gather3A_818 = arith.constant 0 : i32
          %gather3A_819 = tpu.memref_slice %arg6[%rem3A_89, %gather3A_817, %gather3A_818] : memref<2x64x640xf32, #tpu.memory_space<vmem>> -> memref<1x64x640xf32, #tpu.memory_space<vmem>>
          %gather3A_820 = tpu.memref_squeeze %gather3A_819 : memref<1x64x640xf32, #tpu.memory_space<vmem>> -> memref<64x640xf32, #tpu.memory_space<vmem>>
          %gather3A_821 = tpu.vector_load_idx %gather3A_820[%add3A_816, %select_n3A_147] masked %and3A_143 : memref<64x640xf32, #tpu.memory_space<vmem>>[vector<16xi32>, vector<16xi32>], vector<16xf32>, vector<16xi1>
          tpu.vector_store_idx %arg7[%add3A_816, %add3A_151], %gather3A_821 masked %and3A_143 : memref<64x512xf32, #tpu.memory_space<vmem>>[vector<16xi32>, vector<16xi32>], vector<16xf32>, vector<16xi1>
          %mul3A_822 = arith.constant 0 : i32
          %mul3A_823 = vector.broadcast %mul3A_822 : i32 to vector<16xi32>
          %mul3A_824 = arith.muli %iota3A, %mul3A_823 : vector<16xi32>
          %add3A_825 = arith.constant 61 : i32
          %add3A_826 = vector.broadcast %add3A_825 : i32 to vector<16xi32>
          %add3A_827 = arith.addi %mul3A_824, %add3A_826 : vector<16xi32>
          %gather3A_828 = arith.constant 0 : i32
          %gather3A_829 = arith.constant 0 : i32
          %gather3A_830 = tpu.memref_slice %arg6[%rem3A_89, %gather3A_828, %gather3A_829] : memref<2x64x640xf32, #tpu.memory_space<vmem>> -> memref<1x64x640xf32, #tpu.memory_space<vmem>>
          %gather3A_831 = tpu.memref_squeeze %gather3A_830 : memref<1x64x640xf32, #tpu.memory_space<vmem>> -> memref<64x640xf32, #tpu.memory_space<vmem>>
          %gather3A_832 = tpu.vector_load_idx %gather3A_831[%add3A_827, %select_n3A_147] masked %and3A_143 : memref<64x640xf32, #tpu.memory_space<vmem>>[vector<16xi32>, vector<16xi32>], vector<16xf32>, vector<16xi1>
          tpu.vector_store_idx %arg7[%add3A_827, %add3A_151], %gather3A_832 masked %and3A_143 : memref<64x512xf32, #tpu.memory_space<vmem>>[vector<16xi32>, vector<16xi32>], vector<16xf32>, vector<16xi1>
          %mul3A_833 = arith.constant 0 : i32
          %mul3A_834 = vector.broadcast %mul3A_833 : i32 to vector<16xi32>
          %mul3A_835 = arith.muli %iota3A, %mul3A_834 : vector<16xi32>
          %add3A_836 = arith.constant 62 : i32
          %add3A_837 = vector.broadcast %add3A_836 : i32 to vector<16xi32>
          %add3A_838 = arith.addi %mul3A_835, %add3A_837 : vector<16xi32>
          %gather3A_839 = arith.constant 0 : i32
          %gather3A_840 = arith.constant 0 : i32
          %gather3A_841 = tpu.memref_slice %arg6[%rem3A_89, %gather3A_839, %gather3A_840] : memref<2x64x640xf32, #tpu.memory_space<vmem>> -> memref<1x64x640xf32, #tpu.memory_space<vmem>>
          %gather3A_842 = tpu.memref_squeeze %gather3A_841 : memref<1x64x640xf32, #tpu.memory_space<vmem>> -> memref<64x640xf32, #tpu.memory_space<vmem>>
          %gather3A_843 = tpu.vector_load_idx %gather3A_842[%add3A_838, %select_n3A_147] masked %and3A_143 : memref<64x640xf32, #tpu.memory_space<vmem>>[vector<16xi32>, vector<16xi32>], vector<16xf32>, vector<16xi1>
          tpu.vector_store_idx %arg7[%add3A_838, %add3A_151], %gather3A_843 masked %and3A_143 : memref<64x512xf32, #tpu.memory_space<vmem>>[vector<16xi32>, vector<16xi32>], vector<16xf32>, vector<16xi1>
          %mul3A_844 = arith.constant 0 : i32
          %mul3A_845 = vector.broadcast %mul3A_844 : i32 to vector<16xi32>
          %mul3A_846 = arith.muli %iota3A, %mul3A_845 : vector<16xi32>
          %add3A_847 = arith.constant 63 : i32
          %add3A_848 = vector.broadcast %add3A_847 : i32 to vector<16xi32>
          %add3A_849 = arith.addi %mul3A_846, %add3A_848 : vector<16xi32>
          %gather3A_850 = arith.constant 0 : i32
          %gather3A_851 = arith.constant 0 : i32
          %gather3A_852 = tpu.memref_slice %arg6[%rem3A_89, %gather3A_850, %gather3A_851] : memref<2x64x640xf32, #tpu.memory_space<vmem>> -> memref<1x64x640xf32, #tpu.memory_space<vmem>>
          %gather3A_853 = tpu.memref_squeeze %gather3A_852 : memref<1x64x640xf32, #tpu.memory_space<vmem>> -> memref<64x640xf32, #tpu.memory_space<vmem>>
          %gather3A_854 = tpu.vector_load_idx %gather3A_853[%add3A_849, %select_n3A_147] masked %and3A_143 : memref<64x640xf32, #tpu.memory_space<vmem>>[vector<16xi32>, vector<16xi32>], vector<16xf32>, vector<16xi1>
          tpu.vector_store_idx %arg7[%add3A_849, %add3A_151], %gather3A_854 masked %and3A_143 : memref<64x512xf32, #tpu.memory_space<vmem>>[vector<16xi32>, vector<16xi32>], vector<16xf32>, vector<16xi1>
        } else {
        }
      }
      %scan3A_113 = arith.constant 32 : i32
    }
    "tpu.region"() ({
      %run_scoped3A = tpu.sem_alloc : memref<!tpu.dma_semaphore, #tpu.memory_space<semaphore_mem>>
      %dma_start3A_84 = arith.constant 0 : i32
      %dma_start3A_85 = arith.constant 0 : i32
      %dma_start3A_86 = tpu.memref_slice %arg4[%add3A, %dma_start3A_84, %dma_start3A_85] : memref<32x64x512xf32, #tpu.memory_space<hbm>> -> memref<1x64x512xf32, #tpu.memory_space<hbm>>
      %dma_start3A_87 = tpu.memref_squeeze %dma_start3A_86 : memref<1x64x512xf32, #tpu.memory_space<hbm>> -> memref<64x512xf32, #tpu.memory_space<hbm>>
      %dma_start3A_88 = arith.constant 0 : i32
      %dma_start3A_89 = arith.constant 0 : i32
      %dma_start3A_90 = tpu.memref_slice %arg4[%add3A, %dma_start3A_88, %dma_start3A_89] : memref<32x64x512xf32, #tpu.memory_space<hbm>> -> memref<1x64x512xf32, #tpu.memory_space<hbm>>
      %dma_start3A_91 = tpu.memref_squeeze %dma_start3A_90 : memref<1x64x512xf32, #tpu.memory_space<hbm>> -> memref<64x512xf32, #tpu.memory_space<hbm>>
      tpu.enqueue_dma source(%arg7 : memref<64x512xf32, #tpu.memory_space<vmem>>) target(%dma_start3A_91 : memref<64x512xf32, #tpu.memory_space<hbm>>) target_semaphore(%run_scoped3A : memref<!tpu.dma_semaphore, #tpu.memory_space<semaphore_mem>>)
      %dma_wait3A = arith.constant 0 : i32
      %dma_wait3A_92 = arith.constant 0 : i32
      %dma_wait3A_93 = tpu.memref_slice %arg4[%add3A, %dma_wait3A, %dma_wait3A_92] : memref<32x64x512xf32, #tpu.memory_space<hbm>> -> memref<1x64x512xf32, #tpu.memory_space<hbm>>
      %dma_wait3A_94 = tpu.memref_squeeze %dma_wait3A_93 : memref<1x64x512xf32, #tpu.memory_space<hbm>> -> memref<64x512xf32, #tpu.memory_space<hbm>>
      %dma_wait3A_95 = arith.constant 0 : i32
      %dma_wait3A_96 = arith.constant 0 : i32
      %dma_wait3A_97 = tpu.memref_slice %arg4[%add3A, %dma_wait3A_95, %dma_wait3A_96] : memref<32x64x512xf32, #tpu.memory_space<hbm>> -> memref<1x64x512xf32, #tpu.memory_space<hbm>>
      %dma_wait3A_98 = tpu.memref_squeeze %dma_wait3A_97 : memref<1x64x512xf32, #tpu.memory_space<hbm>> -> memref<64x512xf32, #tpu.memory_space<hbm>>
      tpu.wait_dma2 semaphore(%run_scoped3A : memref<!tpu.dma_semaphore, #tpu.memory_space<semaphore_mem>>) src(%arg7 : memref<64x512xf32, #tpu.memory_space<vmem>>) dst(%dma_wait3A_98 : memref<64x512xf32, #tpu.memory_space<hbm>>)
      tpu.yield
    }) : () -> ()
    return
  }
}

#map = affine_map<(d0, d1) -> (0, 0)>
#map1 = affine_map<(d0, d1) -> (0, 0, 0)>
module attributes {stable_mosaic.version = 14 : i64} {
  func.func @movie_gather(%arg0: i32, %arg1: i32, %arg2: memref<32x512xi32, #tpu.memory_space<hbm>>, %arg3: memref<100000x64xf32, #tpu.memory_space<hbm>>, %arg4: memref<32x64x512xf32, #tpu.memory_space<hbm>>, %arg5: memref<512xi32, #tpu.memory_space<vmem>>, %arg6: memref<512x64xf32, #tpu.memory_space<vmem>>, %arg7: memref<64x512xf32, #tpu.memory_space<vmem>>, %arg8: memref<!tpu.dma_semaphore, #tpu.memory_space<semaphore_mem>>) attributes {dimension_semantics = [#tpu.dimension_semantics<core_parallel>, #tpu.dimension_semantics<subcore_parallel>], iteration_bounds = array<i64: 2, 16>, scalar_prefetch = 0 : i64, scratch_operands = 4 : i64, tpu.core_type = #tpu.core_type<sc_vector_subcore>, window_params = [{transform_indices = #map}, {transform_indices = #map}, {transform_indices = #map1}]} {
    %mul3A = arith.constant 2 : i32
    %mul3A_0 = arith.muli %arg1, %mul3A : i32
    %add3A = arith.addi %mul3A_0, %arg0 : i32
    "tpu.region"() ({
      %run_scoped3A = tpu.sem_alloc : memref<!tpu.dma_semaphore, #tpu.memory_space<semaphore_mem>>
      %dma_start3A_10 = arith.constant 0 : i32
      %dma_start3A_11 = tpu.memref_slice %arg2[%add3A, %dma_start3A_10] : memref<32x512xi32, #tpu.memory_space<hbm>> -> memref<1x512xi32, #tpu.memory_space<hbm>>
      %dma_start3A_12 = tpu.memref_squeeze %dma_start3A_11 : memref<1x512xi32, #tpu.memory_space<hbm>> -> memref<512xi32, #tpu.memory_space<hbm>>
      %dma_start3A_13 = arith.constant 0 : i32
      %dma_start3A_14 = tpu.memref_slice %arg2[%add3A, %dma_start3A_13] : memref<32x512xi32, #tpu.memory_space<hbm>> -> memref<1x512xi32, #tpu.memory_space<hbm>>
      %dma_start3A_15 = tpu.memref_squeeze %dma_start3A_14 : memref<1x512xi32, #tpu.memory_space<hbm>> -> memref<512xi32, #tpu.memory_space<hbm>>
      tpu.enqueue_dma source(%dma_start3A_15 : memref<512xi32, #tpu.memory_space<hbm>>) target(%arg5 : memref<512xi32, #tpu.memory_space<vmem>>) target_semaphore(%run_scoped3A : memref<!tpu.dma_semaphore, #tpu.memory_space<semaphore_mem>>)
      %dma_wait3A_16 = arith.constant 0 : i32
      %dma_wait3A_17 = tpu.memref_slice %arg2[%add3A, %dma_wait3A_16] : memref<32x512xi32, #tpu.memory_space<hbm>> -> memref<1x512xi32, #tpu.memory_space<hbm>>
      %dma_wait3A_18 = tpu.memref_squeeze %dma_wait3A_17 : memref<1x512xi32, #tpu.memory_space<hbm>> -> memref<512xi32, #tpu.memory_space<hbm>>
      %dma_wait3A_19 = arith.constant 0 : i32
      %dma_wait3A_20 = tpu.memref_slice %arg2[%add3A, %dma_wait3A_19] : memref<32x512xi32, #tpu.memory_space<hbm>> -> memref<1x512xi32, #tpu.memory_space<hbm>>
      %dma_wait3A_21 = tpu.memref_squeeze %dma_wait3A_20 : memref<1x512xi32, #tpu.memory_space<hbm>> -> memref<512xi32, #tpu.memory_space<hbm>>
      tpu.wait_dma2 semaphore(%run_scoped3A : memref<!tpu.dma_semaphore, #tpu.memory_space<semaphore_mem>>) src(%dma_wait3A_21 : memref<512xi32, #tpu.memory_space<hbm>>) dst(%arg5 : memref<512xi32, #tpu.memory_space<vmem>>)
      tpu.yield
    }) : () -> ()
    %dma_start3A = arith.constant 0 : i32
    %dma_start3A_1 = arith.constant 0 : i32
    %dma_start3A_2 = tpu.memref_slice %arg3[%dma_start3A, %dma_start3A_1] : memref<100000x64xf32, #tpu.memory_space<hbm>> -> memref<100000x64xf32, #tpu.memory_space<hbm>>
    tpu.enqueue_indirect_dma source(%dma_start3A_2 : memref<100000x64xf32, #tpu.memory_space<hbm>>) target(%arg6 : memref<512x64xf32, #tpu.memory_space<vmem>>) offsets(%arg5 : memref<512xi32, #tpu.memory_space<vmem>>) semaphore(%arg8 : memref<!tpu.dma_semaphore, #tpu.memory_space<semaphore_mem>>)
    %dma_wait3A = arith.constant 0 : i32
    %dma_wait3A_3 = arith.constant 0 : i32
    %dma_wait3A_4 = tpu.memref_slice %arg3[%dma_wait3A, %dma_wait3A_3] : memref<100000x64xf32, #tpu.memory_space<hbm>> -> memref<100000x64xf32, #tpu.memory_space<hbm>>
    tpu.wait_indirect_dma semaphore(%arg8 : memref<!tpu.dma_semaphore, #tpu.memory_space<semaphore_mem>>) src(%dma_wait3A_4 : memref<100000x64xf32, #tpu.memory_space<hbm>>) dst(%arg6 : memref<512x64xf32, #tpu.memory_space<vmem>>)
    %iota3A = tpu.iota {dimensions = array<i32: 0>} : vector<16xi32>
    %scan3A = arith.constant 0 : i32
    %scan3A_5 = arith.constant 0 : i32
    %scan3A_6 = arith.constant 32 : i32
    %scan3A_7 = arith.addi %scan3A_5, %scan3A_6 : i32
    %scan3A_8 = arith.constant 1 : i32
    scf.for %scan3A_10 = %scan3A_5 to %scan3A_7 step %scan3A_8  : i32 {
      %mul3A_11 = arith.constant 16 : i32
      %mul3A_12 = arith.muli %scan3A_10, %mul3A_11 : i32
      %add3A_13 = vector.broadcast %mul3A_12 : i32 to vector<16xi32>
      %add3A_14 = arith.addi %add3A_13, %iota3A : vector<16xi32>
      %mul3A_15 = arith.constant 0 : i32
      %mul3A_16 = vector.broadcast %mul3A_15 : i32 to vector<16xi32>
      %mul3A_17 = arith.muli %iota3A, %mul3A_16 : vector<16xi32>
      %add3A_18 = arith.constant 0 : i32
      %add3A_19 = vector.broadcast %add3A_18 : i32 to vector<16xi32>
      %add3A_20 = arith.addi %mul3A_17, %add3A_19 : vector<16xi32>
      %gather3A = tpu.vector_load_idx %arg6[%add3A_14, %add3A_20] : memref<512x64xf32, #tpu.memory_space<vmem>>[vector<16xi32>, vector<16xi32>], vector<16xf32>,
      tpu.vector_store_idx %arg7[%add3A_20, %add3A_14], %gather3A : memref<64x512xf32, #tpu.memory_space<vmem>>[vector<16xi32>, vector<16xi32>], vector<16xf32>,
      %mul3A_21 = arith.constant 0 : i32
      %mul3A_22 = vector.broadcast %mul3A_21 : i32 to vector<16xi32>
      %mul3A_23 = arith.muli %iota3A, %mul3A_22 : vector<16xi32>
      %add3A_24 = arith.constant 1 : i32
      %add3A_25 = vector.broadcast %add3A_24 : i32 to vector<16xi32>
      %add3A_26 = arith.addi %mul3A_23, %add3A_25 : vector<16xi32>
      %gather3A_27 = tpu.vector_load_idx %arg6[%add3A_14, %add3A_26] : memref<512x64xf32, #tpu.memory_space<vmem>>[vector<16xi32>, vector<16xi32>], vector<16xf32>,
      tpu.vector_store_idx %arg7[%add3A_26, %add3A_14], %gather3A_27 : memref<64x512xf32, #tpu.memory_space<vmem>>[vector<16xi32>, vector<16xi32>], vector<16xf32>,
      %mul3A_28 = arith.constant 0 : i32
      %mul3A_29 = vector.broadcast %mul3A_28 : i32 to vector<16xi32>
      %mul3A_30 = arith.muli %iota3A, %mul3A_29 : vector<16xi32>
      %add3A_31 = arith.constant 2 : i32
      %add3A_32 = vector.broadcast %add3A_31 : i32 to vector<16xi32>
      %add3A_33 = arith.addi %mul3A_30, %add3A_32 : vector<16xi32>
      %gather3A_34 = tpu.vector_load_idx %arg6[%add3A_14, %add3A_33] : memref<512x64xf32, #tpu.memory_space<vmem>>[vector<16xi32>, vector<16xi32>], vector<16xf32>,
      tpu.vector_store_idx %arg7[%add3A_33, %add3A_14], %gather3A_34 : memref<64x512xf32, #tpu.memory_space<vmem>>[vector<16xi32>, vector<16xi32>], vector<16xf32>,
      %mul3A_35 = arith.constant 0 : i32
      %mul3A_36 = vector.broadcast %mul3A_35 : i32 to vector<16xi32>
      %mul3A_37 = arith.muli %iota3A, %mul3A_36 : vector<16xi32>
      %add3A_38 = arith.constant 3 : i32
      %add3A_39 = vector.broadcast %add3A_38 : i32 to vector<16xi32>
      %add3A_40 = arith.addi %mul3A_37, %add3A_39 : vector<16xi32>
      %gather3A_41 = tpu.vector_load_idx %arg6[%add3A_14, %add3A_40] : memref<512x64xf32, #tpu.memory_space<vmem>>[vector<16xi32>, vector<16xi32>], vector<16xf32>,
      tpu.vector_store_idx %arg7[%add3A_40, %add3A_14], %gather3A_41 : memref<64x512xf32, #tpu.memory_space<vmem>>[vector<16xi32>, vector<16xi32>], vector<16xf32>,
      %mul3A_42 = arith.constant 0 : i32
      %mul3A_43 = vector.broadcast %mul3A_42 : i32 to vector<16xi32>
      %mul3A_44 = arith.muli %iota3A, %mul3A_43 : vector<16xi32>
      %add3A_45 = arith.constant 4 : i32
      %add3A_46 = vector.broadcast %add3A_45 : i32 to vector<16xi32>
      %add3A_47 = arith.addi %mul3A_44, %add3A_46 : vector<16xi32>
      %gather3A_48 = tpu.vector_load_idx %arg6[%add3A_14, %add3A_47] : memref<512x64xf32, #tpu.memory_space<vmem>>[vector<16xi32>, vector<16xi32>], vector<16xf32>,
      tpu.vector_store_idx %arg7[%add3A_47, %add3A_14], %gather3A_48 : memref<64x512xf32, #tpu.memory_space<vmem>>[vector<16xi32>, vector<16xi32>], vector<16xf32>,
      %mul3A_49 = arith.constant 0 : i32
      %mul3A_50 = vector.broadcast %mul3A_49 : i32 to vector<16xi32>
      %mul3A_51 = arith.muli %iota3A, %mul3A_50 : vector<16xi32>
      %add3A_52 = arith.constant 5 : i32
      %add3A_53 = vector.broadcast %add3A_52 : i32 to vector<16xi32>
      %add3A_54 = arith.addi %mul3A_51, %add3A_53 : vector<16xi32>
      %gather3A_55 = tpu.vector_load_idx %arg6[%add3A_14, %add3A_54] : memref<512x64xf32, #tpu.memory_space<vmem>>[vector<16xi32>, vector<16xi32>], vector<16xf32>,
      tpu.vector_store_idx %arg7[%add3A_54, %add3A_14], %gather3A_55 : memref<64x512xf32, #tpu.memory_space<vmem>>[vector<16xi32>, vector<16xi32>], vector<16xf32>,
      %mul3A_56 = arith.constant 0 : i32
      %mul3A_57 = vector.broadcast %mul3A_56 : i32 to vector<16xi32>
      %mul3A_58 = arith.muli %iota3A, %mul3A_57 : vector<16xi32>
      %add3A_59 = arith.constant 6 : i32
      %add3A_60 = vector.broadcast %add3A_59 : i32 to vector<16xi32>
      %add3A_61 = arith.addi %mul3A_58, %add3A_60 : vector<16xi32>
      %gather3A_62 = tpu.vector_load_idx %arg6[%add3A_14, %add3A_61] : memref<512x64xf32, #tpu.memory_space<vmem>>[vector<16xi32>, vector<16xi32>], vector<16xf32>,
      tpu.vector_store_idx %arg7[%add3A_61, %add3A_14], %gather3A_62 : memref<64x512xf32, #tpu.memory_space<vmem>>[vector<16xi32>, vector<16xi32>], vector<16xf32>,
      %mul3A_63 = arith.constant 0 : i32
      %mul3A_64 = vector.broadcast %mul3A_63 : i32 to vector<16xi32>
      %mul3A_65 = arith.muli %iota3A, %mul3A_64 : vector<16xi32>
      %add3A_66 = arith.constant 7 : i32
      %add3A_67 = vector.broadcast %add3A_66 : i32 to vector<16xi32>
      %add3A_68 = arith.addi %mul3A_65, %add3A_67 : vector<16xi32>
      %gather3A_69 = tpu.vector_load_idx %arg6[%add3A_14, %add3A_68] : memref<512x64xf32, #tpu.memory_space<vmem>>[vector<16xi32>, vector<16xi32>], vector<16xf32>,
      tpu.vector_store_idx %arg7[%add3A_68, %add3A_14], %gather3A_69 : memref<64x512xf32, #tpu.memory_space<vmem>>[vector<16xi32>, vector<16xi32>], vector<16xf32>,
      %mul3A_70 = arith.constant 0 : i32
      %mul3A_71 = vector.broadcast %mul3A_70 : i32 to vector<16xi32>
      %mul3A_72 = arith.muli %iota3A, %mul3A_71 : vector<16xi32>
      %add3A_73 = arith.constant 8 : i32
      %add3A_74 = vector.broadcast %add3A_73 : i32 to vector<16xi32>
      %add3A_75 = arith.addi %mul3A_72, %add3A_74 : vector<16xi32>
      %gather3A_76 = tpu.vector_load_idx %arg6[%add3A_14, %add3A_75] : memref<512x64xf32, #tpu.memory_space<vmem>>[vector<16xi32>, vector<16xi32>], vector<16xf32>,
      tpu.vector_store_idx %arg7[%add3A_75, %add3A_14], %gather3A_76 : memref<64x512xf32, #tpu.memory_space<vmem>>[vector<16xi32>, vector<16xi32>], vector<16xf32>,
      %mul3A_77 = arith.constant 0 : i32
      %mul3A_78 = vector.broadcast %mul3A_77 : i32 to vector<16xi32>
      %mul3A_79 = arith.muli %iota3A, %mul3A_78 : vector<16xi32>
      %add3A_80 = arith.constant 9 : i32
      %add3A_81 = vector.broadcast %add3A_80 : i32 to vector<16xi32>
      %add3A_82 = arith.addi %mul3A_79, %add3A_81 : vector<16xi32>
      %gather3A_83 = tpu.vector_load_idx %arg6[%add3A_14, %add3A_82] : memref<512x64xf32, #tpu.memory_space<vmem>>[vector<16xi32>, vector<16xi32>], vector<16xf32>,
      tpu.vector_store_idx %arg7[%add3A_82, %add3A_14], %gather3A_83 : memref<64x512xf32, #tpu.memory_space<vmem>>[vector<16xi32>, vector<16xi32>], vector<16xf32>,
      %mul3A_84 = arith.constant 0 : i32
      %mul3A_85 = vector.broadcast %mul3A_84 : i32 to vector<16xi32>
      %mul3A_86 = arith.muli %iota3A, %mul3A_85 : vector<16xi32>
      %add3A_87 = arith.constant 10 : i32
      %add3A_88 = vector.broadcast %add3A_87 : i32 to vector<16xi32>
      %add3A_89 = arith.addi %mul3A_86, %add3A_88 : vector<16xi32>
      %gather3A_90 = tpu.vector_load_idx %arg6[%add3A_14, %add3A_89] : memref<512x64xf32, #tpu.memory_space<vmem>>[vector<16xi32>, vector<16xi32>], vector<16xf32>,
      tpu.vector_store_idx %arg7[%add3A_89, %add3A_14], %gather3A_90 : memref<64x512xf32, #tpu.memory_space<vmem>>[vector<16xi32>, vector<16xi32>], vector<16xf32>,
      %mul3A_91 = arith.constant 0 : i32
      %mul3A_92 = vector.broadcast %mul3A_91 : i32 to vector<16xi32>
      %mul3A_93 = arith.muli %iota3A, %mul3A_92 : vector<16xi32>
      %add3A_94 = arith.constant 11 : i32
      %add3A_95 = vector.broadcast %add3A_94 : i32 to vector<16xi32>
      %add3A_96 = arith.addi %mul3A_93, %add3A_95 : vector<16xi32>
      %gather3A_97 = tpu.vector_load_idx %arg6[%add3A_14, %add3A_96] : memref<512x64xf32, #tpu.memory_space<vmem>>[vector<16xi32>, vector<16xi32>], vector<16xf32>,
      tpu.vector_store_idx %arg7[%add3A_96, %add3A_14], %gather3A_97 : memref<64x512xf32, #tpu.memory_space<vmem>>[vector<16xi32>, vector<16xi32>], vector<16xf32>,
      %mul3A_98 = arith.constant 0 : i32
      %mul3A_99 = vector.broadcast %mul3A_98 : i32 to vector<16xi32>
      %mul3A_100 = arith.muli %iota3A, %mul3A_99 : vector<16xi32>
      %add3A_101 = arith.constant 12 : i32
      %add3A_102 = vector.broadcast %add3A_101 : i32 to vector<16xi32>
      %add3A_103 = arith.addi %mul3A_100, %add3A_102 : vector<16xi32>
      %gather3A_104 = tpu.vector_load_idx %arg6[%add3A_14, %add3A_103] : memref<512x64xf32, #tpu.memory_space<vmem>>[vector<16xi32>, vector<16xi32>], vector<16xf32>,
      tpu.vector_store_idx %arg7[%add3A_103, %add3A_14], %gather3A_104 : memref<64x512xf32, #tpu.memory_space<vmem>>[vector<16xi32>, vector<16xi32>], vector<16xf32>,
      %mul3A_105 = arith.constant 0 : i32
      %mul3A_106 = vector.broadcast %mul3A_105 : i32 to vector<16xi32>
      %mul3A_107 = arith.muli %iota3A, %mul3A_106 : vector<16xi32>
      %add3A_108 = arith.constant 13 : i32
      %add3A_109 = vector.broadcast %add3A_108 : i32 to vector<16xi32>
      %add3A_110 = arith.addi %mul3A_107, %add3A_109 : vector<16xi32>
      %gather3A_111 = tpu.vector_load_idx %arg6[%add3A_14, %add3A_110] : memref<512x64xf32, #tpu.memory_space<vmem>>[vector<16xi32>, vector<16xi32>], vector<16xf32>,
      tpu.vector_store_idx %arg7[%add3A_110, %add3A_14], %gather3A_111 : memref<64x512xf32, #tpu.memory_space<vmem>>[vector<16xi32>, vector<16xi32>], vector<16xf32>,
      %mul3A_112 = arith.constant 0 : i32
      %mul3A_113 = vector.broadcast %mul3A_112 : i32 to vector<16xi32>
      %mul3A_114 = arith.muli %iota3A, %mul3A_113 : vector<16xi32>
      %add3A_115 = arith.constant 14 : i32
      %add3A_116 = vector.broadcast %add3A_115 : i32 to vector<16xi32>
      %add3A_117 = arith.addi %mul3A_114, %add3A_116 : vector<16xi32>
      %gather3A_118 = tpu.vector_load_idx %arg6[%add3A_14, %add3A_117] : memref<512x64xf32, #tpu.memory_space<vmem>>[vector<16xi32>, vector<16xi32>], vector<16xf32>,
      tpu.vector_store_idx %arg7[%add3A_117, %add3A_14], %gather3A_118 : memref<64x512xf32, #tpu.memory_space<vmem>>[vector<16xi32>, vector<16xi32>], vector<16xf32>,
      %mul3A_119 = arith.constant 0 : i32
      %mul3A_120 = vector.broadcast %mul3A_119 : i32 to vector<16xi32>
      %mul3A_121 = arith.muli %iota3A, %mul3A_120 : vector<16xi32>
      %add3A_122 = arith.constant 15 : i32
      %add3A_123 = vector.broadcast %add3A_122 : i32 to vector<16xi32>
      %add3A_124 = arith.addi %mul3A_121, %add3A_123 : vector<16xi32>
      %gather3A_125 = tpu.vector_load_idx %arg6[%add3A_14, %add3A_124] : memref<512x64xf32, #tpu.memory_space<vmem>>[vector<16xi32>, vector<16xi32>], vector<16xf32>,
      tpu.vector_store_idx %arg7[%add3A_124, %add3A_14], %gather3A_125 : memref<64x512xf32, #tpu.memory_space<vmem>>[vector<16xi32>, vector<16xi32>], vector<16xf32>,
      %mul3A_126 = arith.constant 0 : i32
      %mul3A_127 = vector.broadcast %mul3A_126 : i32 to vector<16xi32>
      %mul3A_128 = arith.muli %iota3A, %mul3A_127 : vector<16xi32>
      %add3A_129 = arith.constant 16 : i32
      %add3A_130 = vector.broadcast %add3A_129 : i32 to vector<16xi32>
      %add3A_131 = arith.addi %mul3A_128, %add3A_130 : vector<16xi32>
      %gather3A_132 = tpu.vector_load_idx %arg6[%add3A_14, %add3A_131] : memref<512x64xf32, #tpu.memory_space<vmem>>[vector<16xi32>, vector<16xi32>], vector<16xf32>,
      tpu.vector_store_idx %arg7[%add3A_131, %add3A_14], %gather3A_132 : memref<64x512xf32, #tpu.memory_space<vmem>>[vector<16xi32>, vector<16xi32>], vector<16xf32>,
      %mul3A_133 = arith.constant 0 : i32
      %mul3A_134 = vector.broadcast %mul3A_133 : i32 to vector<16xi32>
      %mul3A_135 = arith.muli %iota3A, %mul3A_134 : vector<16xi32>
      %add3A_136 = arith.constant 17 : i32
      %add3A_137 = vector.broadcast %add3A_136 : i32 to vector<16xi32>
      %add3A_138 = arith.addi %mul3A_135, %add3A_137 : vector<16xi32>
      %gather3A_139 = tpu.vector_load_idx %arg6[%add3A_14, %add3A_138] : memref<512x64xf32, #tpu.memory_space<vmem>>[vector<16xi32>, vector<16xi32>], vector<16xf32>,
      tpu.vector_store_idx %arg7[%add3A_138, %add3A_14], %gather3A_139 : memref<64x512xf32, #tpu.memory_space<vmem>>[vector<16xi32>, vector<16xi32>], vector<16xf32>,
      %mul3A_140 = arith.constant 0 : i32
      %mul3A_141 = vector.broadcast %mul3A_140 : i32 to vector<16xi32>
      %mul3A_142 = arith.muli %iota3A, %mul3A_141 : vector<16xi32>
      %add3A_143 = arith.constant 18 : i32
      %add3A_144 = vector.broadcast %add3A_143 : i32 to vector<16xi32>
      %add3A_145 = arith.addi %mul3A_142, %add3A_144 : vector<16xi32>
      %gather3A_146 = tpu.vector_load_idx %arg6[%add3A_14, %add3A_145] : memref<512x64xf32, #tpu.memory_space<vmem>>[vector<16xi32>, vector<16xi32>], vector<16xf32>,
      tpu.vector_store_idx %arg7[%add3A_145, %add3A_14], %gather3A_146 : memref<64x512xf32, #tpu.memory_space<vmem>>[vector<16xi32>, vector<16xi32>], vector<16xf32>,
      %mul3A_147 = arith.constant 0 : i32
      %mul3A_148 = vector.broadcast %mul3A_147 : i32 to vector<16xi32>
      %mul3A_149 = arith.muli %iota3A, %mul3A_148 : vector<16xi32>
      %add3A_150 = arith.constant 19 : i32
      %add3A_151 = vector.broadcast %add3A_150 : i32 to vector<16xi32>
      %add3A_152 = arith.addi %mul3A_149, %add3A_151 : vector<16xi32>
      %gather3A_153 = tpu.vector_load_idx %arg6[%add3A_14, %add3A_152] : memref<512x64xf32, #tpu.memory_space<vmem>>[vector<16xi32>, vector<16xi32>], vector<16xf32>,
      tpu.vector_store_idx %arg7[%add3A_152, %add3A_14], %gather3A_153 : memref<64x512xf32, #tpu.memory_space<vmem>>[vector<16xi32>, vector<16xi32>], vector<16xf32>,
      %mul3A_154 = arith.constant 0 : i32
      %mul3A_155 = vector.broadcast %mul3A_154 : i32 to vector<16xi32>
      %mul3A_156 = arith.muli %iota3A, %mul3A_155 : vector<16xi32>
      %add3A_157 = arith.constant 20 : i32
      %add3A_158 = vector.broadcast %add3A_157 : i32 to vector<16xi32>
      %add3A_159 = arith.addi %mul3A_156, %add3A_158 : vector<16xi32>
      %gather3A_160 = tpu.vector_load_idx %arg6[%add3A_14, %add3A_159] : memref<512x64xf32, #tpu.memory_space<vmem>>[vector<16xi32>, vector<16xi32>], vector<16xf32>,
      tpu.vector_store_idx %arg7[%add3A_159, %add3A_14], %gather3A_160 : memref<64x512xf32, #tpu.memory_space<vmem>>[vector<16xi32>, vector<16xi32>], vector<16xf32>,
      %mul3A_161 = arith.constant 0 : i32
      %mul3A_162 = vector.broadcast %mul3A_161 : i32 to vector<16xi32>
      %mul3A_163 = arith.muli %iota3A, %mul3A_162 : vector<16xi32>
      %add3A_164 = arith.constant 21 : i32
      %add3A_165 = vector.broadcast %add3A_164 : i32 to vector<16xi32>
      %add3A_166 = arith.addi %mul3A_163, %add3A_165 : vector<16xi32>
      %gather3A_167 = tpu.vector_load_idx %arg6[%add3A_14, %add3A_166] : memref<512x64xf32, #tpu.memory_space<vmem>>[vector<16xi32>, vector<16xi32>], vector<16xf32>,
      tpu.vector_store_idx %arg7[%add3A_166, %add3A_14], %gather3A_167 : memref<64x512xf32, #tpu.memory_space<vmem>>[vector<16xi32>, vector<16xi32>], vector<16xf32>,
      %mul3A_168 = arith.constant 0 : i32
      %mul3A_169 = vector.broadcast %mul3A_168 : i32 to vector<16xi32>
      %mul3A_170 = arith.muli %iota3A, %mul3A_169 : vector<16xi32>
      %add3A_171 = arith.constant 22 : i32
      %add3A_172 = vector.broadcast %add3A_171 : i32 to vector<16xi32>
      %add3A_173 = arith.addi %mul3A_170, %add3A_172 : vector<16xi32>
      %gather3A_174 = tpu.vector_load_idx %arg6[%add3A_14, %add3A_173] : memref<512x64xf32, #tpu.memory_space<vmem>>[vector<16xi32>, vector<16xi32>], vector<16xf32>,
      tpu.vector_store_idx %arg7[%add3A_173, %add3A_14], %gather3A_174 : memref<64x512xf32, #tpu.memory_space<vmem>>[vector<16xi32>, vector<16xi32>], vector<16xf32>,
      %mul3A_175 = arith.constant 0 : i32
      %mul3A_176 = vector.broadcast %mul3A_175 : i32 to vector<16xi32>
      %mul3A_177 = arith.muli %iota3A, %mul3A_176 : vector<16xi32>
      %add3A_178 = arith.constant 23 : i32
      %add3A_179 = vector.broadcast %add3A_178 : i32 to vector<16xi32>
      %add3A_180 = arith.addi %mul3A_177, %add3A_179 : vector<16xi32>
      %gather3A_181 = tpu.vector_load_idx %arg6[%add3A_14, %add3A_180] : memref<512x64xf32, #tpu.memory_space<vmem>>[vector<16xi32>, vector<16xi32>], vector<16xf32>,
      tpu.vector_store_idx %arg7[%add3A_180, %add3A_14], %gather3A_181 : memref<64x512xf32, #tpu.memory_space<vmem>>[vector<16xi32>, vector<16xi32>], vector<16xf32>,
      %mul3A_182 = arith.constant 0 : i32
      %mul3A_183 = vector.broadcast %mul3A_182 : i32 to vector<16xi32>
      %mul3A_184 = arith.muli %iota3A, %mul3A_183 : vector<16xi32>
      %add3A_185 = arith.constant 24 : i32
      %add3A_186 = vector.broadcast %add3A_185 : i32 to vector<16xi32>
      %add3A_187 = arith.addi %mul3A_184, %add3A_186 : vector<16xi32>
      %gather3A_188 = tpu.vector_load_idx %arg6[%add3A_14, %add3A_187] : memref<512x64xf32, #tpu.memory_space<vmem>>[vector<16xi32>, vector<16xi32>], vector<16xf32>,
      tpu.vector_store_idx %arg7[%add3A_187, %add3A_14], %gather3A_188 : memref<64x512xf32, #tpu.memory_space<vmem>>[vector<16xi32>, vector<16xi32>], vector<16xf32>,
      %mul3A_189 = arith.constant 0 : i32
      %mul3A_190 = vector.broadcast %mul3A_189 : i32 to vector<16xi32>
      %mul3A_191 = arith.muli %iota3A, %mul3A_190 : vector<16xi32>
      %add3A_192 = arith.constant 25 : i32
      %add3A_193 = vector.broadcast %add3A_192 : i32 to vector<16xi32>
      %add3A_194 = arith.addi %mul3A_191, %add3A_193 : vector<16xi32>
      %gather3A_195 = tpu.vector_load_idx %arg6[%add3A_14, %add3A_194] : memref<512x64xf32, #tpu.memory_space<vmem>>[vector<16xi32>, vector<16xi32>], vector<16xf32>,
      tpu.vector_store_idx %arg7[%add3A_194, %add3A_14], %gather3A_195 : memref<64x512xf32, #tpu.memory_space<vmem>>[vector<16xi32>, vector<16xi32>], vector<16xf32>,
      %mul3A_196 = arith.constant 0 : i32
      %mul3A_197 = vector.broadcast %mul3A_196 : i32 to vector<16xi32>
      %mul3A_198 = arith.muli %iota3A, %mul3A_197 : vector<16xi32>
      %add3A_199 = arith.constant 26 : i32
      %add3A_200 = vector.broadcast %add3A_199 : i32 to vector<16xi32>
      %add3A_201 = arith.addi %mul3A_198, %add3A_200 : vector<16xi32>
      %gather3A_202 = tpu.vector_load_idx %arg6[%add3A_14, %add3A_201] : memref<512x64xf32, #tpu.memory_space<vmem>>[vector<16xi32>, vector<16xi32>], vector<16xf32>,
      tpu.vector_store_idx %arg7[%add3A_201, %add3A_14], %gather3A_202 : memref<64x512xf32, #tpu.memory_space<vmem>>[vector<16xi32>, vector<16xi32>], vector<16xf32>,
      %mul3A_203 = arith.constant 0 : i32
      %mul3A_204 = vector.broadcast %mul3A_203 : i32 to vector<16xi32>
      %mul3A_205 = arith.muli %iota3A, %mul3A_204 : vector<16xi32>
      %add3A_206 = arith.constant 27 : i32
      %add3A_207 = vector.broadcast %add3A_206 : i32 to vector<16xi32>
      %add3A_208 = arith.addi %mul3A_205, %add3A_207 : vector<16xi32>
      %gather3A_209 = tpu.vector_load_idx %arg6[%add3A_14, %add3A_208] : memref<512x64xf32, #tpu.memory_space<vmem>>[vector<16xi32>, vector<16xi32>], vector<16xf32>,
      tpu.vector_store_idx %arg7[%add3A_208, %add3A_14], %gather3A_209 : memref<64x512xf32, #tpu.memory_space<vmem>>[vector<16xi32>, vector<16xi32>], vector<16xf32>,
      %mul3A_210 = arith.constant 0 : i32
      %mul3A_211 = vector.broadcast %mul3A_210 : i32 to vector<16xi32>
      %mul3A_212 = arith.muli %iota3A, %mul3A_211 : vector<16xi32>
      %add3A_213 = arith.constant 28 : i32
      %add3A_214 = vector.broadcast %add3A_213 : i32 to vector<16xi32>
      %add3A_215 = arith.addi %mul3A_212, %add3A_214 : vector<16xi32>
      %gather3A_216 = tpu.vector_load_idx %arg6[%add3A_14, %add3A_215] : memref<512x64xf32, #tpu.memory_space<vmem>>[vector<16xi32>, vector<16xi32>], vector<16xf32>,
      tpu.vector_store_idx %arg7[%add3A_215, %add3A_14], %gather3A_216 : memref<64x512xf32, #tpu.memory_space<vmem>>[vector<16xi32>, vector<16xi32>], vector<16xf32>,
      %mul3A_217 = arith.constant 0 : i32
      %mul3A_218 = vector.broadcast %mul3A_217 : i32 to vector<16xi32>
      %mul3A_219 = arith.muli %iota3A, %mul3A_218 : vector<16xi32>
      %add3A_220 = arith.constant 29 : i32
      %add3A_221 = vector.broadcast %add3A_220 : i32 to vector<16xi32>
      %add3A_222 = arith.addi %mul3A_219, %add3A_221 : vector<16xi32>
      %gather3A_223 = tpu.vector_load_idx %arg6[%add3A_14, %add3A_222] : memref<512x64xf32, #tpu.memory_space<vmem>>[vector<16xi32>, vector<16xi32>], vector<16xf32>,
      tpu.vector_store_idx %arg7[%add3A_222, %add3A_14], %gather3A_223 : memref<64x512xf32, #tpu.memory_space<vmem>>[vector<16xi32>, vector<16xi32>], vector<16xf32>,
      %mul3A_224 = arith.constant 0 : i32
      %mul3A_225 = vector.broadcast %mul3A_224 : i32 to vector<16xi32>
      %mul3A_226 = arith.muli %iota3A, %mul3A_225 : vector<16xi32>
      %add3A_227 = arith.constant 30 : i32
      %add3A_228 = vector.broadcast %add3A_227 : i32 to vector<16xi32>
      %add3A_229 = arith.addi %mul3A_226, %add3A_228 : vector<16xi32>
      %gather3A_230 = tpu.vector_load_idx %arg6[%add3A_14, %add3A_229] : memref<512x64xf32, #tpu.memory_space<vmem>>[vector<16xi32>, vector<16xi32>], vector<16xf32>,
      tpu.vector_store_idx %arg7[%add3A_229, %add3A_14], %gather3A_230 : memref<64x512xf32, #tpu.memory_space<vmem>>[vector<16xi32>, vector<16xi32>], vector<16xf32>,
      %mul3A_231 = arith.constant 0 : i32
      %mul3A_232 = vector.broadcast %mul3A_231 : i32 to vector<16xi32>
      %mul3A_233 = arith.muli %iota3A, %mul3A_232 : vector<16xi32>
      %add3A_234 = arith.constant 31 : i32
      %add3A_235 = vector.broadcast %add3A_234 : i32 to vector<16xi32>
      %add3A_236 = arith.addi %mul3A_233, %add3A_235 : vector<16xi32>
      %gather3A_237 = tpu.vector_load_idx %arg6[%add3A_14, %add3A_236] : memref<512x64xf32, #tpu.memory_space<vmem>>[vector<16xi32>, vector<16xi32>], vector<16xf32>,
      tpu.vector_store_idx %arg7[%add3A_236, %add3A_14], %gather3A_237 : memref<64x512xf32, #tpu.memory_space<vmem>>[vector<16xi32>, vector<16xi32>], vector<16xf32>,
      %mul3A_238 = arith.constant 0 : i32
      %mul3A_239 = vector.broadcast %mul3A_238 : i32 to vector<16xi32>
      %mul3A_240 = arith.muli %iota3A, %mul3A_239 : vector<16xi32>
      %add3A_241 = arith.constant 32 : i32
      %add3A_242 = vector.broadcast %add3A_241 : i32 to vector<16xi32>
      %add3A_243 = arith.addi %mul3A_240, %add3A_242 : vector<16xi32>
      %gather3A_244 = tpu.vector_load_idx %arg6[%add3A_14, %add3A_243] : memref<512x64xf32, #tpu.memory_space<vmem>>[vector<16xi32>, vector<16xi32>], vector<16xf32>,
      tpu.vector_store_idx %arg7[%add3A_243, %add3A_14], %gather3A_244 : memref<64x512xf32, #tpu.memory_space<vmem>>[vector<16xi32>, vector<16xi32>], vector<16xf32>,
      %mul3A_245 = arith.constant 0 : i32
      %mul3A_246 = vector.broadcast %mul3A_245 : i32 to vector<16xi32>
      %mul3A_247 = arith.muli %iota3A, %mul3A_246 : vector<16xi32>
      %add3A_248 = arith.constant 33 : i32
      %add3A_249 = vector.broadcast %add3A_248 : i32 to vector<16xi32>
      %add3A_250 = arith.addi %mul3A_247, %add3A_249 : vector<16xi32>
      %gather3A_251 = tpu.vector_load_idx %arg6[%add3A_14, %add3A_250] : memref<512x64xf32, #tpu.memory_space<vmem>>[vector<16xi32>, vector<16xi32>], vector<16xf32>,
      tpu.vector_store_idx %arg7[%add3A_250, %add3A_14], %gather3A_251 : memref<64x512xf32, #tpu.memory_space<vmem>>[vector<16xi32>, vector<16xi32>], vector<16xf32>,
      %mul3A_252 = arith.constant 0 : i32
      %mul3A_253 = vector.broadcast %mul3A_252 : i32 to vector<16xi32>
      %mul3A_254 = arith.muli %iota3A, %mul3A_253 : vector<16xi32>
      %add3A_255 = arith.constant 34 : i32
      %add3A_256 = vector.broadcast %add3A_255 : i32 to vector<16xi32>
      %add3A_257 = arith.addi %mul3A_254, %add3A_256 : vector<16xi32>
      %gather3A_258 = tpu.vector_load_idx %arg6[%add3A_14, %add3A_257] : memref<512x64xf32, #tpu.memory_space<vmem>>[vector<16xi32>, vector<16xi32>], vector<16xf32>,
      tpu.vector_store_idx %arg7[%add3A_257, %add3A_14], %gather3A_258 : memref<64x512xf32, #tpu.memory_space<vmem>>[vector<16xi32>, vector<16xi32>], vector<16xf32>,
      %mul3A_259 = arith.constant 0 : i32
      %mul3A_260 = vector.broadcast %mul3A_259 : i32 to vector<16xi32>
      %mul3A_261 = arith.muli %iota3A, %mul3A_260 : vector<16xi32>
      %add3A_262 = arith.constant 35 : i32
      %add3A_263 = vector.broadcast %add3A_262 : i32 to vector<16xi32>
      %add3A_264 = arith.addi %mul3A_261, %add3A_263 : vector<16xi32>
      %gather3A_265 = tpu.vector_load_idx %arg6[%add3A_14, %add3A_264] : memref<512x64xf32, #tpu.memory_space<vmem>>[vector<16xi32>, vector<16xi32>], vector<16xf32>,
      tpu.vector_store_idx %arg7[%add3A_264, %add3A_14], %gather3A_265 : memref<64x512xf32, #tpu.memory_space<vmem>>[vector<16xi32>, vector<16xi32>], vector<16xf32>,
      %mul3A_266 = arith.constant 0 : i32
      %mul3A_267 = vector.broadcast %mul3A_266 : i32 to vector<16xi32>
      %mul3A_268 = arith.muli %iota3A, %mul3A_267 : vector<16xi32>
      %add3A_269 = arith.constant 36 : i32
      %add3A_270 = vector.broadcast %add3A_269 : i32 to vector<16xi32>
      %add3A_271 = arith.addi %mul3A_268, %add3A_270 : vector<16xi32>
      %gather3A_272 = tpu.vector_load_idx %arg6[%add3A_14, %add3A_271] : memref<512x64xf32, #tpu.memory_space<vmem>>[vector<16xi32>, vector<16xi32>], vector<16xf32>,
      tpu.vector_store_idx %arg7[%add3A_271, %add3A_14], %gather3A_272 : memref<64x512xf32, #tpu.memory_space<vmem>>[vector<16xi32>, vector<16xi32>], vector<16xf32>,
      %mul3A_273 = arith.constant 0 : i32
      %mul3A_274 = vector.broadcast %mul3A_273 : i32 to vector<16xi32>
      %mul3A_275 = arith.muli %iota3A, %mul3A_274 : vector<16xi32>
      %add3A_276 = arith.constant 37 : i32
      %add3A_277 = vector.broadcast %add3A_276 : i32 to vector<16xi32>
      %add3A_278 = arith.addi %mul3A_275, %add3A_277 : vector<16xi32>
      %gather3A_279 = tpu.vector_load_idx %arg6[%add3A_14, %add3A_278] : memref<512x64xf32, #tpu.memory_space<vmem>>[vector<16xi32>, vector<16xi32>], vector<16xf32>,
      tpu.vector_store_idx %arg7[%add3A_278, %add3A_14], %gather3A_279 : memref<64x512xf32, #tpu.memory_space<vmem>>[vector<16xi32>, vector<16xi32>], vector<16xf32>,
      %mul3A_280 = arith.constant 0 : i32
      %mul3A_281 = vector.broadcast %mul3A_280 : i32 to vector<16xi32>
      %mul3A_282 = arith.muli %iota3A, %mul3A_281 : vector<16xi32>
      %add3A_283 = arith.constant 38 : i32
      %add3A_284 = vector.broadcast %add3A_283 : i32 to vector<16xi32>
      %add3A_285 = arith.addi %mul3A_282, %add3A_284 : vector<16xi32>
      %gather3A_286 = tpu.vector_load_idx %arg6[%add3A_14, %add3A_285] : memref<512x64xf32, #tpu.memory_space<vmem>>[vector<16xi32>, vector<16xi32>], vector<16xf32>,
      tpu.vector_store_idx %arg7[%add3A_285, %add3A_14], %gather3A_286 : memref<64x512xf32, #tpu.memory_space<vmem>>[vector<16xi32>, vector<16xi32>], vector<16xf32>,
      %mul3A_287 = arith.constant 0 : i32
      %mul3A_288 = vector.broadcast %mul3A_287 : i32 to vector<16xi32>
      %mul3A_289 = arith.muli %iota3A, %mul3A_288 : vector<16xi32>
      %add3A_290 = arith.constant 39 : i32
      %add3A_291 = vector.broadcast %add3A_290 : i32 to vector<16xi32>
      %add3A_292 = arith.addi %mul3A_289, %add3A_291 : vector<16xi32>
      %gather3A_293 = tpu.vector_load_idx %arg6[%add3A_14, %add3A_292] : memref<512x64xf32, #tpu.memory_space<vmem>>[vector<16xi32>, vector<16xi32>], vector<16xf32>,
      tpu.vector_store_idx %arg7[%add3A_292, %add3A_14], %gather3A_293 : memref<64x512xf32, #tpu.memory_space<vmem>>[vector<16xi32>, vector<16xi32>], vector<16xf32>,
      %mul3A_294 = arith.constant 0 : i32
      %mul3A_295 = vector.broadcast %mul3A_294 : i32 to vector<16xi32>
      %mul3A_296 = arith.muli %iota3A, %mul3A_295 : vector<16xi32>
      %add3A_297 = arith.constant 40 : i32
      %add3A_298 = vector.broadcast %add3A_297 : i32 to vector<16xi32>
      %add3A_299 = arith.addi %mul3A_296, %add3A_298 : vector<16xi32>
      %gather3A_300 = tpu.vector_load_idx %arg6[%add3A_14, %add3A_299] : memref<512x64xf32, #tpu.memory_space<vmem>>[vector<16xi32>, vector<16xi32>], vector<16xf32>,
      tpu.vector_store_idx %arg7[%add3A_299, %add3A_14], %gather3A_300 : memref<64x512xf32, #tpu.memory_space<vmem>>[vector<16xi32>, vector<16xi32>], vector<16xf32>,
      %mul3A_301 = arith.constant 0 : i32
      %mul3A_302 = vector.broadcast %mul3A_301 : i32 to vector<16xi32>
      %mul3A_303 = arith.muli %iota3A, %mul3A_302 : vector<16xi32>
      %add3A_304 = arith.constant 41 : i32
      %add3A_305 = vector.broadcast %add3A_304 : i32 to vector<16xi32>
      %add3A_306 = arith.addi %mul3A_303, %add3A_305 : vector<16xi32>
      %gather3A_307 = tpu.vector_load_idx %arg6[%add3A_14, %add3A_306] : memref<512x64xf32, #tpu.memory_space<vmem>>[vector<16xi32>, vector<16xi32>], vector<16xf32>,
      tpu.vector_store_idx %arg7[%add3A_306, %add3A_14], %gather3A_307 : memref<64x512xf32, #tpu.memory_space<vmem>>[vector<16xi32>, vector<16xi32>], vector<16xf32>,
      %mul3A_308 = arith.constant 0 : i32
      %mul3A_309 = vector.broadcast %mul3A_308 : i32 to vector<16xi32>
      %mul3A_310 = arith.muli %iota3A, %mul3A_309 : vector<16xi32>
      %add3A_311 = arith.constant 42 : i32
      %add3A_312 = vector.broadcast %add3A_311 : i32 to vector<16xi32>
      %add3A_313 = arith.addi %mul3A_310, %add3A_312 : vector<16xi32>
      %gather3A_314 = tpu.vector_load_idx %arg6[%add3A_14, %add3A_313] : memref<512x64xf32, #tpu.memory_space<vmem>>[vector<16xi32>, vector<16xi32>], vector<16xf32>,
      tpu.vector_store_idx %arg7[%add3A_313, %add3A_14], %gather3A_314 : memref<64x512xf32, #tpu.memory_space<vmem>>[vector<16xi32>, vector<16xi32>], vector<16xf32>,
      %mul3A_315 = arith.constant 0 : i32
      %mul3A_316 = vector.broadcast %mul3A_315 : i32 to vector<16xi32>
      %mul3A_317 = arith.muli %iota3A, %mul3A_316 : vector<16xi32>
      %add3A_318 = arith.constant 43 : i32
      %add3A_319 = vector.broadcast %add3A_318 : i32 to vector<16xi32>
      %add3A_320 = arith.addi %mul3A_317, %add3A_319 : vector<16xi32>
      %gather3A_321 = tpu.vector_load_idx %arg6[%add3A_14, %add3A_320] : memref<512x64xf32, #tpu.memory_space<vmem>>[vector<16xi32>, vector<16xi32>], vector<16xf32>,
      tpu.vector_store_idx %arg7[%add3A_320, %add3A_14], %gather3A_321 : memref<64x512xf32, #tpu.memory_space<vmem>>[vector<16xi32>, vector<16xi32>], vector<16xf32>,
      %mul3A_322 = arith.constant 0 : i32
      %mul3A_323 = vector.broadcast %mul3A_322 : i32 to vector<16xi32>
      %mul3A_324 = arith.muli %iota3A, %mul3A_323 : vector<16xi32>
      %add3A_325 = arith.constant 44 : i32
      %add3A_326 = vector.broadcast %add3A_325 : i32 to vector<16xi32>
      %add3A_327 = arith.addi %mul3A_324, %add3A_326 : vector<16xi32>
      %gather3A_328 = tpu.vector_load_idx %arg6[%add3A_14, %add3A_327] : memref<512x64xf32, #tpu.memory_space<vmem>>[vector<16xi32>, vector<16xi32>], vector<16xf32>,
      tpu.vector_store_idx %arg7[%add3A_327, %add3A_14], %gather3A_328 : memref<64x512xf32, #tpu.memory_space<vmem>>[vector<16xi32>, vector<16xi32>], vector<16xf32>,
      %mul3A_329 = arith.constant 0 : i32
      %mul3A_330 = vector.broadcast %mul3A_329 : i32 to vector<16xi32>
      %mul3A_331 = arith.muli %iota3A, %mul3A_330 : vector<16xi32>
      %add3A_332 = arith.constant 45 : i32
      %add3A_333 = vector.broadcast %add3A_332 : i32 to vector<16xi32>
      %add3A_334 = arith.addi %mul3A_331, %add3A_333 : vector<16xi32>
      %gather3A_335 = tpu.vector_load_idx %arg6[%add3A_14, %add3A_334] : memref<512x64xf32, #tpu.memory_space<vmem>>[vector<16xi32>, vector<16xi32>], vector<16xf32>,
      tpu.vector_store_idx %arg7[%add3A_334, %add3A_14], %gather3A_335 : memref<64x512xf32, #tpu.memory_space<vmem>>[vector<16xi32>, vector<16xi32>], vector<16xf32>,
      %mul3A_336 = arith.constant 0 : i32
      %mul3A_337 = vector.broadcast %mul3A_336 : i32 to vector<16xi32>
      %mul3A_338 = arith.muli %iota3A, %mul3A_337 : vector<16xi32>
      %add3A_339 = arith.constant 46 : i32
      %add3A_340 = vector.broadcast %add3A_339 : i32 to vector<16xi32>
      %add3A_341 = arith.addi %mul3A_338, %add3A_340 : vector<16xi32>
      %gather3A_342 = tpu.vector_load_idx %arg6[%add3A_14, %add3A_341] : memref<512x64xf32, #tpu.memory_space<vmem>>[vector<16xi32>, vector<16xi32>], vector<16xf32>,
      tpu.vector_store_idx %arg7[%add3A_341, %add3A_14], %gather3A_342 : memref<64x512xf32, #tpu.memory_space<vmem>>[vector<16xi32>, vector<16xi32>], vector<16xf32>,
      %mul3A_343 = arith.constant 0 : i32
      %mul3A_344 = vector.broadcast %mul3A_343 : i32 to vector<16xi32>
      %mul3A_345 = arith.muli %iota3A, %mul3A_344 : vector<16xi32>
      %add3A_346 = arith.constant 47 : i32
      %add3A_347 = vector.broadcast %add3A_346 : i32 to vector<16xi32>
      %add3A_348 = arith.addi %mul3A_345, %add3A_347 : vector<16xi32>
      %gather3A_349 = tpu.vector_load_idx %arg6[%add3A_14, %add3A_348] : memref<512x64xf32, #tpu.memory_space<vmem>>[vector<16xi32>, vector<16xi32>], vector<16xf32>,
      tpu.vector_store_idx %arg7[%add3A_348, %add3A_14], %gather3A_349 : memref<64x512xf32, #tpu.memory_space<vmem>>[vector<16xi32>, vector<16xi32>], vector<16xf32>,
      %mul3A_350 = arith.constant 0 : i32
      %mul3A_351 = vector.broadcast %mul3A_350 : i32 to vector<16xi32>
      %mul3A_352 = arith.muli %iota3A, %mul3A_351 : vector<16xi32>
      %add3A_353 = arith.constant 48 : i32
      %add3A_354 = vector.broadcast %add3A_353 : i32 to vector<16xi32>
      %add3A_355 = arith.addi %mul3A_352, %add3A_354 : vector<16xi32>
      %gather3A_356 = tpu.vector_load_idx %arg6[%add3A_14, %add3A_355] : memref<512x64xf32, #tpu.memory_space<vmem>>[vector<16xi32>, vector<16xi32>], vector<16xf32>,
      tpu.vector_store_idx %arg7[%add3A_355, %add3A_14], %gather3A_356 : memref<64x512xf32, #tpu.memory_space<vmem>>[vector<16xi32>, vector<16xi32>], vector<16xf32>,
      %mul3A_357 = arith.constant 0 : i32
      %mul3A_358 = vector.broadcast %mul3A_357 : i32 to vector<16xi32>
      %mul3A_359 = arith.muli %iota3A, %mul3A_358 : vector<16xi32>
      %add3A_360 = arith.constant 49 : i32
      %add3A_361 = vector.broadcast %add3A_360 : i32 to vector<16xi32>
      %add3A_362 = arith.addi %mul3A_359, %add3A_361 : vector<16xi32>
      %gather3A_363 = tpu.vector_load_idx %arg6[%add3A_14, %add3A_362] : memref<512x64xf32, #tpu.memory_space<vmem>>[vector<16xi32>, vector<16xi32>], vector<16xf32>,
      tpu.vector_store_idx %arg7[%add3A_362, %add3A_14], %gather3A_363 : memref<64x512xf32, #tpu.memory_space<vmem>>[vector<16xi32>, vector<16xi32>], vector<16xf32>,
      %mul3A_364 = arith.constant 0 : i32
      %mul3A_365 = vector.broadcast %mul3A_364 : i32 to vector<16xi32>
      %mul3A_366 = arith.muli %iota3A, %mul3A_365 : vector<16xi32>
      %add3A_367 = arith.constant 50 : i32
      %add3A_368 = vector.broadcast %add3A_367 : i32 to vector<16xi32>
      %add3A_369 = arith.addi %mul3A_366, %add3A_368 : vector<16xi32>
      %gather3A_370 = tpu.vector_load_idx %arg6[%add3A_14, %add3A_369] : memref<512x64xf32, #tpu.memory_space<vmem>>[vector<16xi32>, vector<16xi32>], vector<16xf32>,
      tpu.vector_store_idx %arg7[%add3A_369, %add3A_14], %gather3A_370 : memref<64x512xf32, #tpu.memory_space<vmem>>[vector<16xi32>, vector<16xi32>], vector<16xf32>,
      %mul3A_371 = arith.constant 0 : i32
      %mul3A_372 = vector.broadcast %mul3A_371 : i32 to vector<16xi32>
      %mul3A_373 = arith.muli %iota3A, %mul3A_372 : vector<16xi32>
      %add3A_374 = arith.constant 51 : i32
      %add3A_375 = vector.broadcast %add3A_374 : i32 to vector<16xi32>
      %add3A_376 = arith.addi %mul3A_373, %add3A_375 : vector<16xi32>
      %gather3A_377 = tpu.vector_load_idx %arg6[%add3A_14, %add3A_376] : memref<512x64xf32, #tpu.memory_space<vmem>>[vector<16xi32>, vector<16xi32>], vector<16xf32>,
      tpu.vector_store_idx %arg7[%add3A_376, %add3A_14], %gather3A_377 : memref<64x512xf32, #tpu.memory_space<vmem>>[vector<16xi32>, vector<16xi32>], vector<16xf32>,
      %mul3A_378 = arith.constant 0 : i32
      %mul3A_379 = vector.broadcast %mul3A_378 : i32 to vector<16xi32>
      %mul3A_380 = arith.muli %iota3A, %mul3A_379 : vector<16xi32>
      %add3A_381 = arith.constant 52 : i32
      %add3A_382 = vector.broadcast %add3A_381 : i32 to vector<16xi32>
      %add3A_383 = arith.addi %mul3A_380, %add3A_382 : vector<16xi32>
      %gather3A_384 = tpu.vector_load_idx %arg6[%add3A_14, %add3A_383] : memref<512x64xf32, #tpu.memory_space<vmem>>[vector<16xi32>, vector<16xi32>], vector<16xf32>,
      tpu.vector_store_idx %arg7[%add3A_383, %add3A_14], %gather3A_384 : memref<64x512xf32, #tpu.memory_space<vmem>>[vector<16xi32>, vector<16xi32>], vector<16xf32>,
      %mul3A_385 = arith.constant 0 : i32
      %mul3A_386 = vector.broadcast %mul3A_385 : i32 to vector<16xi32>
      %mul3A_387 = arith.muli %iota3A, %mul3A_386 : vector<16xi32>
      %add3A_388 = arith.constant 53 : i32
      %add3A_389 = vector.broadcast %add3A_388 : i32 to vector<16xi32>
      %add3A_390 = arith.addi %mul3A_387, %add3A_389 : vector<16xi32>
      %gather3A_391 = tpu.vector_load_idx %arg6[%add3A_14, %add3A_390] : memref<512x64xf32, #tpu.memory_space<vmem>>[vector<16xi32>, vector<16xi32>], vector<16xf32>,
      tpu.vector_store_idx %arg7[%add3A_390, %add3A_14], %gather3A_391 : memref<64x512xf32, #tpu.memory_space<vmem>>[vector<16xi32>, vector<16xi32>], vector<16xf32>,
      %mul3A_392 = arith.constant 0 : i32
      %mul3A_393 = vector.broadcast %mul3A_392 : i32 to vector<16xi32>
      %mul3A_394 = arith.muli %iota3A, %mul3A_393 : vector<16xi32>
      %add3A_395 = arith.constant 54 : i32
      %add3A_396 = vector.broadcast %add3A_395 : i32 to vector<16xi32>
      %add3A_397 = arith.addi %mul3A_394, %add3A_396 : vector<16xi32>
      %gather3A_398 = tpu.vector_load_idx %arg6[%add3A_14, %add3A_397] : memref<512x64xf32, #tpu.memory_space<vmem>>[vector<16xi32>, vector<16xi32>], vector<16xf32>,
      tpu.vector_store_idx %arg7[%add3A_397, %add3A_14], %gather3A_398 : memref<64x512xf32, #tpu.memory_space<vmem>>[vector<16xi32>, vector<16xi32>], vector<16xf32>,
      %mul3A_399 = arith.constant 0 : i32
      %mul3A_400 = vector.broadcast %mul3A_399 : i32 to vector<16xi32>
      %mul3A_401 = arith.muli %iota3A, %mul3A_400 : vector<16xi32>
      %add3A_402 = arith.constant 55 : i32
      %add3A_403 = vector.broadcast %add3A_402 : i32 to vector<16xi32>
      %add3A_404 = arith.addi %mul3A_401, %add3A_403 : vector<16xi32>
      %gather3A_405 = tpu.vector_load_idx %arg6[%add3A_14, %add3A_404] : memref<512x64xf32, #tpu.memory_space<vmem>>[vector<16xi32>, vector<16xi32>], vector<16xf32>,
      tpu.vector_store_idx %arg7[%add3A_404, %add3A_14], %gather3A_405 : memref<64x512xf32, #tpu.memory_space<vmem>>[vector<16xi32>, vector<16xi32>], vector<16xf32>,
      %mul3A_406 = arith.constant 0 : i32
      %mul3A_407 = vector.broadcast %mul3A_406 : i32 to vector<16xi32>
      %mul3A_408 = arith.muli %iota3A, %mul3A_407 : vector<16xi32>
      %add3A_409 = arith.constant 56 : i32
      %add3A_410 = vector.broadcast %add3A_409 : i32 to vector<16xi32>
      %add3A_411 = arith.addi %mul3A_408, %add3A_410 : vector<16xi32>
      %gather3A_412 = tpu.vector_load_idx %arg6[%add3A_14, %add3A_411] : memref<512x64xf32, #tpu.memory_space<vmem>>[vector<16xi32>, vector<16xi32>], vector<16xf32>,
      tpu.vector_store_idx %arg7[%add3A_411, %add3A_14], %gather3A_412 : memref<64x512xf32, #tpu.memory_space<vmem>>[vector<16xi32>, vector<16xi32>], vector<16xf32>,
      %mul3A_413 = arith.constant 0 : i32
      %mul3A_414 = vector.broadcast %mul3A_413 : i32 to vector<16xi32>
      %mul3A_415 = arith.muli %iota3A, %mul3A_414 : vector<16xi32>
      %add3A_416 = arith.constant 57 : i32
      %add3A_417 = vector.broadcast %add3A_416 : i32 to vector<16xi32>
      %add3A_418 = arith.addi %mul3A_415, %add3A_417 : vector<16xi32>
      %gather3A_419 = tpu.vector_load_idx %arg6[%add3A_14, %add3A_418] : memref<512x64xf32, #tpu.memory_space<vmem>>[vector<16xi32>, vector<16xi32>], vector<16xf32>,
      tpu.vector_store_idx %arg7[%add3A_418, %add3A_14], %gather3A_419 : memref<64x512xf32, #tpu.memory_space<vmem>>[vector<16xi32>, vector<16xi32>], vector<16xf32>,
      %mul3A_420 = arith.constant 0 : i32
      %mul3A_421 = vector.broadcast %mul3A_420 : i32 to vector<16xi32>
      %mul3A_422 = arith.muli %iota3A, %mul3A_421 : vector<16xi32>
      %add3A_423 = arith.constant 58 : i32
      %add3A_424 = vector.broadcast %add3A_423 : i32 to vector<16xi32>
      %add3A_425 = arith.addi %mul3A_422, %add3A_424 : vector<16xi32>
      %gather3A_426 = tpu.vector_load_idx %arg6[%add3A_14, %add3A_425] : memref<512x64xf32, #tpu.memory_space<vmem>>[vector<16xi32>, vector<16xi32>], vector<16xf32>,
      tpu.vector_store_idx %arg7[%add3A_425, %add3A_14], %gather3A_426 : memref<64x512xf32, #tpu.memory_space<vmem>>[vector<16xi32>, vector<16xi32>], vector<16xf32>,
      %mul3A_427 = arith.constant 0 : i32
      %mul3A_428 = vector.broadcast %mul3A_427 : i32 to vector<16xi32>
      %mul3A_429 = arith.muli %iota3A, %mul3A_428 : vector<16xi32>
      %add3A_430 = arith.constant 59 : i32
      %add3A_431 = vector.broadcast %add3A_430 : i32 to vector<16xi32>
      %add3A_432 = arith.addi %mul3A_429, %add3A_431 : vector<16xi32>
      %gather3A_433 = tpu.vector_load_idx %arg6[%add3A_14, %add3A_432] : memref<512x64xf32, #tpu.memory_space<vmem>>[vector<16xi32>, vector<16xi32>], vector<16xf32>,
      tpu.vector_store_idx %arg7[%add3A_432, %add3A_14], %gather3A_433 : memref<64x512xf32, #tpu.memory_space<vmem>>[vector<16xi32>, vector<16xi32>], vector<16xf32>,
      %mul3A_434 = arith.constant 0 : i32
      %mul3A_435 = vector.broadcast %mul3A_434 : i32 to vector<16xi32>
      %mul3A_436 = arith.muli %iota3A, %mul3A_435 : vector<16xi32>
      %add3A_437 = arith.constant 60 : i32
      %add3A_438 = vector.broadcast %add3A_437 : i32 to vector<16xi32>
      %add3A_439 = arith.addi %mul3A_436, %add3A_438 : vector<16xi32>
      %gather3A_440 = tpu.vector_load_idx %arg6[%add3A_14, %add3A_439] : memref<512x64xf32, #tpu.memory_space<vmem>>[vector<16xi32>, vector<16xi32>], vector<16xf32>,
      tpu.vector_store_idx %arg7[%add3A_439, %add3A_14], %gather3A_440 : memref<64x512xf32, #tpu.memory_space<vmem>>[vector<16xi32>, vector<16xi32>], vector<16xf32>,
      %mul3A_441 = arith.constant 0 : i32
      %mul3A_442 = vector.broadcast %mul3A_441 : i32 to vector<16xi32>
      %mul3A_443 = arith.muli %iota3A, %mul3A_442 : vector<16xi32>
      %add3A_444 = arith.constant 61 : i32
      %add3A_445 = vector.broadcast %add3A_444 : i32 to vector<16xi32>
      %add3A_446 = arith.addi %mul3A_443, %add3A_445 : vector<16xi32>
      %gather3A_447 = tpu.vector_load_idx %arg6[%add3A_14, %add3A_446] : memref<512x64xf32, #tpu.memory_space<vmem>>[vector<16xi32>, vector<16xi32>], vector<16xf32>,
      tpu.vector_store_idx %arg7[%add3A_446, %add3A_14], %gather3A_447 : memref<64x512xf32, #tpu.memory_space<vmem>>[vector<16xi32>, vector<16xi32>], vector<16xf32>,
      %mul3A_448 = arith.constant 0 : i32
      %mul3A_449 = vector.broadcast %mul3A_448 : i32 to vector<16xi32>
      %mul3A_450 = arith.muli %iota3A, %mul3A_449 : vector<16xi32>
      %add3A_451 = arith.constant 62 : i32
      %add3A_452 = vector.broadcast %add3A_451 : i32 to vector<16xi32>
      %add3A_453 = arith.addi %mul3A_450, %add3A_452 : vector<16xi32>
      %gather3A_454 = tpu.vector_load_idx %arg6[%add3A_14, %add3A_453] : memref<512x64xf32, #tpu.memory_space<vmem>>[vector<16xi32>, vector<16xi32>], vector<16xf32>,
      tpu.vector_store_idx %arg7[%add3A_453, %add3A_14], %gather3A_454 : memref<64x512xf32, #tpu.memory_space<vmem>>[vector<16xi32>, vector<16xi32>], vector<16xf32>,
      %mul3A_455 = arith.constant 0 : i32
      %mul3A_456 = vector.broadcast %mul3A_455 : i32 to vector<16xi32>
      %mul3A_457 = arith.muli %iota3A, %mul3A_456 : vector<16xi32>
      %add3A_458 = arith.constant 63 : i32
      %add3A_459 = vector.broadcast %add3A_458 : i32 to vector<16xi32>
      %add3A_460 = arith.addi %mul3A_457, %add3A_459 : vector<16xi32>
      %gather3A_461 = tpu.vector_load_idx %arg6[%add3A_14, %add3A_460] : memref<512x64xf32, #tpu.memory_space<vmem>>[vector<16xi32>, vector<16xi32>], vector<16xf32>,
      tpu.vector_store_idx %arg7[%add3A_460, %add3A_14], %gather3A_461 : memref<64x512xf32, #tpu.memory_space<vmem>>[vector<16xi32>, vector<16xi32>], vector<16xf32>,
    }
    %scan3A_9 = arith.constant 32 : i32
    "tpu.region"() ({
      %run_scoped3A = tpu.sem_alloc : memref<!tpu.dma_semaphore, #tpu.memory_space<semaphore_mem>>
      %dma_start3A_10 = arith.constant 0 : i32
      %dma_start3A_11 = arith.constant 0 : i32
      %dma_start3A_12 = tpu.memref_slice %arg4[%add3A, %dma_start3A_10, %dma_start3A_11] : memref<32x64x512xf32, #tpu.memory_space<hbm>> -> memref<1x64x512xf32, #tpu.memory_space<hbm>>
      %dma_start3A_13 = tpu.memref_squeeze %dma_start3A_12 : memref<1x64x512xf32, #tpu.memory_space<hbm>> -> memref<64x512xf32, #tpu.memory_space<hbm>>
      %dma_start3A_14 = arith.constant 0 : i32
      %dma_start3A_15 = arith.constant 0 : i32
      %dma_start3A_16 = tpu.memref_slice %arg4[%add3A, %dma_start3A_14, %dma_start3A_15] : memref<32x64x512xf32, #tpu.memory_space<hbm>> -> memref<1x64x512xf32, #tpu.memory_space<hbm>>
      %dma_start3A_17 = tpu.memref_squeeze %dma_start3A_16 : memref<1x64x512xf32, #tpu.memory_space<hbm>> -> memref<64x512xf32, #tpu.memory_space<hbm>>
      tpu.enqueue_dma source(%arg7 : memref<64x512xf32, #tpu.memory_space<vmem>>) target(%dma_start3A_17 : memref<64x512xf32, #tpu.memory_space<hbm>>) target_semaphore(%run_scoped3A : memref<!tpu.dma_semaphore, #tpu.memory_space<semaphore_mem>>)
      %dma_wait3A_18 = arith.constant 0 : i32
      %dma_wait3A_19 = arith.constant 0 : i32
      %dma_wait3A_20 = tpu.memref_slice %arg4[%add3A, %dma_wait3A_18, %dma_wait3A_19] : memref<32x64x512xf32, #tpu.memory_space<hbm>> -> memref<1x64x512xf32, #tpu.memory_space<hbm>>
      %dma_wait3A_21 = tpu.memref_squeeze %dma_wait3A_20 : memref<1x64x512xf32, #tpu.memory_space<hbm>> -> memref<64x512xf32, #tpu.memory_space<hbm>>
      %dma_wait3A_22 = arith.constant 0 : i32
      %dma_wait3A_23 = arith.constant 0 : i32
      %dma_wait3A_24 = tpu.memref_slice %arg4[%add3A, %dma_wait3A_22, %dma_wait3A_23] : memref<32x64x512xf32, #tpu.memory_space<hbm>> -> memref<1x64x512xf32, #tpu.memory_space<hbm>>
      %dma_wait3A_25 = tpu.memref_squeeze %dma_wait3A_24 : memref<1x64x512xf32, #tpu.memory_space<hbm>> -> memref<64x512xf32, #tpu.memory_space<hbm>>
      tpu.wait_dma2 semaphore(%run_scoped3A : memref<!tpu.dma_semaphore, #tpu.memory_space<semaphore_mem>>) src(%arg7 : memref<64x512xf32, #tpu.memory_space<vmem>>) dst(%dma_wait3A_25 : memref<64x512xf32, #tpu.memory_space<hbm>>)
      tpu.yield
    }) : () -> ()
    return
  }
}

module attributes {stable_mosaic.version = 14 : i64} {
  func.func @body(%arg0: i32, %arg1: memref<1x64x512xf32, #tpu.memory_space<vmem>>, %arg2: memref<1x64x512xf32, #tpu.memory_space<vmem>>, %arg3: memref<128x64xf32, #tpu.memory_space<vmem>>, %arg4: memref<128x64xf32, #tpu.memory_space<vmem>>, %arg5: memref<128x1xf32, #tpu.memory_space<vmem>>, %arg6: memref<64x128xf32, #tpu.memory_space<vmem>>, %arg7: memref<64x1xf32, #tpu.memory_space<vmem>>, %arg8: memref<64x1xf32, #tpu.memory_space<vmem>>, %arg9: memref<1xf32, #tpu.memory_space<smem>>, %arg10: memref<1x4x128xf32, #tpu.memory_space<vmem>>) attributes {dimension_semantics = [#tpu.dimension_semantics<arbitrary>], iteration_bounds = array<i64: 32>, scalar_prefetch = 0 : i64, scratch_operands = 0 : i64, tpu.core_type = #tpu.core_type<tc>, window_params = [{transform_indices = @transform_0, window_bounds = array<i64: 1, 64, 512>}, {transform_indices = @transform_1, window_bounds = array<i64: 1, 64, 512>}, {pipeline_mode = #tpu.pipeline_mode<synchronous>, transform_indices = @transform_2, window_bounds = array<i64: 128, 64>}, {pipeline_mode = #tpu.pipeline_mode<synchronous>, transform_indices = @transform_3, window_bounds = array<i64: 128, 64>}, {pipeline_mode = #tpu.pipeline_mode<synchronous>, transform_indices = @transform_4, window_bounds = array<i64: 128, 1>}, {pipeline_mode = #tpu.pipeline_mode<synchronous>, transform_indices = @transform_5, window_bounds = array<i64: 64, 128>}, {pipeline_mode = #tpu.pipeline_mode<synchronous>, transform_indices = @transform_6, window_bounds = array<i64: 64, 1>}, {pipeline_mode = #tpu.pipeline_mode<synchronous>, transform_indices = @transform_7, window_bounds = array<i64: 64, 1>}, {transform_indices = @transform_8, window_bounds = array<i64: 1>}, {transform_indices = @transform_9, window_bounds = array<i64: 1, 4, 128>}]} {
    %get3A = arith.constant 0 : index
    %get3A_0 = arith.constant 0 : index
    %get3A_1 = arith.constant 0 : index
    %get3A_2 = vector.load %arg1[%get3A, %get3A_0, %get3A_1] : memref<1x64x512xf32, #tpu.memory_space<vmem>>, vector<1x64x512xf32>
    %get3A_3 = vector.shape_cast %get3A_2 : vector<1x64x512xf32> to vector<64x512xf32>
    %get3A_4 = arith.constant 0 : index
    %get3A_5 = arith.constant 0 : index
    %get3A_6 = arith.constant 0 : index
    %get3A_7 = vector.load %arg2[%get3A_4, %get3A_5, %get3A_6] : memref<1x64x512xf32, #tpu.memory_space<vmem>>, vector<1x64x512xf32>
    %get3A_8 = vector.shape_cast %get3A_7 : vector<1x64x512xf32> to vector<64x512xf32>
    %get3A_9 = arith.constant 0 : index
    %get3A_10 = arith.constant 0 : index
    %get3A_11 = vector.load %arg3[%get3A_9, %get3A_10] : memref<128x64xf32, #tpu.memory_space<vmem>>, vector<128x64xf32>
    %dot_general3A = arith.constant dense<0.000000e+00> : vector<128x512xf32>
    %dot_general3A_12 = tpu.matmul %get3A_11, %get3A_3, %dot_general3A {dimension_numbers = #tpu.dot_dimension_numbers<[1], [0], [0], [1], [0, 0, 1, 1], [], []>, transpose_lhs_hint = false} : vector<128x64xf32>, vector<64x512xf32>, vector<128x512xf32> -> vector<128x512xf32>
    %get3A_13 = arith.constant 0 : index
    %get3A_14 = arith.constant 0 : index
    %get3A_15 = vector.load %arg4[%get3A_13, %get3A_14] : memref<128x64xf32, #tpu.memory_space<vmem>>, vector<128x64xf32>
    %dot_general3A_16 = arith.constant dense<0.000000e+00> : vector<128x512xf32>
    %dot_general3A_17 = tpu.matmul %get3A_15, %get3A_8, %dot_general3A_16 {dimension_numbers = #tpu.dot_dimension_numbers<[1], [0], [0], [1], [0, 0, 1, 1], [], []>, transpose_lhs_hint = false} : vector<128x64xf32>, vector<64x512xf32>, vector<128x512xf32> -> vector<128x512xf32>
    %add3A = arith.addf %dot_general3A_12, %dot_general3A_17 : vector<128x512xf32>
    %get3A_18 = arith.constant 0 : index
    %get3A_19 = arith.constant 0 : index
    %get3A_20 = vector.load %arg5[%get3A_18, %get3A_19] : memref<128x1xf32, #tpu.memory_space<vmem>>, vector<128x1xf32>
    %add3A_21 = vector.broadcast %get3A_20 : vector<128x1xf32> to vector<128x512xf32>
    %add3A_22 = arith.addf %add3A, %add3A_21 : vector<128x512xf32>
    %max3A = arith.constant 0.000000e+00 : f32
    %max3A_23 = vector.broadcast %max3A : f32 to vector<128x512xf32>
    %max3A_24 = arith.maximumf %add3A_22, %max3A_23 : vector<128x512xf32>
    %get3A_25 = arith.constant 0 : index
    %get3A_26 = arith.constant 0 : index
    %get3A_27 = vector.load %arg6[%get3A_25, %get3A_26] : memref<64x128xf32, #tpu.memory_space<vmem>>, vector<64x128xf32>
    %dot_general3A_28 = arith.constant dense<0.000000e+00> : vector<64x512xf32>
    %dot_general3A_29 = tpu.matmul %get3A_27, %max3A_24, %dot_general3A_28 {dimension_numbers = #tpu.dot_dimension_numbers<[1], [0], [0], [1], [0, 0, 1, 1], [], []>, transpose_lhs_hint = false} : vector<64x128xf32>, vector<128x512xf32>, vector<64x512xf32> -> vector<64x512xf32>
    %get3A_30 = arith.constant 0 : index
    %get3A_31 = arith.constant 0 : index
    %get3A_32 = vector.load %arg7[%get3A_30, %get3A_31] : memref<64x1xf32, #tpu.memory_space<vmem>>, vector<64x1xf32>
    %add3A_33 = vector.broadcast %get3A_32 : vector<64x1xf32> to vector<64x512xf32>
    %add3A_34 = arith.addf %dot_general3A_29, %add3A_33 : vector<64x512xf32>
    %max3A_35 = arith.constant 0.000000e+00 : f32
    %max3A_36 = vector.broadcast %max3A_35 : f32 to vector<64x512xf32>
    %max3A_37 = arith.maximumf %add3A_34, %max3A_36 : vector<64x512xf32>
    %get3A_38 = arith.constant 0 : index
    %get3A_39 = arith.constant 0 : index
    %get3A_40 = vector.load %arg8[%get3A_38, %get3A_39] : memref<64x1xf32, #tpu.memory_space<vmem>>, vector<64x1xf32>
    %mul3A = vector.broadcast %get3A_40 : vector<64x1xf32> to vector<64x512xf32>
    %mul3A_41 = arith.mulf %max3A_37, %mul3A : vector<64x512xf32>
    %reduce_sum3A = arith.constant dense<0.000000e+00> : vector<512xf32>
    %reduce_sum3A_42 = vector.multi_reduction <add>, %mul3A_41, %reduce_sum3A [0] : vector<64x512xf32> to vector<512xf32>
    %get3A_43 = arith.constant 0 : index
    %get3A_44 = memref.load %arg9[%get3A_43] : memref<1xf32, #tpu.memory_space<smem>>
    %add3A_45 = vector.broadcast %get3A_44 : f32 to vector<512xf32>
    %add3A_46 = arith.addf %reduce_sum3A_42, %add3A_45 : vector<512xf32>
    %reshape3A = vector.shape_cast %add3A_46 : vector<512xf32> to vector<1x4x128xf32>
    %swap3A = arith.constant 0 : index
    %swap3A_47 = arith.constant 0 : index
    %swap3A_48 = arith.constant 0 : index
    %swap3A_49 = vector.load %arg10[%swap3A, %swap3A_47, %swap3A_48] : memref<1x4x128xf32, #tpu.memory_space<vmem>>, vector<1x4x128xf32>
    tpu.vector_store %arg10[%swap3A, %swap3A_47, %swap3A_48], %reshape3A {strides = array<i32>} : memref<1x4x128xf32, #tpu.memory_space<vmem>>, vector<1x4x128xf32>,
    return
  }
  func.func @transform_0(%arg0: i32) -> (i32, i32, i32) {
    %c0_i32 = arith.constant 0 : i32
    %c0_i32_0 = arith.constant 0 : i32
    %c0_i32_1 = arith.constant 0 : i32
    return %arg0, %c0_i32, %c0_i32_0 : i32, i32, i32
  }
  func.func @transform_1(%arg0: i32) -> (i32, i32, i32) {
    %c0_i32 = arith.constant 0 : i32
    %c0_i32_0 = arith.constant 0 : i32
    %c0_i32_1 = arith.constant 0 : i32
    return %arg0, %c0_i32, %c0_i32_0 : i32, i32, i32
  }
  func.func @transform_2(%arg0: i32) -> (i32, i32) {
    %c0_i32 = arith.constant 0 : i32
    %c0_i32_0 = arith.constant 0 : i32
    %c0_i32_1 = arith.constant 0 : i32
    return %c0_i32, %c0_i32_0 : i32, i32
  }
  func.func @transform_3(%arg0: i32) -> (i32, i32) {
    %c0_i32 = arith.constant 0 : i32
    %c0_i32_0 = arith.constant 0 : i32
    %c0_i32_1 = arith.constant 0 : i32
    return %c0_i32, %c0_i32_0 : i32, i32
  }
  func.func @transform_4(%arg0: i32) -> (i32, i32) {
    %c0_i32 = arith.constant 0 : i32
    %c0_i32_0 = arith.constant 0 : i32
    %c0_i32_1 = arith.constant 0 : i32
    return %c0_i32, %c0_i32_0 : i32, i32
  }
  func.func @transform_5(%arg0: i32) -> (i32, i32) {
    %c0_i32 = arith.constant 0 : i32
    %c0_i32_0 = arith.constant 0 : i32
    %c0_i32_1 = arith.constant 0 : i32
    return %c0_i32, %c0_i32_0 : i32, i32
  }
  func.func @transform_6(%arg0: i32) -> (i32, i32) {
    %c0_i32 = arith.constant 0 : i32
    %c0_i32_0 = arith.constant 0 : i32
    %c0_i32_1 = arith.constant 0 : i32
    return %c0_i32, %c0_i32_0 : i32, i32
  }
  func.func @transform_7(%arg0: i32) -> (i32, i32) {
    %c0_i32 = arith.constant 0 : i32
    %c0_i32_0 = arith.constant 0 : i32
    %c0_i32_1 = arith.constant 0 : i32
    return %c0_i32, %c0_i32_0 : i32, i32
  }
  func.func @transform_8(%arg0: i32) -> i32 {
    %c0_i32 = arith.constant 0 : i32
    %c0_i32_0 = arith.constant 0 : i32
    return %c0_i32 : i32
  }
  func.func @transform_9(%arg0: i32) -> (i32, i32, i32) {
    %c0_i32 = arith.constant 0 : i32
    %c0_i32_0 = arith.constant 0 : i32
    %c0_i32_1 = arith.constant 0 : i32
    return %arg0, %c0_i32, %c0_i32_0 : i32, i32, i32
  }
}

</mosaic_0001>

<sc_bundles>
// kernel: kernel.5.cloned.1.call-start
scs
__scs_entry_jumppad:
0x0: {  	(pc) =	sbr.rel $0x88, $3  }
0x1: {  	(tag) =	ssettag $0x0;
	lr =	simm.s32 $0x1  }
0x2: {  	[smem:$0x3F97] =	sst lr;
	_ =	strace $0xD0000000  }
0x3: {  	_ = 	snop  }
0x4: {  	_ = 	snop  }
0x5: {  	_ = 	snop  }
0x6: {  	_ = 	snop  }
0x7: {  	_ = 	snop  }
__scs_overlays_trampoline_lowered:
0x8: {  	[smem:$0x3FA6] =	sst s0  }
0x9: {  	[smem:$0x3FA7] =	sst s1  }
0xa: {  	[smem:$0x3FA8] =	sst s2  }
0xb: {  	[smem:$0x3FA9] =	sst s3  }
0xc: {  	[smem:$0x3FAA] =	sst s4  }
0xd: {  	[smem:$0x3FAB] =	sst s5  }
0xe: {  	[smem:$0x3FAC] =	sst s6  }
0xf: {  	[smem:$0x3FAD] =	sst s7  }
0x10: {  	[smem:$0x3FAE] =	sst s8  }
0x11: {  	[smem:$0x3FAF] =	sst s9;
	s0 =	simm.s32 @!p0 $0x0  }
0x12: {  	s1 =	sld [smem:$0x3F95];
	s0 =	simm.s32 @p0 $0x1  }
0x13: {  	[smem:$0x3FB0] =	sst s0;
	s0 =	simm.s32 @!p1 $0x0  }
0x14: {  	s2 =	sld [smem:$0x3F94];
	s0 =	simm.s32 @p1 $0x1  }
0x15: {  	[smem:$0x3FB1] =	sst s0;
	s0 =	simm.s32 @!p2 $0x0  }
0x16: {  	s3 =	sld [smem:$0x3FDB];
	s0 =	simm.s32 @p2 $0x1  }
0x17: {  	s4 =	simm.s32 $0x1BF5;
	[smem:$0x3FB3] =	sst s0  }
0x18: {  	s0 =	sld [smem:$0x3F96];
	_ =	swait.ge [sflag:s4], $0x0  }
0x19: {  	s7 =	sld [smem:$0x3F97]  }
0x1a: {  	s8 =	sadd.s32 $0xFFFFE003, lr  }
0x1b: {  	s9 =	sadd.s32 $0xFFFFFEF7, lr;
	s5 =	simm.s32 $0xFFFFFFFF;
	p2 =	slt.u32 s8, $0xFFFFF086  }
0x1c: {  	p1 =	slt.u32 s9, $0xF7A;
	s5 =	simm.s32 @!p2 $0x0  }
0x1d: {  	s5 =	simm.s32 @p1 $0x1;
	p0 =	seq.s32 s7, s2  }
0x1e: {  	s7 =	smul.u32 @!p0 $0xF7A, s2;
	p2 =	seq.s32 @!p0 s5, $0x0  }
0x1f: {  	s9 =	smul.u32 $0xF7A, s1;
	s8 =	simm.s32 @!p0 $0x1BF5;
	p2 =	por !p2, p0  }
0x20: {  	[sflag:s8] =	ssyncset.s32 @!p0 $0xFFFFF086;
	s6 =	sadd.s32 @!p0 s3, s7;
	s7 =	simm.s32 @!p0 $0x108  }
0x21: {  	s3 =	sadd.s32 s3, s9;
	s6 =	sadd.s32 @!p0 $0x88, s6;
	s7 =	simm.s32 @p2 $0x1082  }
0x22: {  	[simem:s7], [sflag:s8] =	dma.local @!p0 [hbm:s6], $0xF7A  }
0x23: {  	s9 =	sor.u32 $0xD0000000, s2;
	s6 =	simm.s32 $0x108;
	_ =	swait.ge @!p0 [sflag:s8], $0x0  }
0x24: {  	s3 =	sadd.s32 $0x88, s3;
	s6 =	simm.s32 @!p1 $0x1082;
	[sflag:s4] =	ssyncset.s32 $0xFFFFF086  }
0x25: {  	[simem:s6], [sflag:s4] =	dma.local [hbm:s3], $0xF7A  }
0x26: {  	[smem:$0x3F97] =	sst s1;
	(tag) =	ssettag s2;
	_ =	strace s9  }
0x27: {  	s1 =	sld [smem:$0x3FA7]  }
0x28: {  	s2 =	sld [smem:$0x3FA8]  }
0x29: {  	s4 =	sld [smem:$0x3FAA]  }
0x2a: {  	p0 =	seq.s32 s5, $0x0;
	s5 =	sld [smem:$0x3FAB]  }
0x2b: {  	s6 =	sld [smem:$0x3FAC]  }
0x2c: {  	s7 =	sld [smem:$0x3FAD]  }
0x2d: {  	s3 =	simm.s32 $0x108;
	s8 =	sld [smem:$0x3FAE]  }
0x2e: {  	s3 =	simm.s32 @!p0 $0x1082;
	s9 =	sld [smem:$0x3FAF]  }
0x2f: {  	lr =	sadd.s32 s0, s3;
	s0 =	sld [smem:$0x3FA6]  }
0x30: {  	s3 =	sld [smem:$0x3FA9]  }
0x31: {  	[smem:$0x3FB2] =	sst s10  }
0x32: {  	s10 =	sld [smem:$0x3FB0];
	_ =	sdelay $0x3  }
0x33: {  	p0 =	seq.s32 s10, $0x1;
	s10 =	sld [smem:$0x3FB2];
	_ =	sdelay $0x3  }
0x34: {  	[smem:$0x3FB2] =	sst s10  }
0x35: {  	s10 =	sld [smem:$0x3FB1];
	_ =	sdelay $0x3  }
0x36: {  	p1 =	seq.s32 s10, $0x1;
	s10 =	sld [smem:$0x3FB2];
	_ =	sdelay $0x3  }
0x37: {  	[smem:$0x3FB2] =	sst s10  }
0x38: {  	s10 =	sld [smem:$0x3FB3]  }
0x39: {  	_ = 	snop;
	(pc) =	sbr.ind lr, $3  }
0x3a: {  	_ = 	snop  }
0x3b: {  	_ = 	snop  }
0x3c: {  	p2 =	seq.s32 s10, $0x1;
	s10 =	sld [smem:$0x3FB2]  }
0x3d: {  	_ =	shalt  }
0x3e: {  	_ =	shalt  }
0x3f: {  	_ =	shalt  }
0x40: {  	_ =	shalt  }
0x41: {  	_ =	shalt  }
0x42: {  	_ =	shalt  }
0x43: {  	_ =	shalt  }
0x44: {  	_ =	shalt  }
0x45: {  	_ =	shalt  }
0x46: {  	_ =	shalt  }
0x47: {  	_ =	shalt  }
0x48: {  	_ =	shalt  }
0x49: {  	_ =	shalt  }
0x4a: {  	_ =	shalt  }
0x4b: {  	_ =	shalt  }
0x4c: {  	_ =	shalt  }
0x4d: {  	_ =	shalt  }
0x4e: {  	_ =	shalt  }
0x4f: {  	_ =	shalt  }
0x50: {  	_ =	shalt  }
0x51: {  	_ =	shalt  }
0x52: {  	_ =	shalt  }
0x53: {  	_ =	shalt  }
0x54: {  	_ =	shalt  }
0x55: {  	_ =	shalt  }
0x56: {  	_ =	shalt  }
0x57: {  	_ =	shalt  }
0x58: {  	_ =	shalt  }
0x59: {  	_ =	shalt  }
0x5a: {  	_ =	shalt  }
0x5b: {  	_ =	shalt  }
0x5c: {  	_ =	shalt  }
0x5d: {  	_ =	shalt  }
0x5e: {  	_ =	shalt  }
0x5f: {  	_ =	shalt  }
0x60: {  	_ =	shalt  }
0x61: {  	_ =	shalt  }
0x62: {  	_ =	shalt  }
0x63: {  	_ =	shalt  }
0x64: {  	_ =	shalt  }
0x65: {  	_ =	shalt  }
0x66: {  	_ =	shalt  }
0x67: {  	_ =	shalt  }
0x68: {  	_ =	shalt  }
0x69: {  	_ =	shalt  }
0x6a: {  	_ =	shalt  }
0x6b: {  	_ =	shalt  }
0x6c: {  	_ =	shalt  }
0x6d: {  	_ =	shalt  }
0x6e: {  	_ =	shalt  }
0x6f: {  	_ =	shalt  }
0x70: {  	_ =	shalt  }
0x71: {  	_ =	shalt  }
0x72: {  	_ =	shalt  }
0x73: {  	_ =	shalt  }
0x74: {  	_ =	shalt  }
0x75: {  	_ =	shalt  }
0x76: {  	_ =	shalt  }
0x77: {  	_ =	shalt  }
0x78: {  	_ =	shalt  }
0x79: {  	_ =	shalt  }
0x7a: {  	_ =	shalt  }
0x7b: {  	_ =	shalt  }
0x7c: {  	_ =	shalt  }
0x7d: {  	_ =	shalt  }
0x7e: {  	_ =	shalt  }
0x7f: {  	_ =	shalt  }
0x80: {  	_ =	shalt  }
0x81: {  	_ =	shalt  }
0x82: {  	_ =	shalt  }
0x83: {  	_ =	shalt  }
0x84: {  	_ =	shalt  }
0x85: {  	_ =	shalt  }
0x86: {  	_ =	shalt  }
0x87: {  	_ =	shalt  }
.Lfunc_end0:
.L_simem_size_0:
called_computation_lowered:
.L_overlay_start_0:
0x88: {  	s2 =	sld [smem:$0x3FD9]  }
0x89: {  	s3 =	sld [smem:$0x3FFE];
	_ =	sdelay $0x1  }
0x8a: {  	s1 =	srdreg.scid  }
0x8b: {  	s0 =	sand.u32 $0x1, s1  }
0x8c: {  	s17 =	sshll.u32 s0, $0xA;
	s2 =	sadd.s32 s3, s2  }
0x8d: {  	s2 =	sadd.s32 s2, s17  }
0x8e: {  	[smem:$0x3FBE] =	sst s2  }
0x8f: {  	_ = 	snop  }
0x90: {  	s18 =	sld [smem:$0x3FC7];
	(tm) =	ssettm $0x1  }
0x91: {  	s19 =	sld [smem:$0x3FFB];
	_ =	sdelay $0x3  }
0x92: {  	_ =	strace s19  }
0x93: {  	s2 =	sld [smem:$0x3FFC];
	_ =	sdelay $0x3  }
0x94: {  	_ =	strace s2  }
0x95: {  	s2 =	sld [smem:$0x3FFD];
	_ =	sdelay $0x3  }
0x96: {  	_ =	strace s2  }
0x97: {  	_ =	strace $0x8FFFFFFF  }
0x98: {  	s20 =	sld [smem:$0x3FDB];
	_ =	sdelay $0x1  }
0x99: {  	s4 =	simm.s32 $_scs_section_size  }
0x9a: {  	s5 =	simm.s32 $_size__tile_overlayer_lowered;
	s6 =	simm.s32 $_tile_overlayer_lowered  }
0x9b: {  	s7 =	simm.s32 $0x1BFF;
	s21 =	sshll.u32 s6, $0x1;
	s4 =	sadd.s32 s4, s20  }
0x9c: {  	s22 =	simm.s32 $0x0;
	s5 =	sshll.u32 s5, $0x1;
	s6 =	sadd.s32 s21, s4  }
0x9d: {  	[timem:s22], [sflag:s7] =	dma.local [hbm:s6], s5  }
0x9e: {  	_ =	swait.ge [sflag:s7], s5  }
0x9f: {  	s5 =	ssub.s32 $0x0, s5;
	[sflag:s7] =	ssyncset.done $0x0  }
0xa0: {  	[sflag:s7] =	ssyncadd.s32 s5;
	_ =	sdelay $0x1  }
0xa1: {  	s23 =	simm.s32 $0x1B8B  }
0xa2: {  	_ =	swait.ge [sflag:s23], $0x1  }
0xa3: {  	[sflag:s23] =	ssyncset.done $0x0  }
0xa4: {  	[sflag:s23] =	ssyncadd.s32 $0xFFFFFFFF  }
0xa5: {  	s5 =	sld [smem:$0x0]  }
0xa6: {  	s6 =	sand.u32 $0xFFFFFFFE, s1  }
0xa7: {  	p0 =	sne.s32 s1, s6  }
0xa8: {  	s6 =	sshll.u32 @p0 s6, $0xE  }
0xa9: {  	s6 =	sadd.s32 @p0 $0x11B8D, s6;
	s7 =	sshll.u32 @p0 s5, $0x11  }
0xaa: {  	s6 =	sor.u32 @p0 s7, s6  }
0xab: {  	[sflag:s6] =	ssyncadd.remote.s32 @p0 $0x1;
	_ =	sdelay $0x1  }
0xac: {  	s6 =	simm.s32 @p0 $0x1B8D  }
0xad: {  	_ =	swait.eq @p0 [sflag:s6], $0x1  }
0xae: {  	[sflag:s6] =	ssyncadd.s32 @p0 $0xFFFFFFFF  }
0xaf: {  	s7 =	sshll.u32 @!p0 s1, $0xE  }
0xb0: {  	s7 =	sor.u32 @!p0 $0x4000, s7;
	s6 =	simm.s32 @!p0 $0x1B8D  }
0xb1: {  	s5 =	sshll.u32 @!p0 s5, $0x11;
	s7 =	sadd.s32 @!p0 $0x11B8D, s7;
	_ =	swait.eq @!p0 [sflag:s6], $0x1  }
0xb2: {  	s5 =	sor.u32 @!p0 s5, s7;
	[sflag:s6] =	ssyncadd.s32 @!p0 $0xFFFFFFFF  }
0xb3: {  	s25 =	simm.s32 $0x1B8E;
	s24 =	sld [smem:$0x3FFE];
	[sflag:s5] =	ssyncadd.remote.s32 @!p0 $0x1  }
0xb4: {  	s26 =	simm.s32 $execute0_lowered;
	[smem:$0x3FD2] =	sst s25  }
0xb5: {  	s6 =	sshll.u32 s26, $0x1;
	_ =	strace $0x80000049;
	[dreg:$0x1] =	wrdreg $0xFFFFFFFF  }
0xb6: {  	s28 =	simm.s32 $_size_execute0_lowered;
	s4 =	sadd.s32 s4, s6;
	[dreg:$0x0] =	wrdreg $0x0  }
0xb7: {  	s6 =	sshll.u32 s28, $0x1;
	[dreg:$0x2] =	wrdreg s4  }
0xb8: {  	[dreg:$0x3] =	wrdreg s6  }
0xb9: {  	[dreg:$0x4] =	wrdreg $0xC0  }
0xba: {  	_ =	task [dreg:s22], $0x5FFFF  }
0xbb: {  	[dreg:$0x1] =	wrdreg $0xFFFFFFFF  }
0xbc: {  	[dreg:$0x0] =	wrdreg $0x60  }
0xbd: {  	[dreg:$0x2] =	wrdreg s24  }
0xbe: {  	[dreg:$0x3] =	wrdreg s18  }
0xbf: {  	[dreg:$0x4] =	wrdreg $0x9  }
0xc0: {  	_ =	task.clear_ibuf [dreg:s22], $0x5FFFF;
	_ =	strace $0x90000049  }
0xc1: {  	s29 =	simm.s32 $0x9;
	_ =	strace $0x8000004B  }
0xc2: {  	_ =	swait.ge [sflag:s29], $0x1  }
0xc3: {  	[sflag:s29] =	ssyncadd.s32 $0xFFFFFFFF  }
0xc4: {  	_ =	strace $0x9000004B  }
0xc5: {  	_ =	sfence  }
0xc6: {  	s30 =	sld [smem:$0x0];
	_ =	sdelay $0x2  }
0xc7: {  	s31 =	sshll.u32 s1, $0xD;
	s1 =	sshrl.u32 s1, $0x2  }
0xc8: {  	s4 =	sand.u32 $0x4000, s31;
	s1 =	sadd.s32 s1, s30  }
0xc9: {  	s0 =	sor.u32 s4, s0;
	s1 =	sshll.u32 s1, $0x11  }
0xca: {  	s0 =	sor.u32 s1, s0  }
0xcb: {  	s0 =	sadd.s32 $0x8F2B, s0  }
0xcc: {  	[sflag:s0] =	ssyncadd.remote.s32 $0x1  }
0xcd: {  	_ =	sfence.sel $0xFFFF  }
0xce: {  	[dreg:$0x0] =	wrdreg $0xFFFFFFFF;
	(pc) =	sbr.abs _section_cstart, $3  }
0xcf: {  	[dreg:$0x1] =	wrdreg $0xFFFFFFFF  }
0xd0: {  	_ =	task.clear_ibuf [dreg:s22], $0x2FFFF;
	_ =	strace $0x9FFFFFFF  }
0xd1: {  	(tm) =	ssettm $0x7FFFFFFF  }
tec
execute0_lowered:
.L_overlay_start_1:
0x0: {  	(tag) =	ssettag $0x1  }
0x1: {  	s4 =	rddreg [dreg:$0x0]  }
0x2: {  	s2 =	rddreg [dreg:$0x1]  }
0x3: {  	s0 =	rddreg [dreg:$0x2];
	s3 =	simm.s32 $0x0  }
0x4: {  	s1 =	stileid.u32;
	s5 =	srdreg.scid;
	s9 =	simm.s32 $0x2  }
0x5: {  	s10 =	simm.s32 $0x1;
	s11 =	simm.s32 $0x1400;
	s12 =	simm.s32 $0x7A1400  }
0x6: {  	s13 =	simm.s32 $0x14200;
	s14 =	simm.s32 $0x0;
	s6 =	sshll.u32 s1, $0x7  }
0x7: {  	s5 =	sand.u32 $0x1, s5;
	s7 =	sshll.u32 s1, $0x1;
	[smem:$0x7FF] =	sst s3  }
0x8: {  	s6 =	sand.u32 $0x600, s6;
	s7 =	sor.u32 s5, s7;
	_ =	strace $0x8000004A  }
.Ltmp0:
0x9: {  	s5 =	ssub.s32 $0x2, s5;
	s6 =	sadd.s32 s6, s4;
	(pc) =	sbr.rel .LBB2_1-.Ltmp0, $4  }
0xa: {  	s8 =	sshll.u32 s7, $0x4;
	s7 =	sshll.u32 s7, $0xC;
	s30 =	sshrl.u32 s5, $0x1  }
0xb: {  	s8 =	sand.u32 $0x70, s8;
	s7 =	sadd.s32 s7, s4;
	s31 =	ssub.s32 s5, s30  }
0xc: {  	s6 =	sadd.s32 s8, s6;
	s5 =	sadd.s32 $0x21000, s7;
	s7 =	simm.s32 $0x80  }
0xd: {  	v0 =	vlaneseq.u32;
	s8 =	simm.s32 $0x400;
	s4 =	sadd.s32 $0x20800, s6;
	s6 =	smax.u32 s31, $0x1  }
.LBB2_2:
0xe: {  	s14 =	sadd.s32 $0x1, s14  }
0xf: {  	p0 =	sne.s32 s14, s6  }
.Ltmp1:
0x10: {  	_ = 	snop;
	(pc) =	sbr.rel @!p0 .LBB2_3-.Ltmp1, $4  }
0x11: {  	[hbm4b:s5+s3] =	stream.linear.scatter [tilespmem:s13], [sflag:$0x2], $0x8000, $0x38;
	[tilespmem:$0x1C200] =	vst v63  }
0x12: {  	_ =	swait.ge [sflag:s9], $0x8000  }
0x13: {  	[sflag:s9] =	ssyncset.done $0x0  }
0x14: {  	[sflag:s9] =	ssyncadd.s32 $0xFFFF8000  }
.LBB2_1:
0x15: {  	[tilespmem:s3], [sflag:$0x2] =	stream.strided.gather [hbm4b:s4+s7], $0x200, s8, s7, $0x38;
	[tilespmem:$0x1C200] =	vst v63  }
0x16: {  	_ =	swait.ge [sflag:s9], $0x200  }
0x17: {  	[sflag:s9] =	ssyncset.done $0x0  }
0x18: {  	[sflag:s9] =	ssyncadd.s32 $0xFFFFFE00  }
0x19: {  	v1 =	vld [tilespmem:$0x1F0]  }
0x1a: {  	v2 =	vld [tilespmem:$0x0];
	_ =	sdelay $0x3  }
0x1b: {  	v1 =	vxor.u32 $0x80000000, v1  }
0x1c: {  	(xrf0) =	vmax.scan.msk.u32 $0xffff, v1;
	v1 =	vxor.u32 $0x80000000, v2  }
0x1d: {  	(xrf0) =	vmin.scan.msk.u32 $0xffff, v1;
	_ =	sdelay $0x4  }
0x1e: {  	v1, _, _ =	vpop (xrf0)  }
0x1f: {  	(v2sf) =	vpush v1, $0xF;
	v1, _, _ =	vpop (xrf0)  }
0x20: {  	(v2sf) =	vpush v1, $0xF;
	_ =	sdelay $0xd  }
0x21: {  	s16 =	spop (v2sf)  }
0x22: {  	s15 =	spop (v2sf)  }
0x23: {  	s17 =	sxor.u32 $0x80000000, s15  }
0x24: {  	s18 =	smulhi.u32 $0x66666667, s17;
	s19 =	sshra.s32 s17, $0x1F  }
0x25: {  	s19 =	smul.u32 $0x66666667, s19;
	_ =	sdelay $0x1  }
0x26: {  	s18 =	sadd.s32 s19, s18  }
0x27: {  	s21 =	sxor.u32 $0x80000000, s16;
	s19 =	sshrl.u32 s18, $0x1F;
	s18 =	sshra.s32 s18, $0x8  }
0x28: {  	s20 =	smulhi.u32 $0x66666667, s21;
	s18 =	sadd.s32 s19, s18  }
0x29: {  	p0 =	sgt.s32 s15, $0xFFFFFFFF;
	s22 =	smul.u32 $0xFFFFFD80, s18  }
0x2a: {  	s23 =	sshra.s32 s21, $0x1F;
	p1 =	slt.s32 s17, $0x1;
	s17 =	ssub.s32 $0x0, s17  }
0x2b: {  	s15 =	smul.u32 $0x66666667, s23;
	p0 =	por p0, p1;
	p3 =	sne.s32 s22, s17  }
0x2c: {  	p0 =	por !p0, !p3  }
0x2d: {  	s20 =	sadd.s32 s15, s20;
	s17 =	simm.s32 $0x1;
	p0 =	por !p0, !p0  }
0x2e: {  	s24 =	sshrl.u32 s20, $0x1F;
	s25 =	sshra.s32 s20, $0x8;
	s17 =	simm.s32 @!p0 $0x0  }
0x2f: {  	s15 =	ssub.s32 s18, s17;
	s17 =	sadd.s32 s24, s25  }
0x30: {  	p5 =	sgt.s32 s16, $0xFFFFFFFF;
	s26 =	sshrl.u32 s15, $0x1F;
	s28 =	smul.u32 $0xFFFFFD80, s17  }
0x31: {  	p4 =	slt.s32 s21, $0x1;
	s19 =	ssub.s32 $0x0, s21;
	s18 =	sadd.s32 s26, s15  }
0x32: {  	p0 =	por p5, p4;
	s18 =	sand.u32 $0x1FFFE, s18;
	p6 =	sne.s32 s28, s19  }
0x33: {  	s29 =	ssub.s32 s15, s18;
	p0 =	por !p0, !p6  }
0x34: {  	s19 =	simm.s32 $0x1;
	s16 =	smul.u32 $0x28000, s29;
	p0 =	por !p0, !p0  }
0x35: {  	s19 =	simm.s32 @!p0 $0x0  }
0x36: {  	s30 =	sshra.s32 s16, $0x2;
	s16 =	ssub.s32 s17, s19  }
0x37: {  	s18 =	smul.u32 $0x280, s15;
	p0 =	sgt.s32 s15, s16  }
.Ltmp2:
0x38: {  	_ = 	snop;
	(pc) =	sbr.rel @!p0 .LBB2_5-.Ltmp2, $4  }
.Ltmp3:
0x39: {  	p1 =	slt.s32 s18, $0xF4000;
	(pc) =	sbr.rel @p0 .LBB2_2-.Ltmp3, $4  }
0x3a: {  	s18 =	simm.s32 @!p1 $0xF4000  }
0x3b: {  	s31 =	sor.u32 $0x200, s30;
	s18 =	sadd.s32 s2, s18  }
0x3c: {  	[tilespmem:s31], [sflag:$0x1] =	stream.strided.gather [hbm4b:s18+s11], $0xA000, s12, s11, $0x38;
	[tilespmem:$0x1C200] =	vst v63  }
0x3d: {  	_ = 	snop  }
.LBB2_4:
0x3e: {  	p0 =	seq.s32 s17, s16  }
.Ltmp4:
0x3f: {  	_ = 	snop;
	(pc) =	sbr.rel @p0 .LBB2_2-.Ltmp4, $1  }
0x40: {  	_ =	sdelay $0x3  }
.LBB2_5:
0x41: {  	s17 =	smov.u32 s15  }
0x42: {  	s15 =	sadd.s32 $0x1, s15;
	p0 =	sge.s32 s17, s16  }
0x43: {  	s18 =	sshrl.u32 @!p0 s15, $0x1F  }
0x44: {  	s18 =	sadd.s32 @!p0 s18, s15  }
0x45: {  	s19 =	smul.u32 @!p0 $0x280, s15;
	s18 =	sand.u32 @!p0 $0x1FFFE, s18  }
0x46: {  	s18 =	ssub.s32 @!p0 s15, s18  }
0x47: {  	p1 =	slt.s32 @!p0 s19, $0xF4000;
	s18 =	smul.u32 @!p0 $0x28000, s18  }
0x48: {  	s30 =	sshrl.u32 s17, $0x1F;
	p1 =	por !p1, p0  }
0x49: {  	s20 =	simm.s32 @!p0 $0x1400;
	s19 =	simm.s32 @p1 $0xF4000;
	s18 =	sshra.s32 @!p0 s18, $0x2  }
0x4a: {  	s21 =	simm.s32 @!p0 $0x7A1400;
	s19 =	sadd.s32 @!p0 s2, s19;
	s18 =	sor.u32 @!p0 $0x200, s18  }
0x4b: {  	[tilespmem:s18], [sflag:$0x1] =	stream.strided.gather @!p0 [hbm4b:s19+s20], $0xA000, s21, s20, $0x38;
	[tilespmem:$0x1C200] =	vst v63  }
0x4c: {  	s18 =	sadd.s32 s30, s17  }
0x4d: {  	s18 =	sand.u32 $0x1FFFE, s18  }
0x4e: {  	s31 =	ssub.s32 s17, s18;
	s18 =	smul.u32 $0x280, s17  }
.Ltmp5:
0x4f: {  	_ = 	snop;
	(pc) =	sbr.rel .LBB2_6-.Ltmp5, $4  }
0x50: {  	s22 =	simm.s32 $0x0;
	_ =	swait.ge [sflag:s10], $0xA000;
	s19 =	smul.u32 $0x28000, s31  }
0x51: {  	[sflag:s10] =	ssyncset.done $0x0;
	p0 =	slt.s32 s18, $0xF4000;
	s21 =	smov.u32 s18  }
0x52: {  	s20 =	sadd.s32 $0x280, s18;
	s21 =	simm.s32 @!p0 $0xF4000;
	s19 =	sshra.s32 s19, $0x2  }
0x53: {  	[sflag:s10] =	ssyncadd.s32 $0xFFFF6000;
	v1 =	vmov s18;
	v2 =	vmov s20;
	s19 =	sor.u32 $0x200, s19;
	v3 =	vmov s21;
	s21 =	simm.s32 $0x0  }
.LBB2_8:
0x54: {  	s22 =	sadd.s32 $0x10, s22  }
0x55: {  	p0 =	seq.s32 s22, $0x200  }
.Ltmp6:
0x56: {  	_ = 	snop;
	(pc) =	sbr.rel @p0 .LBB2_4-.Ltmp6, $2  }
0x57: {  	_ =	sdelay $0x2  }
0x58: {  	s21 =	sadd.s32 $0x10, s21  }
.LBB2_6:
0x59: {  	v4 =	vld [tilespmem:s21+$0x0];
	_ =	sdelay $0x4  }
0x5a: {  	v5 =	vxor.u32 $0x80000000, v4  }
0x5b: {  	(xrf0) =	vmin.scan.msk.u32 $0xffff, v5  }
0x5c: {  	(xrf0) =	vmax.scan.msk.u32 $0xffff, v5;
	_ =	sdelay $0x4  }
0x5d: {  	v5, _, _ =	vpop (xrf0)  }
0x5e: {  	(v2sf) =	vpush v5, $0xF;
	v5, _, _ =	vpop (xrf0)  }
0x5f: {  	(v2sf) =	vpush v5, $0xF;
	_ =	sdelay $0xd  }
0x60: {  	s23 =	spop (v2sf)  }
0x61: {  	s24 =	spop (v2sf)  }
0x62: {  	s24 =	sxor.u32 $0x80000000, s24  }
0x63: {  	s23 =	sxor.u32 $0x80000000, s23;
	p0 =	slt.s32 s24, s18  }
0x64: {  	p1 =	sge.s32 @!p0 s23, s20  }
0x65: {  	p0 =	por p0, p1  }
.Ltmp7:
0x66: {  	_ = 	snop;
	(pc) =	sbr.rel @p0 .LBB2_8-.Ltmp7, $1  }
0x67: {  	_ =	sdelay $0x3  }
0x68: {  	vm0 =	vge.s32 v4, v1;
	vm1 =	vlt.s32 v4, v2  }
0x69: {  	v4 =	vsub.s32 v4, v3;
	vm0 =	vmand vm0, vm1  }
0x6a: {  	v4 =	vnsel vm0, $0x0, v4  }
0x6b: {  	v5 =	vshll.u32 v4, $0x3  }
0x6c: {  	v4 =	vand.u32 $0x7F, v4;
	v5 =	vand.u32 $0xFFFFFC00, v5  }
0x6d: {  	v4 =	vor.u32 v4, v5;
	_ =	sdelay $0x1  }
0x6e: {  	v5 =	vmov s22  }
0x6f: {  	v6 =	vor.u32 s22, v0;
	v7 =	vshll.u32 v5, $0x3  }
0x70: {  	v6 =	vand.u32 $0x7F, v6;
	v5 =	vand.u32 $0xC00, v7  }
0x71: {  	v5 =	vor.u32 v6, v5;
	v8 =	vld.idx.msk [tilespmem:v4+s19+$0x0], vm0  }
0x72: {  	v9 =	vor.u32 $0x80, v4;
	_ =	sdelay $0x3  }
0x73: {  	[tilespmem:v5+s13+$0x0] =	vst.idx.msk vm0, v8  }
0x74: {  	v46 =	vor.u32 $0x80, v5;
	v8 =	vld.idx.msk [tilespmem:v9+s19+$0x0], vm0  }
0x75: {  	v10 =	vor.u32 $0x100, v4;
	_ =	sdelay $0x3  }
0x76: {  	[tilespmem:v46+s13+$0x0] =	vst.idx.msk vm0, v8  }
0x77: {  	v47 =	vor.u32 $0x100, v5;
	v8 =	vld.idx.msk [tilespmem:v10+s19+$0x0], vm0  }
0x78: {  	v48 =	vor.u32 $0x180, v4;
	_ =	sdelay $0x3  }
0x79: {  	[tilespmem:v47+s13+$0x0] =	vst.idx.msk vm0, v8  }
0x7a: {  	v49 =	vor.u32 $0x180, v5;
	v8 =	vld.idx.msk [tilespmem:v48+s19+$0x0], vm0  }
0x7b: {  	v50 =	vor.u32 $0x200, v4;
	_ =	sdelay $0x3  }
0x7c: {  	[tilespmem:v49+s13+$0x0] =	vst.idx.msk vm0, v8  }
0x7d: {  	v51 =	vor.u32 $0x200, v5;
	v8 =	vld.idx.msk [tilespmem:v50+s19+$0x0], vm0  }
0x7e: {  	v52 =	vor.u32 $0x280, v4;
	_ =	sdelay $0x3  }
0x7f: {  	[tilespmem:v51+s13+$0x0] =	vst.idx.msk vm0, v8  }
0x80: {  	v53 =	vor.u32 $0x280, v5;
	v8 =	vld.idx.msk [tilespmem:v52+s19+$0x0], vm0  }
0x81: {  	v54 =	vor.u32 $0x300, v4;
	_ =	sdelay $0x3  }
0x82: {  	[tilespmem:v53+s13+$0x0] =	vst.idx.msk vm0, v8  }
0x83: {  	v55 =	vor.u32 $0x300, v5;
	v8 =	vld.idx.msk [tilespmem:v54+s19+$0x0], vm0  }
0x84: {  	v56 =	vor.u32 $0x380, v4;
	_ =	sdelay $0x3  }
0x85: {  	v6 =	vor.u32 v7, v6;
	[tilespmem:v55+s13+$0x0] =	vst.idx.msk vm0, v8  }
0x86: {  	v58 =	vor.u32 $0x380, v6;
	v57 =	vld.idx.msk [tilespmem:v56+s19+$0x0], vm0  }
0x87: {  	v59 =	vadd.s32 $0x1400, v4;
	_ =	sdelay $0x3  }
0x88: {  	[tilespmem:v58+s13+$0x0] =	vst.idx.msk vm0, v57  }
0x89: {  	v60 =	vor.u32 $0x1000, v5;
	v7 =	vld.idx.msk [tilespmem:v59+s19+$0x0], vm0  }
0x8a: {  	v61 =	vadd.s32 $0x1480, v4;
	_ =	sdelay $0x3  }
0x8b: {  	[tilespmem:v60+s13+$0x0] =	vst.idx.msk vm0, v7  }
0x8c: {  	v62 =	vor.u32 $0x1080, v5;
	v7 =	vld.idx.msk [tilespmem:v61+s19+$0x0], vm0  }
0x8d: {  	v63 =	vadd.s32 $0x1500, v4;
	_ =	sdelay $0x3  }
0x8e: {  	[tilespmem:v62+s13+$0x0] =	vst.idx.msk vm0, v7  }
0x8f: {  	v12 =	vor.u32 $0x1100, v5;
	v7 =	vld.idx.msk [tilespmem:v63+s19+$0x0], vm0  }
0x90: {  	v13 =	vadd.s32 $0x1580, v4;
	_ =	sdelay $0x3  }
0x91: {  	[tilespmem:v12+s13+$0x0] =	vst.idx.msk vm0, v7  }
0x92: {  	v14 =	vor.u32 $0x1180, v5;
	v7 =	vld.idx.msk [tilespmem:v13+s19+$0x0], vm0  }
0x93: {  	v15 =	vadd.s32 $0x1600, v4;
	_ =	sdelay $0x3  }
0x94: {  	[tilespmem:v14+s13+$0x0] =	vst.idx.msk vm0, v7  }
0x95: {  	v16 =	vor.u32 $0x1200, v5;
	v7 =	vld.idx.msk [tilespmem:v15+s19+$0x0], vm0  }
0x96: {  	v17 =	vadd.s32 $0x1680, v4;
	_ =	sdelay $0x3  }
0x97: {  	[tilespmem:v16+s13+$0x0] =	vst.idx.msk vm0, v7  }
0x98: {  	v18 =	vor.u32 $0x1280, v5;
	v7 =	vld.idx.msk [tilespmem:v17+s19+$0x0], vm0  }
0x99: {  	v19 =	vadd.s32 $0x1700, v4;
	_ =	sdelay $0x3  }
0x9a: {  	[tilespmem:v18+s13+$0x0] =	vst.idx.msk vm0, v7  }
0x9b: {  	v20 =	vor.u32 $0x1300, v5;
	v7 =	vld.idx.msk [tilespmem:v19+s19+$0x0], vm0  }
0x9c: {  	v21 =	vadd.s32 $0x1780, v4;
	_ =	sdelay $0x3  }
0x9d: {  	[tilespmem:v20+s13+$0x0] =	vst.idx.msk vm0, v7  }
0x9e: {  	v22 =	vor.u32 $0x1380, v6;
	v7 =	vld.idx.msk [tilespmem:v21+s19+$0x0], vm0  }
0x9f: {  	v23 =	vadd.s32 $0x2800, v4;
	_ =	sdelay $0x3  }
0xa0: {  	[tilespmem:v22+s13+$0x0] =	vst.idx.msk vm0, v7  }
0xa1: {  	v24 =	vor.u32 $0x2000, v5;
	v7 =	vld.idx.msk [tilespmem:v23+s19+$0x0], vm0  }
0xa2: {  	v25 =	vadd.s32 $0x2880, v4;
	_ =	sdelay $0x3  }
0xa3: {  	[tilespmem:v24+s13+$0x0] =	vst.idx.msk vm0, v7  }
0xa4: {  	v26 =	vor.u32 $0x2080, v5;
	v7 =	vld.idx.msk [tilespmem:v25+s19+$0x0], vm0  }
0xa5: {  	v27 =	vadd.s32 $0x2900, v4;
	_ =	sdelay $0x3  }
0xa6: {  	[tilespmem:v26+s13+$0x0] =	vst.idx.msk vm0, v7  }
0xa7: {  	v28 =	vor.u32 $0x2100, v5;
	v7 =	vld.idx.msk [tilespmem:v27+s19+$0x0], vm0  }
0xa8: {  	v29 =	vadd.s32 $0x2980, v4;
	_ =	sdelay $0x3  }
0xa9: {  	[tilespmem:v28+s13+$0x0] =	vst.idx.msk vm0, v7  }
0xaa: {  	v30 =	vor.u32 $0x2180, v5;
	v7 =	vld.idx.msk [tilespmem:v29+s19+$0x0], vm0  }
0xab: {  	v31 =	vadd.s32 $0x2A00, v4;
	_ =	sdelay $0x3  }
0xac: {  	[tilespmem:v30+s13+$0x0] =	vst.idx.msk vm0, v7  }
0xad: {  	v32 =	vor.u32 $0x2200, v5;
	v7 =	vld.idx.msk [tilespmem:v31+s19+$0x0], vm0  }
0xae: {  	v33 =	vadd.s32 $0x2A80, v4;
	_ =	sdelay $0x3  }
0xaf: {  	[tilespmem:v32+s13+$0x0] =	vst.idx.msk vm0, v7  }
0xb0: {  	v34 =	vor.u32 $0x2280, v5;
	v7 =	vld.idx.msk [tilespmem:v33+s19+$0x0], vm0  }
0xb1: {  	v35 =	vadd.s32 $0x2B00, v4;
	_ =	sdelay $0x3  }
0xb2: {  	[tilespmem:v34+s13+$0x0] =	vst.idx.msk vm0, v7  }
0xb3: {  	v36 =	vor.u32 $0x2300, v5;
	v7 =	vld.idx.msk [tilespmem:v35+s19+$0x0], vm0  }
0xb4: {  	v37 =	vadd.s32 $0x2B80, v4;
	_ =	sdelay $0x3  }
0xb5: {  	[tilespmem:v36+s13+$0x0] =	vst.idx.msk vm0, v7  }
0xb6: {  	v38 =	vor.u32 $0x2380, v6;
	v7 =	vld.idx.msk [tilespmem:v37+s19+$0x0], vm0  }
0xb7: {  	v39 =	vadd.s32 $0x3C00, v4;
	_ =	sdelay $0x3  }
0xb8: {  	[tilespmem:v38+s13+$0x0] =	vst.idx.msk vm0, v7  }
0xb9: {  	v40 =	vor.u32 $0x3000, v5;
	v7 =	vld.idx.msk [tilespmem:v39+s19+$0x0], vm0  }
0xba: {  	v41 =	vadd.s32 $0x3C80, v4;
	_ =	sdelay $0x3  }
0xbb: {  	[tilespmem:v40+s13+$0x0] =	vst.idx.msk vm0, v7  }
0xbc: {  	v42 =	vor.u32 $0x3080, v5;
	v7 =	vld.idx.msk [tilespmem:v41+s19+$0x0], vm0  }
0xbd: {  	v43 =	vadd.s32 $0x3D00, v4;
	_ =	sdelay $0x3  }
0xbe: {  	[tilespmem:v42+s13+$0x0] =	vst.idx.msk vm0, v7  }
0xbf: {  	v44 =	vor.u32 $0x3100, v5;
	v7 =	vld.idx.msk [tilespmem:v43+s19+$0x0], vm0  }
0xc0: {  	v45 =	vadd.s32 $0x3D80, v4;
	_ =	sdelay $0x3  }
0xc1: {  	[tilespmem:v44+s13+$0x0] =	vst.idx.msk vm0, v7  }
0xc2: {  	v46 =	vor.u32 $0x3180, v5;
	v7 =	vld.idx.msk [tilespmem:v45+s19+$0x0], vm0  }
0xc3: {  	v47 =	vadd.s32 $0x3E00, v4;
	_ =	sdelay $0x3  }
0xc4: {  	[tilespmem:v46+s13+$0x0] =	vst.idx.msk vm0, v7  }
0xc5: {  	v48 =	vor.u32 $0x3200, v5;
	v7 =	vld.idx.msk [tilespmem:v47+s19+$0x0], vm0  }
0xc6: {  	v49 =	vadd.s32 $0x3E80, v4;
	_ =	sdelay $0x3  }
0xc7: {  	[tilespmem:v48+s13+$0x0] =	vst.idx.msk vm0, v7  }
0xc8: {  	v50 =	vor.u32 $0x3280, v5;
	v7 =	vld.idx.msk [tilespmem:v49+s19+$0x0], vm0  }
0xc9: {  	v51 =	vadd.s32 $0x3F00, v4;
	_ =	sdelay $0x3  }
0xca: {  	[tilespmem:v50+s13+$0x0] =	vst.idx.msk vm0, v7  }
0xcb: {  	v52 =	vor.u32 $0x3300, v5;
	v7 =	vld.idx.msk [tilespmem:v51+s19+$0x0], vm0  }
0xcc: {  	v53 =	vadd.s32 $0x3F80, v4;
	_ =	sdelay $0x3  }
0xcd: {  	[tilespmem:v52+s13+$0x0] =	vst.idx.msk vm0, v7  }
0xce: {  	v54 =	vor.u32 $0x3380, v6;
	v7 =	vld.idx.msk [tilespmem:v53+s19+$0x0], vm0  }
0xcf: {  	v55 =	vadd.s32 $0x5000, v4;
	_ =	sdelay $0x3  }
0xd0: {  	[tilespmem:v54+s13+$0x0] =	vst.idx.msk vm0, v7  }
0xd1: {  	v56 =	vor.u32 $0x4000, v5;
	v7 =	vld.idx.msk [tilespmem:v55+s19+$0x0], vm0  }
0xd2: {  	v57 =	vadd.s32 $0x5080, v4;
	_ =	sdelay $0x3  }
0xd3: {  	[tilespmem:v56+s13+$0x0] =	vst.idx.msk vm0, v7  }
0xd4: {  	v58 =	vor.u32 $0x4080, v5;
	v7 =	vld.idx.msk [tilespmem:v57+s19+$0x0], vm0  }
0xd5: {  	v59 =	vadd.s32 $0x5100, v4;
	_ =	sdelay $0x3  }
0xd6: {  	[tilespmem:v58+s13+$0x0] =	vst.idx.msk vm0, v7  }
0xd7: {  	v60 =	vor.u32 $0x4100, v5;
	v7 =	vld.idx.msk [tilespmem:v59+s19+$0x0], vm0  }
0xd8: {  	v61 =	vadd.s32 $0x5180, v4;
	_ =	sdelay $0x3  }
0xd9: {  	[tilespmem:v60+s13+$0x0] =	vst.idx.msk vm0, v7  }
0xda: {  	v62 =	vor.u32 $0x4180, v5;
	v7 =	vld.idx.msk [tilespmem:v61+s19+$0x0], vm0  }
0xdb: {  	v63 =	vadd.s32 $0x5200, v4;
	_ =	sdelay $0x3  }
0xdc: {  	[tilespmem:v62+s13+$0x0] =	vst.idx.msk vm0, v7  }
0xdd: {  	v12 =	vor.u32 $0x4200, v5;
	v7 =	vld.idx.msk [tilespmem:v63+s19+$0x0], vm0  }
0xde: {  	v13 =	vadd.s32 $0x5280, v4;
	_ =	sdelay $0x3  }
0xdf: {  	[tilespmem:v12+s13+$0x0] =	vst.idx.msk vm0, v7  }
0xe0: {  	v14 =	vor.u32 $0x4280, v5;
	v7 =	vld.idx.msk [tilespmem:v13+s19+$0x0], vm0  }
0xe1: {  	v15 =	vadd.s32 $0x5300, v4;
	_ =	sdelay $0x3  }
0xe2: {  	[tilespmem:v14+s13+$0x0] =	vst.idx.msk vm0, v7  }
0xe3: {  	v16 =	vor.u32 $0x4300, v5;
	v7 =	vld.idx.msk [tilespmem:v15+s19+$0x0], vm0  }
0xe4: {  	v17 =	vadd.s32 $0x5380, v4;
	_ =	sdelay $0x3  }
0xe5: {  	[tilespmem:v16+s13+$0x0] =	vst.idx.msk vm0, v7  }
0xe6: {  	v18 =	vor.u32 $0x4380, v6;
	v7 =	vld.idx.msk [tilespmem:v17+s19+$0x0], vm0  }
0xe7: {  	v19 =	vadd.s32 $0x6400, v4;
	_ =	sdelay $0x3  }
0xe8: {  	[tilespmem:v18+s13+$0x0] =	vst.idx.msk vm0, v7  }
0xe9: {  	v20 =	vor.u32 $0x5000, v5;
	v7 =	vld.idx.msk [tilespmem:v19+s19+$0x0], vm0  }
0xea: {  	v21 =	vadd.s32 $0x6480, v4;
	_ =	sdelay $0x3  }
0xeb: {  	[tilespmem:v20+s13+$0x0] =	vst.idx.msk vm0, v7  }
0xec: {  	v22 =	vor.u32 $0x5080, v5;
	v7 =	vld.idx.msk [tilespmem:v21+s19+$0x0], vm0  }
0xed: {  	v23 =	vadd.s32 $0x6500, v4;
	_ =	sdelay $0x3  }
0xee: {  	[tilespmem:v22+s13+$0x0] =	vst.idx.msk vm0, v7  }
0xef: {  	v24 =	vor.u32 $0x5100, v5;
	v7 =	vld.idx.msk [tilespmem:v23+s19+$0x0], vm0  }
0xf0: {  	v25 =	vadd.s32 $0x6580, v4;
	_ =	sdelay $0x3  }
0xf1: {  	[tilespmem:v24+s13+$0x0] =	vst.idx.msk vm0, v7  }
0xf2: {  	v26 =	vor.u32 $0x5180, v5;
	v7 =	vld.idx.msk [tilespmem:v25+s19+$0x0], vm0  }
0xf3: {  	v27 =	vadd.s32 $0x6600, v4;
	_ =	sdelay $0x3  }
0xf4: {  	[tilespmem:v26+s13+$0x0] =	vst.idx.msk vm0, v7  }
0xf5: {  	v28 =	vor.u32 $0x5200, v5;
	v7 =	vld.idx.msk [tilespmem:v27+s19+$0x0], vm0  }
0xf6: {  	v29 =	vadd.s32 $0x6680, v4;
	_ =	sdelay $0x3  }
0xf7: {  	[tilespmem:v28+s13+$0x0] =	vst.idx.msk vm0, v7  }
0xf8: {  	v30 =	vor.u32 $0x5280, v5;
	v7 =	vld.idx.msk [tilespmem:v29+s19+$0x0], vm0  }
0xf9: {  	v31 =	vadd.s32 $0x6700, v4;
	_ =	sdelay $0x3  }
0xfa: {  	[tilespmem:v30+s13+$0x0] =	vst.idx.msk vm0, v7  }
0xfb: {  	v32 =	vor.u32 $0x5300, v5;
	v7 =	vld.idx.msk [tilespmem:v31+s19+$0x0], vm0  }
0xfc: {  	v33 =	vadd.s32 $0x6780, v4;
	_ =	sdelay $0x3  }
0xfd: {  	[tilespmem:v32+s13+$0x0] =	vst.idx.msk vm0, v7  }
0xfe: {  	v34 =	vor.u32 $0x5380, v6;
	v7 =	vld.idx.msk [tilespmem:v33+s19+$0x0], vm0  }
0xff: {  	v35 =	vadd.s32 $0x7800, v4;
	_ =	sdelay $0x3  }
0x100: {  	[tilespmem:v34+s13+$0x0] =	vst.idx.msk vm0, v7  }
0x101: {  	v36 =	vor.u32 $0x6000, v5;
	v7 =	vld.idx.msk [tilespmem:v35+s19+$0x0], vm0  }
0x102: {  	v37 =	vadd.s32 $0x7880, v4;
	_ =	sdelay $0x3  }
0x103: {  	[tilespmem:v36+s13+$0x0] =	vst.idx.msk vm0, v7  }
0x104: {  	v38 =	vor.u32 $0x6080, v5;
	v7 =	vld.idx.msk [tilespmem:v37+s19+$0x0], vm0  }
0x105: {  	v39 =	vadd.s32 $0x7900, v4;
	_ =	sdelay $0x3  }
0x106: {  	[tilespmem:v38+s13+$0x0] =	vst.idx.msk vm0, v7  }
0x107: {  	v40 =	vor.u32 $0x6100, v5;
	v7 =	vld.idx.msk [tilespmem:v39+s19+$0x0], vm0  }
0x108: {  	v41 =	vadd.s32 $0x7980, v4;
	_ =	sdelay $0x3  }
0x109: {  	[tilespmem:v40+s13+$0x0] =	vst.idx.msk vm0, v7  }
0x10a: {  	v42 =	vor.u32 $0x6180, v5;
	v7 =	vld.idx.msk [tilespmem:v41+s19+$0x0], vm0  }
0x10b: {  	v43 =	vadd.s32 $0x7A00, v4;
	_ =	sdelay $0x3  }
0x10c: {  	[tilespmem:v42+s13+$0x0] =	vst.idx.msk vm0, v7  }
0x10d: {  	v44 =	vor.u32 $0x6200, v5;
	v7 =	vld.idx.msk [tilespmem:v43+s19+$0x0], vm0  }
0x10e: {  	v45 =	vadd.s32 $0x7A80, v4;
	_ =	sdelay $0x3  }
0x10f: {  	[tilespmem:v44+s13+$0x0] =	vst.idx.msk vm0, v7  }
0x110: {  	v46 =	vor.u32 $0x6280, v5;
	v7 =	vld.idx.msk [tilespmem:v45+s19+$0x0], vm0  }
0x111: {  	v47 =	vadd.s32 $0x7B00, v4;
	_ =	sdelay $0x3  }
0x112: {  	[tilespmem:v46+s13+$0x0] =	vst.idx.msk vm0, v7  }
0x113: {  	v48 =	vor.u32 $0x6300, v5;
	v7 =	vld.idx.msk [tilespmem:v47+s19+$0x0], vm0  }
0x114: {  	v49 =	vadd.s32 $0x7B80, v4;
	_ =	sdelay $0x3  }
0x115: {  	[tilespmem:v48+s13+$0x0] =	vst.idx.msk vm0, v7  }
0x116: {  	v50 =	vor.u32 $0x6380, v6;
	v7 =	vld.idx.msk [tilespmem:v49+s19+$0x0], vm0  }
0x117: {  	v51 =	vadd.s32 $0x8C00, v4;
	_ =	sdelay $0x3  }
0x118: {  	[tilespmem:v50+s13+$0x0] =	vst.idx.msk vm0, v7  }
0x119: {  	v52 =	vor.u32 $0x7000, v5;
	v7 =	vld.idx.msk [tilespmem:v51+s19+$0x0], vm0  }
0x11a: {  	v53 =	vadd.s32 $0x8C80, v4;
	_ =	sdelay $0x3  }
0x11b: {  	[tilespmem:v52+s13+$0x0] =	vst.idx.msk vm0, v7  }
0x11c: {  	v54 =	vor.u32 $0x7080, v5;
	v7 =	vld.idx.msk [tilespmem:v53+s19+$0x0], vm0  }
0x11d: {  	v55 =	vadd.s32 $0x8D00, v4;
	_ =	sdelay $0x3  }
0x11e: {  	[tilespmem:v54+s13+$0x0] =	vst.idx.msk vm0, v7  }
0x11f: {  	v56 =	vor.u32 $0x7100, v5;
	v7 =	vld.idx.msk [tilespmem:v55+s19+$0x0], vm0  }
0x120: {  	v57 =	vadd.s32 $0x8D80, v4;
	_ =	sdelay $0x3  }
0x121: {  	[tilespmem:v56+s13+$0x0] =	vst.idx.msk vm0, v7  }
0x122: {  	v58 =	vor.u32 $0x7180, v5;
	v7 =	vld.idx.msk [tilespmem:v57+s19+$0x0], vm0  }
0x123: {  	v59 =	vadd.s32 $0x8E00, v4;
	_ =	sdelay $0x3  }
0x124: {  	[tilespmem:v58+s13+$0x0] =	vst.idx.msk vm0, v7  }
0x125: {  	v60 =	vor.u32 $0x7200, v5;
	v7 =	vld.idx.msk [tilespmem:v59+s19+$0x0], vm0  }
0x126: {  	v61 =	vadd.s32 $0x8E80, v4;
	_ =	sdelay $0x3  }
0x127: {  	[tilespmem:v60+s13+$0x0] =	vst.idx.msk vm0, v7  }
0x128: {  	v62 =	vor.u32 $0x7280, v5;
	v7 =	vld.idx.msk [tilespmem:v61+s19+$0x0], vm0  }
0x129: {  	v63 =	vadd.s32 $0x8F00, v4;
	_ =	sdelay $0x3  }
0x12a: {  	[tilespmem:v62+s13+$0x0] =	vst.idx.msk vm0, v7  }
0x12b: {  	v5 =	vor.u32 $0x7300, v5;
	v7 =	vld.idx.msk [tilespmem:v63+s19+$0x0], vm0  }
0x12c: {  	v4 =	vadd.s32 $0x8F80, v4;
	_ =	sdelay $0x3  }
0x12d: {  	[tilespmem:v5+s13+$0x0] =	vst.idx.msk vm0, v7  }
0x12e: {  	v5 =	vor.u32 $0x7380, v6;
	v4 =	vld.idx.msk [tilespmem:v4+s19+$0x0], vm0  }
.Ltmp8:
0x12f: {  	_ = 	snop;
	(pc) =	sbr.rel .LBB2_8-.Ltmp8, $2  }
0x130: {  	_ =	sdelay $0x2  }
0x131: {  	[tilespmem:v5+s13+$0x0] =	vst.idx.msk vm0, v4  }
.LBB2_3:
0x132: {  	_ =	sfence.sel $0x180000  }
0x133: {  	[bflag:$0x0] =	sbarrier.arrive $0xFFFF  }
0x134: {  	p0 =	sne.s32 s1, $0x0;
	_ =	strace $0x9000004A  }
0x135: {  	s0 =	sadd.s32 @!p0 $0x100000, s0;
	[bflag:$0x2] =	sbarrier.arrive $0xFFFF  }
0x136: {  	[sflag:s0] =	ssyncadd.tile.s32 @!p0 $0x1;
	_ =	shalt  }
.Lfunc_end2:
_tile_overlayer_lowered:
.L_overlay_start_2:
0x137: {  	(tag) =	ssettag $0x2  }
0x138: {  	s0 =	rddreg [dreg:$0x0];
	s2 =	stileid.u32  }
0x139: {  	s1 =	rddreg [dreg:$0x1];
	p0 =	sne.s32 s2, $0x0  }
0x13a: {  	s3 =	rddreg [dreg:$0x2];
	[bflag:$0x3] =	sbarrier.arrive $0xFFFF;
	s2 =	simm.s32 @!p0 $0x1C02  }
0x13b: {  	[timem:s3], [sflag:s2] =	dma.local @!p0 [hbm:s0], s1  }
0x13c: {  	s0 =	simm.s32 @!p0 $0x2  }
0x13d: {  	_ =	swait.ge @!p0 [sflag:s0], s1  }
0x13e: {  	s1 =	ssub.s32 @!p0 $0x0, s1;
	[sflag:s0] =	ssyncset.done @!p0 $0x0  }
0x13f: {  	[sflag:s0] =	ssyncadd.s32 @!p0 s1  }
0x140: {  	[bflag:$0x3] =	sbarrier.arrive $0xFFFF  }
0x141: {  	_ =	shalt  }

// kernel: kernel.8.cloned.1.call-start
scs
__scs_entry_jumppad:
0x0: {  	(pc) =	sbr.rel $0x88, $3  }
0x1: {  	(tag) =	ssettag $0x0;
	lr =	simm.s32 $0x1  }
0x2: {  	[smem:$0x3F97] =	sst lr;
	_ =	strace $0xD0000000  }
0x3: {  	_ = 	snop  }
0x4: {  	_ = 	snop  }
0x5: {  	_ = 	snop  }
0x6: {  	_ = 	snop  }
0x7: {  	_ = 	snop  }
__scs_overlays_trampoline_lowered:
0x8: {  	[smem:$0x3FA6] =	sst s0  }
0x9: {  	[smem:$0x3FA7] =	sst s1  }
0xa: {  	[smem:$0x3FA8] =	sst s2  }
0xb: {  	[smem:$0x3FA9] =	sst s3  }
0xc: {  	[smem:$0x3FAA] =	sst s4  }
0xd: {  	[smem:$0x3FAB] =	sst s5  }
0xe: {  	[smem:$0x3FAC] =	sst s6  }
0xf: {  	[smem:$0x3FAD] =	sst s7  }
0x10: {  	[smem:$0x3FAE] =	sst s8  }
0x11: {  	[smem:$0x3FAF] =	sst s9;
	s0 =	simm.s32 @!p0 $0x0  }
0x12: {  	s1 =	sld [smem:$0x3F95];
	s0 =	simm.s32 @p0 $0x1  }
0x13: {  	[smem:$0x3FB0] =	sst s0;
	s0 =	simm.s32 @!p1 $0x0  }
0x14: {  	s2 =	sld [smem:$0x3F94];
	s0 =	simm.s32 @p1 $0x1  }
0x15: {  	[smem:$0x3FB1] =	sst s0;
	s0 =	simm.s32 @!p2 $0x0  }
0x16: {  	s3 =	sld [smem:$0x3FDB];
	s0 =	simm.s32 @p2 $0x1  }
0x17: {  	s4 =	simm.s32 $0x1BF5;
	[smem:$0x3FB3] =	sst s0  }
0x18: {  	s0 =	sld [smem:$0x3F96];
	_ =	swait.ge [sflag:s4], $0x0  }
0x19: {  	s7 =	sld [smem:$0x3F97]  }
0x1a: {  	s8 =	sadd.s32 $0xFFFFE003, lr  }
0x1b: {  	s9 =	sadd.s32 $0xFFFFFEF7, lr;
	s5 =	simm.s32 $0xFFFFFFFF;
	p2 =	slt.u32 s8, $0xFFFFF086  }
0x1c: {  	p1 =	slt.u32 s9, $0xF7A;
	s5 =	simm.s32 @!p2 $0x0  }
0x1d: {  	s5 =	simm.s32 @p1 $0x1;
	p0 =	seq.s32 s7, s2  }
0x1e: {  	s7 =	smul.u32 @!p0 $0xF7A, s2;
	p2 =	seq.s32 @!p0 s5, $0x0  }
0x1f: {  	s9 =	smul.u32 $0xF7A, s1;
	s8 =	simm.s32 @!p0 $0x1BF5;
	p2 =	por !p2, p0  }
0x20: {  	[sflag:s8] =	ssyncset.s32 @!p0 $0xFFFFF086;
	s6 =	sadd.s32 @!p0 s3, s7;
	s7 =	simm.s32 @!p0 $0x108  }
0x21: {  	s3 =	sadd.s32 s3, s9;
	s6 =	sadd.s32 @!p0 $0x88, s6;
	s7 =	simm.s32 @p2 $0x1082  }
0x22: {  	[simem:s7], [sflag:s8] =	dma.local @!p0 [hbm:s6], $0xF7A  }
0x23: {  	s9 =	sor.u32 $0xD0000000, s2;
	s6 =	simm.s32 $0x108;
	_ =	swait.ge @!p0 [sflag:s8], $0x0  }
0x24: {  	s3 =	sadd.s32 $0x88, s3;
	s6 =	simm.s32 @!p1 $0x1082;
	[sflag:s4] =	ssyncset.s32 $0xFFFFF086  }
0x25: {  	[simem:s6], [sflag:s4] =	dma.local [hbm:s3], $0xF7A  }
0x26: {  	[smem:$0x3F97] =	sst s1;
	(tag) =	ssettag s2;
	_ =	strace s9  }
0x27: {  	s1 =	sld [smem:$0x3FA7]  }
0x28: {  	s2 =	sld [smem:$0x3FA8]  }
0x29: {  	s4 =	sld [smem:$0x3FAA]  }
0x2a: {  	p0 =	seq.s32 s5, $0x0;
	s5 =	sld [smem:$0x3FAB]  }
0x2b: {  	s6 =	sld [smem:$0x3FAC]  }
0x2c: {  	s7 =	sld [smem:$0x3FAD]  }
0x2d: {  	s3 =	simm.s32 $0x108;
	s8 =	sld [smem:$0x3FAE]  }
0x2e: {  	s3 =	simm.s32 @!p0 $0x1082;
	s9 =	sld [smem:$0x3FAF]  }
0x2f: {  	lr =	sadd.s32 s0, s3;
	s0 =	sld [smem:$0x3FA6]  }
0x30: {  	s3 =	sld [smem:$0x3FA9]  }
0x31: {  	[smem:$0x3FB2] =	sst s10  }
0x32: {  	s10 =	sld [smem:$0x3FB0];
	_ =	sdelay $0x3  }
0x33: {  	p0 =	seq.s32 s10, $0x1;
	s10 =	sld [smem:$0x3FB2];
	_ =	sdelay $0x3  }
0x34: {  	[smem:$0x3FB2] =	sst s10  }
0x35: {  	s10 =	sld [smem:$0x3FB1];
	_ =	sdelay $0x3  }
0x36: {  	p1 =	seq.s32 s10, $0x1;
	s10 =	sld [smem:$0x3FB2];
	_ =	sdelay $0x3  }
0x37: {  	[smem:$0x3FB2] =	sst s10  }
0x38: {  	s10 =	sld [smem:$0x3FB3]  }
0x39: {  	_ = 	snop;
	(pc) =	sbr.ind lr, $3  }
0x3a: {  	_ = 	snop  }
0x3b: {  	_ = 	snop  }
0x3c: {  	p2 =	seq.s32 s10, $0x1;
	s10 =	sld [smem:$0x3FB2]  }
0x3d: {  	_ =	shalt  }
0x3e: {  	_ =	shalt  }
0x3f: {  	_ =	shalt  }
0x40: {  	_ =	shalt  }
0x41: {  	_ =	shalt  }
0x42: {  	_ =	shalt  }
0x43: {  	_ =	shalt  }
0x44: {  	_ =	shalt  }
0x45: {  	_ =	shalt  }
0x46: {  	_ =	shalt  }
0x47: {  	_ =	shalt  }
0x48: {  	_ =	shalt  }
0x49: {  	_ =	shalt  }
0x4a: {  	_ =	shalt  }
0x4b: {  	_ =	shalt  }
0x4c: {  	_ =	shalt  }
0x4d: {  	_ =	shalt  }
0x4e: {  	_ =	shalt  }
0x4f: {  	_ =	shalt  }
0x50: {  	_ =	shalt  }
0x51: {  	_ =	shalt  }
0x52: {  	_ =	shalt  }
0x53: {  	_ =	shalt  }
0x54: {  	_ =	shalt  }
0x55: {  	_ =	shalt  }
0x56: {  	_ =	shalt  }
0x57: {  	_ =	shalt  }
0x58: {  	_ =	shalt  }
0x59: {  	_ =	shalt  }
0x5a: {  	_ =	shalt  }
0x5b: {  	_ =	shalt  }
0x5c: {  	_ =	shalt  }
0x5d: {  	_ =	shalt  }
0x5e: {  	_ =	shalt  }
0x5f: {  	_ =	shalt  }
0x60: {  	_ =	shalt  }
0x61: {  	_ =	shalt  }
0x62: {  	_ =	shalt  }
0x63: {  	_ =	shalt  }
0x64: {  	_ =	shalt  }
0x65: {  	_ =	shalt  }
0x66: {  	_ =	shalt  }
0x67: {  	_ =	shalt  }
0x68: {  	_ =	shalt  }
0x69: {  	_ =	shalt  }
0x6a: {  	_ =	shalt  }
0x6b: {  	_ =	shalt  }
0x6c: {  	_ =	shalt  }
0x6d: {  	_ =	shalt  }
0x6e: {  	_ =	shalt  }
0x6f: {  	_ =	shalt  }
0x70: {  	_ =	shalt  }
0x71: {  	_ =	shalt  }
0x72: {  	_ =	shalt  }
0x73: {  	_ =	shalt  }
0x74: {  	_ =	shalt  }
0x75: {  	_ =	shalt  }
0x76: {  	_ =	shalt  }
0x77: {  	_ =	shalt  }
0x78: {  	_ =	shalt  }
0x79: {  	_ =	shalt  }
0x7a: {  	_ =	shalt  }
0x7b: {  	_ =	shalt  }
0x7c: {  	_ =	shalt  }
0x7d: {  	_ =	shalt  }
0x7e: {  	_ =	shalt  }
0x7f: {  	_ =	shalt  }
0x80: {  	_ =	shalt  }
0x81: {  	_ =	shalt  }
0x82: {  	_ =	shalt  }
0x83: {  	_ =	shalt  }
0x84: {  	_ =	shalt  }
0x85: {  	_ =	shalt  }
0x86: {  	_ =	shalt  }
0x87: {  	_ =	shalt  }
.Lfunc_end0:
.L_simem_size_0:
called_computation.1_lowered:
.L_overlay_start_0:
0x88: {  	s2 =	sld [smem:$0x3FD9]  }
0x89: {  	s3 =	sld [smem:$0x3FFE];
	_ =	sdelay $0x1  }
0x8a: {  	s1 =	srdreg.scid  }
0x8b: {  	s0 =	sand.u32 $0x1, s1  }
0x8c: {  	s17 =	sshll.u32 s0, $0xA;
	s2 =	sadd.s32 s3, s2  }
0x8d: {  	s2 =	sadd.s32 s2, s17  }
0x8e: {  	[smem:$0x3FBE] =	sst s2  }
0x8f: {  	_ = 	snop  }
0x90: {  	s2 =	sld [smem:$0x3FD0];
	(tm) =	ssettm $0x1  }
0x91: {  	s18 =	sld [smem:$0x3FFB];
	_ =	sdelay $0x3  }
0x92: {  	_ =	strace s18  }
0x93: {  	s3 =	sld [smem:$0x3FFC];
	_ =	sdelay $0x3  }
0x94: {  	_ =	strace s3  }
0x95: {  	s3 =	sld [smem:$0x3FFD];
	_ =	sdelay $0x3  }
0x96: {  	_ =	strace s3  }
0x97: {  	_ =	strace $0x8FFFFFFF  }
0x98: {  	s19 =	sld [smem:$0x3FDB];
	_ =	sdelay $0x1  }
0x99: {  	s4 =	simm.s32 $_scs_section_size  }
0x9a: {  	s5 =	simm.s32 $_size__tile_overlayer_lowered;
	s6 =	simm.s32 $_tile_overlayer_lowered  }
0x9b: {  	s22 =	simm.s32 $0x1BFF;
	s21 =	sshll.u32 s6, $0x1;
	s3 =	sadd.s32 s4, s19  }
0x9c: {  	s7 =	simm.s32 $0x0;
	s20 =	sshll.u32 s5, $0x1;
	s5 =	sadd.s32 s21, s3  }
0x9d: {  	[timem:s7], [sflag:s22] =	dma.local [hbm:s5], s20  }
0x9e: {  	_ =	swait.ge [sflag:s22], s20  }
0x9f: {  	s4 =	ssub.s32 $0x0, s20;
	[sflag:s22] =	ssyncset.done $0x0  }
0xa0: {  	[sflag:s22] =	ssyncadd.s32 s4;
	_ =	sdelay $0x1  }
0xa1: {  	s23 =	simm.s32 $0x1B8B  }
0xa2: {  	_ =	swait.ge [sflag:s23], $0x1  }
0xa3: {  	[sflag:s23] =	ssyncset.done $0x0  }
0xa4: {  	s25 =	simm.s32 $0x1B8E;
	s24 =	sld [smem:$0x3FFE];
	[sflag:s23] =	ssyncadd.s32 $0xFFFFFFFF  }
0xa5: {  	s26 =	simm.s32 $execute0_lowered;
	[smem:$0x3FD2] =	sst s25  }
0xa6: {  	s5 =	sshll.u32 s26, $0x1;
	_ =	strace $0x80000046;
	[dreg:$0x1] =	wrdreg $0xFFFFFFFF  }
0xa7: {  	s28 =	simm.s32 $_size_execute0_lowered;
	s3 =	sadd.s32 s3, s5;
	[dreg:$0x0] =	wrdreg $0x0  }
0xa8: {  	s5 =	sshll.u32 s28, $0x1;
	[dreg:$0x2] =	wrdreg s3  }
0xa9: {  	[dreg:$0x3] =	wrdreg s5  }
0xaa: {  	[dreg:$0x4] =	wrdreg $0xC0  }
0xab: {  	_ =	task [dreg:s7], $0x5FFFF  }
0xac: {  	[dreg:$0x1] =	wrdreg $0xFFFFFFFF  }
0xad: {  	[dreg:$0x0] =	wrdreg $0x60  }
0xae: {  	[dreg:$0x2] =	wrdreg s2  }
0xaf: {  	[dreg:$0x3] =	wrdreg s24  }
0xb0: {  	[dreg:$0x4] =	wrdreg $0xA  }
0xb1: {  	_ =	task.clear_ibuf [dreg:s7], $0x5FFFF;
	_ =	strace $0x90000046  }
0xb2: {  	s29 =	simm.s32 $0xA;
	_ =	strace $0x80000048  }
0xb3: {  	_ =	swait.ge [sflag:s29], $0x1  }
0xb4: {  	[sflag:s29] =	ssyncadd.s32 $0xFFFFFFFF  }
0xb5: {  	_ =	strace $0x90000048  }
0xb6: {  	_ =	sfence  }
0xb7: {  	s30 =	sld [smem:$0x0];
	_ =	sdelay $0x2  }
0xb8: {  	s31 =	sshll.u32 s1, $0xD;
	s1 =	sshrl.u32 s1, $0x2  }
0xb9: {  	s3 =	sand.u32 $0x4000, s31;
	s1 =	sadd.s32 s1, s30  }
0xba: {  	s0 =	sor.u32 s3, s0;
	s1 =	sshll.u32 s1, $0x11  }
0xbb: {  	s0 =	sor.u32 s1, s0  }
0xbc: {  	s0 =	sadd.s32 $0x8F2B, s0  }
0xbd: {  	[sflag:s0] =	ssyncadd.remote.s32 $0x1  }
0xbe: {  	_ =	sfence.sel $0xFFFF  }
0xbf: {  	[dreg:$0x0] =	wrdreg $0xFFFFFFFF;
	(pc) =	sbr.abs _section_cstart, $3  }
0xc0: {  	[dreg:$0x1] =	wrdreg $0xFFFFFFFF  }
0xc1: {  	_ =	task.clear_ibuf [dreg:s7], $0x2FFFF;
	_ =	strace $0x9FFFFFFF  }
0xc2: {  	(tm) =	ssettm $0x7FFFFFFF  }
0xc3: {  	_ =	shalt  }
tec
execute0_lowered:
.L_overlay_start_1:
0x0: {  	(tag) =	ssettag $0x1  }
0x1: {  	v2 =	vlaneseq.u32  }
0x2: {  	v0 =	vand.u32 $0x7, v2  }
0x3: {  	v1 =	vor.u32 $0xFFFFFFF8, v0;
	v7 =	vor.u32 $0xA00, v0;
	v8 =	vor.u32 $0xC00, v0  }
0x4: {  	v9 =	vor.u32 $0xE00, v0;
	v10 =	vor.u32 $0x1000, v0;
	v11 =	vor.u32 $0x1200, v0  }
0x5: {  	v12 =	vor.u32 $0x1400, v0;
	v13 =	vor.u32 $0x1600, v0;
	v14 =	vor.u32 $0x1800, v0  }
0x6: {  	v15 =	vor.u32 $0x1A00, v0;
	v16 =	vor.u32 $0x1C00, v0;
	v17 =	vor.u32 $0x1E00, v0  }
0x7: {  	v18 =	vor.u32 $0x2000, v0;
	v19 =	vor.u32 $0x2200, v0;
	v20 =	vor.u32 $0x2400, v0  }
0x8: {  	v21 =	vor.u32 $0x2600, v0;
	v22 =	vor.u32 $0x2800, v0;
	v23 =	vor.u32 $0x2A00, v0  }
0x9: {  	v24 =	vor.u32 $0x2C00, v0;
	v25 =	vor.u32 $0x2E00, v0;
	v26 =	vor.u32 $0x3000, v0  }
0xa: {  	v27 =	vor.u32 $0x3200, v0;
	v28 =	vor.u32 $0x3400, v0;
	v29 =	vor.u32 $0x3600, v0  }
0xb: {  	v30 =	vor.u32 $0x3800, v0;
	v31 =	vor.u32 $0x3A00, v0;
	v32 =	vor.u32 $0x3C00, v0  }
0xc: {  	v33 =	vor.u32 $0x3E00, v0;
	v34 =	vor.u32 $0x4000, v0;
	v35 =	vor.u32 $0x4200, v0  }
0xd: {  	v36 =	vor.u32 $0x4400, v0;
	v37 =	vor.u32 $0x4600, v0;
	v38 =	vor.u32 $0x4800, v0  }
0xe: {  	s4 =	rddreg [dreg:$0x0];
	v39 =	vor.u32 $0x4A00, v0;
	v40 =	vor.u32 $0x4C00, v0;
	v41 =	vor.u32 $0x4E00, v0  }
0xf: {  	s5 =	rddreg [dreg:$0x1];
	v42 =	vor.u32 $0x5000, v0;
	v43 =	vor.u32 $0x5200, v0;
	v44 =	vor.u32 $0x5400, v0  }
0x10: {  	s0 =	rddreg [dreg:$0x2];
	s2 =	simm.s32 $0x0;
	s3 =	srdreg.scid;
	v45 =	vor.u32 $0x5600, v0;
	v46 =	vor.u32 $0x5800, v0;
	v47 =	vor.u32 $0x5A00, v0  }
0x11: {  	s1 =	stileid.u32;
	s9 =	simm.s32 $0x1;
	s10 =	simm.s32 $0x8200;
	v48 =	vor.u32 $0x5C00, v0;
	v49 =	vor.u32 $0x5E00, v0;
	v50 =	vor.u32 $0x6000, v0  }
0x12: {  	s11 =	simm.s32 $0x0;
	s6 =	sand.u32 $0x1, s3;
	s30 =	sshll.u32 s1, $0x1;
	v51 =	vor.u32 $0x6200, v0;
	v52 =	vor.u32 $0x6400, v0;
	[tilespmem:$0x1FFA0] =	vst v1;
	v1 =	vor.u32 $0x200, v0  }
0x13: {  	[smem:$0x7FF] =	sst s2;
	s7 =	sor.u32 s6, s30;
	s6 =	ssub.s32 $0x2, s6;
	v53 =	vor.u32 $0x6600, v0;
	v54 =	vor.u32 $0x6800, v0;
	[tilespmem:$0x1FFB0] =	vst v1;
	v1 =	vor.u32 $0x400, v0  }
0x14: {  	s3 =	sadd.s32 $0x186A00, s5;
	v55 =	vor.u32 $0x6A00, v0;
	v56 =	vor.u32 $0x6C00, v0;
	s8 =	sshll.u32 s7, $0xC;
	s31 =	sshrl.u32 s6, $0x1;
	[tilespmem:$0x1FFC0] =	vst v1;
	v1 =	vor.u32 $0x600, v0  }
0x15: {  	v57 =	vor.u32 $0x6E00, v0;
	v58 =	vor.u32 $0x7000, v0;
	s7 =	sshll.u32 s7, $0x6;
	s5 =	sadd.s32 s8, s5;
	s6 =	ssub.s32 s6, s31;
	[tilespmem:$0x1FFD0] =	vst v1;
	v1 =	vor.u32 $0x800, v0  }
0x16: {  	v59 =	vor.u32 $0x7200, v0;
	v60 =	vor.u32 $0x7400, v0;
	v61 =	vor.u32 $0x7600, v0;
	s4 =	sadd.s32 s4, s7;
	s7 =	simm.s32 $0x2;
	s8 =	simm.s32 $0x200;
	[tilespmem:$0x1FFE0] =	vst v1  }
0x17: {  	v62 =	vor.u32 $0x7800, v0;
	v63 =	vor.u32 $0x7A00, v0;
	s5 =	sadd.s32 $0x800, s5;
	s6 =	smax.u32 s6, $0x1;
	_ =	strace $0x80000047;
	[tilespmem:$0x1FFF0] =	vst v0  }
.LBB2_1:
0x18: {  	[tilespmem:s2], [sflag:$0x2] =	stream.linear.gather [hbm4b:s4+s2], $0x200, $0x38;
	[tilespmem:$0x10200] =	vst v63  }
0x19: {  	_ =	swait.ge [sflag:s7], $0x200  }
0x1a: {  	[sflag:s7] =	ssyncset.done $0x0  }
0x1b: {  	[sflag:s7] =	ssyncadd.s32 $0xFFFFFE00  }
0x1c: {  	[tilespmem:s8], [sflag:$0x1] =	stream.indirect.gather [hbm4b:s3+s8], $0x40, s2, s8, $0xb8;
	[tilespmem:$0x10200] =	vst v63  }
0x1d: {  	v1 =	vor.u32 s2, v2;
	_ =	swait.ge [sflag:s9], $0x8000  }
0x1e: {  	v0 =	vshll.u32 v1, $0x6;
	v3 =	vld [tilespmem:$0x1FFA0];
	_ =	sdelay $0x2  }
0x1f: {  	[sflag:s9] =	ssyncset.done $0x0  }
0x20: {  	[sflag:s9] =	ssyncadd.s32 $0xFFFF8000  }
0x21: {  	v2 =	vld.idx.msk [tilespmem:v0+s8+$0x0], $0xffff;
	v3 =	vand.u32 v3, v1;
	_ =	sdelay $0x4  }
0x22: {  	v4 =	vor.u32 $0x1, v0;
	[tilespmem:v3+s10+$0x0] =	vst.idx.msk $0xffff, v2;
	v3 =	vld [tilespmem:$0x1FFB0];
	_ =	sdelay $0x3  }
0x23: {  	v2 =	vand.u32 $0x1F8, v1  }
0x24: {  	v1 =	vld.idx.msk [tilespmem:v4+s8+$0x0], $0xffff;
	v3 =	vor.u32 v3, v2;
	_ =	sdelay $0x4  }
0x25: {  	v4 =	vor.u32 $0x2, v0;
	[tilespmem:v3+s10+$0x0] =	vst.idx.msk $0xffff, v1;
	v3 =	vld [tilespmem:$0x1FFC0];
	_ =	sdelay $0x4  }
0x26: {  	v1 =	vld.idx.msk [tilespmem:v4+s8+$0x0], $0xffff;
	v3 =	vor.u32 v3, v2;
	_ =	sdelay $0x4  }
0x27: {  	v4 =	vor.u32 $0x3, v0;
	[tilespmem:v3+s10+$0x0] =	vst.idx.msk $0xffff, v1;
	v3 =	vld [tilespmem:$0x1FFD0];
	_ =	sdelay $0x4  }
0x28: {  	v1 =	vld.idx.msk [tilespmem:v4+s8+$0x0], $0xffff;
	v3 =	vor.u32 v3, v2;
	_ =	sdelay $0x4  }
0x29: {  	v4 =	vor.u32 $0x4, v0;
	[tilespmem:v3+s10+$0x0] =	vst.idx.msk $0xffff, v1;
	v3 =	vld [tilespmem:$0x1FFE0];
	_ =	sdelay $0x4  }
0x2a: {  	v1 =	vld.idx.msk [tilespmem:v4+s8+$0x0], $0xffff;
	v3 =	vor.u32 v3, v2  }
0x2b: {  	v4 =	vor.u32 $0x5, v0;
	_ =	sdelay $0x3  }
0x2c: {  	[tilespmem:v3+s10+$0x0] =	vst.idx.msk $0xffff, v1  }
0x2d: {  	v3 =	vor.u32 v7, v2;
	v1 =	vld.idx.msk [tilespmem:v4+s8+$0x0], $0xffff  }
0x2e: {  	v4 =	vor.u32 $0x6, v0;
	_ =	sdelay $0x3  }
0x2f: {  	[tilespmem:v3+s10+$0x0] =	vst.idx.msk $0xffff, v1  }
0x30: {  	v3 =	vor.u32 v8, v2;
	v1 =	vld.idx.msk [tilespmem:v4+s8+$0x0], $0xffff  }
0x31: {  	v4 =	vor.u32 $0x7, v0;
	_ =	sdelay $0x3  }
0x32: {  	[tilespmem:v3+s10+$0x0] =	vst.idx.msk $0xffff, v1  }
0x33: {  	v3 =	vor.u32 v9, v2;
	v1 =	vld.idx.msk [tilespmem:v4+s8+$0x0], $0xffff  }
0x34: {  	v4 =	vor.u32 $0x8, v0;
	_ =	sdelay $0x3  }
0x35: {  	[tilespmem:v3+s10+$0x0] =	vst.idx.msk $0xffff, v1  }
0x36: {  	v3 =	vor.u32 v10, v2;
	v1 =	vld.idx.msk [tilespmem:v4+s8+$0x0], $0xffff  }
0x37: {  	v4 =	vor.u32 $0x9, v0;
	_ =	sdelay $0x3  }
0x38: {  	[tilespmem:v3+s10+$0x0] =	vst.idx.msk $0xffff, v1  }
0x39: {  	v3 =	vor.u32 v11, v2;
	v1 =	vld.idx.msk [tilespmem:v4+s8+$0x0], $0xffff  }
0x3a: {  	v4 =	vor.u32 $0xA, v0;
	_ =	sdelay $0x3  }
0x3b: {  	[tilespmem:v3+s10+$0x0] =	vst.idx.msk $0xffff, v1  }
0x3c: {  	v3 =	vor.u32 v12, v2;
	v1 =	vld.idx.msk [tilespmem:v4+s8+$0x0], $0xffff  }
0x3d: {  	v4 =	vor.u32 $0xB, v0;
	_ =	sdelay $0x3  }
0x3e: {  	[tilespmem:v3+s10+$0x0] =	vst.idx.msk $0xffff, v1  }
0x3f: {  	v3 =	vor.u32 v13, v2;
	v1 =	vld.idx.msk [tilespmem:v4+s8+$0x0], $0xffff  }
0x40: {  	v4 =	vor.u32 $0xC, v0;
	_ =	sdelay $0x3  }
0x41: {  	[tilespmem:v3+s10+$0x0] =	vst.idx.msk $0xffff, v1  }
0x42: {  	v3 =	vor.u32 v14, v2;
	v1 =	vld.idx.msk [tilespmem:v4+s8+$0x0], $0xffff  }
0x43: {  	v4 =	vor.u32 $0xD, v0;
	_ =	sdelay $0x3  }
0x44: {  	[tilespmem:v3+s10+$0x0] =	vst.idx.msk $0xffff, v1  }
0x45: {  	v3 =	vor.u32 v15, v2;
	v1 =	vld.idx.msk [tilespmem:v4+s8+$0x0], $0xffff  }
0x46: {  	v4 =	vor.u32 $0xE, v0;
	_ =	sdelay $0x3  }
0x47: {  	[tilespmem:v3+s10+$0x0] =	vst.idx.msk $0xffff, v1  }
0x48: {  	v3 =	vor.u32 v16, v2;
	v1 =	vld.idx.msk [tilespmem:v4+s8+$0x0], $0xffff  }
0x49: {  	v4 =	vor.u32 $0xF, v0;
	_ =	sdelay $0x3  }
0x4a: {  	[tilespmem:v3+s10+$0x0] =	vst.idx.msk $0xffff, v1  }
0x4b: {  	v3 =	vor.u32 v17, v2;
	v1 =	vld.idx.msk [tilespmem:v4+s8+$0x0], $0xffff  }
0x4c: {  	v4 =	vor.u32 $0x10, v0;
	_ =	sdelay $0x3  }
0x4d: {  	[tilespmem:v3+s10+$0x0] =	vst.idx.msk $0xffff, v1  }
0x4e: {  	v3 =	vor.u32 v18, v2;
	v1 =	vld.idx.msk [tilespmem:v4+s8+$0x0], $0xffff  }
0x4f: {  	v4 =	vor.u32 $0x11, v0;
	_ =	sdelay $0x3  }
0x50: {  	[tilespmem:v3+s10+$0x0] =	vst.idx.msk $0xffff, v1  }
0x51: {  	v3 =	vor.u32 v19, v2;
	v1 =	vld.idx.msk [tilespmem:v4+s8+$0x0], $0xffff  }
0x52: {  	v4 =	vor.u32 $0x12, v0;
	_ =	sdelay $0x3  }
0x53: {  	[tilespmem:v3+s10+$0x0] =	vst.idx.msk $0xffff, v1  }
0x54: {  	v3 =	vor.u32 v20, v2;
	v1 =	vld.idx.msk [tilespmem:v4+s8+$0x0], $0xffff  }
0x55: {  	v4 =	vor.u32 $0x13, v0;
	_ =	sdelay $0x3  }
0x56: {  	[tilespmem:v3+s10+$0x0] =	vst.idx.msk $0xffff, v1  }
0x57: {  	v3 =	vor.u32 v21, v2;
	v1 =	vld.idx.msk [tilespmem:v4+s8+$0x0], $0xffff  }
0x58: {  	v4 =	vor.u32 $0x14, v0;
	_ =	sdelay $0x3  }
0x59: {  	[tilespmem:v3+s10+$0x0] =	vst.idx.msk $0xffff, v1  }
0x5a: {  	v3 =	vor.u32 v22, v2;
	v1 =	vld.idx.msk [tilespmem:v4+s8+$0x0], $0xffff  }
0x5b: {  	v4 =	vor.u32 $0x15, v0;
	_ =	sdelay $0x3  }
0x5c: {  	[tilespmem:v3+s10+$0x0] =	vst.idx.msk $0xffff, v1  }
0x5d: {  	v3 =	vor.u32 v23, v2;
	v1 =	vld.idx.msk [tilespmem:v4+s8+$0x0], $0xffff  }
0x5e: {  	v4 =	vor.u32 $0x16, v0;
	_ =	sdelay $0x3  }
0x5f: {  	[tilespmem:v3+s10+$0x0] =	vst.idx.msk $0xffff, v1  }
0x60: {  	v3 =	vor.u32 v24, v2;
	v1 =	vld.idx.msk [tilespmem:v4+s8+$0x0], $0xffff  }
0x61: {  	v4 =	vor.u32 $0x17, v0;
	_ =	sdelay $0x3  }
0x62: {  	[tilespmem:v3+s10+$0x0] =	vst.idx.msk $0xffff, v1  }
0x63: {  	v3 =	vor.u32 v25, v2;
	v1 =	vld.idx.msk [tilespmem:v4+s8+$0x0], $0xffff  }
0x64: {  	v4 =	vor.u32 $0x18, v0;
	_ =	sdelay $0x3  }
0x65: {  	[tilespmem:v3+s10+$0x0] =	vst.idx.msk $0xffff, v1  }
0x66: {  	v3 =	vor.u32 v26, v2;
	v1 =	vld.idx.msk [tilespmem:v4+s8+$0x0], $0xffff  }
0x67: {  	v4 =	vor.u32 $0x19, v0;
	_ =	sdelay $0x3  }
0x68: {  	[tilespmem:v3+s10+$0x0] =	vst.idx.msk $0xffff, v1  }
0x69: {  	v3 =	vor.u32 v27, v2;
	v1 =	vld.idx.msk [tilespmem:v4+s8+$0x0], $0xffff  }
0x6a: {  	v4 =	vor.u32 $0x1A, v0;
	_ =	sdelay $0x3  }
0x6b: {  	[tilespmem:v3+s10+$0x0] =	vst.idx.msk $0xffff, v1  }
0x6c: {  	v3 =	vor.u32 v28, v2;
	v1 =	vld.idx.msk [tilespmem:v4+s8+$0x0], $0xffff  }
0x6d: {  	v4 =	vor.u32 $0x1B, v0;
	_ =	sdelay $0x3  }
0x6e: {  	[tilespmem:v3+s10+$0x0] =	vst.idx.msk $0xffff, v1  }
0x6f: {  	v3 =	vor.u32 v29, v2;
	v1 =	vld.idx.msk [tilespmem:v4+s8+$0x0], $0xffff  }
0x70: {  	v4 =	vor.u32 $0x1C, v0;
	_ =	sdelay $0x3  }
0x71: {  	[tilespmem:v3+s10+$0x0] =	vst.idx.msk $0xffff, v1  }
0x72: {  	v3 =	vor.u32 v30, v2;
	v1 =	vld.idx.msk [tilespmem:v4+s8+$0x0], $0xffff  }
0x73: {  	v4 =	vor.u32 $0x1D, v0;
	_ =	sdelay $0x3  }
0x74: {  	[tilespmem:v3+s10+$0x0] =	vst.idx.msk $0xffff, v1  }
0x75: {  	v3 =	vor.u32 v31, v2;
	v1 =	vld.idx.msk [tilespmem:v4+s8+$0x0], $0xffff  }
0x76: {  	v4 =	vor.u32 $0x1E, v0;
	_ =	sdelay $0x3  }
0x77: {  	[tilespmem:v3+s10+$0x0] =	vst.idx.msk $0xffff, v1  }
0x78: {  	v3 =	vor.u32 v32, v2;
	v1 =	vld.idx.msk [tilespmem:v4+s8+$0x0], $0xffff  }
0x79: {  	v4 =	vor.u32 $0x1F, v0;
	_ =	sdelay $0x3  }
0x7a: {  	[tilespmem:v3+s10+$0x0] =	vst.idx.msk $0xffff, v1  }
0x7b: {  	v3 =	vor.u32 v33, v2;
	v1 =	vld.idx.msk [tilespmem:v4+s8+$0x0], $0xffff  }
0x7c: {  	v4 =	vor.u32 $0x20, v0;
	_ =	sdelay $0x3  }
0x7d: {  	[tilespmem:v3+s10+$0x0] =	vst.idx.msk $0xffff, v1  }
0x7e: {  	v3 =	vor.u32 v34, v2;
	v1 =	vld.idx.msk [tilespmem:v4+s8+$0x0], $0xffff  }
0x7f: {  	v4 =	vor.u32 $0x21, v0;
	_ =	sdelay $0x3  }
0x80: {  	[tilespmem:v3+s10+$0x0] =	vst.idx.msk $0xffff, v1  }
0x81: {  	v3 =	vor.u32 v35, v2;
	v1 =	vld.idx.msk [tilespmem:v4+s8+$0x0], $0xffff  }
0x82: {  	v4 =	vor.u32 $0x22, v0;
	_ =	sdelay $0x3  }
0x83: {  	[tilespmem:v3+s10+$0x0] =	vst.idx.msk $0xffff, v1  }
0x84: {  	v3 =	vor.u32 v36, v2;
	v1 =	vld.idx.msk [tilespmem:v4+s8+$0x0], $0xffff  }
0x85: {  	v4 =	vor.u32 $0x23, v0;
	_ =	sdelay $0x3  }
0x86: {  	[tilespmem:v3+s10+$0x0] =	vst.idx.msk $0xffff, v1  }
0x87: {  	v3 =	vor.u32 v37, v2;
	v1 =	vld.idx.msk [tilespmem:v4+s8+$0x0], $0xffff  }
0x88: {  	v4 =	vor.u32 $0x24, v0;
	_ =	sdelay $0x3  }
0x89: {  	[tilespmem:v3+s10+$0x0] =	vst.idx.msk $0xffff, v1  }
0x8a: {  	v3 =	vor.u32 v38, v2;
	v1 =	vld.idx.msk [tilespmem:v4+s8+$0x0], $0xffff  }
0x8b: {  	v4 =	vor.u32 $0x25, v0;
	_ =	sdelay $0x3  }
0x8c: {  	[tilespmem:v3+s10+$0x0] =	vst.idx.msk $0xffff, v1  }
0x8d: {  	v3 =	vor.u32 v39, v2;
	v1 =	vld.idx.msk [tilespmem:v4+s8+$0x0], $0xffff  }
0x8e: {  	v4 =	vor.u32 $0x26, v0;
	_ =	sdelay $0x3  }
0x8f: {  	[tilespmem:v3+s10+$0x0] =	vst.idx.msk $0xffff, v1  }
0x90: {  	v3 =	vor.u32 v40, v2;
	v1 =	vld.idx.msk [tilespmem:v4+s8+$0x0], $0xffff  }
0x91: {  	v4 =	vor.u32 $0x27, v0;
	_ =	sdelay $0x3  }
0x92: {  	[tilespmem:v3+s10+$0x0] =	vst.idx.msk $0xffff, v1  }
0x93: {  	v3 =	vor.u32 v41, v2;
	v1 =	vld.idx.msk [tilespmem:v4+s8+$0x0], $0xffff  }
0x94: {  	v4 =	vor.u32 $0x28, v0;
	_ =	sdelay $0x3  }
0x95: {  	[tilespmem:v3+s10+$0x0] =	vst.idx.msk $0xffff, v1  }
0x96: {  	v3 =	vor.u32 v42, v2;
	v1 =	vld.idx.msk [tilespmem:v4+s8+$0x0], $0xffff  }
0x97: {  	v4 =	vor.u32 $0x29, v0;
	_ =	sdelay $0x3  }
0x98: {  	[tilespmem:v3+s10+$0x0] =	vst.idx.msk $0xffff, v1  }
0x99: {  	v3 =	vor.u32 v43, v2;
	v1 =	vld.idx.msk [tilespmem:v4+s8+$0x0], $0xffff  }
0x9a: {  	v4 =	vor.u32 $0x2A, v0;
	_ =	sdelay $0x3  }
0x9b: {  	[tilespmem:v3+s10+$0x0] =	vst.idx.msk $0xffff, v1  }
0x9c: {  	v3 =	vor.u32 v44, v2;
	v1 =	vld.idx.msk [tilespmem:v4+s8+$0x0], $0xffff  }
0x9d: {  	v4 =	vor.u32 $0x2B, v0;
	_ =	sdelay $0x3  }
0x9e: {  	[tilespmem:v3+s10+$0x0] =	vst.idx.msk $0xffff, v1  }
0x9f: {  	v3 =	vor.u32 v45, v2;
	v1 =	vld.idx.msk [tilespmem:v4+s8+$0x0], $0xffff  }
0xa0: {  	v4 =	vor.u32 $0x2C, v0;
	_ =	sdelay $0x3  }
0xa1: {  	[tilespmem:v3+s10+$0x0] =	vst.idx.msk $0xffff, v1  }
0xa2: {  	v3 =	vor.u32 v46, v2;
	v1 =	vld.idx.msk [tilespmem:v4+s8+$0x0], $0xffff  }
0xa3: {  	v4 =	vor.u32 $0x2D, v0;
	_ =	sdelay $0x3  }
0xa4: {  	[tilespmem:v3+s10+$0x0] =	vst.idx.msk $0xffff, v1  }
0xa5: {  	v3 =	vor.u32 v47, v2;
	v1 =	vld.idx.msk [tilespmem:v4+s8+$0x0], $0xffff  }
0xa6: {  	v4 =	vor.u32 $0x2E, v0;
	_ =	sdelay $0x3  }
0xa7: {  	[tilespmem:v3+s10+$0x0] =	vst.idx.msk $0xffff, v1  }
0xa8: {  	v3 =	vor.u32 v48, v2;
	v1 =	vld.idx.msk [tilespmem:v4+s8+$0x0], $0xffff  }
0xa9: {  	v4 =	vor.u32 $0x2F, v0;
	_ =	sdelay $0x3  }
0xaa: {  	[tilespmem:v3+s10+$0x0] =	vst.idx.msk $0xffff, v1  }
0xab: {  	v3 =	vor.u32 v49, v2;
	v1 =	vld.idx.msk [tilespmem:v4+s8+$0x0], $0xffff  }
0xac: {  	v4 =	vor.u32 $0x30, v0;
	_ =	sdelay $0x3  }
0xad: {  	[tilespmem:v3+s10+$0x0] =	vst.idx.msk $0xffff, v1  }
0xae: {  	v3 =	vor.u32 v50, v2;
	v1 =	vld.idx.msk [tilespmem:v4+s8+$0x0], $0xffff  }
0xaf: {  	v4 =	vor.u32 $0x31, v0;
	_ =	sdelay $0x3  }
0xb0: {  	[tilespmem:v3+s10+$0x0] =	vst.idx.msk $0xffff, v1  }
0xb1: {  	v3 =	vor.u32 v51, v2;
	v1 =	vld.idx.msk [tilespmem:v4+s8+$0x0], $0xffff  }
0xb2: {  	v4 =	vor.u32 $0x32, v0;
	_ =	sdelay $0x3  }
0xb3: {  	[tilespmem:v3+s10+$0x0] =	vst.idx.msk $0xffff, v1  }
0xb4: {  	v3 =	vor.u32 v52, v2;
	v1 =	vld.idx.msk [tilespmem:v4+s8+$0x0], $0xffff  }
0xb5: {  	v4 =	vor.u32 $0x33, v0;
	_ =	sdelay $0x3  }
0xb6: {  	[tilespmem:v3+s10+$0x0] =	vst.idx.msk $0xffff, v1  }
0xb7: {  	v3 =	vor.u32 v53, v2;
	v1 =	vld.idx.msk [tilespmem:v4+s8+$0x0], $0xffff  }
0xb8: {  	v4 =	vor.u32 $0x34, v0;
	_ =	sdelay $0x3  }
0xb9: {  	[tilespmem:v3+s10+$0x0] =	vst.idx.msk $0xffff, v1  }
0xba: {  	v3 =	vor.u32 v54, v2;
	v1 =	vld.idx.msk [tilespmem:v4+s8+$0x0], $0xffff  }
0xbb: {  	v4 =	vor.u32 $0x35, v0;
	_ =	sdelay $0x3  }
0xbc: {  	[tilespmem:v3+s10+$0x0] =	vst.idx.msk $0xffff, v1  }
0xbd: {  	v3 =	vor.u32 v55, v2;
	v1 =	vld.idx.msk [tilespmem:v4+s8+$0x0], $0xffff  }
0xbe: {  	v4 =	vor.u32 $0x36, v0;
	_ =	sdelay $0x3  }
0xbf: {  	[tilespmem:v3+s10+$0x0] =	vst.idx.msk $0xffff, v1  }
0xc0: {  	v3 =	vor.u32 v56, v2;
	v1 =	vld.idx.msk [tilespmem:v4+s8+$0x0], $0xffff  }
0xc1: {  	v4 =	vor.u32 $0x37, v0;
	_ =	sdelay $0x3  }
0xc2: {  	[tilespmem:v3+s10+$0x0] =	vst.idx.msk $0xffff, v1  }
0xc3: {  	v3 =	vor.u32 v57, v2;
	v1 =	vld.idx.msk [tilespmem:v4+s8+$0x0], $0xffff  }
0xc4: {  	v4 =	vor.u32 $0x38, v0;
	_ =	sdelay $0x3  }
0xc5: {  	[tilespmem:v3+s10+$0x0] =	vst.idx.msk $0xffff, v1  }
0xc6: {  	v3 =	vor.u32 v58, v2;
	v1 =	vld.idx.msk [tilespmem:v4+s8+$0x0], $0xffff  }
0xc7: {  	v4 =	vor.u32 $0x39, v0;
	_ =	sdelay $0x3  }
0xc8: {  	[tilespmem:v3+s10+$0x0] =	vst.idx.msk $0xffff, v1  }
0xc9: {  	v3 =	vor.u32 v59, v2;
	v1 =	vld.idx.msk [tilespmem:v4+s8+$0x0], $0xffff  }
0xca: {  	v4 =	vor.u32 $0x3A, v0;
	_ =	sdelay $0x3  }
0xcb: {  	[tilespmem:v3+s10+$0x0] =	vst.idx.msk $0xffff, v1  }
0xcc: {  	v3 =	vor.u32 v60, v2;
	v1 =	vld.idx.msk [tilespmem:v4+s8+$0x0], $0xffff  }
0xcd: {  	v4 =	vor.u32 $0x3B, v0;
	_ =	sdelay $0x3  }
0xce: {  	[tilespmem:v3+s10+$0x0] =	vst.idx.msk $0xffff, v1  }
0xcf: {  	v3 =	vor.u32 v61, v2;
	v1 =	vld.idx.msk [tilespmem:v4+s8+$0x0], $0xffff  }
0xd0: {  	v4 =	vor.u32 $0x3C, v0;
	_ =	sdelay $0x3  }
0xd1: {  	[tilespmem:v3+s10+$0x0] =	vst.idx.msk $0xffff, v1  }
0xd2: {  	v3 =	vor.u32 v62, v2;
	v1 =	vld.idx.msk [tilespmem:v4+s8+$0x0], $0xffff  }
0xd3: {  	v4 =	vor.u32 $0x3D, v0;
	_ =	sdelay $0x3  }
0xd4: {  	v6 =	vld [tilespmem:$0x1FFF0];
	[tilespmem:v3+s10+$0x0] =	vst.idx.msk $0xffff, v1  }
0xd5: {  	v3 =	vor.u32 v63, v2;
	v1 =	vld.idx.msk [tilespmem:v4+s8+$0x0], $0xffff  }
0xd6: {  	v4 =	vor.u32 $0x3E, v0;
	_ =	sdelay $0x3  }
0xd7: {  	[tilespmem:v3+s10+$0x0] =	vst.idx.msk $0xffff, v1;
	v1 =	vor.u32 $0x7C00, v6  }
0xd8: {  	v3 =	vld.idx.msk [tilespmem:v4+s8+$0x0], $0xffff;
	v4 =	vor.u32 v1, v2  }
0xd9: {  	v5 =	vor.u32 $0x3F, v0;
	_ =	sdelay $0x3  }
0xda: {  	s12 =	simm.s32 $0x10;
	v0 =	vor.u32 $0x7E00, v6;
	[tilespmem:v4+s10+$0x0] =	vst.idx.msk $0xffff, v3;
	v3 =	vlaneseq.u32  }
0xdb: {  	v5 =	vld.idx.msk [tilespmem:v5+s8+$0x0], $0xffff;
	v4 =	vor.u32 s12, v3;
	s12 =	simm.s32 $0x20;
	v3 =	vor.u32 v0, v2  }
.LBB2_2:
0xdc: {  	_ =	sdelay $0x3  }
0xdd: {  	v2 =	vshll.u32 v4, $0x6;
	[tilespmem:v3+s10+$0x0] =	vst.idx.msk $0xffff, v5;
	v5 =	vld [tilespmem:$0x1FFA0];
	_ =	sdelay $0x4  }
0xde: {  	v3 =	vld.idx.msk [tilespmem:v2+s8+$0x0], $0xffff;
	v5 =	vand.u32 v5, v4;
	_ =	sdelay $0x4  }
0xdf: {  	v6 =	vor.u32 $0x1, v2;
	[tilespmem:v5+s10+$0x0] =	vst.idx.msk $0xffff, v3;
	v5 =	vld [tilespmem:$0x1FFB0];
	_ =	sdelay $0x3  }
0xe0: {  	v3 =	vand.u32 $0x1F8, v4  }
0xe1: {  	v4 =	vld.idx.msk [tilespmem:v6+s8+$0x0], $0xffff;
	v5 =	vor.u32 v5, v3;
	_ =	sdelay $0x4  }
0xe2: {  	v6 =	vor.u32 $0x2, v2;
	[tilespmem:v5+s10+$0x0] =	vst.idx.msk $0xffff, v4;
	v5 =	vld [tilespmem:$0x1FFC0];
	_ =	sdelay $0x4  }
0xe3: {  	v4 =	vld.idx.msk [tilespmem:v6+s8+$0x0], $0xffff;
	v5 =	vor.u32 v5, v3;
	_ =	sdelay $0x4  }
0xe4: {  	v6 =	vor.u32 $0x3, v2;
	[tilespmem:v5+s10+$0x0] =	vst.idx.msk $0xffff, v4;
	v5 =	vld [tilespmem:$0x1FFD0];
	_ =	sdelay $0x4  }
0xe5: {  	v4 =	vld.idx.msk [tilespmem:v6+s8+$0x0], $0xffff;
	v5 =	vor.u32 v5, v3;
	_ =	sdelay $0x4  }
0xe6: {  	v6 =	vor.u32 $0x4, v2;
	[tilespmem:v5+s10+$0x0] =	vst.idx.msk $0xffff, v4;
	v5 =	vld [tilespmem:$0x1FFE0];
	_ =	sdelay $0x4  }
0xe7: {  	v4 =	vld.idx.msk [tilespmem:v6+s8+$0x0], $0xffff;
	v5 =	vor.u32 v5, v3  }
0xe8: {  	v6 =	vor.u32 $0x5, v2;
	_ =	sdelay $0x3  }
0xe9: {  	[tilespmem:v5+s10+$0x0] =	vst.idx.msk $0xffff, v4  }
0xea: {  	v5 =	vor.u32 v7, v3;
	v4 =	vld.idx.msk [tilespmem:v6+s8+$0x0], $0xffff  }
0xeb: {  	v6 =	vor.u32 $0x6, v2;
	_ =	sdelay $0x3  }
0xec: {  	[tilespmem:v5+s10+$0x0] =	vst.idx.msk $0xffff, v4  }
0xed: {  	v5 =	vor.u32 v8, v3;
	v4 =	vld.idx.msk [tilespmem:v6+s8+$0x0], $0xffff  }
0xee: {  	v6 =	vor.u32 $0x7, v2;
	_ =	sdelay $0x3  }
0xef: {  	[tilespmem:v5+s10+$0x0] =	vst.idx.msk $0xffff, v4  }
0xf0: {  	v5 =	vor.u32 v9, v3;
	v4 =	vld.idx.msk [tilespmem:v6+s8+$0x0], $0xffff  }
0xf1: {  	v6 =	vor.u32 $0x8, v2;
	_ =	sdelay $0x3  }
0xf2: {  	[tilespmem:v5+s10+$0x0] =	vst.idx.msk $0xffff, v4  }
0xf3: {  	v5 =	vor.u32 v10, v3;
	v4 =	vld.idx.msk [tilespmem:v6+s8+$0x0], $0xffff  }
0xf4: {  	v6 =	vor.u32 $0x9, v2;
	_ =	sdelay $0x3  }
0xf5: {  	[tilespmem:v5+s10+$0x0] =	vst.idx.msk $0xffff, v4  }
0xf6: {  	v5 =	vor.u32 v11, v3;
	v4 =	vld.idx.msk [tilespmem:v6+s8+$0x0], $0xffff  }
0xf7: {  	v6 =	vor.u32 $0xA, v2;
	_ =	sdelay $0x3  }
0xf8: {  	[tilespmem:v5+s10+$0x0] =	vst.idx.msk $0xffff, v4  }
0xf9: {  	v5 =	vor.u32 v12, v3;
	v4 =	vld.idx.msk [tilespmem:v6+s8+$0x0], $0xffff  }
0xfa: {  	v6 =	vor.u32 $0xB, v2;
	_ =	sdelay $0x3  }
0xfb: {  	[tilespmem:v5+s10+$0x0] =	vst.idx.msk $0xffff, v4  }
0xfc: {  	v5 =	vor.u32 v13, v3;
	v4 =	vld.idx.msk [tilespmem:v6+s8+$0x0], $0xffff  }
0xfd: {  	v6 =	vor.u32 $0xC, v2;
	_ =	sdelay $0x3  }
0xfe: {  	[tilespmem:v5+s10+$0x0] =	vst.idx.msk $0xffff, v4  }
0xff: {  	v5 =	vor.u32 v14, v3;
	v4 =	vld.idx.msk [tilespmem:v6+s8+$0x0], $0xffff  }
0x100: {  	v6 =	vor.u32 $0xD, v2;
	_ =	sdelay $0x3  }
0x101: {  	[tilespmem:v5+s10+$0x0] =	vst.idx.msk $0xffff, v4  }
0x102: {  	v5 =	vor.u32 v15, v3;
	v4 =	vld.idx.msk [tilespmem:v6+s8+$0x0], $0xffff  }
0x103: {  	v6 =	vor.u32 $0xE, v2;
	_ =	sdelay $0x3  }
0x104: {  	[tilespmem:v5+s10+$0x0] =	vst.idx.msk $0xffff, v4  }
0x105: {  	v5 =	vor.u32 v16, v3;
	v4 =	vld.idx.msk [tilespmem:v6+s8+$0x0], $0xffff  }
0x106: {  	v6 =	vor.u32 $0xF, v2;
	_ =	sdelay $0x3  }
0x107: {  	[tilespmem:v5+s10+$0x0] =	vst.idx.msk $0xffff, v4  }
0x108: {  	v5 =	vor.u32 v17, v3;
	v4 =	vld.idx.msk [tilespmem:v6+s8+$0x0], $0xffff  }
0x109: {  	v6 =	vor.u32 $0x10, v2;
	_ =	sdelay $0x3  }
0x10a: {  	[tilespmem:v5+s10+$0x0] =	vst.idx.msk $0xffff, v4  }
0x10b: {  	v5 =	vor.u32 v18, v3;
	v4 =	vld.idx.msk [tilespmem:v6+s8+$0x0], $0xffff  }
0x10c: {  	v6 =	vor.u32 $0x11, v2;
	_ =	sdelay $0x3  }
0x10d: {  	[tilespmem:v5+s10+$0x0] =	vst.idx.msk $0xffff, v4  }
0x10e: {  	v5 =	vor.u32 v19, v3;
	v4 =	vld.idx.msk [tilespmem:v6+s8+$0x0], $0xffff  }
0x10f: {  	v6 =	vor.u32 $0x12, v2;
	_ =	sdelay $0x3  }
0x110: {  	[tilespmem:v5+s10+$0x0] =	vst.idx.msk $0xffff, v4  }
0x111: {  	v5 =	vor.u32 v20, v3;
	v4 =	vld.idx.msk [tilespmem:v6+s8+$0x0], $0xffff  }
0x112: {  	v6 =	vor.u32 $0x13, v2;
	_ =	sdelay $0x3  }
0x113: {  	[tilespmem:v5+s10+$0x0] =	vst.idx.msk $0xffff, v4  }
0x114: {  	v5 =	vor.u32 v21, v3;
	v4 =	vld.idx.msk [tilespmem:v6+s8+$0x0], $0xffff  }
0x115: {  	v6 =	vor.u32 $0x14, v2;
	_ =	sdelay $0x3  }
0x116: {  	[tilespmem:v5+s10+$0x0] =	vst.idx.msk $0xffff, v4  }
0x117: {  	v5 =	vor.u32 v22, v3;
	v4 =	vld.idx.msk [tilespmem:v6+s8+$0x0], $0xffff  }
0x118: {  	v6 =	vor.u32 $0x15, v2;
	_ =	sdelay $0x3  }
0x119: {  	[tilespmem:v5+s10+$0x0] =	vst.idx.msk $0xffff, v4  }
0x11a: {  	v5 =	vor.u32 v23, v3;
	v4 =	vld.idx.msk [tilespmem:v6+s8+$0x0], $0xffff  }
0x11b: {  	v6 =	vor.u32 $0x16, v2;
	_ =	sdelay $0x3  }
0x11c: {  	[tilespmem:v5+s10+$0x0] =	vst.idx.msk $0xffff, v4  }
0x11d: {  	v5 =	vor.u32 v24, v3;
	v4 =	vld.idx.msk [tilespmem:v6+s8+$0x0], $0xffff  }
0x11e: {  	v6 =	vor.u32 $0x17, v2;
	_ =	sdelay $0x3  }
0x11f: {  	[tilespmem:v5+s10+$0x0] =	vst.idx.msk $0xffff, v4  }
0x120: {  	v5 =	vor.u32 v25, v3;
	v4 =	vld.idx.msk [tilespmem:v6+s8+$0x0], $0xffff  }
0x121: {  	v6 =	vor.u32 $0x18, v2;
	_ =	sdelay $0x3  }
0x122: {  	[tilespmem:v5+s10+$0x0] =	vst.idx.msk $0xffff, v4  }
0x123: {  	v5 =	vor.u32 v26, v3;
	v4 =	vld.idx.msk [tilespmem:v6+s8+$0x0], $0xffff  }
0x124: {  	v6 =	vor.u32 $0x19, v2;
	_ =	sdelay $0x3  }
0x125: {  	[tilespmem:v5+s10+$0x0] =	vst.idx.msk $0xffff, v4  }
0x126: {  	v5 =	vor.u32 v27, v3;
	v4 =	vld.idx.msk [tilespmem:v6+s8+$0x0], $0xffff  }
0x127: {  	v6 =	vor.u32 $0x1A, v2;
	_ =	sdelay $0x3  }
0x128: {  	[tilespmem:v5+s10+$0x0] =	vst.idx.msk $0xffff, v4  }
0x129: {  	v5 =	vor.u32 v28, v3;
	v4 =	vld.idx.msk [tilespmem:v6+s8+$0x0], $0xffff  }
0x12a: {  	v6 =	vor.u32 $0x1B, v2;
	_ =	sdelay $0x3  }
0x12b: {  	[tilespmem:v5+s10+$0x0] =	vst.idx.msk $0xffff, v4  }
0x12c: {  	v5 =	vor.u32 v29, v3;
	v4 =	vld.idx.msk [tilespmem:v6+s8+$0x0], $0xffff  }
0x12d: {  	v6 =	vor.u32 $0x1C, v2;
	_ =	sdelay $0x3  }
0x12e: {  	[tilespmem:v5+s10+$0x0] =	vst.idx.msk $0xffff, v4  }
0x12f: {  	v5 =	vor.u32 v30, v3;
	v4 =	vld.idx.msk [tilespmem:v6+s8+$0x0], $0xffff  }
0x130: {  	v6 =	vor.u32 $0x1D, v2;
	_ =	sdelay $0x3  }
0x131: {  	[tilespmem:v5+s10+$0x0] =	vst.idx.msk $0xffff, v4  }
0x132: {  	v5 =	vor.u32 v31, v3;
	v4 =	vld.idx.msk [tilespmem:v6+s8+$0x0], $0xffff  }
0x133: {  	v6 =	vor.u32 $0x1E, v2;
	_ =	sdelay $0x3  }
0x134: {  	[tilespmem:v5+s10+$0x0] =	vst.idx.msk $0xffff, v4  }
0x135: {  	v5 =	vor.u32 v32, v3;
	v4 =	vld.idx.msk [tilespmem:v6+s8+$0x0], $0xffff  }
0x136: {  	v6 =	vor.u32 $0x1F, v2;
	_ =	sdelay $0x3  }
0x137: {  	[tilespmem:v5+s10+$0x0] =	vst.idx.msk $0xffff, v4  }
0x138: {  	v5 =	vor.u32 v33, v3;
	v4 =	vld.idx.msk [tilespmem:v6+s8+$0x0], $0xffff  }
0x139: {  	v6 =	vor.u32 $0x20, v2;
	_ =	sdelay $0x3  }
0x13a: {  	[tilespmem:v5+s10+$0x0] =	vst.idx.msk $0xffff, v4  }
0x13b: {  	v5 =	vor.u32 v34, v3;
	v4 =	vld.idx.msk [tilespmem:v6+s8+$0x0], $0xffff  }
0x13c: {  	v6 =	vor.u32 $0x21, v2;
	_ =	sdelay $0x3  }
0x13d: {  	[tilespmem:v5+s10+$0x0] =	vst.idx.msk $0xffff, v4  }
0x13e: {  	v5 =	vor.u32 v35, v3;
	v4 =	vld.idx.msk [tilespmem:v6+s8+$0x0], $0xffff  }
0x13f: {  	v6 =	vor.u32 $0x22, v2;
	_ =	sdelay $0x3  }
0x140: {  	[tilespmem:v5+s10+$0x0] =	vst.idx.msk $0xffff, v4  }
0x141: {  	v5 =	vor.u32 v36, v3;
	v4 =	vld.idx.msk [tilespmem:v6+s8+$0x0], $0xffff  }
0x142: {  	v6 =	vor.u32 $0x23, v2;
	_ =	sdelay $0x3  }
0x143: {  	[tilespmem:v5+s10+$0x0] =	vst.idx.msk $0xffff, v4  }
0x144: {  	v5 =	vor.u32 v37, v3;
	v4 =	vld.idx.msk [tilespmem:v6+s8+$0x0], $0xffff  }
0x145: {  	v6 =	vor.u32 $0x24, v2;
	_ =	sdelay $0x3  }
0x146: {  	[tilespmem:v5+s10+$0x0] =	vst.idx.msk $0xffff, v4  }
0x147: {  	v5 =	vor.u32 v38, v3;
	v4 =	vld.idx.msk [tilespmem:v6+s8+$0x0], $0xffff  }
0x148: {  	v6 =	vor.u32 $0x25, v2;
	_ =	sdelay $0x3  }
0x149: {  	[tilespmem:v5+s10+$0x0] =	vst.idx.msk $0xffff, v4  }
0x14a: {  	v5 =	vor.u32 v39, v3;
	v4 =	vld.idx.msk [tilespmem:v6+s8+$0x0], $0xffff  }
0x14b: {  	v6 =	vor.u32 $0x26, v2;
	_ =	sdelay $0x3  }
0x14c: {  	[tilespmem:v5+s10+$0x0] =	vst.idx.msk $0xffff, v4  }
0x14d: {  	v5 =	vor.u32 v40, v3;
	v4 =	vld.idx.msk [tilespmem:v6+s8+$0x0], $0xffff  }
0x14e: {  	v6 =	vor.u32 $0x27, v2;
	_ =	sdelay $0x3  }
0x14f: {  	[tilespmem:v5+s10+$0x0] =	vst.idx.msk $0xffff, v4  }
0x150: {  	v5 =	vor.u32 v41, v3;
	v4 =	vld.idx.msk [tilespmem:v6+s8+$0x0], $0xffff  }
0x151: {  	v6 =	vor.u32 $0x28, v2;
	_ =	sdelay $0x3  }
0x152: {  	[tilespmem:v5+s10+$0x0] =	vst.idx.msk $0xffff, v4  }
0x153: {  	v5 =	vor.u32 v42, v3;
	v4 =	vld.idx.msk [tilespmem:v6+s8+$0x0], $0xffff  }
0x154: {  	v6 =	vor.u32 $0x29, v2;
	_ =	sdelay $0x3  }
0x155: {  	[tilespmem:v5+s10+$0x0] =	vst.idx.msk $0xffff, v4  }
0x156: {  	v5 =	vor.u32 v43, v3;
	v4 =	vld.idx.msk [tilespmem:v6+s8+$0x0], $0xffff  }
0x157: {  	v6 =	vor.u32 $0x2A, v2;
	_ =	sdelay $0x3  }
0x158: {  	[tilespmem:v5+s10+$0x0] =	vst.idx.msk $0xffff, v4  }
0x159: {  	v5 =	vor.u32 v44, v3;
	v4 =	vld.idx.msk [tilespmem:v6+s8+$0x0], $0xffff  }
0x15a: {  	v6 =	vor.u32 $0x2B, v2;
	_ =	sdelay $0x3  }
0x15b: {  	[tilespmem:v5+s10+$0x0] =	vst.idx.msk $0xffff, v4  }
0x15c: {  	v5 =	vor.u32 v45, v3;
	v4 =	vld.idx.msk [tilespmem:v6+s8+$0x0], $0xffff  }
0x15d: {  	v6 =	vor.u32 $0x2C, v2;
	_ =	sdelay $0x3  }
0x15e: {  	[tilespmem:v5+s10+$0x0] =	vst.idx.msk $0xffff, v4  }
0x15f: {  	v5 =	vor.u32 v46, v3;
	v4 =	vld.idx.msk [tilespmem:v6+s8+$0x0], $0xffff  }
0x160: {  	v6 =	vor.u32 $0x2D, v2;
	_ =	sdelay $0x3  }
0x161: {  	[tilespmem:v5+s10+$0x0] =	vst.idx.msk $0xffff, v4  }
0x162: {  	v5 =	vor.u32 v47, v3;
	v4 =	vld.idx.msk [tilespmem:v6+s8+$0x0], $0xffff  }
0x163: {  	v6 =	vor.u32 $0x2E, v2;
	_ =	sdelay $0x3  }
0x164: {  	[tilespmem:v5+s10+$0x0] =	vst.idx.msk $0xffff, v4  }
0x165: {  	v5 =	vor.u32 v48, v3;
	v4 =	vld.idx.msk [tilespmem:v6+s8+$0x0], $0xffff  }
0x166: {  	v6 =	vor.u32 $0x2F, v2;
	_ =	sdelay $0x3  }
0x167: {  	[tilespmem:v5+s10+$0x0] =	vst.idx.msk $0xffff, v4  }
0x168: {  	v5 =	vor.u32 v49, v3;
	v4 =	vld.idx.msk [tilespmem:v6+s8+$0x0], $0xffff  }
0x169: {  	v6 =	vor.u32 $0x30, v2;
	_ =	sdelay $0x3  }
0x16a: {  	[tilespmem:v5+s10+$0x0] =	vst.idx.msk $0xffff, v4  }
0x16b: {  	v5 =	vor.u32 v50, v3;
	v4 =	vld.idx.msk [tilespmem:v6+s8+$0x0], $0xffff  }
0x16c: {  	v6 =	vor.u32 $0x31, v2;
	_ =	sdelay $0x3  }
0x16d: {  	[tilespmem:v5+s10+$0x0] =	vst.idx.msk $0xffff, v4  }
0x16e: {  	v5 =	vor.u32 v51, v3;
	v4 =	vld.idx.msk [tilespmem:v6+s8+$0x0], $0xffff  }
0x16f: {  	v6 =	vor.u32 $0x32, v2;
	_ =	sdelay $0x3  }
0x170: {  	[tilespmem:v5+s10+$0x0] =	vst.idx.msk $0xffff, v4  }
0x171: {  	v5 =	vor.u32 v52, v3;
	v4 =	vld.idx.msk [tilespmem:v6+s8+$0x0], $0xffff  }
0x172: {  	v6 =	vor.u32 $0x33, v2;
	_ =	sdelay $0x3  }
0x173: {  	[tilespmem:v5+s10+$0x0] =	vst.idx.msk $0xffff, v4  }
0x174: {  	v5 =	vor.u32 v53, v3;
	v4 =	vld.idx.msk [tilespmem:v6+s8+$0x0], $0xffff  }
0x175: {  	v6 =	vor.u32 $0x34, v2;
	_ =	sdelay $0x3  }
0x176: {  	[tilespmem:v5+s10+$0x0] =	vst.idx.msk $0xffff, v4  }
0x177: {  	v5 =	vor.u32 v54, v3;
	v4 =	vld.idx.msk [tilespmem:v6+s8+$0x0], $0xffff  }
0x178: {  	v6 =	vor.u32 $0x35, v2;
	_ =	sdelay $0x3  }
0x179: {  	[tilespmem:v5+s10+$0x0] =	vst.idx.msk $0xffff, v4  }
0x17a: {  	v5 =	vor.u32 v55, v3;
	v4 =	vld.idx.msk [tilespmem:v6+s8+$0x0], $0xffff  }
0x17b: {  	v6 =	vor.u32 $0x36, v2;
	_ =	sdelay $0x3  }
0x17c: {  	[tilespmem:v5+s10+$0x0] =	vst.idx.msk $0xffff, v4  }
0x17d: {  	v5 =	vor.u32 v56, v3;
	v4 =	vld.idx.msk [tilespmem:v6+s8+$0x0], $0xffff  }
0x17e: {  	v6 =	vor.u32 $0x37, v2;
	_ =	sdelay $0x3  }
0x17f: {  	[tilespmem:v5+s10+$0x0] =	vst.idx.msk $0xffff, v4  }
0x180: {  	v5 =	vor.u32 v57, v3;
	v4 =	vld.idx.msk [tilespmem:v6+s8+$0x0], $0xffff  }
0x181: {  	v6 =	vor.u32 $0x38, v2;
	_ =	sdelay $0x3  }
0x182: {  	[tilespmem:v5+s10+$0x0] =	vst.idx.msk $0xffff, v4  }
0x183: {  	v5 =	vor.u32 v58, v3;
	v4 =	vld.idx.msk [tilespmem:v6+s8+$0x0], $0xffff  }
0x184: {  	v6 =	vor.u32 $0x39, v2;
	_ =	sdelay $0x3  }
0x185: {  	[tilespmem:v5+s10+$0x0] =	vst.idx.msk $0xffff, v4  }
0x186: {  	v5 =	vor.u32 v59, v3;
	v4 =	vld.idx.msk [tilespmem:v6+s8+$0x0], $0xffff  }
0x187: {  	v6 =	vor.u32 $0x3A, v2;
	_ =	sdelay $0x3  }
0x188: {  	[tilespmem:v5+s10+$0x0] =	vst.idx.msk $0xffff, v4  }
0x189: {  	v5 =	vor.u32 v60, v3;
	v4 =	vld.idx.msk [tilespmem:v6+s8+$0x0], $0xffff  }
0x18a: {  	v6 =	vor.u32 $0x3B, v2;
	_ =	sdelay $0x3  }
0x18b: {  	[tilespmem:v5+s10+$0x0] =	vst.idx.msk $0xffff, v4  }
0x18c: {  	v5 =	vor.u32 v61, v3;
	v4 =	vld.idx.msk [tilespmem:v6+s8+$0x0], $0xffff  }
0x18d: {  	v6 =	vor.u32 $0x3C, v2;
	_ =	sdelay $0x3  }
0x18e: {  	[tilespmem:v5+s10+$0x0] =	vst.idx.msk $0xffff, v4  }
0x18f: {  	v5 =	vor.u32 v62, v3;
	v4 =	vld.idx.msk [tilespmem:v6+s8+$0x0], $0xffff  }
0x190: {  	v6 =	vor.u32 $0x3D, v2;
	_ =	sdelay $0x3  }
0x191: {  	[tilespmem:v5+s10+$0x0] =	vst.idx.msk $0xffff, v4  }
0x192: {  	v5 =	vor.u32 v63, v3;
	v4 =	vld.idx.msk [tilespmem:v6+s8+$0x0], $0xffff  }
0x193: {  	v6 =	vor.u32 $0x3E, v2;
	_ =	sdelay $0x3  }
0x194: {  	[tilespmem:v5+s10+$0x0] =	vst.idx.msk $0xffff, v4  }
0x195: {  	v5 =	vor.u32 v1, v3;
	v4 =	vld.idx.msk [tilespmem:v6+s8+$0x0], $0xffff  }
0x196: {  	v2 =	vor.u32 $0x3F, v2  }
0x197: {  	p0 =	sne.s32 s12, $0x1F0  }
.Ltmp0:
0x198: {  	_ = 	snop;
	(pc) =	sbr.rel @p0 .LBB2_2-.Ltmp0, $4  }
0x199: {  	_ = 	snop  }
0x19a: {  	[tilespmem:v5+s10+$0x0] =	vst.idx.msk $0xffff, v4  }
0x19b: {  	v5 =	vld.idx.msk [tilespmem:v2+s8+$0x0], $0xffff;
	v2 =	vlaneseq.u32  }
0x19c: {  	v3 =	vor.u32 v0, v3;
	v4 =	vor.u32 s12, v2;
	s12 =	sadd.s32 $0x10, s12  }
0x19d: {  	_ =	sdelay $0x3  }
0x19e: {  	v2 =	vshll.u32 v4, $0x6;
	[tilespmem:v3+s10+$0x0] =	vst.idx.msk $0xffff, v5;
	v5 =	vld [tilespmem:$0x1FFA0];
	_ =	sdelay $0x4  }
0x19f: {  	v3 =	vld.idx.msk [tilespmem:v2+s8+$0x0], $0xffff;
	v5 =	vand.u32 v5, v4;
	_ =	sdelay $0x4  }
0x1a0: {  	v6 =	vor.u32 $0x1, v2;
	[tilespmem:v5+s10+$0x0] =	vst.idx.msk $0xffff, v3;
	v5 =	vld [tilespmem:$0x1FFB0];
	_ =	sdelay $0x3  }
0x1a1: {  	v3 =	vand.u32 $0x1F8, v4  }
0x1a2: {  	v4 =	vld.idx.msk [tilespmem:v6+s8+$0x0], $0xffff;
	v5 =	vor.u32 v5, v3;
	_ =	sdelay $0x4  }
0x1a3: {  	v6 =	vor.u32 $0x2, v2;
	[tilespmem:v5+s10+$0x0] =	vst.idx.msk $0xffff, v4;
	v5 =	vld [tilespmem:$0x1FFC0];
	_ =	sdelay $0x4  }
0x1a4: {  	v4 =	vld.idx.msk [tilespmem:v6+s8+$0x0], $0xffff;
	v5 =	vor.u32 v5, v3;
	_ =	sdelay $0x4  }
0x1a5: {  	v6 =	vor.u32 $0x3, v2;
	[tilespmem:v5+s10+$0x0] =	vst.idx.msk $0xffff, v4;
	v5 =	vld [tilespmem:$0x1FFD0];
	_ =	sdelay $0x4  }
0x1a6: {  	v4 =	vld.idx.msk [tilespmem:v6+s8+$0x0], $0xffff;
	v5 =	vor.u32 v5, v3;
	_ =	sdelay $0x4  }
0x1a7: {  	v6 =	vor.u32 $0x4, v2;
	[tilespmem:v5+s10+$0x0] =	vst.idx.msk $0xffff, v4;
	v5 =	vld [tilespmem:$0x1FFE0];
	_ =	sdelay $0x4  }
0x1a8: {  	v4 =	vld.idx.msk [tilespmem:v6+s8+$0x0], $0xffff;
	v5 =	vor.u32 v5, v3  }
0x1a9: {  	v6 =	vor.u32 $0x5, v2;
	_ =	sdelay $0x3  }
0x1aa: {  	[tilespmem:v5+s10+$0x0] =	vst.idx.msk $0xffff, v4  }
0x1ab: {  	v5 =	vor.u32 v7, v3;
	v4 =	vld.idx.msk [tilespmem:v6+s8+$0x0], $0xffff  }
0x1ac: {  	v6 =	vor.u32 $0x6, v2;
	_ =	sdelay $0x3  }
0x1ad: {  	[tilespmem:v5+s10+$0x0] =	vst.idx.msk $0xffff, v4  }
0x1ae: {  	v5 =	vor.u32 v8, v3;
	v4 =	vld.idx.msk [tilespmem:v6+s8+$0x0], $0xffff  }
0x1af: {  	v6 =	vor.u32 $0x7, v2;
	_ =	sdelay $0x3  }
0x1b0: {  	[tilespmem:v5+s10+$0x0] =	vst.idx.msk $0xffff, v4  }
0x1b1: {  	v5 =	vor.u32 v9, v3;
	v4 =	vld.idx.msk [tilespmem:v6+s8+$0x0], $0xffff  }
0x1b2: {  	v6 =	vor.u32 $0x8, v2;
	_ =	sdelay $0x3  }
0x1b3: {  	[tilespmem:v5+s10+$0x0] =	vst.idx.msk $0xffff, v4  }
0x1b4: {  	v5 =	vor.u32 v10, v3;
	v4 =	vld.idx.msk [tilespmem:v6+s8+$0x0], $0xffff  }
0x1b5: {  	v6 =	vor.u32 $0x9, v2;
	_ =	sdelay $0x3  }
0x1b6: {  	[tilespmem:v5+s10+$0x0] =	vst.idx.msk $0xffff, v4  }
0x1b7: {  	v5 =	vor.u32 v11, v3;
	v4 =	vld.idx.msk [tilespmem:v6+s8+$0x0], $0xffff  }
0x1b8: {  	v6 =	vor.u32 $0xA, v2;
	_ =	sdelay $0x3  }
0x1b9: {  	[tilespmem:v5+s10+$0x0] =	vst.idx.msk $0xffff, v4  }
0x1ba: {  	v5 =	vor.u32 v12, v3;
	v4 =	vld.idx.msk [tilespmem:v6+s8+$0x0], $0xffff  }
0x1bb: {  	v6 =	vor.u32 $0xB, v2;
	_ =	sdelay $0x3  }
0x1bc: {  	[tilespmem:v5+s10+$0x0] =	vst.idx.msk $0xffff, v4  }
0x1bd: {  	v5 =	vor.u32 v13, v3;
	v4 =	vld.idx.msk [tilespmem:v6+s8+$0x0], $0xffff  }
0x1be: {  	v6 =	vor.u32 $0xC, v2;
	_ =	sdelay $0x3  }
0x1bf: {  	[tilespmem:v5+s10+$0x0] =	vst.idx.msk $0xffff, v4  }
0x1c0: {  	v5 =	vor.u32 v14, v3;
	v4 =	vld.idx.msk [tilespmem:v6+s8+$0x0], $0xffff  }
0x1c1: {  	v6 =	vor.u32 $0xD, v2;
	_ =	sdelay $0x3  }
0x1c2: {  	[tilespmem:v5+s10+$0x0] =	vst.idx.msk $0xffff, v4  }
0x1c3: {  	v5 =	vor.u32 v15, v3;
	v4 =	vld.idx.msk [tilespmem:v6+s8+$0x0], $0xffff  }
0x1c4: {  	v6 =	vor.u32 $0xE, v2;
	_ =	sdelay $0x3  }
0x1c5: {  	[tilespmem:v5+s10+$0x0] =	vst.idx.msk $0xffff, v4  }
0x1c6: {  	v5 =	vor.u32 v16, v3;
	v4 =	vld.idx.msk [tilespmem:v6+s8+$0x0], $0xffff  }
0x1c7: {  	v6 =	vor.u32 $0xF, v2;
	_ =	sdelay $0x3  }
0x1c8: {  	[tilespmem:v5+s10+$0x0] =	vst.idx.msk $0xffff, v4  }
0x1c9: {  	v5 =	vor.u32 v17, v3;
	v4 =	vld.idx.msk [tilespmem:v6+s8+$0x0], $0xffff  }
0x1ca: {  	v6 =	vor.u32 $0x10, v2;
	_ =	sdelay $0x3  }
0x1cb: {  	[tilespmem:v5+s10+$0x0] =	vst.idx.msk $0xffff, v4  }
0x1cc: {  	v5 =	vor.u32 v18, v3;
	v4 =	vld.idx.msk [tilespmem:v6+s8+$0x0], $0xffff  }
0x1cd: {  	v6 =	vor.u32 $0x11, v2;
	_ =	sdelay $0x3  }
0x1ce: {  	[tilespmem:v5+s10+$0x0] =	vst.idx.msk $0xffff, v4  }
0x1cf: {  	v5 =	vor.u32 v19, v3;
	v4 =	vld.idx.msk [tilespmem:v6+s8+$0x0], $0xffff  }
0x1d0: {  	v6 =	vor.u32 $0x12, v2;
	_ =	sdelay $0x3  }
0x1d1: {  	[tilespmem:v5+s10+$0x0] =	vst.idx.msk $0xffff, v4  }
0x1d2: {  	v5 =	vor.u32 v20, v3;
	v4 =	vld.idx.msk [tilespmem:v6+s8+$0x0], $0xffff  }
0x1d3: {  	v6 =	vor.u32 $0x13, v2;
	_ =	sdelay $0x3  }
0x1d4: {  	[tilespmem:v5+s10+$0x0] =	vst.idx.msk $0xffff, v4  }
0x1d5: {  	v5 =	vor.u32 v21, v3;
	v4 =	vld.idx.msk [tilespmem:v6+s8+$0x0], $0xffff  }
0x1d6: {  	v6 =	vor.u32 $0x14, v2;
	_ =	sdelay $0x3  }
0x1d7: {  	[tilespmem:v5+s10+$0x0] =	vst.idx.msk $0xffff, v4  }
0x1d8: {  	v5 =	vor.u32 v22, v3;
	v4 =	vld.idx.msk [tilespmem:v6+s8+$0x0], $0xffff  }
0x1d9: {  	v6 =	vor.u32 $0x15, v2;
	_ =	sdelay $0x3  }
0x1da: {  	[tilespmem:v5+s10+$0x0] =	vst.idx.msk $0xffff, v4  }
0x1db: {  	v5 =	vor.u32 v23, v3;
	v4 =	vld.idx.msk [tilespmem:v6+s8+$0x0], $0xffff  }
0x1dc: {  	v6 =	vor.u32 $0x16, v2;
	_ =	sdelay $0x3  }
0x1dd: {  	[tilespmem:v5+s10+$0x0] =	vst.idx.msk $0xffff, v4  }
0x1de: {  	v5 =	vor.u32 v24, v3;
	v4 =	vld.idx.msk [tilespmem:v6+s8+$0x0], $0xffff  }
0x1df: {  	v6 =	vor.u32 $0x17, v2;
	_ =	sdelay $0x3  }
0x1e0: {  	[tilespmem:v5+s10+$0x0] =	vst.idx.msk $0xffff, v4  }
0x1e1: {  	v5 =	vor.u32 v25, v3;
	v4 =	vld.idx.msk [tilespmem:v6+s8+$0x0], $0xffff  }
0x1e2: {  	v6 =	vor.u32 $0x18, v2;
	_ =	sdelay $0x3  }
0x1e3: {  	[tilespmem:v5+s10+$0x0] =	vst.idx.msk $0xffff, v4  }
0x1e4: {  	v5 =	vor.u32 v26, v3;
	v4 =	vld.idx.msk [tilespmem:v6+s8+$0x0], $0xffff  }
0x1e5: {  	v6 =	vor.u32 $0x19, v2;
	_ =	sdelay $0x3  }
0x1e6: {  	[tilespmem:v5+s10+$0x0] =	vst.idx.msk $0xffff, v4  }
0x1e7: {  	v5 =	vor.u32 v27, v3;
	v4 =	vld.idx.msk [tilespmem:v6+s8+$0x0], $0xffff  }
0x1e8: {  	v6 =	vor.u32 $0x1A, v2;
	_ =	sdelay $0x3  }
0x1e9: {  	[tilespmem:v5+s10+$0x0] =	vst.idx.msk $0xffff, v4  }
0x1ea: {  	v5 =	vor.u32 v28, v3;
	v4 =	vld.idx.msk [tilespmem:v6+s8+$0x0], $0xffff  }
0x1eb: {  	v6 =	vor.u32 $0x1B, v2;
	_ =	sdelay $0x3  }
0x1ec: {  	[tilespmem:v5+s10+$0x0] =	vst.idx.msk $0xffff, v4  }
0x1ed: {  	v5 =	vor.u32 v29, v3;
	v4 =	vld.idx.msk [tilespmem:v6+s8+$0x0], $0xffff  }
0x1ee: {  	v6 =	vor.u32 $0x1C, v2;
	_ =	sdelay $0x3  }
0x1ef: {  	[tilespmem:v5+s10+$0x0] =	vst.idx.msk $0xffff, v4  }
0x1f0: {  	v5 =	vor.u32 v30, v3;
	v4 =	vld.idx.msk [tilespmem:v6+s8+$0x0], $0xffff  }
0x1f1: {  	v6 =	vor.u32 $0x1D, v2;
	_ =	sdelay $0x3  }
0x1f2: {  	[tilespmem:v5+s10+$0x0] =	vst.idx.msk $0xffff, v4  }
0x1f3: {  	v5 =	vor.u32 v31, v3;
	v4 =	vld.idx.msk [tilespmem:v6+s8+$0x0], $0xffff  }
0x1f4: {  	v6 =	vor.u32 $0x1E, v2;
	_ =	sdelay $0x3  }
0x1f5: {  	[tilespmem:v5+s10+$0x0] =	vst.idx.msk $0xffff, v4  }
0x1f6: {  	v5 =	vor.u32 v32, v3;
	v4 =	vld.idx.msk [tilespmem:v6+s8+$0x0], $0xffff  }
0x1f7: {  	v6 =	vor.u32 $0x1F, v2;
	_ =	sdelay $0x3  }
0x1f8: {  	[tilespmem:v5+s10+$0x0] =	vst.idx.msk $0xffff, v4  }
0x1f9: {  	v5 =	vor.u32 v33, v3;
	v4 =	vld.idx.msk [tilespmem:v6+s8+$0x0], $0xffff  }
0x1fa: {  	v6 =	vor.u32 $0x20, v2;
	_ =	sdelay $0x3  }
0x1fb: {  	[tilespmem:v5+s10+$0x0] =	vst.idx.msk $0xffff, v4  }
0x1fc: {  	v5 =	vor.u32 v34, v3;
	v4 =	vld.idx.msk [tilespmem:v6+s8+$0x0], $0xffff  }
0x1fd: {  	v6 =	vor.u32 $0x21, v2;
	_ =	sdelay $0x3  }
0x1fe: {  	[tilespmem:v5+s10+$0x0] =	vst.idx.msk $0xffff, v4  }
0x1ff: {  	v5 =	vor.u32 v35, v3;
	v4 =	vld.idx.msk [tilespmem:v6+s8+$0x0], $0xffff  }
0x200: {  	v6 =	vor.u32 $0x22, v2;
	_ =	sdelay $0x3  }
0x201: {  	[tilespmem:v5+s10+$0x0] =	vst.idx.msk $0xffff, v4  }
0x202: {  	v5 =	vor.u32 v36, v3;
	v4 =	vld.idx.msk [tilespmem:v6+s8+$0x0], $0xffff  }
0x203: {  	v6 =	vor.u32 $0x23, v2;
	_ =	sdelay $0x3  }
0x204: {  	[tilespmem:v5+s10+$0x0] =	vst.idx.msk $0xffff, v4  }
0x205: {  	v5 =	vor.u32 v37, v3;
	v4 =	vld.idx.msk [tilespmem:v6+s8+$0x0], $0xffff  }
0x206: {  	v6 =	vor.u32 $0x24, v2;
	_ =	sdelay $0x3  }
0x207: {  	[tilespmem:v5+s10+$0x0] =	vst.idx.msk $0xffff, v4  }
0x208: {  	v5 =	vor.u32 v38, v3;
	v4 =	vld.idx.msk [tilespmem:v6+s8+$0x0], $0xffff  }
0x209: {  	v6 =	vor.u32 $0x25, v2;
	_ =	sdelay $0x3  }
0x20a: {  	[tilespmem:v5+s10+$0x0] =	vst.idx.msk $0xffff, v4  }
0x20b: {  	v5 =	vor.u32 v39, v3;
	v4 =	vld.idx.msk [tilespmem:v6+s8+$0x0], $0xffff  }
0x20c: {  	v6 =	vor.u32 $0x26, v2;
	_ =	sdelay $0x3  }
0x20d: {  	[tilespmem:v5+s10+$0x0] =	vst.idx.msk $0xffff, v4  }
0x20e: {  	v5 =	vor.u32 v40, v3;
	v4 =	vld.idx.msk [tilespmem:v6+s8+$0x0], $0xffff  }
0x20f: {  	v6 =	vor.u32 $0x27, v2;
	_ =	sdelay $0x3  }
0x210: {  	[tilespmem:v5+s10+$0x0] =	vst.idx.msk $0xffff, v4  }
0x211: {  	v5 =	vor.u32 v41, v3;
	v4 =	vld.idx.msk [tilespmem:v6+s8+$0x0], $0xffff  }
0x212: {  	v6 =	vor.u32 $0x28, v2;
	_ =	sdelay $0x3  }
0x213: {  	[tilespmem:v5+s10+$0x0] =	vst.idx.msk $0xffff, v4  }
0x214: {  	v5 =	vor.u32 v42, v3;
	v4 =	vld.idx.msk [tilespmem:v6+s8+$0x0], $0xffff  }
0x215: {  	v6 =	vor.u32 $0x29, v2;
	_ =	sdelay $0x3  }
0x216: {  	[tilespmem:v5+s10+$0x0] =	vst.idx.msk $0xffff, v4  }
0x217: {  	v5 =	vor.u32 v43, v3;
	v4 =	vld.idx.msk [tilespmem:v6+s8+$0x0], $0xffff  }
0x218: {  	v6 =	vor.u32 $0x2A, v2;
	_ =	sdelay $0x3  }
0x219: {  	[tilespmem:v5+s10+$0x0] =	vst.idx.msk $0xffff, v4  }
0x21a: {  	v5 =	vor.u32 v44, v3;
	v4 =	vld.idx.msk [tilespmem:v6+s8+$0x0], $0xffff  }
0x21b: {  	v6 =	vor.u32 $0x2B, v2;
	_ =	sdelay $0x3  }
0x21c: {  	[tilespmem:v5+s10+$0x0] =	vst.idx.msk $0xffff, v4  }
0x21d: {  	v5 =	vor.u32 v45, v3;
	v4 =	vld.idx.msk [tilespmem:v6+s8+$0x0], $0xffff  }
0x21e: {  	v6 =	vor.u32 $0x2C, v2;
	_ =	sdelay $0x3  }
0x21f: {  	[tilespmem:v5+s10+$0x0] =	vst.idx.msk $0xffff, v4  }
0x220: {  	v5 =	vor.u32 v46, v3;
	v4 =	vld.idx.msk [tilespmem:v6+s8+$0x0], $0xffff  }
0x221: {  	v6 =	vor.u32 $0x2D, v2;
	_ =	sdelay $0x3  }
0x222: {  	[tilespmem:v5+s10+$0x0] =	vst.idx.msk $0xffff, v4  }
0x223: {  	v5 =	vor.u32 v47, v3;
	v4 =	vld.idx.msk [tilespmem:v6+s8+$0x0], $0xffff  }
0x224: {  	v6 =	vor.u32 $0x2E, v2;
	_ =	sdelay $0x3  }
0x225: {  	[tilespmem:v5+s10+$0x0] =	vst.idx.msk $0xffff, v4  }
0x226: {  	v5 =	vor.u32 v48, v3;
	v4 =	vld.idx.msk [tilespmem:v6+s8+$0x0], $0xffff  }
0x227: {  	v6 =	vor.u32 $0x2F, v2;
	_ =	sdelay $0x3  }
0x228: {  	[tilespmem:v5+s10+$0x0] =	vst.idx.msk $0xffff, v4  }
0x229: {  	v5 =	vor.u32 v49, v3;
	v4 =	vld.idx.msk [tilespmem:v6+s8+$0x0], $0xffff  }
0x22a: {  	v6 =	vor.u32 $0x30, v2;
	_ =	sdelay $0x3  }
0x22b: {  	[tilespmem:v5+s10+$0x0] =	vst.idx.msk $0xffff, v4  }
0x22c: {  	v5 =	vor.u32 v50, v3;
	v4 =	vld.idx.msk [tilespmem:v6+s8+$0x0], $0xffff  }
0x22d: {  	v6 =	vor.u32 $0x31, v2;
	_ =	sdelay $0x3  }
0x22e: {  	[tilespmem:v5+s10+$0x0] =	vst.idx.msk $0xffff, v4  }
0x22f: {  	v5 =	vor.u32 v51, v3;
	v4 =	vld.idx.msk [tilespmem:v6+s8+$0x0], $0xffff  }
0x230: {  	v6 =	vor.u32 $0x32, v2;
	_ =	sdelay $0x3  }
0x231: {  	[tilespmem:v5+s10+$0x0] =	vst.idx.msk $0xffff, v4  }
0x232: {  	v5 =	vor.u32 v52, v3;
	v4 =	vld.idx.msk [tilespmem:v6+s8+$0x0], $0xffff  }
0x233: {  	v6 =	vor.u32 $0x33, v2;
	_ =	sdelay $0x3  }
0x234: {  	[tilespmem:v5+s10+$0x0] =	vst.idx.msk $0xffff, v4  }
0x235: {  	v5 =	vor.u32 v53, v3;
	v4 =	vld.idx.msk [tilespmem:v6+s8+$0x0], $0xffff  }
0x236: {  	v6 =	vor.u32 $0x34, v2;
	_ =	sdelay $0x3  }
0x237: {  	[tilespmem:v5+s10+$0x0] =	vst.idx.msk $0xffff, v4  }
0x238: {  	v5 =	vor.u32 v54, v3;
	v4 =	vld.idx.msk [tilespmem:v6+s8+$0x0], $0xffff  }
0x239: {  	v6 =	vor.u32 $0x35, v2;
	_ =	sdelay $0x3  }
0x23a: {  	[tilespmem:v5+s10+$0x0] =	vst.idx.msk $0xffff, v4  }
0x23b: {  	v5 =	vor.u32 v55, v3;
	v4 =	vld.idx.msk [tilespmem:v6+s8+$0x0], $0xffff  }
0x23c: {  	v6 =	vor.u32 $0x36, v2;
	_ =	sdelay $0x3  }
0x23d: {  	[tilespmem:v5+s10+$0x0] =	vst.idx.msk $0xffff, v4  }
0x23e: {  	v5 =	vor.u32 v56, v3;
	v4 =	vld.idx.msk [tilespmem:v6+s8+$0x0], $0xffff  }
0x23f: {  	v6 =	vor.u32 $0x37, v2;
	_ =	sdelay $0x3  }
0x240: {  	[tilespmem:v5+s10+$0x0] =	vst.idx.msk $0xffff, v4  }
0x241: {  	v5 =	vor.u32 v57, v3;
	v4 =	vld.idx.msk [tilespmem:v6+s8+$0x0], $0xffff  }
0x242: {  	v6 =	vor.u32 $0x38, v2;
	_ =	sdelay $0x3  }
0x243: {  	[tilespmem:v5+s10+$0x0] =	vst.idx.msk $0xffff, v4  }
0x244: {  	v5 =	vor.u32 v58, v3;
	v4 =	vld.idx.msk [tilespmem:v6+s8+$0x0], $0xffff  }
0x245: {  	v6 =	vor.u32 $0x39, v2;
	_ =	sdelay $0x3  }
0x246: {  	[tilespmem:v5+s10+$0x0] =	vst.idx.msk $0xffff, v4  }
0x247: {  	v5 =	vor.u32 v59, v3;
	v4 =	vld.idx.msk [tilespmem:v6+s8+$0x0], $0xffff  }
0x248: {  	v6 =	vor.u32 $0x3A, v2;
	_ =	sdelay $0x3  }
0x249: {  	[tilespmem:v5+s10+$0x0] =	vst.idx.msk $0xffff, v4  }
0x24a: {  	v5 =	vor.u32 v60, v3;
	v4 =	vld.idx.msk [tilespmem:v6+s8+$0x0], $0xffff  }
0x24b: {  	v6 =	vor.u32 $0x3B, v2;
	_ =	sdelay $0x3  }
0x24c: {  	[tilespmem:v5+s10+$0x0] =	vst.idx.msk $0xffff, v4  }
0x24d: {  	v5 =	vor.u32 v61, v3;
	v4 =	vld.idx.msk [tilespmem:v6+s8+$0x0], $0xffff  }
0x24e: {  	v6 =	vor.u32 $0x3C, v2;
	_ =	sdelay $0x3  }
0x24f: {  	[tilespmem:v5+s10+$0x0] =	vst.idx.msk $0xffff, v4  }
0x250: {  	v5 =	vor.u32 v62, v3;
	v4 =	vld.idx.msk [tilespmem:v6+s8+$0x0], $0xffff  }
0x251: {  	v6 =	vor.u32 $0x3D, v2;
	_ =	sdelay $0x3  }
0x252: {  	[tilespmem:v5+s10+$0x0] =	vst.idx.msk $0xffff, v4  }
0x253: {  	v5 =	vor.u32 v63, v3;
	v4 =	vld.idx.msk [tilespmem:v6+s8+$0x0], $0xffff  }
0x254: {  	v6 =	vor.u32 $0x3E, v2;
	_ =	sdelay $0x3  }
0x255: {  	[tilespmem:v5+s10+$0x0] =	vst.idx.msk $0xffff, v4  }
0x256: {  	v1 =	vor.u32 v1, v3;
	v4 =	vld.idx.msk [tilespmem:v6+s8+$0x0], $0xffff  }
0x257: {  	v2 =	vor.u32 $0x3F, v2;
	_ =	sdelay $0x3  }
0x258: {  	[tilespmem:v1+s10+$0x0] =	vst.idx.msk $0xffff, v4  }
0x259: {  	v0 =	vor.u32 v0, v3;
	v1 =	vld.idx.msk [tilespmem:v2+s8+$0x0], $0xffff;
	_ =	sdelay $0x2  }
0x25a: {  	s11 =	sadd.s32 $0x1, s11  }
0x25b: {  	p0 =	sne.s32 s11, s6  }
.Ltmp1:
0x25c: {  	[tilespmem:v0+s10+$0x0] =	vst.idx.msk $0xffff, v1;
	(pc) =	sbr.rel @p0 .LBB2_1-.Ltmp1, $4  }
0x25d: {  	[hbm4b:s5+s2] =	stream.linear.scatter [tilespmem:s10], [sflag:$0x2], $0x8000, $0x38;
	[tilespmem:$0x10200] =	vst v63  }
0x25e: {  	_ =	swait.ge [sflag:s7], $0x8000  }
0x25f: {  	[sflag:s7] =	ssyncset.done $0x0  }
0x260: {  	v2 =	vlaneseq.u32;
	[sflag:s7] =	ssyncadd.s32 $0xFFFF8000  }
0x261: {  	_ =	sfence.sel $0x180000  }
0x262: {  	[bflag:$0x0] =	sbarrier.arrive $0xFFFF  }
0x263: {  	p0 =	sne.s32 s1, $0x0;
	_ =	strace $0x90000047  }
0x264: {  	s0 =	sadd.s32 @!p0 $0x100000, s0;
	[bflag:$0x2] =	sbarrier.arrive $0xFFFF  }
0x265: {  	[sflag:s0] =	ssyncadd.tile.s32 @!p0 $0x1;
	_ =	shalt  }
.Lfunc_end2:
_tile_overlayer_lowered:
.L_overlay_start_2:
0x266: {  	(tag) =	ssettag $0x2  }
0x267: {  	s0 =	rddreg [dreg:$0x0];
	s2 =	stileid.u32  }
0x268: {  	s1 =	rddreg [dreg:$0x1];
	p0 =	sne.s32 s2, $0x0  }
0x269: {  	s3 =	rddreg [dreg:$0x2];
	[bflag:$0x3] =	sbarrier.arrive $0xFFFF;
	s2 =	simm.s32 @!p0 $0x1C02  }
0x26a: {  	[timem:s3], [sflag:s2] =	dma.local @!p0 [hbm:s0], s1  }
0x26b: {  	s0 =	simm.s32 @!p0 $0x2  }
0x26c: {  	_ =	swait.ge @!p0 [sflag:s0], s1  }
0x26d: {  	s1 =	ssub.s32 @!p0 $0x0, s1;
	[sflag:s0] =	ssyncset.done @!p0 $0x0  }
0x26e: {  	[sflag:s0] =	ssyncadd.s32 @!p0 s1  }
0x26f: {  	[bflag:$0x3] =	sbarrier.arrive $0xFFFF  }
0x270: {  	_ =	shalt  }

</sc_bundles>
